<compile_context>
chip_gen: v7x
topology: tpu7x:2x2x1
jax: 0.10.2.dev20260603
libtpu: 0.0.44.dev20260713+nightly
codegen_flags: <defaults>
</compile_context>

<pallas_src>
import functools

import jax
import jax.numpy as jnp
from jax import lax
from jax.experimental import pallas as pl
from jax.experimental.pallas import tpu as pltpu
from jax.experimental.pallas import tpu_sc as plsc

N = 10000
E = 320000
D = 128
G = 64

NPAD = 10240
NC = 2
NS = 16
CH = 80
KTOT = E // CH
RT = NPAD // NS
PW = 128
K0 = KTOT // NS
K1 = KTOT // (NC * NS)
IB = 50
NBLK = K0 // IB

_SC_MESH = plsc.VectorSubcoreMesh(core_axis_name="c", subcore_axis_name="s")


def _zero_acc_slice(stage_v, acc, base_r):
  def zero_body(i, _):
    for j in range(D // 16):
      stage_v[i, pl.ds(j * 16, 16)] = jnp.zeros((16,), jnp.float32)
    return 0
  lax.fori_loop(0, CH, zero_body, 0)
  for k in range(RT // CH):
    pltpu.sync_copy(stage_v, acc.at[pl.ds(base_r + k * CH, CH)])


def _edge_loop(table, src_all, dst_all, bufs, sems, acc, k_chunks):
  nbuf = len(bufs)

  def idx(ref, k):
    return ref.at[pl.ds(pl.multiple_of(k * CH, CH), CH)]

  for b in range(nbuf):
    pltpu.async_copy(table.at[idx(src_all, b)], bufs[b], sems[b])

  def body(i, _):
    g = i * nbuf
    for b in range(nbuf):
      k = g + b
      pltpu.make_async_copy(table.at[idx(src_all, k)], bufs[b], sems[b]).wait()
      pltpu.sync_copy(bufs[b], acc.at[idx(dst_all, k)], add=True)

      @pl.when(k + nbuf < k_chunks)
      def _():
        pltpu.async_copy(table.at[idx(src_all, k + nbuf)], bufs[b], sems[b])
    return 0
  kc_main = (k_chunks // nbuf) * nbuf
  lax.fori_loop(0, k_chunks // nbuf, body, 0)
  for r in range(kc_main, k_chunks):
    b = r % nbuf
    pltpu.make_async_copy(table.at[idx(src_all, r)], bufs[b], sems[b]).wait()
    pltpu.sync_copy(bufs[b], acc.at[idx(dst_all, r)], add=True)


@functools.partial(
    pl.kernel, mesh=_SC_MESH,
    out_type=[jax.ShapeDtypeStruct((NPAD, D), jnp.float32),
              jax.ShapeDtypeStruct((NPAD, PW), jnp.float32)],
    scratch_types=[
        pltpu.VMEM((IB * CH,), jnp.int32),
        pltpu.VMEM((IB * CH,), jnp.int32),
        pltpu.VMEM((IB * CH,), jnp.int32),
        pltpu.VMEM((IB * CH,), jnp.int32),
        pltpu.VMEM((CH, D), jnp.float32),
        pltpu.VMEM((CH, D), jnp.float32),
        pltpu.VMEM_SHARED((NPAD, D), jnp.float32),
        pltpu.SemaphoreType.DMA,
        pltpu.SemaphoreType.DMA,
        pltpu.SemaphoreType.DMA,
        pltpu.SemaphoreType.DMA,
    ],
    name="sc_segsum_l0")
def _segsum_l0(tab_h, paug_h, src_h, dst_h, outs_h, outp_h,
               srcb0, srcb1, dstb0, dstb1, buf0, buf1, acc,
               sem0, sem1, isem0, isem1):
  c = lax.axis_index("c")
  s = lax.axis_index("s")
  base_r = s * RT
  base_e = s * (K0 * CH)
  iparity = [(srcb0, dstb0, isem0), (srcb1, dstb1, isem1)]

  def load_blk(j, sb, db, sm):
    off = base_e + j * (IB * CH)
    pltpu.async_copy(src_h.at[pl.ds(off, IB * CH)], sb, sm)
    pltpu.async_copy(dst_h.at[pl.ds(off, IB * CH)], db, sm)

  def wait_blk(j, sb, db, sm):
    off = base_e + j * (IB * CH)
    pltpu.make_async_copy(src_h.at[pl.ds(off, IB * CH)], sb, sm).wait()
    pltpu.make_async_copy(dst_h.at[pl.ds(off, IB * CH)], db, sm).wait()

  load_blk(0, *iparity[0])
  _zero_acc_slice(buf0, acc, base_r)
  plsc.subcore_barrier()

  def run(table):
    for j in range(NBLK):
      sb, db, sm = iparity[j % 2]
      wait_blk(j, sb, db, sm)
      if j + 1 < NBLK:
        load_blk(j + 1, *iparity[(j + 1) % 2])
      _edge_loop(table, sb, db, [buf0, buf1], [sem0, sem1], acc, IB)

  @pl.when(c == 0)
  def _():
    run(tab_h)

  @pl.when(c == 1)
  def _():
    run(paug_h)

  plsc.subcore_barrier()

  @pl.when(c == 0)
  def _():
    pltpu.sync_copy(acc.at[pl.ds(base_r, RT)], outs_h.at[pl.ds(base_r, RT)])

  @pl.when(c == 1)
  def _():
    pltpu.sync_copy(acc.at[pl.ds(base_r, RT)], outp_h.at[pl.ds(base_r, RT)])


@functools.partial(
    pl.kernel, mesh=_SC_MESH,
    out_type=[jax.ShapeDtypeStruct((NC, NPAD, D), jnp.float32)],
    scratch_types=[
        pltpu.VMEM((K1 * CH,), jnp.int32),
        pltpu.VMEM((K1 * CH,), jnp.int32),
        pltpu.VMEM((CH, D), jnp.float32),
        pltpu.VMEM((CH, D), jnp.float32),
        pltpu.VMEM_SHARED((NPAD, D), jnp.float32),
        pltpu.SemaphoreType.DMA,
        pltpu.SemaphoreType.DMA,
    ],
    name="sc_segsum_l1")
def _segsum_l1(tab_h, src_h, dst_h, outs_h, src_v, dst_v,
               buf0, buf1, acc, sem0, sem1):
  bufs = [buf0, buf1]
  sems = [sem0, sem1]
  c = lax.axis_index("c")
  s = lax.axis_index("s")
  wid = s * NC + c
  base_r = s * RT

  pltpu.sync_copy(src_h.at[pl.ds(wid * (K1 * CH), K1 * CH)], src_v)
  pltpu.sync_copy(dst_h.at[pl.ds(wid * (K1 * CH), K1 * CH)], dst_v)
  _zero_acc_slice(bufs[0], acc, base_r)
  plsc.subcore_barrier()

  _edge_loop(tab_h, src_v, dst_v, bufs, sems, acc, K1)
  plsc.subcore_barrier()

  pltpu.sync_copy(acc.at[pl.ds(base_r, RT)], outs_h.at[c, pl.ds(base_r, RT)])


BLK = 1024
BLKF = 256


def _sage_block(ssum, psum, paug_blk, h_blk, wnx_ref, wnp_ref, ws_ref, b_ref):
  deg = psum[:, 2:3]
  cd = jnp.maximum(deg, 1.0)
  meanx = ssum / cd
  mr0 = (psum[:, 0:1] - deg * paug_blk[:, 0:1]) / cd
  mr1 = (psum[:, 1:2] - deg * paug_blk[:, 1:2]) / cd
  out = jnp.dot(meanx, wnx_ref[...], preferred_element_type=jnp.float32)
  out += mr0 * wnp_ref[0:1, :] + mr1 * wnp_ref[1:2, :]
  out += jnp.dot(h_blk, ws_ref[...], preferred_element_type=jnp.float32)
  out += b_ref[...]
  return jnp.maximum(out, 0.0)


def _layer0_body(sp_ref, pp_ref, paug_ref, h_ref, wnx_ref, wnp_ref, ws_ref,
                 b_ref, o_ref):
  o_ref[...] = _sage_block(sp_ref[...], pp_ref[...], paug_ref[...], h_ref[...],
                           wnx_ref, wnp_ref, ws_ref, b_ref)


def _final_body(sp_ref, pp_ref, paug_ref, h_ref, wnx_ref, wnp_ref, ws_ref,
                b_ref, bt_ref, wl_ref, bl_ref, wo_ref, bo_ref, o_ref,
                pool_ref):
  b = pl.program_id(0)

  @pl.when(b == 0)
  def _():
    pool_ref[...] = jnp.zeros((G, D), jnp.float32)

  h2 = _sage_block(sp_ref[0] + sp_ref[1], pp_ref[...], paug_ref[...],
                   h_ref[...], wnx_ref, wnp_ref, ws_ref, b_ref)
  bt = bt_ref[...]
  g_lo = bt_ref[0, 0]
  g_hi = bt_ref[BLKF - 1, 0]
  for g in range(G):
    @pl.when(jnp.logical_and(g >= g_lo, g <= g_hi))
    def _():
      v = jnp.max(jnp.where(bt == g, h2, 0.0), axis=0, keepdims=True)
      pool_ref[g:g + 1, :] = jnp.maximum(pool_ref[g:g + 1, :], v)

  @pl.when(b == pl.num_programs(0) - 1)
  def _():
    pooled = pool_ref[...]
    z = jnp.dot(pooled, wl_ref[...], preferred_element_type=jnp.float32)
    z = jnp.maximum(z + bl_ref[...], 0.0)
    o_ref[...] = jnp.dot(z, wo_ref[...],
                         preferred_element_type=jnp.float32) + bo_ref[...]


def _row_spec(width, blk=BLK):
  return pl.BlockSpec((blk, width), lambda b: (b, 0))


def _part_spec(width, blk=BLK):
  return pl.BlockSpec((NC, blk, width), lambda b: (0, b, 0))


def _full_spec(shape):
  return pl.BlockSpec(shape, lambda b: tuple(0 for _ in shape))


_GRID = NPAD // BLK
_GRIDF = NPAD // BLKF

_layer0 = pl.pallas_call(
    _layer0_body,
    grid=(_GRID,),
    in_specs=[
        _row_spec(D), _row_spec(PW), _row_spec(PW), _row_spec(D),
        _full_spec((D, D)), _full_spec((8, D)), _full_spec((D, D)),
        _full_spec((1, D)),
    ],
    out_specs=_row_spec(D),
    out_shape=jax.ShapeDtypeStruct((NPAD, D), jnp.float32),
)

_final = pl.pallas_call(
    _final_body,
    grid=(_GRIDF,),
    in_specs=[
        _part_spec(D, BLKF), _row_spec(PW, BLKF), _row_spec(PW, BLKF),
        _row_spec(D, BLKF),
        _full_spec((D, D)), _full_spec((8, D)), _full_spec((D, D)),
        _full_spec((1, D)),
        _row_spec(1, BLKF),
        _full_spec((D, D)), _full_spec((1, D)),
        _full_spec((D, 16)), _full_spec((1, 16)),
    ],
    out_specs=_full_spec((G, 16)),
    out_shape=jax.ShapeDtypeStruct((G, 16), jnp.float32),
    scratch_shapes=[pltpu.VMEM((G, D), jnp.float32)],
)


def kernel(x, edge_index, batch, pos, Wn0, bn0, Ws0, bs0, Wn1, bn1, Ws1, bs1,
           W_lin, b_lin, W_out, b_out):
  paug = jnp.concatenate(
      [pos, jnp.ones((N, 1), jnp.float32), jnp.zeros((N, PW - 3), jnp.float32)],
      axis=1)
  src = edge_index[0]
  dst = edge_index[1]
  batchp = jnp.pad(batch.reshape(N, 1), ((0, NPAD - N), (0, 0)),
                   constant_values=G)

  def wsplit(Wn):
    return Wn[:D], jnp.pad(Wn[D:D + 2], ((0, 6), (0, 0)))

  wnx0, wnp0 = wsplit(Wn0)
  wnx1, wnp1 = wsplit(Wn1)

  ssum0, psum = _segsum_l0(x, paug, src, dst)
  h1 = _layer0(ssum0, psum, paug, x, wnx0, wnp0, Ws0,
               (bn0 + bs0).reshape(1, D))
  (sp1,) = _segsum_l1(h1, src, dst)
  out = _final(sp1, psum, paug, h1, wnx1, wnp1, Ws1,
               (bn1 + bs1).reshape(1, D), batchp,
               W_lin, b_lin.reshape(1, D), W_out, b_out.reshape(1, 16))
  return out

# --- scband reference (transcript-rebuilt; emitter-appended) ---
"""Pipeline reference for scband-vector-sagemodule-24017457119338 (READ-ONLY COPY).

The authoritative reference and input builder live on the scoring server;
editing this copy changes nothing except your own understanding.
"""

import jax, jax.numpy as jnp
import numpy as np

N = 10000
E = 320000
D = 128
HID = 128
LIN = 128
OUT = 16
G = 64
SPATIAL = 2


def setup_inputs(seed: int = 0) -> dict:
    key = jax.random.key(seed)
    ks = jax.random.split(key, 20)
    x = jax.random.normal(ks[0], (N, D), dtype=jnp.float32)
    edge_index = jax.random.randint(ks[1], (2, E), 0, N, dtype=jnp.int32)
    batch = jnp.sort(jax.random.randint(ks[2], (N,), 0, G, dtype=jnp.int32))
    pos = jax.random.normal(ks[3], (N, SPATIAL), dtype=jnp.float32)

    def lin_init(k, fan_in, fan_out):
        s = 1.0 / np.sqrt(fan_in)
        kw, kb = jax.random.split(k)
        W = jax.random.uniform(kw, (fan_in, fan_out), minval=-s, maxval=s, dtype=jnp.float32)
        b = jax.random.uniform(kb, (fan_out,), minval=-s, maxval=s, dtype=jnp.float32)
        return W, b

    Wn0, bn0 = lin_init(ks[4], D + SPATIAL, HID)
    Ws0, bs0 = lin_init(ks[5], D, HID)
    Wn1, bn1 = lin_init(ks[6], HID + SPATIAL, HID)
    Ws1, bs1 = lin_init(ks[7], HID, HID)
    W_lin, b_lin = lin_init(ks[8], HID, LIN)
    W_out, b_out = lin_init(ks[9], LIN, OUT)

    return {
        'x': x, 'edge_index': edge_index, 'batch': batch, 'pos': pos,
        'Wn0': Wn0, 'bn0': bn0, 'Ws0': Ws0, 'bs0': bs0,
        'Wn1': Wn1, 'bn1': bn1, 'Ws1': Ws1, 'bs1': bs1,
        'W_lin': W_lin, 'b_lin': b_lin, 'W_out': W_out, 'b_out': b_out,
    }


def _vector_sage(x, pos, edge_index, Wn, bn, Ws, bs):
    # VectorSAGE (spatial_dim=2, aggregator='mean'):
    # message = concat(x_j, pos_j - pos_i); mean-aggregate over in-edges;
    # out = mean_msg @ Wn + bn + x_i @ Ws + bs
    src = edge_index[0]
    dst = edge_index[1]
    rel = pos[src] - pos[dst]
    msg = jnp.concatenate([x[src], rel], axis=1)
    summed = jax.ops.segment_sum(msg, dst, num_segments=N)
    deg = jax.ops.segment_sum(jnp.ones((E, 1), dtype=msg.dtype), dst, num_segments=N)
    mean = summed / jnp.clip(deg, 1.0)
    return mean @ Wn + bn + x @ Ws + bs


def reference(x, edge_index, batch, pos, Wn0, bn0, Ws0, bs0, Wn1, bn1, Ws1, bs1, W_lin, b_lin, W_out, b_out):
    h = _vector_sage(x, pos, edge_index, Wn0, bn0, Ws0, bs0)
    # index != num_conv_layers is always true for index in [0, num_layers), so relu every layer
    h = jax.nn.relu(h)  # dropout p=0.5 is identity in eval mode
    h = _vector_sage(h, pos, edge_index, Wn1, bn1, Ws1, bs1)
    h = jax.nn.relu(h)
    pooled = jax.ops.segment_max(h, batch, num_segments=G)
    pooled = jnp.where(jnp.isfinite(pooled), pooled, 0.0)
    z = jax.nn.relu(pooled @ W_lin + b_lin)
    return z @ W_out + b_out

if __name__ == "__main__":
    import jax
    _d = setup_inputs()
    print(jax.jit(kernel)(*tuple(_d.values())))

</pallas_src>

<mosaic_0001>
#map = affine_map<(d0, d1) -> (0, 0)>
#map1 = affine_map<(d0, d1) -> (0)>
module attributes {stable_mosaic.version = 14 : i64} {
  func.func @sc_segsum_l0(%arg0: i32, %arg1: i32, %arg2: memref<10000x128xf32, #tpu.memory_space<hbm>>, %arg3: memref<10000x128xf32, #tpu.memory_space<hbm>>, %arg4: memref<320000xi32, #tpu.memory_space<hbm>>, %arg5: memref<320000xi32, #tpu.memory_space<hbm>>, %arg6: memref<10240x128xf32, #tpu.memory_space<hbm>>, %arg7: memref<10240x128xf32, #tpu.memory_space<hbm>>, %arg8: memref<4000xi32, #tpu.memory_space<vmem>>, %arg9: memref<4000xi32, #tpu.memory_space<vmem>>, %arg10: memref<4000xi32, #tpu.memory_space<vmem>>, %arg11: memref<4000xi32, #tpu.memory_space<vmem>>, %arg12: memref<80x128xf32, #tpu.memory_space<vmem>>, %arg13: memref<80x128xf32, #tpu.memory_space<vmem>>, %arg14: memref<10240x128xf32, #tpu.memory_space<vmem_shared>>, %arg15: memref<!tpu.dma_semaphore, #tpu.memory_space<semaphore_mem>>, %arg16: memref<!tpu.dma_semaphore, #tpu.memory_space<semaphore_mem>>, %arg17: memref<!tpu.dma_semaphore, #tpu.memory_space<semaphore_mem>>, %arg18: memref<!tpu.dma_semaphore, #tpu.memory_space<semaphore_mem>>) attributes {dimension_semantics = [#tpu.dimension_semantics<core_parallel>, #tpu.dimension_semantics<subcore_parallel>], iteration_bounds = array<i64: 2, 16>, scalar_prefetch = 0 : i64, scratch_operands = 11 : i64, tpu.core_type = #tpu.core_type<sc_vector_subcore>, window_params = [{transform_indices = #map}, {transform_indices = #map}, {transform_indices = #map1}, {transform_indices = #map1}, {transform_indices = #map}, {transform_indices = #map}]} {
    %mul3A = arith.constant 640 : i32
    %mul3A_0 = arith.muli %arg1, %mul3A : i32
    %mul3A_1 = arith.constant 20000 : i32
    %mul3A_2 = arith.muli %arg1, %mul3A_1 : i32
    %add3A = arith.constant 0 : i32
    %add3A_3 = arith.addi %mul3A_2, %add3A : i32
    %dma_start3A = tpu.memref_slice %arg4[%add3A_3] : memref<320000xi32, #tpu.memory_space<hbm>> -> memref<4000xi32, #tpu.memory_space<hbm>>
    %dma_start3A_4 = tpu.memref_slice %arg4[%add3A_3] : memref<320000xi32, #tpu.memory_space<hbm>> -> memref<4000xi32, #tpu.memory_space<hbm>>
    tpu.enqueue_dma source(%dma_start3A_4 : memref<4000xi32, #tpu.memory_space<hbm>>) target(%arg8 : memref<4000xi32, #tpu.memory_space<vmem>>) target_semaphore(%arg17 : memref<!tpu.dma_semaphore, #tpu.memory_space<semaphore_mem>>)
    %dma_start3A_5 = tpu.memref_slice %arg5[%add3A_3] : memref<320000xi32, #tpu.memory_space<hbm>> -> memref<4000xi32, #tpu.memory_space<hbm>>
    %dma_start3A_6 = tpu.memref_slice %arg5[%add3A_3] : memref<320000xi32, #tpu.memory_space<hbm>> -> memref<4000xi32, #tpu.memory_space<hbm>>
    tpu.enqueue_dma source(%dma_start3A_6 : memref<4000xi32, #tpu.memory_space<hbm>>) target(%arg10 : memref<4000xi32, #tpu.memory_space<vmem>>) target_semaphore(%arg17 : memref<!tpu.dma_semaphore, #tpu.memory_space<semaphore_mem>>)
    %scan3A = arith.constant 0 : i32
    %scan3A_7 = arith.constant 0 : i32
    %scan3A_8 = arith.constant 80 : i32
    %scan3A_9 = arith.addi %scan3A_7, %scan3A_8 : i32
    %scan3A_10 = arith.constant 1 : i32
    %scan3A_11 = scf.for %scan3A_47 = %scan3A_7 to %scan3A_9 step %scan3A_10 iter_args(%scan3A_48 = %scan3A) -> (i32)  : i32 {
      %broadcast_in_dim3A = arith.constant 0.000000e+00 : f32
      %broadcast_in_dim3A_49 = vector.broadcast %broadcast_in_dim3A : f32 to vector<16xf32>
      %swap3A = arith.index_cast %scan3A_47 : i32 to index
      %swap3A_50 = arith.constant 0 : index
      %swap3A_51 = tpu.vector_load %arg12[%swap3A, %swap3A_50] {strides = array<i32>} : memref<80x128xf32, #tpu.memory_space<vmem>>, vector<1x16xf32>,
      %swap3A_52 = vector.shape_cast %swap3A_51 : vector<1x16xf32> to vector<16xf32>
      %swap3A_53 = vector.shape_cast %broadcast_in_dim3A_49 : vector<16xf32> to vector<1x16xf32>
      tpu.vector_store %arg12[%swap3A, %swap3A_50], %swap3A_53 {strides = array<i32>} : memref<80x128xf32, #tpu.memory_space<vmem>>, vector<1x16xf32>,
      %broadcast_in_dim3A_54 = arith.constant 0.000000e+00 : f32
      %broadcast_in_dim3A_55 = vector.broadcast %broadcast_in_dim3A_54 : f32 to vector<16xf32>
      %swap3A_56 = arith.index_cast %scan3A_47 : i32 to index
      %swap3A_57 = arith.constant 16 : index
      %swap3A_58 = tpu.vector_load %arg12[%swap3A_56, %swap3A_57] {strides = array<i32>} : memref<80x128xf32, #tpu.memory_space<vmem>>, vector<1x16xf32>,
      %swap3A_59 = vector.shape_cast %swap3A_58 : vector<1x16xf32> to vector<16xf32>
      %swap3A_60 = vector.shape_cast %broadcast_in_dim3A_55 : vector<16xf32> to vector<1x16xf32>
      tpu.vector_store %arg12[%swap3A_56, %swap3A_57], %swap3A_60 {strides = array<i32>} : memref<80x128xf32, #tpu.memory_space<vmem>>, vector<1x16xf32>,
      %broadcast_in_dim3A_61 = arith.constant 0.000000e+00 : f32
      %broadcast_in_dim3A_62 = vector.broadcast %broadcast_in_dim3A_61 : f32 to vector<16xf32>
      %swap3A_63 = arith.index_cast %scan3A_47 : i32 to index
      %swap3A_64 = arith.constant 32 : index
      %swap3A_65 = tpu.vector_load %arg12[%swap3A_63, %swap3A_64] {strides = array<i32>} : memref<80x128xf32, #tpu.memory_space<vmem>>, vector<1x16xf32>,
      %swap3A_66 = vector.shape_cast %swap3A_65 : vector<1x16xf32> to vector<16xf32>
      %swap3A_67 = vector.shape_cast %broadcast_in_dim3A_62 : vector<16xf32> to vector<1x16xf32>
      tpu.vector_store %arg12[%swap3A_63, %swap3A_64], %swap3A_67 {strides = array<i32>} : memref<80x128xf32, #tpu.memory_space<vmem>>, vector<1x16xf32>,
      %broadcast_in_dim3A_68 = arith.constant 0.000000e+00 : f32
      %broadcast_in_dim3A_69 = vector.broadcast %broadcast_in_dim3A_68 : f32 to vector<16xf32>
      %swap3A_70 = arith.index_cast %scan3A_47 : i32 to index
      %swap3A_71 = arith.constant 48 : index
      %swap3A_72 = tpu.vector_load %arg12[%swap3A_70, %swap3A_71] {strides = array<i32>} : memref<80x128xf32, #tpu.memory_space<vmem>>, vector<1x16xf32>,
      %swap3A_73 = vector.shape_cast %swap3A_72 : vector<1x16xf32> to vector<16xf32>
      %swap3A_74 = vector.shape_cast %broadcast_in_dim3A_69 : vector<16xf32> to vector<1x16xf32>
      tpu.vector_store %arg12[%swap3A_70, %swap3A_71], %swap3A_74 {strides = array<i32>} : memref<80x128xf32, #tpu.memory_space<vmem>>, vector<1x16xf32>,
      %broadcast_in_dim3A_75 = arith.constant 0.000000e+00 : f32
      %broadcast_in_dim3A_76 = vector.broadcast %broadcast_in_dim3A_75 : f32 to vector<16xf32>
      %swap3A_77 = arith.index_cast %scan3A_47 : i32 to index
      %swap3A_78 = arith.constant 64 : index
      %swap3A_79 = tpu.vector_load %arg12[%swap3A_77, %swap3A_78] {strides = array<i32>} : memref<80x128xf32, #tpu.memory_space<vmem>>, vector<1x16xf32>,
      %swap3A_80 = vector.shape_cast %swap3A_79 : vector<1x16xf32> to vector<16xf32>
      %swap3A_81 = vector.shape_cast %broadcast_in_dim3A_76 : vector<16xf32> to vector<1x16xf32>
      tpu.vector_store %arg12[%swap3A_77, %swap3A_78], %swap3A_81 {strides = array<i32>} : memref<80x128xf32, #tpu.memory_space<vmem>>, vector<1x16xf32>,
      %broadcast_in_dim3A_82 = arith.constant 0.000000e+00 : f32
      %broadcast_in_dim3A_83 = vector.broadcast %broadcast_in_dim3A_82 : f32 to vector<16xf32>
      %swap3A_84 = arith.index_cast %scan3A_47 : i32 to index
      %swap3A_85 = arith.constant 80 : index
      %swap3A_86 = tpu.vector_load %arg12[%swap3A_84, %swap3A_85] {strides = array<i32>} : memref<80x128xf32, #tpu.memory_space<vmem>>, vector<1x16xf32>,
      %swap3A_87 = vector.shape_cast %swap3A_86 : vector<1x16xf32> to vector<16xf32>
      %swap3A_88 = vector.shape_cast %broadcast_in_dim3A_83 : vector<16xf32> to vector<1x16xf32>
      tpu.vector_store %arg12[%swap3A_84, %swap3A_85], %swap3A_88 {strides = array<i32>} : memref<80x128xf32, #tpu.memory_space<vmem>>, vector<1x16xf32>,
      %broadcast_in_dim3A_89 = arith.constant 0.000000e+00 : f32
      %broadcast_in_dim3A_90 = vector.broadcast %broadcast_in_dim3A_89 : f32 to vector<16xf32>
      %swap3A_91 = arith.index_cast %scan3A_47 : i32 to index
      %swap3A_92 = arith.constant 96 : index
      %swap3A_93 = tpu.vector_load %arg12[%swap3A_91, %swap3A_92] {strides = array<i32>} : memref<80x128xf32, #tpu.memory_space<vmem>>, vector<1x16xf32>,
      %swap3A_94 = vector.shape_cast %swap3A_93 : vector<1x16xf32> to vector<16xf32>
      %swap3A_95 = vector.shape_cast %broadcast_in_dim3A_90 : vector<16xf32> to vector<1x16xf32>
      tpu.vector_store %arg12[%swap3A_91, %swap3A_92], %swap3A_95 {strides = array<i32>} : memref<80x128xf32, #tpu.memory_space<vmem>>, vector<1x16xf32>,
      %broadcast_in_dim3A_96 = arith.constant 0.000000e+00 : f32
      %broadcast_in_dim3A_97 = vector.broadcast %broadcast_in_dim3A_96 : f32 to vector<16xf32>
      %swap3A_98 = arith.index_cast %scan3A_47 : i32 to index
      %swap3A_99 = arith.constant 112 : index
      %swap3A_100 = tpu.vector_load %arg12[%swap3A_98, %swap3A_99] {strides = array<i32>} : memref<80x128xf32, #tpu.memory_space<vmem>>, vector<1x16xf32>,
      %swap3A_101 = vector.shape_cast %swap3A_100 : vector<1x16xf32> to vector<16xf32>
      %swap3A_102 = vector.shape_cast %broadcast_in_dim3A_97 : vector<16xf32> to vector<1x16xf32>
      tpu.vector_store %arg12[%swap3A_98, %swap3A_99], %swap3A_102 {strides = array<i32>} : memref<80x128xf32, #tpu.memory_space<vmem>>, vector<1x16xf32>,
      %scan3A_103 = arith.constant 0 : i32
      scf.yield %scan3A_103 : i32
    }
    %scan3A_12 = arith.constant 80 : i32
    %add3A_13 = arith.constant 0 : i32
    %add3A_14 = arith.addi %mul3A_0, %add3A_13 : i32
    "tpu.region"() ({
      %run_scoped3A = tpu.sem_alloc : memref<!tpu.dma_semaphore, #tpu.memory_space<semaphore_mem>>
      %dma_start3A_47 = arith.constant 0 : i32
      %dma_start3A_48 = tpu.memref_slice %arg14[%add3A_14, %dma_start3A_47] : memref<10240x128xf32, #tpu.memory_space<vmem_shared>> -> memref<80x128xf32, #tpu.memory_space<vmem_shared>>
      %dma_start3A_49 = arith.constant 0 : i32
      %dma_start3A_50 = tpu.memref_slice %arg14[%add3A_14, %dma_start3A_49] : memref<10240x128xf32, #tpu.memory_space<vmem_shared>> -> memref<80x128xf32, #tpu.memory_space<vmem_shared>>
      tpu.enqueue_dma source(%arg12 : memref<80x128xf32, #tpu.memory_space<vmem>>) target(%dma_start3A_50 : memref<80x128xf32, #tpu.memory_space<vmem_shared>>) target_semaphore(%run_scoped3A : memref<!tpu.dma_semaphore, #tpu.memory_space<semaphore_mem>>)
      %dma_wait3A = arith.constant 0 : i32
      %dma_wait3A_51 = tpu.memref_slice %arg14[%add3A_14, %dma_wait3A] : memref<10240x128xf32, #tpu.memory_space<vmem_shared>> -> memref<80x128xf32, #tpu.memory_space<vmem_shared>>
      %dma_wait3A_52 = arith.constant 0 : i32
      %dma_wait3A_53 = tpu.memref_slice %arg14[%add3A_14, %dma_wait3A_52] : memref<10240x128xf32, #tpu.memory_space<vmem_shared>> -> memref<80x128xf32, #tpu.memory_space<vmem_shared>>
      tpu.wait_dma2 semaphore(%run_scoped3A : memref<!tpu.dma_semaphore, #tpu.memory_space<semaphore_mem>>) src(%arg12 : memref<80x128xf32, #tpu.memory_space<vmem>>) dst(%dma_wait3A_53 : memref<80x128xf32, #tpu.memory_space<vmem_shared>>)
      tpu.yield
    }) : () -> ()
    %add3A_15 = arith.constant 80 : i32
    %add3A_16 = arith.addi %mul3A_0, %add3A_15 : i32
    "tpu.region"() ({
      %run_scoped3A = tpu.sem_alloc : memref<!tpu.dma_semaphore, #tpu.memory_space<semaphore_mem>>
      %dma_start3A_47 = arith.constant 0 : i32
      %dma_start3A_48 = tpu.memref_slice %arg14[%add3A_16, %dma_start3A_47] : memref<10240x128xf32, #tpu.memory_space<vmem_shared>> -> memref<80x128xf32, #tpu.memory_space<vmem_shared>>
      %dma_start3A_49 = arith.constant 0 : i32
      %dma_start3A_50 = tpu.memref_slice %arg14[%add3A_16, %dma_start3A_49] : memref<10240x128xf32, #tpu.memory_space<vmem_shared>> -> memref<80x128xf32, #tpu.memory_space<vmem_shared>>
      tpu.enqueue_dma source(%arg12 : memref<80x128xf32, #tpu.memory_space<vmem>>) target(%dma_start3A_50 : memref<80x128xf32, #tpu.memory_space<vmem_shared>>) target_semaphore(%run_scoped3A : memref<!tpu.dma_semaphore, #tpu.memory_space<semaphore_mem>>)
      %dma_wait3A = arith.constant 0 : i32
      %dma_wait3A_51 = tpu.memref_slice %arg14[%add3A_16, %dma_wait3A] : memref<10240x128xf32, #tpu.memory_space<vmem_shared>> -> memref<80x128xf32, #tpu.memory_space<vmem_shared>>
      %dma_wait3A_52 = arith.constant 0 : i32
      %dma_wait3A_53 = tpu.memref_slice %arg14[%add3A_16, %dma_wait3A_52] : memref<10240x128xf32, #tpu.memory_space<vmem_shared>> -> memref<80x128xf32, #tpu.memory_space<vmem_shared>>
      tpu.wait_dma2 semaphore(%run_scoped3A : memref<!tpu.dma_semaphore, #tpu.memory_space<semaphore_mem>>) src(%arg12 : memref<80x128xf32, #tpu.memory_space<vmem>>) dst(%dma_wait3A_53 : memref<80x128xf32, #tpu.memory_space<vmem_shared>>)
      tpu.yield
    }) : () -> ()
    %add3A_17 = arith.constant 160 : i32
    %add3A_18 = arith.addi %mul3A_0, %add3A_17 : i32
    "tpu.region"() ({
      %run_scoped3A = tpu.sem_alloc : memref<!tpu.dma_semaphore, #tpu.memory_space<semaphore_mem>>
      %dma_start3A_47 = arith.constant 0 : i32
      %dma_start3A_48 = tpu.memref_slice %arg14[%add3A_18, %dma_start3A_47] : memref<10240x128xf32, #tpu.memory_space<vmem_shared>> -> memref<80x128xf32, #tpu.memory_space<vmem_shared>>
      %dma_start3A_49 = arith.constant 0 : i32
      %dma_start3A_50 = tpu.memref_slice %arg14[%add3A_18, %dma_start3A_49] : memref<10240x128xf32, #tpu.memory_space<vmem_shared>> -> memref<80x128xf32, #tpu.memory_space<vmem_shared>>
      tpu.enqueue_dma source(%arg12 : memref<80x128xf32, #tpu.memory_space<vmem>>) target(%dma_start3A_50 : memref<80x128xf32, #tpu.memory_space<vmem_shared>>) target_semaphore(%run_scoped3A : memref<!tpu.dma_semaphore, #tpu.memory_space<semaphore_mem>>)
      %dma_wait3A = arith.constant 0 : i32
      %dma_wait3A_51 = tpu.memref_slice %arg14[%add3A_18, %dma_wait3A] : memref<10240x128xf32, #tpu.memory_space<vmem_shared>> -> memref<80x128xf32, #tpu.memory_space<vmem_shared>>
      %dma_wait3A_52 = arith.constant 0 : i32
      %dma_wait3A_53 = tpu.memref_slice %arg14[%add3A_18, %dma_wait3A_52] : memref<10240x128xf32, #tpu.memory_space<vmem_shared>> -> memref<80x128xf32, #tpu.memory_space<vmem_shared>>
      tpu.wait_dma2 semaphore(%run_scoped3A : memref<!tpu.dma_semaphore, #tpu.memory_space<semaphore_mem>>) src(%arg12 : memref<80x128xf32, #tpu.memory_space<vmem>>) dst(%dma_wait3A_53 : memref<80x128xf32, #tpu.memory_space<vmem_shared>>)
      tpu.yield
    }) : () -> ()
    %add3A_19 = arith.constant 240 : i32
    %add3A_20 = arith.addi %mul3A_0, %add3A_19 : i32
    "tpu.region"() ({
      %run_scoped3A = tpu.sem_alloc : memref<!tpu.dma_semaphore, #tpu.memory_space<semaphore_mem>>
      %dma_start3A_47 = arith.constant 0 : i32
      %dma_start3A_48 = tpu.memref_slice %arg14[%add3A_20, %dma_start3A_47] : memref<10240x128xf32, #tpu.memory_space<vmem_shared>> -> memref<80x128xf32, #tpu.memory_space<vmem_shared>>
      %dma_start3A_49 = arith.constant 0 : i32
      %dma_start3A_50 = tpu.memref_slice %arg14[%add3A_20, %dma_start3A_49] : memref<10240x128xf32, #tpu.memory_space<vmem_shared>> -> memref<80x128xf32, #tpu.memory_space<vmem_shared>>
      tpu.enqueue_dma source(%arg12 : memref<80x128xf32, #tpu.memory_space<vmem>>) target(%dma_start3A_50 : memref<80x128xf32, #tpu.memory_space<vmem_shared>>) target_semaphore(%run_scoped3A : memref<!tpu.dma_semaphore, #tpu.memory_space<semaphore_mem>>)
      %dma_wait3A = arith.constant 0 : i32
      %dma_wait3A_51 = tpu.memref_slice %arg14[%add3A_20, %dma_wait3A] : memref<10240x128xf32, #tpu.memory_space<vmem_shared>> -> memref<80x128xf32, #tpu.memory_space<vmem_shared>>
      %dma_wait3A_52 = arith.constant 0 : i32
      %dma_wait3A_53 = tpu.memref_slice %arg14[%add3A_20, %dma_wait3A_52] : memref<10240x128xf32, #tpu.memory_space<vmem_shared>> -> memref<80x128xf32, #tpu.memory_space<vmem_shared>>
      tpu.wait_dma2 semaphore(%run_scoped3A : memref<!tpu.dma_semaphore, #tpu.memory_space<semaphore_mem>>) src(%arg12 : memref<80x128xf32, #tpu.memory_space<vmem>>) dst(%dma_wait3A_53 : memref<80x128xf32, #tpu.memory_space<vmem_shared>>)
      tpu.yield
    }) : () -> ()
    %add3A_21 = arith.constant 320 : i32
    %add3A_22 = arith.addi %mul3A_0, %add3A_21 : i32
    "tpu.region"() ({
      %run_scoped3A = tpu.sem_alloc : memref<!tpu.dma_semaphore, #tpu.memory_space<semaphore_mem>>
      %dma_start3A_47 = arith.constant 0 : i32
      %dma_start3A_48 = tpu.memref_slice %arg14[%add3A_22, %dma_start3A_47] : memref<10240x128xf32, #tpu.memory_space<vmem_shared>> -> memref<80x128xf32, #tpu.memory_space<vmem_shared>>
      %dma_start3A_49 = arith.constant 0 : i32
      %dma_start3A_50 = tpu.memref_slice %arg14[%add3A_22, %dma_start3A_49] : memref<10240x128xf32, #tpu.memory_space<vmem_shared>> -> memref<80x128xf32, #tpu.memory_space<vmem_shared>>
      tpu.enqueue_dma source(%arg12 : memref<80x128xf32, #tpu.memory_space<vmem>>) target(%dma_start3A_50 : memref<80x128xf32, #tpu.memory_space<vmem_shared>>) target_semaphore(%run_scoped3A : memref<!tpu.dma_semaphore, #tpu.memory_space<semaphore_mem>>)
      %dma_wait3A = arith.constant 0 : i32
      %dma_wait3A_51 = tpu.memref_slice %arg14[%add3A_22, %dma_wait3A] : memref<10240x128xf32, #tpu.memory_space<vmem_shared>> -> memref<80x128xf32, #tpu.memory_space<vmem_shared>>
      %dma_wait3A_52 = arith.constant 0 : i32
      %dma_wait3A_53 = tpu.memref_slice %arg14[%add3A_22, %dma_wait3A_52] : memref<10240x128xf32, #tpu.memory_space<vmem_shared>> -> memref<80x128xf32, #tpu.memory_space<vmem_shared>>
      tpu.wait_dma2 semaphore(%run_scoped3A : memref<!tpu.dma_semaphore, #tpu.memory_space<semaphore_mem>>) src(%arg12 : memref<80x128xf32, #tpu.memory_space<vmem>>) dst(%dma_wait3A_53 : memref<80x128xf32, #tpu.memory_space<vmem_shared>>)
      tpu.yield
    }) : () -> ()
    %add3A_23 = arith.constant 400 : i32
    %add3A_24 = arith.addi %mul3A_0, %add3A_23 : i32
    "tpu.region"() ({
      %run_scoped3A = tpu.sem_alloc : memref<!tpu.dma_semaphore, #tpu.memory_space<semaphore_mem>>
      %dma_start3A_47 = arith.constant 0 : i32
      %dma_start3A_48 = tpu.memref_slice %arg14[%add3A_24, %dma_start3A_47] : memref<10240x128xf32, #tpu.memory_space<vmem_shared>> -> memref<80x128xf32, #tpu.memory_space<vmem_shared>>
      %dma_start3A_49 = arith.constant 0 : i32
      %dma_start3A_50 = tpu.memref_slice %arg14[%add3A_24, %dma_start3A_49] : memref<10240x128xf32, #tpu.memory_space<vmem_shared>> -> memref<80x128xf32, #tpu.memory_space<vmem_shared>>
      tpu.enqueue_dma source(%arg12 : memref<80x128xf32, #tpu.memory_space<vmem>>) target(%dma_start3A_50 : memref<80x128xf32, #tpu.memory_space<vmem_shared>>) target_semaphore(%run_scoped3A : memref<!tpu.dma_semaphore, #tpu.memory_space<semaphore_mem>>)
      %dma_wait3A = arith.constant 0 : i32
      %dma_wait3A_51 = tpu.memref_slice %arg14[%add3A_24, %dma_wait3A] : memref<10240x128xf32, #tpu.memory_space<vmem_shared>> -> memref<80x128xf32, #tpu.memory_space<vmem_shared>>
      %dma_wait3A_52 = arith.constant 0 : i32
      %dma_wait3A_53 = tpu.memref_slice %arg14[%add3A_24, %dma_wait3A_52] : memref<10240x128xf32, #tpu.memory_space<vmem_shared>> -> memref<80x128xf32, #tpu.memory_space<vmem_shared>>
      tpu.wait_dma2 semaphore(%run_scoped3A : memref<!tpu.dma_semaphore, #tpu.memory_space<semaphore_mem>>) src(%arg12 : memref<80x128xf32, #tpu.memory_space<vmem>>) dst(%dma_wait3A_53 : memref<80x128xf32, #tpu.memory_space<vmem_shared>>)
      tpu.yield
    }) : () -> ()
    %add3A_25 = arith.constant 480 : i32
    %add3A_26 = arith.addi %mul3A_0, %add3A_25 : i32
    "tpu.region"() ({
      %run_scoped3A = tpu.sem_alloc : memref<!tpu.dma_semaphore, #tpu.memory_space<semaphore_mem>>
      %dma_start3A_47 = arith.constant 0 : i32
      %dma_start3A_48 = tpu.memref_slice %arg14[%add3A_26, %dma_start3A_47] : memref<10240x128xf32, #tpu.memory_space<vmem_shared>> -> memref<80x128xf32, #tpu.memory_space<vmem_shared>>
      %dma_start3A_49 = arith.constant 0 : i32
      %dma_start3A_50 = tpu.memref_slice %arg14[%add3A_26, %dma_start3A_49] : memref<10240x128xf32, #tpu.memory_space<vmem_shared>> -> memref<80x128xf32, #tpu.memory_space<vmem_shared>>
      tpu.enqueue_dma source(%arg12 : memref<80x128xf32, #tpu.memory_space<vmem>>) target(%dma_start3A_50 : memref<80x128xf32, #tpu.memory_space<vmem_shared>>) target_semaphore(%run_scoped3A : memref<!tpu.dma_semaphore, #tpu.memory_space<semaphore_mem>>)
      %dma_wait3A = arith.constant 0 : i32
      %dma_wait3A_51 = tpu.memref_slice %arg14[%add3A_26, %dma_wait3A] : memref<10240x128xf32, #tpu.memory_space<vmem_shared>> -> memref<80x128xf32, #tpu.memory_space<vmem_shared>>
      %dma_wait3A_52 = arith.constant 0 : i32
      %dma_wait3A_53 = tpu.memref_slice %arg14[%add3A_26, %dma_wait3A_52] : memref<10240x128xf32, #tpu.memory_space<vmem_shared>> -> memref<80x128xf32, #tpu.memory_space<vmem_shared>>
      tpu.wait_dma2 semaphore(%run_scoped3A : memref<!tpu.dma_semaphore, #tpu.memory_space<semaphore_mem>>) src(%arg12 : memref<80x128xf32, #tpu.memory_space<vmem>>) dst(%dma_wait3A_53 : memref<80x128xf32, #tpu.memory_space<vmem_shared>>)
      tpu.yield
    }) : () -> ()
    %add3A_27 = arith.constant 560 : i32
    %add3A_28 = arith.addi %mul3A_0, %add3A_27 : i32
    "tpu.region"() ({
      %run_scoped3A = tpu.sem_alloc : memref<!tpu.dma_semaphore, #tpu.memory_space<semaphore_mem>>
      %dma_start3A_47 = arith.constant 0 : i32
      %dma_start3A_48 = tpu.memref_slice %arg14[%add3A_28, %dma_start3A_47] : memref<10240x128xf32, #tpu.memory_space<vmem_shared>> -> memref<80x128xf32, #tpu.memory_space<vmem_shared>>
      %dma_start3A_49 = arith.constant 0 : i32
      %dma_start3A_50 = tpu.memref_slice %arg14[%add3A_28, %dma_start3A_49] : memref<10240x128xf32, #tpu.memory_space<vmem_shared>> -> memref<80x128xf32, #tpu.memory_space<vmem_shared>>
      tpu.enqueue_dma source(%arg12 : memref<80x128xf32, #tpu.memory_space<vmem>>) target(%dma_start3A_50 : memref<80x128xf32, #tpu.memory_space<vmem_shared>>) target_semaphore(%run_scoped3A : memref<!tpu.dma_semaphore, #tpu.memory_space<semaphore_mem>>)
      %dma_wait3A = arith.constant 0 : i32
      %dma_wait3A_51 = tpu.memref_slice %arg14[%add3A_28, %dma_wait3A] : memref<10240x128xf32, #tpu.memory_space<vmem_shared>> -> memref<80x128xf32, #tpu.memory_space<vmem_shared>>
      %dma_wait3A_52 = arith.constant 0 : i32
      %dma_wait3A_53 = tpu.memref_slice %arg14[%add3A_28, %dma_wait3A_52] : memref<10240x128xf32, #tpu.memory_space<vmem_shared>> -> memref<80x128xf32, #tpu.memory_space<vmem_shared>>
      tpu.wait_dma2 semaphore(%run_scoped3A : memref<!tpu.dma_semaphore, #tpu.memory_space<semaphore_mem>>) src(%arg12 : memref<80x128xf32, #tpu.memory_space<vmem>>) dst(%dma_wait3A_53 : memref<80x128xf32, #tpu.memory_space<vmem_shared>>)
      tpu.yield
    }) : () -> ()
    %barrier3A = arith.constant 0 : index
    tpu.barrier barrier_id(%barrier3A)
    %eq3A = arith.constant 0 : i32
    %eq3A_29 = arith.cmpi eq, %arg0, %eq3A : i32
    %convert_element_type3A = arith.extui %eq3A_29 : i1 to i32
    %cond3A = arith.constant 0 : i32
    %cond3A_30 = arith.cmpi ne, %convert_element_type3A, %cond3A : i32
    scf.if %cond3A_30 {
      %add3A_47 = arith.constant 0 : i32
      %add3A_48 = arith.addi %mul3A_2, %add3A_47 : i32
      %dma_wait3A = tpu.memref_slice %arg4[%add3A_48] : memref<320000xi32, #tpu.memory_space<hbm>> -> memref<4000xi32, #tpu.memory_space<hbm>>
      %dma_wait3A_49 = tpu.memref_slice %arg4[%add3A_48] : memref<320000xi32, #tpu.memory_space<hbm>> -> memref<4000xi32, #tpu.memory_space<hbm>>
      tpu.wait_dma2 semaphore(%arg17 : memref<!tpu.dma_semaphore, #tpu.memory_space<semaphore_mem>>) src(%dma_wait3A_49 : memref<4000xi32, #tpu.memory_space<hbm>>) dst(%arg8 : memref<4000xi32, #tpu.memory_space<vmem>>)
      %dma_wait3A_50 = tpu.memref_slice %arg5[%add3A_48] : memref<320000xi32, #tpu.memory_space<hbm>> -> memref<4000xi32, #tpu.memory_space<hbm>>
      %dma_wait3A_51 = tpu.memref_slice %arg5[%add3A_48] : memref<320000xi32, #tpu.memory_space<hbm>> -> memref<4000xi32, #tpu.memory_space<hbm>>
      tpu.wait_dma2 semaphore(%arg17 : memref<!tpu.dma_semaphore, #tpu.memory_space<semaphore_mem>>) src(%dma_wait3A_51 : memref<4000xi32, #tpu.memory_space<hbm>>) dst(%arg10 : memref<4000xi32, #tpu.memory_space<vmem>>)
      %add3A_52 = arith.constant 4000 : i32
      %add3A_53 = arith.addi %mul3A_2, %add3A_52 : i32
      %dma_start3A_54 = tpu.memref_slice %arg4[%add3A_53] : memref<320000xi32, #tpu.memory_space<hbm>> -> memref<4000xi32, #tpu.memory_space<hbm>>
      %dma_start3A_55 = tpu.memref_slice %arg4[%add3A_53] : memref<320000xi32, #tpu.memory_space<hbm>> -> memref<4000xi32, #tpu.memory_space<hbm>>
      tpu.enqueue_dma source(%dma_start3A_55 : memref<4000xi32, #tpu.memory_space<hbm>>) target(%arg9 : memref<4000xi32, #tpu.memory_space<vmem>>) target_semaphore(%arg18 : memref<!tpu.dma_semaphore, #tpu.memory_space<semaphore_mem>>)
      %dma_start3A_56 = tpu.memref_slice %arg5[%add3A_53] : memref<320000xi32, #tpu.memory_space<hbm>> -> memref<4000xi32, #tpu.memory_space<hbm>>
      %dma_start3A_57 = tpu.memref_slice %arg5[%add3A_53] : memref<320000xi32, #tpu.memory_space<hbm>> -> memref<4000xi32, #tpu.memory_space<hbm>>
      tpu.enqueue_dma source(%dma_start3A_57 : memref<4000xi32, #tpu.memory_space<hbm>>) target(%arg11 : memref<4000xi32, #tpu.memory_space<vmem>>) target_semaphore(%arg18 : memref<!tpu.dma_semaphore, #tpu.memory_space<semaphore_mem>>)
      %multiple_of3A = arith.constant 0 : i32
      %multiple_of3A_58 = tpu.assume_multiple %multiple_of3A, 80 : i32
      %dma_start3A_59 = tpu.memref_slice %arg8[%multiple_of3A_58] : memref<4000xi32, #tpu.memory_space<vmem>> -> memref<80xi32, #tpu.memory_space<vmem>>
      %dma_start3A_60 = arith.constant 0 : i32
      %dma_start3A_61 = arith.constant 0 : i32
      %dma_start3A_62 = tpu.memref_slice %arg2[%dma_start3A_60, %dma_start3A_61] : memref<10000x128xf32, #tpu.memory_space<hbm>> -> memref<10000x128xf32, #tpu.memory_space<hbm>>
      tpu.enqueue_indirect_dma source(%dma_start3A_62 : memref<10000x128xf32, #tpu.memory_space<hbm>>) target(%arg12 : memref<80x128xf32, #tpu.memory_space<vmem>>) offsets(%dma_start3A_59 : memref<80xi32, #tpu.memory_space<vmem>>) semaphore(%arg15 : memref<!tpu.dma_semaphore, #tpu.memory_space<semaphore_mem>>)
      %multiple_of3A_63 = arith.constant 80 : i32
      %multiple_of3A_64 = tpu.assume_multiple %multiple_of3A_63, 80 : i32
      %dma_start3A_65 = tpu.memref_slice %arg8[%multiple_of3A_64] : memref<4000xi32, #tpu.memory_space<vmem>> -> memref<80xi32, #tpu.memory_space<vmem>>
      %dma_start3A_66 = arith.constant 0 : i32
      %dma_start3A_67 = arith.constant 0 : i32
      %dma_start3A_68 = tpu.memref_slice %arg2[%dma_start3A_66, %dma_start3A_67] : memref<10000x128xf32, #tpu.memory_space<hbm>> -> memref<10000x128xf32, #tpu.memory_space<hbm>>
      tpu.enqueue_indirect_dma source(%dma_start3A_68 : memref<10000x128xf32, #tpu.memory_space<hbm>>) target(%arg13 : memref<80x128xf32, #tpu.memory_space<vmem>>) offsets(%dma_start3A_65 : memref<80xi32, #tpu.memory_space<vmem>>) semaphore(%arg16 : memref<!tpu.dma_semaphore, #tpu.memory_space<semaphore_mem>>)
      %scan3A_69 = arith.constant 0 : i32
      %scan3A_70 = arith.constant 0 : i32
      %scan3A_71 = arith.constant 25 : i32
      %scan3A_72 = arith.addi %scan3A_70, %scan3A_71 : i32
      %scan3A_73 = arith.constant 1 : i32
      %scan3A_74 = scf.for %scan3A_194 = %scan3A_70 to %scan3A_72 step %scan3A_73 iter_args(%scan3A_195 = %scan3A_69) -> (i32)  : i32 {
        %mul3A_196 = arith.constant 2 : i32
        %mul3A_197 = arith.muli %scan3A_194, %mul3A_196 : i32
        %add3A_198 = arith.constant 0 : i32
        %add3A_199 = arith.addi %mul3A_197, %add3A_198 : i32
        %mul3A_200 = arith.constant 80 : i32
        %mul3A_201 = arith.muli %add3A_199, %mul3A_200 : i32
        %multiple_of3A_202 = tpu.assume_multiple %mul3A_201, 80 : i32
        %dma_wait3A_203 = tpu.memref_slice %arg8[%multiple_of3A_202] : memref<4000xi32, #tpu.memory_space<vmem>> -> memref<80xi32, #tpu.memory_space<vmem>>
        %dma_wait3A_204 = arith.constant 0 : i32
        %dma_wait3A_205 = arith.constant 0 : i32
        %dma_wait3A_206 = tpu.memref_slice %arg2[%dma_wait3A_204, %dma_wait3A_205] : memref<10000x128xf32, #tpu.memory_space<hbm>> -> memref<10000x128xf32, #tpu.memory_space<hbm>>
        tpu.wait_indirect_dma semaphore(%arg15 : memref<!tpu.dma_semaphore, #tpu.memory_space<semaphore_mem>>) src(%dma_wait3A_206 : memref<10000x128xf32, #tpu.memory_space<hbm>>) dst(%arg12 : memref<80x128xf32, #tpu.memory_space<vmem>>)
        %mul3A_207 = arith.constant 80 : i32
        %mul3A_208 = arith.muli %add3A_199, %mul3A_207 : i32
        %multiple_of3A_209 = tpu.assume_multiple %mul3A_208, 80 : i32
        "tpu.region"() ({
          %run_scoped3A = tpu.sem_alloc : memref<!tpu.dma_semaphore, #tpu.memory_space<semaphore_mem>>
          %dma_start3A_236 = tpu.memref_slice %arg10[%multiple_of3A_209] : memref<4000xi32, #tpu.memory_space<vmem>> -> memref<80xi32, #tpu.memory_space<vmem>>
          %dma_start3A_237 = arith.constant 0 : i32
          %dma_start3A_238 = arith.constant 0 : i32
          %dma_start3A_239 = tpu.memref_slice %arg14[%dma_start3A_237, %dma_start3A_238] : memref<10240x128xf32, #tpu.memory_space<vmem_shared>> -> memref<10240x128xf32, #tpu.memory_space<vmem_shared>>
          tpu.enqueue_indirect_dma source(%arg12 : memref<80x128xf32, #tpu.memory_space<vmem>>) target(%dma_start3A_239 : memref<10240x128xf32, #tpu.memory_space<vmem_shared>>) offsets(%dma_start3A_236 : memref<80xi32, #tpu.memory_space<vmem>>) semaphore(%run_scoped3A : memref<!tpu.dma_semaphore, #tpu.memory_space<semaphore_mem>>) {add = true}
          %dma_wait3A_240 = tpu.memref_slice %arg10[%multiple_of3A_209] : memref<4000xi32, #tpu.memory_space<vmem>> -> memref<80xi32, #tpu.memory_space<vmem>>
          %dma_wait3A_241 = arith.constant 0 : i32
          %dma_wait3A_242 = arith.constant 0 : i32
          %dma_wait3A_243 = tpu.memref_slice %arg14[%dma_wait3A_241, %dma_wait3A_242] : memref<10240x128xf32, #tpu.memory_space<vmem_shared>> -> memref<10240x128xf32, #tpu.memory_space<vmem_shared>>
          tpu.wait_indirect_dma semaphore(%run_scoped3A : memref<!tpu.dma_semaphore, #tpu.memory_space<semaphore_mem>>) src(%arg12 : memref<80x128xf32, #tpu.memory_space<vmem>>) dst(%dma_wait3A_243 : memref<10240x128xf32, #tpu.memory_space<vmem_shared>>)
          tpu.yield
        }) : () -> ()
        %add3A_210 = arith.constant 2 : i32
        %add3A_211 = arith.addi %add3A_199, %add3A_210 : i32
        %lt3A = arith.constant 50 : i32
        %lt3A_212 = arith.cmpi slt, %add3A_211, %lt3A : i32
        %convert_element_type3A_213 = arith.extui %lt3A_212 : i1 to i32
        %cond3A_214 = arith.constant 0 : i32
        %cond3A_215 = arith.cmpi ne, %convert_element_type3A_213, %cond3A_214 : i32
        scf.if %cond3A_215 {
          %add3A_236 = arith.constant 2 : i32
          %add3A_237 = arith.addi %add3A_199, %add3A_236 : i32
          %mul3A_238 = arith.constant 80 : i32
          %mul3A_239 = arith.muli %add3A_237, %mul3A_238 : i32
          %multiple_of3A_240 = tpu.assume_multiple %mul3A_239, 80 : i32
          %dma_start3A_241 = tpu.memref_slice %arg8[%multiple_of3A_240] : memref<4000xi32, #tpu.memory_space<vmem>> -> memref<80xi32, #tpu.memory_space<vmem>>
          %dma_start3A_242 = arith.constant 0 : i32
          %dma_start3A_243 = arith.constant 0 : i32
          %dma_start3A_244 = tpu.memref_slice %arg2[%dma_start3A_242, %dma_start3A_243] : memref<10000x128xf32, #tpu.memory_space<hbm>> -> memref<10000x128xf32, #tpu.memory_space<hbm>>
          tpu.enqueue_indirect_dma source(%dma_start3A_244 : memref<10000x128xf32, #tpu.memory_space<hbm>>) target(%arg12 : memref<80x128xf32, #tpu.memory_space<vmem>>) offsets(%dma_start3A_241 : memref<80xi32, #tpu.memory_space<vmem>>) semaphore(%arg15 : memref<!tpu.dma_semaphore, #tpu.memory_space<semaphore_mem>>)
        } else {
        }
        %add3A_216 = arith.constant 1 : i32
        %add3A_217 = arith.addi %mul3A_197, %add3A_216 : i32
        %mul3A_218 = arith.constant 80 : i32
        %mul3A_219 = arith.muli %add3A_217, %mul3A_218 : i32
        %multiple_of3A_220 = tpu.assume_multiple %mul3A_219, 80 : i32
        %dma_wait3A_221 = tpu.memref_slice %arg8[%multiple_of3A_220] : memref<4000xi32, #tpu.memory_space<vmem>> -> memref<80xi32, #tpu.memory_space<vmem>>
        %dma_wait3A_222 = arith.constant 0 : i32
        %dma_wait3A_223 = arith.constant 0 : i32
        %dma_wait3A_224 = tpu.memref_slice %arg2[%dma_wait3A_222, %dma_wait3A_223] : memref<10000x128xf32, #tpu.memory_space<hbm>> -> memref<10000x128xf32, #tpu.memory_space<hbm>>
        tpu.wait_indirect_dma semaphore(%arg16 : memref<!tpu.dma_semaphore, #tpu.memory_space<semaphore_mem>>) src(%dma_wait3A_224 : memref<10000x128xf32, #tpu.memory_space<hbm>>) dst(%arg13 : memref<80x128xf32, #tpu.memory_space<vmem>>)
        %mul3A_225 = arith.constant 80 : i32
        %mul3A_226 = arith.muli %add3A_217, %mul3A_225 : i32
        %multiple_of3A_227 = tpu.assume_multiple %mul3A_226, 80 : i32
        "tpu.region"() ({
          %run_scoped3A = tpu.sem_alloc : memref<!tpu.dma_semaphore, #tpu.memory_space<semaphore_mem>>
          %dma_start3A_236 = tpu.memref_slice %arg10[%multiple_of3A_227] : memref<4000xi32, #tpu.memory_space<vmem>> -> memref<80xi32, #tpu.memory_space<vmem>>
          %dma_start3A_237 = arith.constant 0 : i32
          %dma_start3A_238 = arith.constant 0 : i32
          %dma_start3A_239 = tpu.memref_slice %arg14[%dma_start3A_237, %dma_start3A_238] : memref<10240x128xf32, #tpu.memory_space<vmem_shared>> -> memref<10240x128xf32, #tpu.memory_space<vmem_shared>>
          tpu.enqueue_indirect_dma source(%arg13 : memref<80x128xf32, #tpu.memory_space<vmem>>) target(%dma_start3A_239 : memref<10240x128xf32, #tpu.memory_space<vmem_shared>>) offsets(%dma_start3A_236 : memref<80xi32, #tpu.memory_space<vmem>>) semaphore(%run_scoped3A : memref<!tpu.dma_semaphore, #tpu.memory_space<semaphore_mem>>) {add = true}
          %dma_wait3A_240 = tpu.memref_slice %arg10[%multiple_of3A_227] : memref<4000xi32, #tpu.memory_space<vmem>> -> memref<80xi32, #tpu.memory_space<vmem>>
          %dma_wait3A_241 = arith.constant 0 : i32
          %dma_wait3A_242 = arith.constant 0 : i32
          %dma_wait3A_243 = tpu.memref_slice %arg14[%dma_wait3A_241, %dma_wait3A_242] : memref<10240x128xf32, #tpu.memory_space<vmem_shared>> -> memref<10240x128xf32, #tpu.memory_space<vmem_shared>>
          tpu.wait_indirect_dma semaphore(%run_scoped3A : memref<!tpu.dma_semaphore, #tpu.memory_space<semaphore_mem>>) src(%arg13 : memref<80x128xf32, #tpu.memory_space<vmem>>) dst(%dma_wait3A_243 : memref<10240x128xf32, #tpu.memory_space<vmem_shared>>)
          tpu.yield
        }) : () -> ()
        %add3A_228 = arith.constant 2 : i32
        %add3A_229 = arith.addi %add3A_217, %add3A_228 : i32
        %lt3A_230 = arith.constant 50 : i32
        %lt3A_231 = arith.cmpi slt, %add3A_229, %lt3A_230 : i32
        %convert_element_type3A_232 = arith.extui %lt3A_231 : i1 to i32
        %cond3A_233 = arith.constant 0 : i32
        %cond3A_234 = arith.cmpi ne, %convert_element_type3A_232, %cond3A_233 : i32
        scf.if %cond3A_234 {
          %add3A_236 = arith.constant 2 : i32
          %add3A_237 = arith.addi %add3A_217, %add3A_236 : i32
          %mul3A_238 = arith.constant 80 : i32
          %mul3A_239 = arith.muli %add3A_237, %mul3A_238 : i32
          %multiple_of3A_240 = tpu.assume_multiple %mul3A_239, 80 : i32
          %dma_start3A_241 = tpu.memref_slice %arg8[%multiple_of3A_240] : memref<4000xi32, #tpu.memory_space<vmem>> -> memref<80xi32, #tpu.memory_space<vmem>>
          %dma_start3A_242 = arith.constant 0 : i32
          %dma_start3A_243 = arith.constant 0 : i32
          %dma_start3A_244 = tpu.memref_slice %arg2[%dma_start3A_242, %dma_start3A_243] : memref<10000x128xf32, #tpu.memory_space<hbm>> -> memref<10000x128xf32, #tpu.memory_space<hbm>>
          tpu.enqueue_indirect_dma source(%dma_start3A_244 : memref<10000x128xf32, #tpu.memory_space<hbm>>) target(%arg13 : memref<80x128xf32, #tpu.memory_space<vmem>>) offsets(%dma_start3A_241 : memref<80xi32, #tpu.memory_space<vmem>>) semaphore(%arg16 : memref<!tpu.dma_semaphore, #tpu.memory_space<semaphore_mem>>)
        } else {
        }
        %scan3A_235 = arith.constant 0 : i32
        scf.yield %scan3A_235 : i32
      }
      %scan3A_75 = arith.constant 25 : i32
      %add3A_76 = arith.constant 4000 : i32
      %add3A_77 = arith.addi %mul3A_2, %add3A_76 : i32
      %dma_wait3A_78 = tpu.memref_slice %arg4[%add3A_77] : memref<320000xi32, #tpu.memory_space<hbm>> -> memref<4000xi32, #tpu.memory_space<hbm>>
      %dma_wait3A_79 = tpu.memref_slice %arg4[%add3A_77] : memref<320000xi32, #tpu.memory_space<hbm>> -> memref<4000xi32, #tpu.memory_space<hbm>>
      tpu.wait_dma2 semaphore(%arg18 : memref<!tpu.dma_semaphore, #tpu.memory_space<semaphore_mem>>) src(%dma_wait3A_79 : memref<4000xi32, #tpu.memory_space<hbm>>) dst(%arg9 : memref<4000xi32, #tpu.memory_space<vmem>>)
      %dma_wait3A_80 = tpu.memref_slice %arg5[%add3A_77] : memref<320000xi32, #tpu.memory_space<hbm>> -> memref<4000xi32, #tpu.memory_space<hbm>>
      %dma_wait3A_81 = tpu.memref_slice %arg5[%add3A_77] : memref<320000xi32, #tpu.memory_space<hbm>> -> memref<4000xi32, #tpu.memory_space<hbm>>
      tpu.wait_dma2 semaphore(%arg18 : memref<!tpu.dma_semaphore, #tpu.memory_space<semaphore_mem>>) src(%dma_wait3A_81 : memref<4000xi32, #tpu.memory_space<hbm>>) dst(%arg11 : memref<4000xi32, #tpu.memory_space<vmem>>)
      %add3A_82 = arith.constant 8000 : i32
      %add3A_83 = arith.addi %mul3A_2, %add3A_82 : i32
      %dma_start3A_84 = tpu.memref_slice %arg4[%add3A_83] : memref<320000xi32, #tpu.memory_space<hbm>> -> memref<4000xi32, #tpu.memory_space<hbm>>
      %dma_start3A_85 = tpu.memref_slice %arg4[%add3A_83] : memref<320000xi32, #tpu.memory_space<hbm>> -> memref<4000xi32, #tpu.memory_space<hbm>>
      tpu.enqueue_dma source(%dma_start3A_85 : memref<4000xi32, #tpu.memory_space<hbm>>) target(%arg8 : memref<4000xi32, #tpu.memory_space<vmem>>) target_semaphore(%arg17 : memref<!tpu.dma_semaphore, #tpu.memory_space<semaphore_mem>>)
      %dma_start3A_86 = tpu.memref_slice %arg5[%add3A_83] : memref<320000xi32, #tpu.memory_space<hbm>> -> memref<4000xi32, #tpu.memory_space<hbm>>
      %dma_start3A_87 = tpu.memref_slice %arg5[%add3A_83] : memref<320000xi32, #tpu.memory_space<hbm>> -> memref<4000xi32, #tpu.memory_space<hbm>>
      tpu.enqueue_dma source(%dma_start3A_87 : memref<4000xi32, #tpu.memory_space<hbm>>) target(%arg10 : memref<4000xi32, #tpu.memory_space<vmem>>) target_semaphore(%arg17 : memref<!tpu.dma_semaphore, #tpu.memory_space<semaphore_mem>>)
      %multiple_of3A_88 = arith.constant 0 : i32
      %multiple_of3A_89 = tpu.assume_multiple %multiple_of3A_88, 80 : i32
      %dma_start3A_90 = tpu.memref_slice %arg9[%multiple_of3A_89] : memref<4000xi32, #tpu.memory_space<vmem>> -> memref<80xi32, #tpu.memory_space<vmem>>
      %dma_start3A_91 = arith.constant 0 : i32
      %dma_start3A_92 = arith.constant 0 : i32
      %dma_start3A_93 = tpu.memref_slice %arg2[%dma_start3A_91, %dma_start3A_92] : memref<10000x128xf32, #tpu.memory_space<hbm>> -> memref<10000x128xf32, #tpu.memory_space<hbm>>
      tpu.enqueue_indirect_dma source(%dma_start3A_93 : memref<10000x128xf32, #tpu.memory_space<hbm>>) target(%arg12 : memref<80x128xf32, #tpu.memory_space<vmem>>) offsets(%dma_start3A_90 : memref<80xi32, #tpu.memory_space<vmem>>) semaphore(%arg15 : memref<!tpu.dma_semaphore, #tpu.memory_space<semaphore_mem>>)
      %multiple_of3A_94 = arith.constant 80 : i32
      %multiple_of3A_95 = tpu.assume_multiple %multiple_of3A_94, 80 : i32
      %dma_start3A_96 = tpu.memref_slice %arg9[%multiple_of3A_95] : memref<4000xi32, #tpu.memory_space<vmem>> -> memref<80xi32, #tpu.memory_space<vmem>>
      %dma_start3A_97 = arith.constant 0 : i32
      %dma_start3A_98 = arith.constant 0 : i32
      %dma_start3A_99 = tpu.memref_slice %arg2[%dma_start3A_97, %dma_start3A_98] : memref<10000x128xf32, #tpu.memory_space<hbm>> -> memref<10000x128xf32, #tpu.memory_space<hbm>>
      tpu.enqueue_indirect_dma source(%dma_start3A_99 : memref<10000x128xf32, #tpu.memory_space<hbm>>) target(%arg13 : memref<80x128xf32, #tpu.memory_space<vmem>>) offsets(%dma_start3A_96 : memref<80xi32, #tpu.memory_space<vmem>>) semaphore(%arg16 : memref<!tpu.dma_semaphore, #tpu.memory_space<semaphore_mem>>)
      %scan3A_100 = arith.constant 0 : i32
      %scan3A_101 = arith.constant 0 : i32
      %scan3A_102 = arith.constant 25 : i32
      %scan3A_103 = arith.addi %scan3A_101, %scan3A_102 : i32
      %scan3A_104 = arith.constant 1 : i32
      %scan3A_105 = scf.for %scan3A_194 = %scan3A_101 to %scan3A_103 step %scan3A_104 iter_args(%scan3A_195 = %scan3A_100) -> (i32)  : i32 {
        %mul3A_196 = arith.constant 2 : i32
        %mul3A_197 = arith.muli %scan3A_194, %mul3A_196 : i32
        %add3A_198 = arith.constant 0 : i32
        %add3A_199 = arith.addi %mul3A_197, %add3A_198 : i32
        %mul3A_200 = arith.constant 80 : i32
        %mul3A_201 = arith.muli %add3A_199, %mul3A_200 : i32
        %multiple_of3A_202 = tpu.assume_multiple %mul3A_201, 80 : i32
        %dma_wait3A_203 = tpu.memref_slice %arg9[%multiple_of3A_202] : memref<4000xi32, #tpu.memory_space<vmem>> -> memref<80xi32, #tpu.memory_space<vmem>>
        %dma_wait3A_204 = arith.constant 0 : i32
        %dma_wait3A_205 = arith.constant 0 : i32
        %dma_wait3A_206 = tpu.memref_slice %arg2[%dma_wait3A_204, %dma_wait3A_205] : memref<10000x128xf32, #tpu.memory_space<hbm>> -> memref<10000x128xf32, #tpu.memory_space<hbm>>
        tpu.wait_indirect_dma semaphore(%arg15 : memref<!tpu.dma_semaphore, #tpu.memory_space<semaphore_mem>>) src(%dma_wait3A_206 : memref<10000x128xf32, #tpu.memory_space<hbm>>) dst(%arg12 : memref<80x128xf32, #tpu.memory_space<vmem>>)
        %mul3A_207 = arith.constant 80 : i32
        %mul3A_208 = arith.muli %add3A_199, %mul3A_207 : i32
        %multiple_of3A_209 = tpu.assume_multiple %mul3A_208, 80 : i32
        "tpu.region"() ({
          %run_scoped3A = tpu.sem_alloc : memref<!tpu.dma_semaphore, #tpu.memory_space<semaphore_mem>>
          %dma_start3A_236 = tpu.memref_slice %arg11[%multiple_of3A_209] : memref<4000xi32, #tpu.memory_space<vmem>> -> memref<80xi32, #tpu.memory_space<vmem>>
          %dma_start3A_237 = arith.constant 0 : i32
          %dma_start3A_238 = arith.constant 0 : i32
          %dma_start3A_239 = tpu.memref_slice %arg14[%dma_start3A_237, %dma_start3A_238] : memref<10240x128xf32, #tpu.memory_space<vmem_shared>> -> memref<10240x128xf32, #tpu.memory_space<vmem_shared>>
          tpu.enqueue_indirect_dma source(%arg12 : memref<80x128xf32, #tpu.memory_space<vmem>>) target(%dma_start3A_239 : memref<10240x128xf32, #tpu.memory_space<vmem_shared>>) offsets(%dma_start3A_236 : memref<80xi32, #tpu.memory_space<vmem>>) semaphore(%run_scoped3A : memref<!tpu.dma_semaphore, #tpu.memory_space<semaphore_mem>>) {add = true}
          %dma_wait3A_240 = tpu.memref_slice %arg11[%multiple_of3A_209] : memref<4000xi32, #tpu.memory_space<vmem>> -> memref<80xi32, #tpu.memory_space<vmem>>
          %dma_wait3A_241 = arith.constant 0 : i32
          %dma_wait3A_242 = arith.constant 0 : i32
          %dma_wait3A_243 = tpu.memref_slice %arg14[%dma_wait3A_241, %dma_wait3A_242] : memref<10240x128xf32, #tpu.memory_space<vmem_shared>> -> memref<10240x128xf32, #tpu.memory_space<vmem_shared>>
          tpu.wait_indirect_dma semaphore(%run_scoped3A : memref<!tpu.dma_semaphore, #tpu.memory_space<semaphore_mem>>) src(%arg12 : memref<80x128xf32, #tpu.memory_space<vmem>>) dst(%dma_wait3A_243 : memref<10240x128xf32, #tpu.memory_space<vmem_shared>>)
          tpu.yield
        }) : () -> ()
        %add3A_210 = arith.constant 2 : i32
        %add3A_211 = arith.addi %add3A_199, %add3A_210 : i32
        %lt3A = arith.constant 50 : i32
        %lt3A_212 = arith.cmpi slt, %add3A_211, %lt3A : i32
        %convert_element_type3A_213 = arith.extui %lt3A_212 : i1 to i32
        %cond3A_214 = arith.constant 0 : i32
        %cond3A_215 = arith.cmpi ne, %convert_element_type3A_213, %cond3A_214 : i32
        scf.if %cond3A_215 {
          %add3A_236 = arith.constant 2 : i32
          %add3A_237 = arith.addi %add3A_199, %add3A_236 : i32
          %mul3A_238 = arith.constant 80 : i32
          %mul3A_239 = arith.muli %add3A_237, %mul3A_238 : i32
          %multiple_of3A_240 = tpu.assume_multiple %mul3A_239, 80 : i32
          %dma_start3A_241 = tpu.memref_slice %arg9[%multiple_of3A_240] : memref<4000xi32, #tpu.memory_space<vmem>> -> memref<80xi32, #tpu.memory_space<vmem>>
          %dma_start3A_242 = arith.constant 0 : i32
          %dma_start3A_243 = arith.constant 0 : i32
          %dma_start3A_244 = tpu.memref_slice %arg2[%dma_start3A_242, %dma_start3A_243] : memref<10000x128xf32, #tpu.memory_space<hbm>> -> memref<10000x128xf32, #tpu.memory_space<hbm>>
          tpu.enqueue_indirect_dma source(%dma_start3A_244 : memref<10000x128xf32, #tpu.memory_space<hbm>>) target(%arg12 : memref<80x128xf32, #tpu.memory_space<vmem>>) offsets(%dma_start3A_241 : memref<80xi32, #tpu.memory_space<vmem>>) semaphore(%arg15 : memref<!tpu.dma_semaphore, #tpu.memory_space<semaphore_mem>>)
        } else {
        }
        %add3A_216 = arith.constant 1 : i32
        %add3A_217 = arith.addi %mul3A_197, %add3A_216 : i32
        %mul3A_218 = arith.constant 80 : i32
        %mul3A_219 = arith.muli %add3A_217, %mul3A_218 : i32
        %multiple_of3A_220 = tpu.assume_multiple %mul3A_219, 80 : i32
        %dma_wait3A_221 = tpu.memref_slice %arg9[%multiple_of3A_220] : memref<4000xi32, #tpu.memory_space<vmem>> -> memref<80xi32, #tpu.memory_space<vmem>>
        %dma_wait3A_222 = arith.constant 0 : i32
        %dma_wait3A_223 = arith.constant 0 : i32
        %dma_wait3A_224 = tpu.memref_slice %arg2[%dma_wait3A_222, %dma_wait3A_223] : memref<10000x128xf32, #tpu.memory_space<hbm>> -> memref<10000x128xf32, #tpu.memory_space<hbm>>
        tpu.wait_indirect_dma semaphore(%arg16 : memref<!tpu.dma_semaphore, #tpu.memory_space<semaphore_mem>>) src(%dma_wait3A_224 : memref<10000x128xf32, #tpu.memory_space<hbm>>) dst(%arg13 : memref<80x128xf32, #tpu.memory_space<vmem>>)
        %mul3A_225 = arith.constant 80 : i32
        %mul3A_226 = arith.muli %add3A_217, %mul3A_225 : i32
        %multiple_of3A_227 = tpu.assume_multiple %mul3A_226, 80 : i32
        "tpu.region"() ({
          %run_scoped3A = tpu.sem_alloc : memref<!tpu.dma_semaphore, #tpu.memory_space<semaphore_mem>>
          %dma_start3A_236 = tpu.memref_slice %arg11[%multiple_of3A_227] : memref<4000xi32, #tpu.memory_space<vmem>> -> memref<80xi32, #tpu.memory_space<vmem>>
          %dma_start3A_237 = arith.constant 0 : i32
          %dma_start3A_238 = arith.constant 0 : i32
          %dma_start3A_239 = tpu.memref_slice %arg14[%dma_start3A_237, %dma_start3A_238] : memref<10240x128xf32, #tpu.memory_space<vmem_shared>> -> memref<10240x128xf32, #tpu.memory_space<vmem_shared>>
          tpu.enqueue_indirect_dma source(%arg13 : memref<80x128xf32, #tpu.memory_space<vmem>>) target(%dma_start3A_239 : memref<10240x128xf32, #tpu.memory_space<vmem_shared>>) offsets(%dma_start3A_236 : memref<80xi32, #tpu.memory_space<vmem>>) semaphore(%run_scoped3A : memref<!tpu.dma_semaphore, #tpu.memory_space<semaphore_mem>>) {add = true}
          %dma_wait3A_240 = tpu.memref_slice %arg11[%multiple_of3A_227] : memref<4000xi32, #tpu.memory_space<vmem>> -> memref<80xi32, #tpu.memory_space<vmem>>
          %dma_wait3A_241 = arith.constant 0 : i32
          %dma_wait3A_242 = arith.constant 0 : i32
          %dma_wait3A_243 = tpu.memref_slice %arg14[%dma_wait3A_241, %dma_wait3A_242] : memref<10240x128xf32, #tpu.memory_space<vmem_shared>> -> memref<10240x128xf32, #tpu.memory_space<vmem_shared>>
          tpu.wait_indirect_dma semaphore(%run_scoped3A : memref<!tpu.dma_semaphore, #tpu.memory_space<semaphore_mem>>) src(%arg13 : memref<80x128xf32, #tpu.memory_space<vmem>>) dst(%dma_wait3A_243 : memref<10240x128xf32, #tpu.memory_space<vmem_shared>>)
          tpu.yield
        }) : () -> ()
        %add3A_228 = arith.constant 2 : i32
        %add3A_229 = arith.addi %add3A_217, %add3A_228 : i32
        %lt3A_230 = arith.constant 50 : i32
        %lt3A_231 = arith.cmpi slt, %add3A_229, %lt3A_230 : i32
        %convert_element_type3A_232 = arith.extui %lt3A_231 : i1 to i32
        %cond3A_233 = arith.constant 0 : i32
        %cond3A_234 = arith.cmpi ne, %convert_element_type3A_232, %cond3A_233 : i32
        scf.if %cond3A_234 {
          %add3A_236 = arith.constant 2 : i32
          %add3A_237 = arith.addi %add3A_217, %add3A_236 : i32
          %mul3A_238 = arith.constant 80 : i32
          %mul3A_239 = arith.muli %add3A_237, %mul3A_238 : i32
          %multiple_of3A_240 = tpu.assume_multiple %mul3A_239, 80 : i32
          %dma_start3A_241 = tpu.memref_slice %arg9[%multiple_of3A_240] : memref<4000xi32, #tpu.memory_space<vmem>> -> memref<80xi32, #tpu.memory_space<vmem>>
          %dma_start3A_242 = arith.constant 0 : i32
          %dma_start3A_243 = arith.constant 0 : i32
          %dma_start3A_244 = tpu.memref_slice %arg2[%dma_start3A_242, %dma_start3A_243] : memref<10000x128xf32, #tpu.memory_space<hbm>> -> memref<10000x128xf32, #tpu.memory_space<hbm>>
          tpu.enqueue_indirect_dma source(%dma_start3A_244 : memref<10000x128xf32, #tpu.memory_space<hbm>>) target(%arg13 : memref<80x128xf32, #tpu.memory_space<vmem>>) offsets(%dma_start3A_241 : memref<80xi32, #tpu.memory_space<vmem>>) semaphore(%arg16 : memref<!tpu.dma_semaphore, #tpu.memory_space<semaphore_mem>>)
        } else {
        }
        %scan3A_235 = arith.constant 0 : i32
        scf.yield %scan3A_235 : i32
      }
      %scan3A_106 = arith.constant 25 : i32
      %add3A_107 = arith.constant 8000 : i32
      %add3A_108 = arith.addi %mul3A_2, %add3A_107 : i32
      %dma_wait3A_109 = tpu.memref_slice %arg4[%add3A_108] : memref<320000xi32, #tpu.memory_space<hbm>> -> memref<4000xi32, #tpu.memory_space<hbm>>
      %dma_wait3A_110 = tpu.memref_slice %arg4[%add3A_108] : memref<320000xi32, #tpu.memory_space<hbm>> -> memref<4000xi32, #tpu.memory_space<hbm>>
      tpu.wait_dma2 semaphore(%arg17 : memref<!tpu.dma_semaphore, #tpu.memory_space<semaphore_mem>>) src(%dma_wait3A_110 : memref<4000xi32, #tpu.memory_space<hbm>>) dst(%arg8 : memref<4000xi32, #tpu.memory_space<vmem>>)
      %dma_wait3A_111 = tpu.memref_slice %arg5[%add3A_108] : memref<320000xi32, #tpu.memory_space<hbm>> -> memref<4000xi32, #tpu.memory_space<hbm>>
      %dma_wait3A_112 = tpu.memref_slice %arg5[%add3A_108] : memref<320000xi32, #tpu.memory_space<hbm>> -> memref<4000xi32, #tpu.memory_space<hbm>>
      tpu.wait_dma2 semaphore(%arg17 : memref<!tpu.dma_semaphore, #tpu.memory_space<semaphore_mem>>) src(%dma_wait3A_112 : memref<4000xi32, #tpu.memory_space<hbm>>) dst(%arg10 : memref<4000xi32, #tpu.memory_space<vmem>>)
      %add3A_113 = arith.constant 12000 : i32
      %add3A_114 = arith.addi %mul3A_2, %add3A_113 : i32
      %dma_start3A_115 = tpu.memref_slice %arg4[%add3A_114] : memref<320000xi32, #tpu.memory_space<hbm>> -> memref<4000xi32, #tpu.memory_space<hbm>>
      %dma_start3A_116 = tpu.memref_slice %arg4[%add3A_114] : memref<320000xi32, #tpu.memory_space<hbm>> -> memref<4000xi32, #tpu.memory_space<hbm>>
      tpu.enqueue_dma source(%dma_start3A_116 : memref<4000xi32, #tpu.memory_space<hbm>>) target(%arg9 : memref<4000xi32, #tpu.memory_space<vmem>>) target_semaphore(%arg18 : memref<!tpu.dma_semaphore, #tpu.memory_space<semaphore_mem>>)
      %dma_start3A_117 = tpu.memref_slice %arg5[%add3A_114] : memref<320000xi32, #tpu.memory_space<hbm>> -> memref<4000xi32, #tpu.memory_space<hbm>>
      %dma_start3A_118 = tpu.memref_slice %arg5[%add3A_114] : memref<320000xi32, #tpu.memory_space<hbm>> -> memref<4000xi32, #tpu.memory_space<hbm>>
      tpu.enqueue_dma source(%dma_start3A_118 : memref<4000xi32, #tpu.memory_space<hbm>>) target(%arg11 : memref<4000xi32, #tpu.memory_space<vmem>>) target_semaphore(%arg18 : memref<!tpu.dma_semaphore, #tpu.memory_space<semaphore_mem>>)
      %multiple_of3A_119 = arith.constant 0 : i32
      %multiple_of3A_120 = tpu.assume_multiple %multiple_of3A_119, 80 : i32
      %dma_start3A_121 = tpu.memref_slice %arg8[%multiple_of3A_120] : memref<4000xi32, #tpu.memory_space<vmem>> -> memref<80xi32, #tpu.memory_space<vmem>>
      %dma_start3A_122 = arith.constant 0 : i32
      %dma_start3A_123 = arith.constant 0 : i32
      %dma_start3A_124 = tpu.memref_slice %arg2[%dma_start3A_122, %dma_start3A_123] : memref<10000x128xf32, #tpu.memory_space<hbm>> -> memref<10000x128xf32, #tpu.memory_space<hbm>>
      tpu.enqueue_indirect_dma source(%dma_start3A_124 : memref<10000x128xf32, #tpu.memory_space<hbm>>) target(%arg12 : memref<80x128xf32, #tpu.memory_space<vmem>>) offsets(%dma_start3A_121 : memref<80xi32, #tpu.memory_space<vmem>>) semaphore(%arg15 : memref<!tpu.dma_semaphore, #tpu.memory_space<semaphore_mem>>)
      %multiple_of3A_125 = arith.constant 80 : i32
      %multiple_of3A_126 = tpu.assume_multiple %multiple_of3A_125, 80 : i32
      %dma_start3A_127 = tpu.memref_slice %arg8[%multiple_of3A_126] : memref<4000xi32, #tpu.memory_space<vmem>> -> memref<80xi32, #tpu.memory_space<vmem>>
      %dma_start3A_128 = arith.constant 0 : i32
      %dma_start3A_129 = arith.constant 0 : i32
      %dma_start3A_130 = tpu.memref_slice %arg2[%dma_start3A_128, %dma_start3A_129] : memref<10000x128xf32, #tpu.memory_space<hbm>> -> memref<10000x128xf32, #tpu.memory_space<hbm>>
      tpu.enqueue_indirect_dma source(%dma_start3A_130 : memref<10000x128xf32, #tpu.memory_space<hbm>>) target(%arg13 : memref<80x128xf32, #tpu.memory_space<vmem>>) offsets(%dma_start3A_127 : memref<80xi32, #tpu.memory_space<vmem>>) semaphore(%arg16 : memref<!tpu.dma_semaphore, #tpu.memory_space<semaphore_mem>>)
      %scan3A_131 = arith.constant 0 : i32
      %scan3A_132 = arith.constant 0 : i32
      %scan3A_133 = arith.constant 25 : i32
      %scan3A_134 = arith.addi %scan3A_132, %scan3A_133 : i32
      %scan3A_135 = arith.constant 1 : i32
      %scan3A_136 = scf.for %scan3A_194 = %scan3A_132 to %scan3A_134 step %scan3A_135 iter_args(%scan3A_195 = %scan3A_131) -> (i32)  : i32 {
        %mul3A_196 = arith.constant 2 : i32
        %mul3A_197 = arith.muli %scan3A_194, %mul3A_196 : i32
        %add3A_198 = arith.constant 0 : i32
        %add3A_199 = arith.addi %mul3A_197, %add3A_198 : i32
        %mul3A_200 = arith.constant 80 : i32
        %mul3A_201 = arith.muli %add3A_199, %mul3A_200 : i32
        %multiple_of3A_202 = tpu.assume_multiple %mul3A_201, 80 : i32
        %dma_wait3A_203 = tpu.memref_slice %arg8[%multiple_of3A_202] : memref<4000xi32, #tpu.memory_space<vmem>> -> memref<80xi32, #tpu.memory_space<vmem>>
        %dma_wait3A_204 = arith.constant 0 : i32
        %dma_wait3A_205 = arith.constant 0 : i32
        %dma_wait3A_206 = tpu.memref_slice %arg2[%dma_wait3A_204, %dma_wait3A_205] : memref<10000x128xf32, #tpu.memory_space<hbm>> -> memref<10000x128xf32, #tpu.memory_space<hbm>>
        tpu.wait_indirect_dma semaphore(%arg15 : memref<!tpu.dma_semaphore, #tpu.memory_space<semaphore_mem>>) src(%dma_wait3A_206 : memref<10000x128xf32, #tpu.memory_space<hbm>>) dst(%arg12 : memref<80x128xf32, #tpu.memory_space<vmem>>)
        %mul3A_207 = arith.constant 80 : i32
        %mul3A_208 = arith.muli %add3A_199, %mul3A_207 : i32
        %multiple_of3A_209 = tpu.assume_multiple %mul3A_208, 80 : i32
        "tpu.region"() ({
          %run_scoped3A = tpu.sem_alloc : memref<!tpu.dma_semaphore, #tpu.memory_space<semaphore_mem>>
          %dma_start3A_236 = tpu.memref_slice %arg10[%multiple_of3A_209] : memref<4000xi32, #tpu.memory_space<vmem>> -> memref<80xi32, #tpu.memory_space<vmem>>
          %dma_start3A_237 = arith.constant 0 : i32
          %dma_start3A_238 = arith.constant 0 : i32
          %dma_start3A_239 = tpu.memref_slice %arg14[%dma_start3A_237, %dma_start3A_238] : memref<10240x128xf32, #tpu.memory_space<vmem_shared>> -> memref<10240x128xf32, #tpu.memory_space<vmem_shared>>
          tpu.enqueue_indirect_dma source(%arg12 : memref<80x128xf32, #tpu.memory_space<vmem>>) target(%dma_start3A_239 : memref<10240x128xf32, #tpu.memory_space<vmem_shared>>) offsets(%dma_start3A_236 : memref<80xi32, #tpu.memory_space<vmem>>) semaphore(%run_scoped3A : memref<!tpu.dma_semaphore, #tpu.memory_space<semaphore_mem>>) {add = true}
          %dma_wait3A_240 = tpu.memref_slice %arg10[%multiple_of3A_209] : memref<4000xi32, #tpu.memory_space<vmem>> -> memref<80xi32, #tpu.memory_space<vmem>>
          %dma_wait3A_241 = arith.constant 0 : i32
          %dma_wait3A_242 = arith.constant 0 : i32
          %dma_wait3A_243 = tpu.memref_slice %arg14[%dma_wait3A_241, %dma_wait3A_242] : memref<10240x128xf32, #tpu.memory_space<vmem_shared>> -> memref<10240x128xf32, #tpu.memory_space<vmem_shared>>
          tpu.wait_indirect_dma semaphore(%run_scoped3A : memref<!tpu.dma_semaphore, #tpu.memory_space<semaphore_mem>>) src(%arg12 : memref<80x128xf32, #tpu.memory_space<vmem>>) dst(%dma_wait3A_243 : memref<10240x128xf32, #tpu.memory_space<vmem_shared>>)
          tpu.yield
        }) : () -> ()
        %add3A_210 = arith.constant 2 : i32
        %add3A_211 = arith.addi %add3A_199, %add3A_210 : i32
        %lt3A = arith.constant 50 : i32
        %lt3A_212 = arith.cmpi slt, %add3A_211, %lt3A : i32
        %convert_element_type3A_213 = arith.extui %lt3A_212 : i1 to i32
        %cond3A_214 = arith.constant 0 : i32
        %cond3A_215 = arith.cmpi ne, %convert_element_type3A_213, %cond3A_214 : i32
        scf.if %cond3A_215 {
          %add3A_236 = arith.constant 2 : i32
          %add3A_237 = arith.addi %add3A_199, %add3A_236 : i32
          %mul3A_238 = arith.constant 80 : i32
          %mul3A_239 = arith.muli %add3A_237, %mul3A_238 : i32
          %multiple_of3A_240 = tpu.assume_multiple %mul3A_239, 80 : i32
          %dma_start3A_241 = tpu.memref_slice %arg8[%multiple_of3A_240] : memref<4000xi32, #tpu.memory_space<vmem>> -> memref<80xi32, #tpu.memory_space<vmem>>
          %dma_start3A_242 = arith.constant 0 : i32
          %dma_start3A_243 = arith.constant 0 : i32
          %dma_start3A_244 = tpu.memref_slice %arg2[%dma_start3A_242, %dma_start3A_243] : memref<10000x128xf32, #tpu.memory_space<hbm>> -> memref<10000x128xf32, #tpu.memory_space<hbm>>
          tpu.enqueue_indirect_dma source(%dma_start3A_244 : memref<10000x128xf32, #tpu.memory_space<hbm>>) target(%arg12 : memref<80x128xf32, #tpu.memory_space<vmem>>) offsets(%dma_start3A_241 : memref<80xi32, #tpu.memory_space<vmem>>) semaphore(%arg15 : memref<!tpu.dma_semaphore, #tpu.memory_space<semaphore_mem>>)
        } else {
        }
        %add3A_216 = arith.constant 1 : i32
        %add3A_217 = arith.addi %mul3A_197, %add3A_216 : i32
        %mul3A_218 = arith.constant 80 : i32
        %mul3A_219 = arith.muli %add3A_217, %mul3A_218 : i32
        %multiple_of3A_220 = tpu.assume_multiple %mul3A_219, 80 : i32
        %dma_wait3A_221 = tpu.memref_slice %arg8[%multiple_of3A_220] : memref<4000xi32, #tpu.memory_space<vmem>> -> memref<80xi32, #tpu.memory_space<vmem>>
        %dma_wait3A_222 = arith.constant 0 : i32
        %dma_wait3A_223 = arith.constant 0 : i32
        %dma_wait3A_224 = tpu.memref_slice %arg2[%dma_wait3A_222, %dma_wait3A_223] : memref<10000x128xf32, #tpu.memory_space<hbm>> -> memref<10000x128xf32, #tpu.memory_space<hbm>>
        tpu.wait_indirect_dma semaphore(%arg16 : memref<!tpu.dma_semaphore, #tpu.memory_space<semaphore_mem>>) src(%dma_wait3A_224 : memref<10000x128xf32, #tpu.memory_space<hbm>>) dst(%arg13 : memref<80x128xf32, #tpu.memory_space<vmem>>)
        %mul3A_225 = arith.constant 80 : i32
        %mul3A_226 = arith.muli %add3A_217, %mul3A_225 : i32
        %multiple_of3A_227 = tpu.assume_multiple %mul3A_226, 80 : i32
        "tpu.region"() ({
          %run_scoped3A = tpu.sem_alloc : memref<!tpu.dma_semaphore, #tpu.memory_space<semaphore_mem>>
          %dma_start3A_236 = tpu.memref_slice %arg10[%multiple_of3A_227] : memref<4000xi32, #tpu.memory_space<vmem>> -> memref<80xi32, #tpu.memory_space<vmem>>
          %dma_start3A_237 = arith.constant 0 : i32
          %dma_start3A_238 = arith.constant 0 : i32
          %dma_start3A_239 = tpu.memref_slice %arg14[%dma_start3A_237, %dma_start3A_238] : memref<10240x128xf32, #tpu.memory_space<vmem_shared>> -> memref<10240x128xf32, #tpu.memory_space<vmem_shared>>
          tpu.enqueue_indirect_dma source(%arg13 : memref<80x128xf32, #tpu.memory_space<vmem>>) target(%dma_start3A_239 : memref<10240x128xf32, #tpu.memory_space<vmem_shared>>) offsets(%dma_start3A_236 : memref<80xi32, #tpu.memory_space<vmem>>) semaphore(%run_scoped3A : memref<!tpu.dma_semaphore, #tpu.memory_space<semaphore_mem>>) {add = true}
          %dma_wait3A_240 = tpu.memref_slice %arg10[%multiple_of3A_227] : memref<4000xi32, #tpu.memory_space<vmem>> -> memref<80xi32, #tpu.memory_space<vmem>>
          %dma_wait3A_241 = arith.constant 0 : i32
          %dma_wait3A_242 = arith.constant 0 : i32
          %dma_wait3A_243 = tpu.memref_slice %arg14[%dma_wait3A_241, %dma_wait3A_242] : memref<10240x128xf32, #tpu.memory_space<vmem_shared>> -> memref<10240x128xf32, #tpu.memory_space<vmem_shared>>
          tpu.wait_indirect_dma semaphore(%run_scoped3A : memref<!tpu.dma_semaphore, #tpu.memory_space<semaphore_mem>>) src(%arg13 : memref<80x128xf32, #tpu.memory_space<vmem>>) dst(%dma_wait3A_243 : memref<10240x128xf32, #tpu.memory_space<vmem_shared>>)
          tpu.yield
        }) : () -> ()
        %add3A_228 = arith.constant 2 : i32
        %add3A_229 = arith.addi %add3A_217, %add3A_228 : i32
        %lt3A_230 = arith.constant 50 : i32
        %lt3A_231 = arith.cmpi slt, %add3A_229, %lt3A_230 : i32
        %convert_element_type3A_232 = arith.extui %lt3A_231 : i1 to i32
        %cond3A_233 = arith.constant 0 : i32
        %cond3A_234 = arith.cmpi ne, %convert_element_type3A_232, %cond3A_233 : i32
        scf.if %cond3A_234 {
          %add3A_236 = arith.constant 2 : i32
          %add3A_237 = arith.addi %add3A_217, %add3A_236 : i32
          %mul3A_238 = arith.constant 80 : i32
          %mul3A_239 = arith.muli %add3A_237, %mul3A_238 : i32
          %multiple_of3A_240 = tpu.assume_multiple %mul3A_239, 80 : i32
          %dma_start3A_241 = tpu.memref_slice %arg8[%multiple_of3A_240] : memref<4000xi32, #tpu.memory_space<vmem>> -> memref<80xi32, #tpu.memory_space<vmem>>
          %dma_start3A_242 = arith.constant 0 : i32
          %dma_start3A_243 = arith.constant 0 : i32
          %dma_start3A_244 = tpu.memref_slice %arg2[%dma_start3A_242, %dma_start3A_243] : memref<10000x128xf32, #tpu.memory_space<hbm>> -> memref<10000x128xf32, #tpu.memory_space<hbm>>
          tpu.enqueue_indirect_dma source(%dma_start3A_244 : memref<10000x128xf32, #tpu.memory_space<hbm>>) target(%arg13 : memref<80x128xf32, #tpu.memory_space<vmem>>) offsets(%dma_start3A_241 : memref<80xi32, #tpu.memory_space<vmem>>) semaphore(%arg16 : memref<!tpu.dma_semaphore, #tpu.memory_space<semaphore_mem>>)
        } else {
        }
        %scan3A_235 = arith.constant 0 : i32
        scf.yield %scan3A_235 : i32
      }
      %scan3A_137 = arith.constant 25 : i32
      %add3A_138 = arith.constant 12000 : i32
      %add3A_139 = arith.addi %mul3A_2, %add3A_138 : i32
      %dma_wait3A_140 = tpu.memref_slice %arg4[%add3A_139] : memref<320000xi32, #tpu.memory_space<hbm>> -> memref<4000xi32, #tpu.memory_space<hbm>>
      %dma_wait3A_141 = tpu.memref_slice %arg4[%add3A_139] : memref<320000xi32, #tpu.memory_space<hbm>> -> memref<4000xi32, #tpu.memory_space<hbm>>
      tpu.wait_dma2 semaphore(%arg18 : memref<!tpu.dma_semaphore, #tpu.memory_space<semaphore_mem>>) src(%dma_wait3A_141 : memref<4000xi32, #tpu.memory_space<hbm>>) dst(%arg9 : memref<4000xi32, #tpu.memory_space<vmem>>)
      %dma_wait3A_142 = tpu.memref_slice %arg5[%add3A_139] : memref<320000xi32, #tpu.memory_space<hbm>> -> memref<4000xi32, #tpu.memory_space<hbm>>
      %dma_wait3A_143 = tpu.memref_slice %arg5[%add3A_139] : memref<320000xi32, #tpu.memory_space<hbm>> -> memref<4000xi32, #tpu.memory_space<hbm>>
      tpu.wait_dma2 semaphore(%arg18 : memref<!tpu.dma_semaphore, #tpu.memory_space<semaphore_mem>>) src(%dma_wait3A_143 : memref<4000xi32, #tpu.memory_space<hbm>>) dst(%arg11 : memref<4000xi32, #tpu.memory_space<vmem>>)
      %add3A_144 = arith.constant 16000 : i32
      %add3A_145 = arith.addi %mul3A_2, %add3A_144 : i32
      %dma_start3A_146 = tpu.memref_slice %arg4[%add3A_145] : memref<320000xi32, #tpu.memory_space<hbm>> -> memref<4000xi32, #tpu.memory_space<hbm>>
      %dma_start3A_147 = tpu.memref_slice %arg4[%add3A_145] : memref<320000xi32, #tpu.memory_space<hbm>> -> memref<4000xi32, #tpu.memory_space<hbm>>
      tpu.enqueue_dma source(%dma_start3A_147 : memref<4000xi32, #tpu.memory_space<hbm>>) target(%arg8 : memref<4000xi32, #tpu.memory_space<vmem>>) target_semaphore(%arg17 : memref<!tpu.dma_semaphore, #tpu.memory_space<semaphore_mem>>)
      %dma_start3A_148 = tpu.memref_slice %arg5[%add3A_145] : memref<320000xi32, #tpu.memory_space<hbm>> -> memref<4000xi32, #tpu.memory_space<hbm>>
      %dma_start3A_149 = tpu.memref_slice %arg5[%add3A_145] : memref<320000xi32, #tpu.memory_space<hbm>> -> memref<4000xi32, #tpu.memory_space<hbm>>
      tpu.enqueue_dma source(%dma_start3A_149 : memref<4000xi32, #tpu.memory_space<hbm>>) target(%arg10 : memref<4000xi32, #tpu.memory_space<vmem>>) target_semaphore(%arg17 : memref<!tpu.dma_semaphore, #tpu.memory_space<semaphore_mem>>)
      %multiple_of3A_150 = arith.constant 0 : i32
      %multiple_of3A_151 = tpu.assume_multiple %multiple_of3A_150, 80 : i32
      %dma_start3A_152 = tpu.memref_slice %arg9[%multiple_of3A_151] : memref<4000xi32, #tpu.memory_space<vmem>> -> memref<80xi32, #tpu.memory_space<vmem>>
      %dma_start3A_153 = arith.constant 0 : i32
      %dma_start3A_154 = arith.constant 0 : i32
      %dma_start3A_155 = tpu.memref_slice %arg2[%dma_start3A_153, %dma_start3A_154] : memref<10000x128xf32, #tpu.memory_space<hbm>> -> memref<10000x128xf32, #tpu.memory_space<hbm>>
      tpu.enqueue_indirect_dma source(%dma_start3A_155 : memref<10000x128xf32, #tpu.memory_space<hbm>>) target(%arg12 : memref<80x128xf32, #tpu.memory_space<vmem>>) offsets(%dma_start3A_152 : memref<80xi32, #tpu.memory_space<vmem>>) semaphore(%arg15 : memref<!tpu.dma_semaphore, #tpu.memory_space<semaphore_mem>>)
      %multiple_of3A_156 = arith.constant 80 : i32
      %multiple_of3A_157 = tpu.assume_multiple %multiple_of3A_156, 80 : i32
      %dma_start3A_158 = tpu.memref_slice %arg9[%multiple_of3A_157] : memref<4000xi32, #tpu.memory_space<vmem>> -> memref<80xi32, #tpu.memory_space<vmem>>
      %dma_start3A_159 = arith.constant 0 : i32
      %dma_start3A_160 = arith.constant 0 : i32
      %dma_start3A_161 = tpu.memref_slice %arg2[%dma_start3A_159, %dma_start3A_160] : memref<10000x128xf32, #tpu.memory_space<hbm>> -> memref<10000x128xf32, #tpu.memory_space<hbm>>
      tpu.enqueue_indirect_dma source(%dma_start3A_161 : memref<10000x128xf32, #tpu.memory_space<hbm>>) target(%arg13 : memref<80x128xf32, #tpu.memory_space<vmem>>) offsets(%dma_start3A_158 : memref<80xi32, #tpu.memory_space<vmem>>) semaphore(%arg16 : memref<!tpu.dma_semaphore, #tpu.memory_space<semaphore_mem>>)
      %scan3A_162 = arith.constant 0 : i32
      %scan3A_163 = arith.constant 0 : i32
      %scan3A_164 = arith.constant 25 : i32
      %scan3A_165 = arith.addi %scan3A_163, %scan3A_164 : i32
      %scan3A_166 = arith.constant 1 : i32
      %scan3A_167 = scf.for %scan3A_194 = %scan3A_163 to %scan3A_165 step %scan3A_166 iter_args(%scan3A_195 = %scan3A_162) -> (i32)  : i32 {
        %mul3A_196 = arith.constant 2 : i32
        %mul3A_197 = arith.muli %scan3A_194, %mul3A_196 : i32
        %add3A_198 = arith.constant 0 : i32
        %add3A_199 = arith.addi %mul3A_197, %add3A_198 : i32
        %mul3A_200 = arith.constant 80 : i32
        %mul3A_201 = arith.muli %add3A_199, %mul3A_200 : i32
        %multiple_of3A_202 = tpu.assume_multiple %mul3A_201, 80 : i32
        %dma_wait3A_203 = tpu.memref_slice %arg9[%multiple_of3A_202] : memref<4000xi32, #tpu.memory_space<vmem>> -> memref<80xi32, #tpu.memory_space<vmem>>
        %dma_wait3A_204 = arith.constant 0 : i32
        %dma_wait3A_205 = arith.constant 0 : i32
        %dma_wait3A_206 = tpu.memref_slice %arg2[%dma_wait3A_204, %dma_wait3A_205] : memref<10000x128xf32, #tpu.memory_space<hbm>> -> memref<10000x128xf32, #tpu.memory_space<hbm>>
        tpu.wait_indirect_dma semaphore(%arg15 : memref<!tpu.dma_semaphore, #tpu.memory_space<semaphore_mem>>) src(%dma_wait3A_206 : memref<10000x128xf32, #tpu.memory_space<hbm>>) dst(%arg12 : memref<80x128xf32, #tpu.memory_space<vmem>>)
        %mul3A_207 = arith.constant 80 : i32
        %mul3A_208 = arith.muli %add3A_199, %mul3A_207 : i32
        %multiple_of3A_209 = tpu.assume_multiple %mul3A_208, 80 : i32
        "tpu.region"() ({
          %run_scoped3A = tpu.sem_alloc : memref<!tpu.dma_semaphore, #tpu.memory_space<semaphore_mem>>
          %dma_start3A_236 = tpu.memref_slice %arg11[%multiple_of3A_209] : memref<4000xi32, #tpu.memory_space<vmem>> -> memref<80xi32, #tpu.memory_space<vmem>>
          %dma_start3A_237 = arith.constant 0 : i32
          %dma_start3A_238 = arith.constant 0 : i32
          %dma_start3A_239 = tpu.memref_slice %arg14[%dma_start3A_237, %dma_start3A_238] : memref<10240x128xf32, #tpu.memory_space<vmem_shared>> -> memref<10240x128xf32, #tpu.memory_space<vmem_shared>>
          tpu.enqueue_indirect_dma source(%arg12 : memref<80x128xf32, #tpu.memory_space<vmem>>) target(%dma_start3A_239 : memref<10240x128xf32, #tpu.memory_space<vmem_shared>>) offsets(%dma_start3A_236 : memref<80xi32, #tpu.memory_space<vmem>>) semaphore(%run_scoped3A : memref<!tpu.dma_semaphore, #tpu.memory_space<semaphore_mem>>) {add = true}
          %dma_wait3A_240 = tpu.memref_slice %arg11[%multiple_of3A_209] : memref<4000xi32, #tpu.memory_space<vmem>> -> memref<80xi32, #tpu.memory_space<vmem>>
          %dma_wait3A_241 = arith.constant 0 : i32
          %dma_wait3A_242 = arith.constant 0 : i32
          %dma_wait3A_243 = tpu.memref_slice %arg14[%dma_wait3A_241, %dma_wait3A_242] : memref<10240x128xf32, #tpu.memory_space<vmem_shared>> -> memref<10240x128xf32, #tpu.memory_space<vmem_shared>>
          tpu.wait_indirect_dma semaphore(%run_scoped3A : memref<!tpu.dma_semaphore, #tpu.memory_space<semaphore_mem>>) src(%arg12 : memref<80x128xf32, #tpu.memory_space<vmem>>) dst(%dma_wait3A_243 : memref<10240x128xf32, #tpu.memory_space<vmem_shared>>)
          tpu.yield
        }) : () -> ()
        %add3A_210 = arith.constant 2 : i32
        %add3A_211 = arith.addi %add3A_199, %add3A_210 : i32
        %lt3A = arith.constant 50 : i32
        %lt3A_212 = arith.cmpi slt, %add3A_211, %lt3A : i32
        %convert_element_type3A_213 = arith.extui %lt3A_212 : i1 to i32
        %cond3A_214 = arith.constant 0 : i32
        %cond3A_215 = arith.cmpi ne, %convert_element_type3A_213, %cond3A_214 : i32
        scf.if %cond3A_215 {
          %add3A_236 = arith.constant 2 : i32
          %add3A_237 = arith.addi %add3A_199, %add3A_236 : i32
          %mul3A_238 = arith.constant 80 : i32
          %mul3A_239 = arith.muli %add3A_237, %mul3A_238 : i32
          %multiple_of3A_240 = tpu.assume_multiple %mul3A_239, 80 : i32
          %dma_start3A_241 = tpu.memref_slice %arg9[%multiple_of3A_240] : memref<4000xi32, #tpu.memory_space<vmem>> -> memref<80xi32, #tpu.memory_space<vmem>>
          %dma_start3A_242 = arith.constant 0 : i32
          %dma_start3A_243 = arith.constant 0 : i32
          %dma_start3A_244 = tpu.memref_slice %arg2[%dma_start3A_242, %dma_start3A_243] : memref<10000x128xf32, #tpu.memory_space<hbm>> -> memref<10000x128xf32, #tpu.memory_space<hbm>>
          tpu.enqueue_indirect_dma source(%dma_start3A_244 : memref<10000x128xf32, #tpu.memory_space<hbm>>) target(%arg12 : memref<80x128xf32, #tpu.memory_space<vmem>>) offsets(%dma_start3A_241 : memref<80xi32, #tpu.memory_space<vmem>>) semaphore(%arg15 : memref<!tpu.dma_semaphore, #tpu.memory_space<semaphore_mem>>)
        } else {
        }
        %add3A_216 = arith.constant 1 : i32
        %add3A_217 = arith.addi %mul3A_197, %add3A_216 : i32
        %mul3A_218 = arith.constant 80 : i32
        %mul3A_219 = arith.muli %add3A_217, %mul3A_218 : i32
        %multiple_of3A_220 = tpu.assume_multiple %mul3A_219, 80 : i32
        %dma_wait3A_221 = tpu.memref_slice %arg9[%multiple_of3A_220] : memref<4000xi32, #tpu.memory_space<vmem>> -> memref<80xi32, #tpu.memory_space<vmem>>
        %dma_wait3A_222 = arith.constant 0 : i32
        %dma_wait3A_223 = arith.constant 0 : i32
        %dma_wait3A_224 = tpu.memref_slice %arg2[%dma_wait3A_222, %dma_wait3A_223] : memref<10000x128xf32, #tpu.memory_space<hbm>> -> memref<10000x128xf32, #tpu.memory_space<hbm>>
        tpu.wait_indirect_dma semaphore(%arg16 : memref<!tpu.dma_semaphore, #tpu.memory_space<semaphore_mem>>) src(%dma_wait3A_224 : memref<10000x128xf32, #tpu.memory_space<hbm>>) dst(%arg13 : memref<80x128xf32, #tpu.memory_space<vmem>>)
        %mul3A_225 = arith.constant 80 : i32
        %mul3A_226 = arith.muli %add3A_217, %mul3A_225 : i32
        %multiple_of3A_227 = tpu.assume_multiple %mul3A_226, 80 : i32
        "tpu.region"() ({
          %run_scoped3A = tpu.sem_alloc : memref<!tpu.dma_semaphore, #tpu.memory_space<semaphore_mem>>
          %dma_start3A_236 = tpu.memref_slice %arg11[%multiple_of3A_227] : memref<4000xi32, #tpu.memory_space<vmem>> -> memref<80xi32, #tpu.memory_space<vmem>>
          %dma_start3A_237 = arith.constant 0 : i32
          %dma_start3A_238 = arith.constant 0 : i32
          %dma_start3A_239 = tpu.memref_slice %arg14[%dma_start3A_237, %dma_start3A_238] : memref<10240x128xf32, #tpu.memory_space<vmem_shared>> -> memref<10240x128xf32, #tpu.memory_space<vmem_shared>>
          tpu.enqueue_indirect_dma source(%arg13 : memref<80x128xf32, #tpu.memory_space<vmem>>) target(%dma_start3A_239 : memref<10240x128xf32, #tpu.memory_space<vmem_shared>>) offsets(%dma_start3A_236 : memref<80xi32, #tpu.memory_space<vmem>>) semaphore(%run_scoped3A : memref<!tpu.dma_semaphore, #tpu.memory_space<semaphore_mem>>) {add = true}
          %dma_wait3A_240 = tpu.memref_slice %arg11[%multiple_of3A_227] : memref<4000xi32, #tpu.memory_space<vmem>> -> memref<80xi32, #tpu.memory_space<vmem>>
          %dma_wait3A_241 = arith.constant 0 : i32
          %dma_wait3A_242 = arith.constant 0 : i32
          %dma_wait3A_243 = tpu.memref_slice %arg14[%dma_wait3A_241, %dma_wait3A_242] : memref<10240x128xf32, #tpu.memory_space<vmem_shared>> -> memref<10240x128xf32, #tpu.memory_space<vmem_shared>>
          tpu.wait_indirect_dma semaphore(%run_scoped3A : memref<!tpu.dma_semaphore, #tpu.memory_space<semaphore_mem>>) src(%arg13 : memref<80x128xf32, #tpu.memory_space<vmem>>) dst(%dma_wait3A_243 : memref<10240x128xf32, #tpu.memory_space<vmem_shared>>)
          tpu.yield
        }) : () -> ()
        %add3A_228 = arith.constant 2 : i32
        %add3A_229 = arith.addi %add3A_217, %add3A_228 : i32
        %lt3A_230 = arith.constant 50 : i32
        %lt3A_231 = arith.cmpi slt, %add3A_229, %lt3A_230 : i32
        %convert_element_type3A_232 = arith.extui %lt3A_231 : i1 to i32
        %cond3A_233 = arith.constant 0 : i32
        %cond3A_234 = arith.cmpi ne, %convert_element_type3A_232, %cond3A_233 : i32
        scf.if %cond3A_234 {
          %add3A_236 = arith.constant 2 : i32
          %add3A_237 = arith.addi %add3A_217, %add3A_236 : i32
          %mul3A_238 = arith.constant 80 : i32
          %mul3A_239 = arith.muli %add3A_237, %mul3A_238 : i32
          %multiple_of3A_240 = tpu.assume_multiple %mul3A_239, 80 : i32
          %dma_start3A_241 = tpu.memref_slice %arg9[%multiple_of3A_240] : memref<4000xi32, #tpu.memory_space<vmem>> -> memref<80xi32, #tpu.memory_space<vmem>>
          %dma_start3A_242 = arith.constant 0 : i32
          %dma_start3A_243 = arith.constant 0 : i32
          %dma_start3A_244 = tpu.memref_slice %arg2[%dma_start3A_242, %dma_start3A_243] : memref<10000x128xf32, #tpu.memory_space<hbm>> -> memref<10000x128xf32, #tpu.memory_space<hbm>>
          tpu.enqueue_indirect_dma source(%dma_start3A_244 : memref<10000x128xf32, #tpu.memory_space<hbm>>) target(%arg13 : memref<80x128xf32, #tpu.memory_space<vmem>>) offsets(%dma_start3A_241 : memref<80xi32, #tpu.memory_space<vmem>>) semaphore(%arg16 : memref<!tpu.dma_semaphore, #tpu.memory_space<semaphore_mem>>)
        } else {
        }
        %scan3A_235 = arith.constant 0 : i32
        scf.yield %scan3A_235 : i32
      }
      %scan3A_168 = arith.constant 25 : i32
      %add3A_169 = arith.constant 16000 : i32
      %add3A_170 = arith.addi %mul3A_2, %add3A_169 : i32
      %dma_wait3A_171 = tpu.memref_slice %arg4[%add3A_170] : memref<320000xi32, #tpu.memory_space<hbm>> -> memref<4000xi32, #tpu.memory_space<hbm>>
      %dma_wait3A_172 = tpu.memref_slice %arg4[%add3A_170] : memref<320000xi32, #tpu.memory_space<hbm>> -> memref<4000xi32, #tpu.memory_space<hbm>>
      tpu.wait_dma2 semaphore(%arg17 : memref<!tpu.dma_semaphore, #tpu.memory_space<semaphore_mem>>) src(%dma_wait3A_172 : memref<4000xi32, #tpu.memory_space<hbm>>) dst(%arg8 : memref<4000xi32, #tpu.memory_space<vmem>>)
      %dma_wait3A_173 = tpu.memref_slice %arg5[%add3A_170] : memref<320000xi32, #tpu.memory_space<hbm>> -> memref<4000xi32, #tpu.memory_space<hbm>>
      %dma_wait3A_174 = tpu.memref_slice %arg5[%add3A_170] : memref<320000xi32, #tpu.memory_space<hbm>> -> memref<4000xi32, #tpu.memory_space<hbm>>
      tpu.wait_dma2 semaphore(%arg17 : memref<!tpu.dma_semaphore, #tpu.memory_space<semaphore_mem>>) src(%dma_wait3A_174 : memref<4000xi32, #tpu.memory_space<hbm>>) dst(%arg10 : memref<4000xi32, #tpu.memory_space<vmem>>)
      %multiple_of3A_175 = arith.constant 0 : i32
      %multiple_of3A_176 = tpu.assume_multiple %multiple_of3A_175, 80 : i32
      %dma_start3A_177 = tpu.memref_slice %arg8[%multiple_of3A_176] : memref<4000xi32, #tpu.memory_space<vmem>> -> memref<80xi32, #tpu.memory_space<vmem>>
      %dma_start3A_178 = arith.constant 0 : i32
      %dma_start3A_179 = arith.constant 0 : i32
      %dma_start3A_180 = tpu.memref_slice %arg2[%dma_start3A_178, %dma_start3A_179] : memref<10000x128xf32, #tpu.memory_space<hbm>> -> memref<10000x128xf32, #tpu.memory_space<hbm>>
      tpu.enqueue_indirect_dma source(%dma_start3A_180 : memref<10000x128xf32, #tpu.memory_space<hbm>>) target(%arg12 : memref<80x128xf32, #tpu.memory_space<vmem>>) offsets(%dma_start3A_177 : memref<80xi32, #tpu.memory_space<vmem>>) semaphore(%arg15 : memref<!tpu.dma_semaphore, #tpu.memory_space<semaphore_mem>>)
      %multiple_of3A_181 = arith.constant 80 : i32
      %multiple_of3A_182 = tpu.assume_multiple %multiple_of3A_181, 80 : i32
      %dma_start3A_183 = tpu.memref_slice %arg8[%multiple_of3A_182] : memref<4000xi32, #tpu.memory_space<vmem>> -> memref<80xi32, #tpu.memory_space<vmem>>
      %dma_start3A_184 = arith.constant 0 : i32
      %dma_start3A_185 = arith.constant 0 : i32
      %dma_start3A_186 = tpu.memref_slice %arg2[%dma_start3A_184, %dma_start3A_185] : memref<10000x128xf32, #tpu.memory_space<hbm>> -> memref<10000x128xf32, #tpu.memory_space<hbm>>
      tpu.enqueue_indirect_dma source(%dma_start3A_186 : memref<10000x128xf32, #tpu.memory_space<hbm>>) target(%arg13 : memref<80x128xf32, #tpu.memory_space<vmem>>) offsets(%dma_start3A_183 : memref<80xi32, #tpu.memory_space<vmem>>) semaphore(%arg16 : memref<!tpu.dma_semaphore, #tpu.memory_space<semaphore_mem>>)
      %scan3A_187 = arith.constant 0 : i32
      %scan3A_188 = arith.constant 0 : i32
      %scan3A_189 = arith.constant 25 : i32
      %scan3A_190 = arith.addi %scan3A_188, %scan3A_189 : i32
      %scan3A_191 = arith.constant 1 : i32
      %scan3A_192 = scf.for %scan3A_194 = %scan3A_188 to %scan3A_190 step %scan3A_191 iter_args(%scan3A_195 = %scan3A_187) -> (i32)  : i32 {
        %mul3A_196 = arith.constant 2 : i32
        %mul3A_197 = arith.muli %scan3A_194, %mul3A_196 : i32
        %add3A_198 = arith.constant 0 : i32
        %add3A_199 = arith.addi %mul3A_197, %add3A_198 : i32
        %mul3A_200 = arith.constant 80 : i32
        %mul3A_201 = arith.muli %add3A_199, %mul3A_200 : i32
        %multiple_of3A_202 = tpu.assume_multiple %mul3A_201, 80 : i32
        %dma_wait3A_203 = tpu.memref_slice %arg8[%multiple_of3A_202] : memref<4000xi32, #tpu.memory_space<vmem>> -> memref<80xi32, #tpu.memory_space<vmem>>
        %dma_wait3A_204 = arith.constant 0 : i32
        %dma_wait3A_205 = arith.constant 0 : i32
        %dma_wait3A_206 = tpu.memref_slice %arg2[%dma_wait3A_204, %dma_wait3A_205] : memref<10000x128xf32, #tpu.memory_space<hbm>> -> memref<10000x128xf32, #tpu.memory_space<hbm>>
        tpu.wait_indirect_dma semaphore(%arg15 : memref<!tpu.dma_semaphore, #tpu.memory_space<semaphore_mem>>) src(%dma_wait3A_206 : memref<10000x128xf32, #tpu.memory_space<hbm>>) dst(%arg12 : memref<80x128xf32, #tpu.memory_space<vmem>>)
        %mul3A_207 = arith.constant 80 : i32
        %mul3A_208 = arith.muli %add3A_199, %mul3A_207 : i32
        %multiple_of3A_209 = tpu.assume_multiple %mul3A_208, 80 : i32
        "tpu.region"() ({
          %run_scoped3A = tpu.sem_alloc : memref<!tpu.dma_semaphore, #tpu.memory_space<semaphore_mem>>
          %dma_start3A_236 = tpu.memref_slice %arg10[%multiple_of3A_209] : memref<4000xi32, #tpu.memory_space<vmem>> -> memref<80xi32, #tpu.memory_space<vmem>>
          %dma_start3A_237 = arith.constant 0 : i32
          %dma_start3A_238 = arith.constant 0 : i32
          %dma_start3A_239 = tpu.memref_slice %arg14[%dma_start3A_237, %dma_start3A_238] : memref<10240x128xf32, #tpu.memory_space<vmem_shared>> -> memref<10240x128xf32, #tpu.memory_space<vmem_shared>>
          tpu.enqueue_indirect_dma source(%arg12 : memref<80x128xf32, #tpu.memory_space<vmem>>) target(%dma_start3A_239 : memref<10240x128xf32, #tpu.memory_space<vmem_shared>>) offsets(%dma_start3A_236 : memref<80xi32, #tpu.memory_space<vmem>>) semaphore(%run_scoped3A : memref<!tpu.dma_semaphore, #tpu.memory_space<semaphore_mem>>) {add = true}
          %dma_wait3A_240 = tpu.memref_slice %arg10[%multiple_of3A_209] : memref<4000xi32, #tpu.memory_space<vmem>> -> memref<80xi32, #tpu.memory_space<vmem>>
          %dma_wait3A_241 = arith.constant 0 : i32
          %dma_wait3A_242 = arith.constant 0 : i32
          %dma_wait3A_243 = tpu.memref_slice %arg14[%dma_wait3A_241, %dma_wait3A_242] : memref<10240x128xf32, #tpu.memory_space<vmem_shared>> -> memref<10240x128xf32, #tpu.memory_space<vmem_shared>>
          tpu.wait_indirect_dma semaphore(%run_scoped3A : memref<!tpu.dma_semaphore, #tpu.memory_space<semaphore_mem>>) src(%arg12 : memref<80x128xf32, #tpu.memory_space<vmem>>) dst(%dma_wait3A_243 : memref<10240x128xf32, #tpu.memory_space<vmem_shared>>)
          tpu.yield
        }) : () -> ()
        %add3A_210 = arith.constant 2 : i32
        %add3A_211 = arith.addi %add3A_199, %add3A_210 : i32
        %lt3A = arith.constant 50 : i32
        %lt3A_212 = arith.cmpi slt, %add3A_211, %lt3A : i32
        %convert_element_type3A_213 = arith.extui %lt3A_212 : i1 to i32
        %cond3A_214 = arith.constant 0 : i32
        %cond3A_215 = arith.cmpi ne, %convert_element_type3A_213, %cond3A_214 : i32
        scf.if %cond3A_215 {
          %add3A_236 = arith.constant 2 : i32
          %add3A_237 = arith.addi %add3A_199, %add3A_236 : i32
          %mul3A_238 = arith.constant 80 : i32
          %mul3A_239 = arith.muli %add3A_237, %mul3A_238 : i32
          %multiple_of3A_240 = tpu.assume_multiple %mul3A_239, 80 : i32
          %dma_start3A_241 = tpu.memref_slice %arg8[%multiple_of3A_240] : memref<4000xi32, #tpu.memory_space<vmem>> -> memref<80xi32, #tpu.memory_space<vmem>>
          %dma_start3A_242 = arith.constant 0 : i32
          %dma_start3A_243 = arith.constant 0 : i32
          %dma_start3A_244 = tpu.memref_slice %arg2[%dma_start3A_242, %dma_start3A_243] : memref<10000x128xf32, #tpu.memory_space<hbm>> -> memref<10000x128xf32, #tpu.memory_space<hbm>>
          tpu.enqueue_indirect_dma source(%dma_start3A_244 : memref<10000x128xf32, #tpu.memory_space<hbm>>) target(%arg12 : memref<80x128xf32, #tpu.memory_space<vmem>>) offsets(%dma_start3A_241 : memref<80xi32, #tpu.memory_space<vmem>>) semaphore(%arg15 : memref<!tpu.dma_semaphore, #tpu.memory_space<semaphore_mem>>)
        } else {
        }
        %add3A_216 = arith.constant 1 : i32
        %add3A_217 = arith.addi %mul3A_197, %add3A_216 : i32
        %mul3A_218 = arith.constant 80 : i32
        %mul3A_219 = arith.muli %add3A_217, %mul3A_218 : i32
        %multiple_of3A_220 = tpu.assume_multiple %mul3A_219, 80 : i32
        %dma_wait3A_221 = tpu.memref_slice %arg8[%multiple_of3A_220] : memref<4000xi32, #tpu.memory_space<vmem>> -> memref<80xi32, #tpu.memory_space<vmem>>
        %dma_wait3A_222 = arith.constant 0 : i32
        %dma_wait3A_223 = arith.constant 0 : i32
        %dma_wait3A_224 = tpu.memref_slice %arg2[%dma_wait3A_222, %dma_wait3A_223] : memref<10000x128xf32, #tpu.memory_space<hbm>> -> memref<10000x128xf32, #tpu.memory_space<hbm>>
        tpu.wait_indirect_dma semaphore(%arg16 : memref<!tpu.dma_semaphore, #tpu.memory_space<semaphore_mem>>) src(%dma_wait3A_224 : memref<10000x128xf32, #tpu.memory_space<hbm>>) dst(%arg13 : memref<80x128xf32, #tpu.memory_space<vmem>>)
        %mul3A_225 = arith.constant 80 : i32
        %mul3A_226 = arith.muli %add3A_217, %mul3A_225 : i32
        %multiple_of3A_227 = tpu.assume_multiple %mul3A_226, 80 : i32
        "tpu.region"() ({
          %run_scoped3A = tpu.sem_alloc : memref<!tpu.dma_semaphore, #tpu.memory_space<semaphore_mem>>
          %dma_start3A_236 = tpu.memref_slice %arg10[%multiple_of3A_227] : memref<4000xi32, #tpu.memory_space<vmem>> -> memref<80xi32, #tpu.memory_space<vmem>>
          %dma_start3A_237 = arith.constant 0 : i32
          %dma_start3A_238 = arith.constant 0 : i32
          %dma_start3A_239 = tpu.memref_slice %arg14[%dma_start3A_237, %dma_start3A_238] : memref<10240x128xf32, #tpu.memory_space<vmem_shared>> -> memref<10240x128xf32, #tpu.memory_space<vmem_shared>>
          tpu.enqueue_indirect_dma source(%arg13 : memref<80x128xf32, #tpu.memory_space<vmem>>) target(%dma_start3A_239 : memref<10240x128xf32, #tpu.memory_space<vmem_shared>>) offsets(%dma_start3A_236 : memref<80xi32, #tpu.memory_space<vmem>>) semaphore(%run_scoped3A : memref<!tpu.dma_semaphore, #tpu.memory_space<semaphore_mem>>) {add = true}
          %dma_wait3A_240 = tpu.memref_slice %arg10[%multiple_of3A_227] : memref<4000xi32, #tpu.memory_space<vmem>> -> memref<80xi32, #tpu.memory_space<vmem>>
          %dma_wait3A_241 = arith.constant 0 : i32
          %dma_wait3A_242 = arith.constant 0 : i32
          %dma_wait3A_243 = tpu.memref_slice %arg14[%dma_wait3A_241, %dma_wait3A_242] : memref<10240x128xf32, #tpu.memory_space<vmem_shared>> -> memref<10240x128xf32, #tpu.memory_space<vmem_shared>>
          tpu.wait_indirect_dma semaphore(%run_scoped3A : memref<!tpu.dma_semaphore, #tpu.memory_space<semaphore_mem>>) src(%arg13 : memref<80x128xf32, #tpu.memory_space<vmem>>) dst(%dma_wait3A_243 : memref<10240x128xf32, #tpu.memory_space<vmem_shared>>)
          tpu.yield
        }) : () -> ()
        %add3A_228 = arith.constant 2 : i32
        %add3A_229 = arith.addi %add3A_217, %add3A_228 : i32
        %lt3A_230 = arith.constant 50 : i32
        %lt3A_231 = arith.cmpi slt, %add3A_229, %lt3A_230 : i32
        %convert_element_type3A_232 = arith.extui %lt3A_231 : i1 to i32
        %cond3A_233 = arith.constant 0 : i32
        %cond3A_234 = arith.cmpi ne, %convert_element_type3A_232, %cond3A_233 : i32
        scf.if %cond3A_234 {
          %add3A_236 = arith.constant 2 : i32
          %add3A_237 = arith.addi %add3A_217, %add3A_236 : i32
          %mul3A_238 = arith.constant 80 : i32
          %mul3A_239 = arith.muli %add3A_237, %mul3A_238 : i32
          %multiple_of3A_240 = tpu.assume_multiple %mul3A_239, 80 : i32
          %dma_start3A_241 = tpu.memref_slice %arg8[%multiple_of3A_240] : memref<4000xi32, #tpu.memory_space<vmem>> -> memref<80xi32, #tpu.memory_space<vmem>>
          %dma_start3A_242 = arith.constant 0 : i32
          %dma_start3A_243 = arith.constant 0 : i32
          %dma_start3A_244 = tpu.memref_slice %arg2[%dma_start3A_242, %dma_start3A_243] : memref<10000x128xf32, #tpu.memory_space<hbm>> -> memref<10000x128xf32, #tpu.memory_space<hbm>>
          tpu.enqueue_indirect_dma source(%dma_start3A_244 : memref<10000x128xf32, #tpu.memory_space<hbm>>) target(%arg13 : memref<80x128xf32, #tpu.memory_space<vmem>>) offsets(%dma_start3A_241 : memref<80xi32, #tpu.memory_space<vmem>>) semaphore(%arg16 : memref<!tpu.dma_semaphore, #tpu.memory_space<semaphore_mem>>)
        } else {
        }
        %scan3A_235 = arith.constant 0 : i32
        scf.yield %scan3A_235 : i32
      }
      %scan3A_193 = arith.constant 25 : i32
    } else {
    }
    %eq3A_31 = arith.constant 1 : i32
    %eq3A_32 = arith.cmpi eq, %arg0, %eq3A_31 : i32
    %convert_element_type3A_33 = arith.extui %eq3A_32 : i1 to i32
    %cond3A_34 = arith.constant 0 : i32
    %cond3A_35 = arith.cmpi ne, %convert_element_type3A_33, %cond3A_34 : i32
    scf.if %cond3A_35 {
      %add3A_47 = arith.constant 0 : i32
      %add3A_48 = arith.addi %mul3A_2, %add3A_47 : i32
      %dma_wait3A = tpu.memref_slice %arg4[%add3A_48] : memref<320000xi32, #tpu.memory_space<hbm>> -> memref<4000xi32, #tpu.memory_space<hbm>>
      %dma_wait3A_49 = tpu.memref_slice %arg4[%add3A_48] : memref<320000xi32, #tpu.memory_space<hbm>> -> memref<4000xi32, #tpu.memory_space<hbm>>
      tpu.wait_dma2 semaphore(%arg17 : memref<!tpu.dma_semaphore, #tpu.memory_space<semaphore_mem>>) src(%dma_wait3A_49 : memref<4000xi32, #tpu.memory_space<hbm>>) dst(%arg8 : memref<4000xi32, #tpu.memory_space<vmem>>)
      %dma_wait3A_50 = tpu.memref_slice %arg5[%add3A_48] : memref<320000xi32, #tpu.memory_space<hbm>> -> memref<4000xi32, #tpu.memory_space<hbm>>
      %dma_wait3A_51 = tpu.memref_slice %arg5[%add3A_48] : memref<320000xi32, #tpu.memory_space<hbm>> -> memref<4000xi32, #tpu.memory_space<hbm>>
      tpu.wait_dma2 semaphore(%arg17 : memref<!tpu.dma_semaphore, #tpu.memory_space<semaphore_mem>>) src(%dma_wait3A_51 : memref<4000xi32, #tpu.memory_space<hbm>>) dst(%arg10 : memref<4000xi32, #tpu.memory_space<vmem>>)
      %add3A_52 = arith.constant 4000 : i32
      %add3A_53 = arith.addi %mul3A_2, %add3A_52 : i32
      %dma_start3A_54 = tpu.memref_slice %arg4[%add3A_53] : memref<320000xi32, #tpu.memory_space<hbm>> -> memref<4000xi32, #tpu.memory_space<hbm>>
      %dma_start3A_55 = tpu.memref_slice %arg4[%add3A_53] : memref<320000xi32, #tpu.memory_space<hbm>> -> memref<4000xi32, #tpu.memory_space<hbm>>
      tpu.enqueue_dma source(%dma_start3A_55 : memref<4000xi32, #tpu.memory_space<hbm>>) target(%arg9 : memref<4000xi32, #tpu.memory_space<vmem>>) target_semaphore(%arg18 : memref<!tpu.dma_semaphore, #tpu.memory_space<semaphore_mem>>)
      %dma_start3A_56 = tpu.memref_slice %arg5[%add3A_53] : memref<320000xi32, #tpu.memory_space<hbm>> -> memref<4000xi32, #tpu.memory_space<hbm>>
      %dma_start3A_57 = tpu.memref_slice %arg5[%add3A_53] : memref<320000xi32, #tpu.memory_space<hbm>> -> memref<4000xi32, #tpu.memory_space<hbm>>
      tpu.enqueue_dma source(%dma_start3A_57 : memref<4000xi32, #tpu.memory_space<hbm>>) target(%arg11 : memref<4000xi32, #tpu.memory_space<vmem>>) target_semaphore(%arg18 : memref<!tpu.dma_semaphore, #tpu.memory_space<semaphore_mem>>)
      %multiple_of3A = arith.constant 0 : i32
      %multiple_of3A_58 = tpu.assume_multiple %multiple_of3A, 80 : i32
      %dma_start3A_59 = tpu.memref_slice %arg8[%multiple_of3A_58] : memref<4000xi32, #tpu.memory_space<vmem>> -> memref<80xi32, #tpu.memory_space<vmem>>
      %dma_start3A_60 = arith.constant 0 : i32
      %dma_start3A_61 = arith.constant 0 : i32
      %dma_start3A_62 = tpu.memref_slice %arg3[%dma_start3A_60, %dma_start3A_61] : memref<10000x128xf32, #tpu.memory_space<hbm>> -> memref<10000x128xf32, #tpu.memory_space<hbm>>
      tpu.enqueue_indirect_dma source(%dma_start3A_62 : memref<10000x128xf32, #tpu.memory_space<hbm>>) target(%arg12 : memref<80x128xf32, #tpu.memory_space<vmem>>) offsets(%dma_start3A_59 : memref<80xi32, #tpu.memory_space<vmem>>) semaphore(%arg15 : memref<!tpu.dma_semaphore, #tpu.memory_space<semaphore_mem>>)
      %multiple_of3A_63 = arith.constant 80 : i32
      %multiple_of3A_64 = tpu.assume_multiple %multiple_of3A_63, 80 : i32
      %dma_start3A_65 = tpu.memref_slice %arg8[%multiple_of3A_64] : memref<4000xi32, #tpu.memory_space<vmem>> -> memref<80xi32, #tpu.memory_space<vmem>>
      %dma_start3A_66 = arith.constant 0 : i32
      %dma_start3A_67 = arith.constant 0 : i32
      %dma_start3A_68 = tpu.memref_slice %arg3[%dma_start3A_66, %dma_start3A_67] : memref<10000x128xf32, #tpu.memory_space<hbm>> -> memref<10000x128xf32, #tpu.memory_space<hbm>>
      tpu.enqueue_indirect_dma source(%dma_start3A_68 : memref<10000x128xf32, #tpu.memory_space<hbm>>) target(%arg13 : memref<80x128xf32, #tpu.memory_space<vmem>>) offsets(%dma_start3A_65 : memref<80xi32, #tpu.memory_space<vmem>>) semaphore(%arg16 : memref<!tpu.dma_semaphore, #tpu.memory_space<semaphore_mem>>)
      %scan3A_69 = arith.constant 0 : i32
      %scan3A_70 = arith.constant 0 : i32
      %scan3A_71 = arith.constant 25 : i32
      %scan3A_72 = arith.addi %scan3A_70, %scan3A_71 : i32
      %scan3A_73 = arith.constant 1 : i32
      %scan3A_74 = scf.for %scan3A_194 = %scan3A_70 to %scan3A_72 step %scan3A_73 iter_args(%scan3A_195 = %scan3A_69) -> (i32)  : i32 {
        %mul3A_196 = arith.constant 2 : i32
        %mul3A_197 = arith.muli %scan3A_194, %mul3A_196 : i32
        %add3A_198 = arith.constant 0 : i32
        %add3A_199 = arith.addi %mul3A_197, %add3A_198 : i32
        %mul3A_200 = arith.constant 80 : i32
        %mul3A_201 = arith.muli %add3A_199, %mul3A_200 : i32
        %multiple_of3A_202 = tpu.assume_multiple %mul3A_201, 80 : i32
        %dma_wait3A_203 = tpu.memref_slice %arg8[%multiple_of3A_202] : memref<4000xi32, #tpu.memory_space<vmem>> -> memref<80xi32, #tpu.memory_space<vmem>>
        %dma_wait3A_204 = arith.constant 0 : i32
        %dma_wait3A_205 = arith.constant 0 : i32
        %dma_wait3A_206 = tpu.memref_slice %arg3[%dma_wait3A_204, %dma_wait3A_205] : memref<10000x128xf32, #tpu.memory_space<hbm>> -> memref<10000x128xf32, #tpu.memory_space<hbm>>
        tpu.wait_indirect_dma semaphore(%arg15 : memref<!tpu.dma_semaphore, #tpu.memory_space<semaphore_mem>>) src(%dma_wait3A_206 : memref<10000x128xf32, #tpu.memory_space<hbm>>) dst(%arg12 : memref<80x128xf32, #tpu.memory_space<vmem>>)
        %mul3A_207 = arith.constant 80 : i32
        %mul3A_208 = arith.muli %add3A_199, %mul3A_207 : i32
        %multiple_of3A_209 = tpu.assume_multiple %mul3A_208, 80 : i32
        "tpu.region"() ({
          %run_scoped3A = tpu.sem_alloc : memref<!tpu.dma_semaphore, #tpu.memory_space<semaphore_mem>>
          %dma_start3A_236 = tpu.memref_slice %arg10[%multiple_of3A_209] : memref<4000xi32, #tpu.memory_space<vmem>> -> memref<80xi32, #tpu.memory_space<vmem>>
          %dma_start3A_237 = arith.constant 0 : i32
          %dma_start3A_238 = arith.constant 0 : i32
          %dma_start3A_239 = tpu.memref_slice %arg14[%dma_start3A_237, %dma_start3A_238] : memref<10240x128xf32, #tpu.memory_space<vmem_shared>> -> memref<10240x128xf32, #tpu.memory_space<vmem_shared>>
          tpu.enqueue_indirect_dma source(%arg12 : memref<80x128xf32, #tpu.memory_space<vmem>>) target(%dma_start3A_239 : memref<10240x128xf32, #tpu.memory_space<vmem_shared>>) offsets(%dma_start3A_236 : memref<80xi32, #tpu.memory_space<vmem>>) semaphore(%run_scoped3A : memref<!tpu.dma_semaphore, #tpu.memory_space<semaphore_mem>>) {add = true}
          %dma_wait3A_240 = tpu.memref_slice %arg10[%multiple_of3A_209] : memref<4000xi32, #tpu.memory_space<vmem>> -> memref<80xi32, #tpu.memory_space<vmem>>
          %dma_wait3A_241 = arith.constant 0 : i32
          %dma_wait3A_242 = arith.constant 0 : i32
          %dma_wait3A_243 = tpu.memref_slice %arg14[%dma_wait3A_241, %dma_wait3A_242] : memref<10240x128xf32, #tpu.memory_space<vmem_shared>> -> memref<10240x128xf32, #tpu.memory_space<vmem_shared>>
          tpu.wait_indirect_dma semaphore(%run_scoped3A : memref<!tpu.dma_semaphore, #tpu.memory_space<semaphore_mem>>) src(%arg12 : memref<80x128xf32, #tpu.memory_space<vmem>>) dst(%dma_wait3A_243 : memref<10240x128xf32, #tpu.memory_space<vmem_shared>>)
          tpu.yield
        }) : () -> ()
        %add3A_210 = arith.constant 2 : i32
        %add3A_211 = arith.addi %add3A_199, %add3A_210 : i32
        %lt3A = arith.constant 50 : i32
        %lt3A_212 = arith.cmpi slt, %add3A_211, %lt3A : i32
        %convert_element_type3A_213 = arith.extui %lt3A_212 : i1 to i32
        %cond3A_214 = arith.constant 0 : i32
        %cond3A_215 = arith.cmpi ne, %convert_element_type3A_213, %cond3A_214 : i32
        scf.if %cond3A_215 {
          %add3A_236 = arith.constant 2 : i32
          %add3A_237 = arith.addi %add3A_199, %add3A_236 : i32
          %mul3A_238 = arith.constant 80 : i32
          %mul3A_239 = arith.muli %add3A_237, %mul3A_238 : i32
          %multiple_of3A_240 = tpu.assume_multiple %mul3A_239, 80 : i32
          %dma_start3A_241 = tpu.memref_slice %arg8[%multiple_of3A_240] : memref<4000xi32, #tpu.memory_space<vmem>> -> memref<80xi32, #tpu.memory_space<vmem>>
          %dma_start3A_242 = arith.constant 0 : i32
          %dma_start3A_243 = arith.constant 0 : i32
          %dma_start3A_244 = tpu.memref_slice %arg3[%dma_start3A_242, %dma_start3A_243] : memref<10000x128xf32, #tpu.memory_space<hbm>> -> memref<10000x128xf32, #tpu.memory_space<hbm>>
          tpu.enqueue_indirect_dma source(%dma_start3A_244 : memref<10000x128xf32, #tpu.memory_space<hbm>>) target(%arg12 : memref<80x128xf32, #tpu.memory_space<vmem>>) offsets(%dma_start3A_241 : memref<80xi32, #tpu.memory_space<vmem>>) semaphore(%arg15 : memref<!tpu.dma_semaphore, #tpu.memory_space<semaphore_mem>>)
        } else {
        }
        %add3A_216 = arith.constant 1 : i32
        %add3A_217 = arith.addi %mul3A_197, %add3A_216 : i32
        %mul3A_218 = arith.constant 80 : i32
        %mul3A_219 = arith.muli %add3A_217, %mul3A_218 : i32
        %multiple_of3A_220 = tpu.assume_multiple %mul3A_219, 80 : i32
        %dma_wait3A_221 = tpu.memref_slice %arg8[%multiple_of3A_220] : memref<4000xi32, #tpu.memory_space<vmem>> -> memref<80xi32, #tpu.memory_space<vmem>>
        %dma_wait3A_222 = arith.constant 0 : i32
        %dma_wait3A_223 = arith.constant 0 : i32
        %dma_wait3A_224 = tpu.memref_slice %arg3[%dma_wait3A_222, %dma_wait3A_223] : memref<10000x128xf32, #tpu.memory_space<hbm>> -> memref<10000x128xf32, #tpu.memory_space<hbm>>
        tpu.wait_indirect_dma semaphore(%arg16 : memref<!tpu.dma_semaphore, #tpu.memory_space<semaphore_mem>>) src(%dma_wait3A_224 : memref<10000x128xf32, #tpu.memory_space<hbm>>) dst(%arg13 : memref<80x128xf32, #tpu.memory_space<vmem>>)
        %mul3A_225 = arith.constant 80 : i32
        %mul3A_226 = arith.muli %add3A_217, %mul3A_225 : i32
        %multiple_of3A_227 = tpu.assume_multiple %mul3A_226, 80 : i32
        "tpu.region"() ({
          %run_scoped3A = tpu.sem_alloc : memref<!tpu.dma_semaphore, #tpu.memory_space<semaphore_mem>>
          %dma_start3A_236 = tpu.memref_slice %arg10[%multiple_of3A_227] : memref<4000xi32, #tpu.memory_space<vmem>> -> memref<80xi32, #tpu.memory_space<vmem>>
          %dma_start3A_237 = arith.constant 0 : i32
          %dma_start3A_238 = arith.constant 0 : i32
          %dma_start3A_239 = tpu.memref_slice %arg14[%dma_start3A_237, %dma_start3A_238] : memref<10240x128xf32, #tpu.memory_space<vmem_shared>> -> memref<10240x128xf32, #tpu.memory_space<vmem_shared>>
          tpu.enqueue_indirect_dma source(%arg13 : memref<80x128xf32, #tpu.memory_space<vmem>>) target(%dma_start3A_239 : memref<10240x128xf32, #tpu.memory_space<vmem_shared>>) offsets(%dma_start3A_236 : memref<80xi32, #tpu.memory_space<vmem>>) semaphore(%run_scoped3A : memref<!tpu.dma_semaphore, #tpu.memory_space<semaphore_mem>>) {add = true}
          %dma_wait3A_240 = tpu.memref_slice %arg10[%multiple_of3A_227] : memref<4000xi32, #tpu.memory_space<vmem>> -> memref<80xi32, #tpu.memory_space<vmem>>
          %dma_wait3A_241 = arith.constant 0 : i32
          %dma_wait3A_242 = arith.constant 0 : i32
          %dma_wait3A_243 = tpu.memref_slice %arg14[%dma_wait3A_241, %dma_wait3A_242] : memref<10240x128xf32, #tpu.memory_space<vmem_shared>> -> memref<10240x128xf32, #tpu.memory_space<vmem_shared>>
          tpu.wait_indirect_dma semaphore(%run_scoped3A : memref<!tpu.dma_semaphore, #tpu.memory_space<semaphore_mem>>) src(%arg13 : memref<80x128xf32, #tpu.memory_space<vmem>>) dst(%dma_wait3A_243 : memref<10240x128xf32, #tpu.memory_space<vmem_shared>>)
          tpu.yield
        }) : () -> ()
        %add3A_228 = arith.constant 2 : i32
        %add3A_229 = arith.addi %add3A_217, %add3A_228 : i32
        %lt3A_230 = arith.constant 50 : i32
        %lt3A_231 = arith.cmpi slt, %add3A_229, %lt3A_230 : i32
        %convert_element_type3A_232 = arith.extui %lt3A_231 : i1 to i32
        %cond3A_233 = arith.constant 0 : i32
        %cond3A_234 = arith.cmpi ne, %convert_element_type3A_232, %cond3A_233 : i32
        scf.if %cond3A_234 {
          %add3A_236 = arith.constant 2 : i32
          %add3A_237 = arith.addi %add3A_217, %add3A_236 : i32
          %mul3A_238 = arith.constant 80 : i32
          %mul3A_239 = arith.muli %add3A_237, %mul3A_238 : i32
          %multiple_of3A_240 = tpu.assume_multiple %mul3A_239, 80 : i32
          %dma_start3A_241 = tpu.memref_slice %arg8[%multiple_of3A_240] : memref<4000xi32, #tpu.memory_space<vmem>> -> memref<80xi32, #tpu.memory_space<vmem>>
          %dma_start3A_242 = arith.constant 0 : i32
          %dma_start3A_243 = arith.constant 0 : i32
          %dma_start3A_244 = tpu.memref_slice %arg3[%dma_start3A_242, %dma_start3A_243] : memref<10000x128xf32, #tpu.memory_space<hbm>> -> memref<10000x128xf32, #tpu.memory_space<hbm>>
          tpu.enqueue_indirect_dma source(%dma_start3A_244 : memref<10000x128xf32, #tpu.memory_space<hbm>>) target(%arg13 : memref<80x128xf32, #tpu.memory_space<vmem>>) offsets(%dma_start3A_241 : memref<80xi32, #tpu.memory_space<vmem>>) semaphore(%arg16 : memref<!tpu.dma_semaphore, #tpu.memory_space<semaphore_mem>>)
        } else {
        }
        %scan3A_235 = arith.constant 0 : i32
        scf.yield %scan3A_235 : i32
      }
      %scan3A_75 = arith.constant 25 : i32
      %add3A_76 = arith.constant 4000 : i32
      %add3A_77 = arith.addi %mul3A_2, %add3A_76 : i32
      %dma_wait3A_78 = tpu.memref_slice %arg4[%add3A_77] : memref<320000xi32, #tpu.memory_space<hbm>> -> memref<4000xi32, #tpu.memory_space<hbm>>
      %dma_wait3A_79 = tpu.memref_slice %arg4[%add3A_77] : memref<320000xi32, #tpu.memory_space<hbm>> -> memref<4000xi32, #tpu.memory_space<hbm>>
      tpu.wait_dma2 semaphore(%arg18 : memref<!tpu.dma_semaphore, #tpu.memory_space<semaphore_mem>>) src(%dma_wait3A_79 : memref<4000xi32, #tpu.memory_space<hbm>>) dst(%arg9 : memref<4000xi32, #tpu.memory_space<vmem>>)
      %dma_wait3A_80 = tpu.memref_slice %arg5[%add3A_77] : memref<320000xi32, #tpu.memory_space<hbm>> -> memref<4000xi32, #tpu.memory_space<hbm>>
      %dma_wait3A_81 = tpu.memref_slice %arg5[%add3A_77] : memref<320000xi32, #tpu.memory_space<hbm>> -> memref<4000xi32, #tpu.memory_space<hbm>>
      tpu.wait_dma2 semaphore(%arg18 : memref<!tpu.dma_semaphore, #tpu.memory_space<semaphore_mem>>) src(%dma_wait3A_81 : memref<4000xi32, #tpu.memory_space<hbm>>) dst(%arg11 : memref<4000xi32, #tpu.memory_space<vmem>>)
      %add3A_82 = arith.constant 8000 : i32
      %add3A_83 = arith.addi %mul3A_2, %add3A_82 : i32
      %dma_start3A_84 = tpu.memref_slice %arg4[%add3A_83] : memref<320000xi32, #tpu.memory_space<hbm>> -> memref<4000xi32, #tpu.memory_space<hbm>>
      %dma_start3A_85 = tpu.memref_slice %arg4[%add3A_83] : memref<320000xi32, #tpu.memory_space<hbm>> -> memref<4000xi32, #tpu.memory_space<hbm>>
      tpu.enqueue_dma source(%dma_start3A_85 : memref<4000xi32, #tpu.memory_space<hbm>>) target(%arg8 : memref<4000xi32, #tpu.memory_space<vmem>>) target_semaphore(%arg17 : memref<!tpu.dma_semaphore, #tpu.memory_space<semaphore_mem>>)
      %dma_start3A_86 = tpu.memref_slice %arg5[%add3A_83] : memref<320000xi32, #tpu.memory_space<hbm>> -> memref<4000xi32, #tpu.memory_space<hbm>>
      %dma_start3A_87 = tpu.memref_slice %arg5[%add3A_83] : memref<320000xi32, #tpu.memory_space<hbm>> -> memref<4000xi32, #tpu.memory_space<hbm>>
      tpu.enqueue_dma source(%dma_start3A_87 : memref<4000xi32, #tpu.memory_space<hbm>>) target(%arg10 : memref<4000xi32, #tpu.memory_space<vmem>>) target_semaphore(%arg17 : memref<!tpu.dma_semaphore, #tpu.memory_space<semaphore_mem>>)
      %multiple_of3A_88 = arith.constant 0 : i32
      %multiple_of3A_89 = tpu.assume_multiple %multiple_of3A_88, 80 : i32
      %dma_start3A_90 = tpu.memref_slice %arg9[%multiple_of3A_89] : memref<4000xi32, #tpu.memory_space<vmem>> -> memref<80xi32, #tpu.memory_space<vmem>>
      %dma_start3A_91 = arith.constant 0 : i32
      %dma_start3A_92 = arith.constant 0 : i32
      %dma_start3A_93 = tpu.memref_slice %arg3[%dma_start3A_91, %dma_start3A_92] : memref<10000x128xf32, #tpu.memory_space<hbm>> -> memref<10000x128xf32, #tpu.memory_space<hbm>>
      tpu.enqueue_indirect_dma source(%dma_start3A_93 : memref<10000x128xf32, #tpu.memory_space<hbm>>) target(%arg12 : memref<80x128xf32, #tpu.memory_space<vmem>>) offsets(%dma_start3A_90 : memref<80xi32, #tpu.memory_space<vmem>>) semaphore(%arg15 : memref<!tpu.dma_semaphore, #tpu.memory_space<semaphore_mem>>)
      %multiple_of3A_94 = arith.constant 80 : i32
      %multiple_of3A_95 = tpu.assume_multiple %multiple_of3A_94, 80 : i32
      %dma_start3A_96 = tpu.memref_slice %arg9[%multiple_of3A_95] : memref<4000xi32, #tpu.memory_space<vmem>> -> memref<80xi32, #tpu.memory_space<vmem>>
      %dma_start3A_97 = arith.constant 0 : i32
      %dma_start3A_98 = arith.constant 0 : i32
      %dma_start3A_99 = tpu.memref_slice %arg3[%dma_start3A_97, %dma_start3A_98] : memref<10000x128xf32, #tpu.memory_space<hbm>> -> memref<10000x128xf32, #tpu.memory_space<hbm>>
      tpu.enqueue_indirect_dma source(%dma_start3A_99 : memref<10000x128xf32, #tpu.memory_space<hbm>>) target(%arg13 : memref<80x128xf32, #tpu.memory_space<vmem>>) offsets(%dma_start3A_96 : memref<80xi32, #tpu.memory_space<vmem>>) semaphore(%arg16 : memref<!tpu.dma_semaphore, #tpu.memory_space<semaphore_mem>>)
      %scan3A_100 = arith.constant 0 : i32
      %scan3A_101 = arith.constant 0 : i32
      %scan3A_102 = arith.constant 25 : i32
      %scan3A_103 = arith.addi %scan3A_101, %scan3A_102 : i32
      %scan3A_104 = arith.constant 1 : i32
      %scan3A_105 = scf.for %scan3A_194 = %scan3A_101 to %scan3A_103 step %scan3A_104 iter_args(%scan3A_195 = %scan3A_100) -> (i32)  : i32 {
        %mul3A_196 = arith.constant 2 : i32
        %mul3A_197 = arith.muli %scan3A_194, %mul3A_196 : i32
        %add3A_198 = arith.constant 0 : i32
        %add3A_199 = arith.addi %mul3A_197, %add3A_198 : i32
        %mul3A_200 = arith.constant 80 : i32
        %mul3A_201 = arith.muli %add3A_199, %mul3A_200 : i32
        %multiple_of3A_202 = tpu.assume_multiple %mul3A_201, 80 : i32
        %dma_wait3A_203 = tpu.memref_slice %arg9[%multiple_of3A_202] : memref<4000xi32, #tpu.memory_space<vmem>> -> memref<80xi32, #tpu.memory_space<vmem>>
        %dma_wait3A_204 = arith.constant 0 : i32
        %dma_wait3A_205 = arith.constant 0 : i32
        %dma_wait3A_206 = tpu.memref_slice %arg3[%dma_wait3A_204, %dma_wait3A_205] : memref<10000x128xf32, #tpu.memory_space<hbm>> -> memref<10000x128xf32, #tpu.memory_space<hbm>>
        tpu.wait_indirect_dma semaphore(%arg15 : memref<!tpu.dma_semaphore, #tpu.memory_space<semaphore_mem>>) src(%dma_wait3A_206 : memref<10000x128xf32, #tpu.memory_space<hbm>>) dst(%arg12 : memref<80x128xf32, #tpu.memory_space<vmem>>)
        %mul3A_207 = arith.constant 80 : i32
        %mul3A_208 = arith.muli %add3A_199, %mul3A_207 : i32
        %multiple_of3A_209 = tpu.assume_multiple %mul3A_208, 80 : i32
        "tpu.region"() ({
          %run_scoped3A = tpu.sem_alloc : memref<!tpu.dma_semaphore, #tpu.memory_space<semaphore_mem>>
          %dma_start3A_236 = tpu.memref_slice %arg11[%multiple_of3A_209] : memref<4000xi32, #tpu.memory_space<vmem>> -> memref<80xi32, #tpu.memory_space<vmem>>
          %dma_start3A_237 = arith.constant 0 : i32
          %dma_start3A_238 = arith.constant 0 : i32
          %dma_start3A_239 = tpu.memref_slice %arg14[%dma_start3A_237, %dma_start3A_238] : memref<10240x128xf32, #tpu.memory_space<vmem_shared>> -> memref<10240x128xf32, #tpu.memory_space<vmem_shared>>
          tpu.enqueue_indirect_dma source(%arg12 : memref<80x128xf32, #tpu.memory_space<vmem>>) target(%dma_start3A_239 : memref<10240x128xf32, #tpu.memory_space<vmem_shared>>) offsets(%dma_start3A_236 : memref<80xi32, #tpu.memory_space<vmem>>) semaphore(%run_scoped3A : memref<!tpu.dma_semaphore, #tpu.memory_space<semaphore_mem>>) {add = true}
          %dma_wait3A_240 = tpu.memref_slice %arg11[%multiple_of3A_209] : memref<4000xi32, #tpu.memory_space<vmem>> -> memref<80xi32, #tpu.memory_space<vmem>>
          %dma_wait3A_241 = arith.constant 0 : i32
          %dma_wait3A_242 = arith.constant 0 : i32
          %dma_wait3A_243 = tpu.memref_slice %arg14[%dma_wait3A_241, %dma_wait3A_242] : memref<10240x128xf32, #tpu.memory_space<vmem_shared>> -> memref<10240x128xf32, #tpu.memory_space<vmem_shared>>
          tpu.wait_indirect_dma semaphore(%run_scoped3A : memref<!tpu.dma_semaphore, #tpu.memory_space<semaphore_mem>>) src(%arg12 : memref<80x128xf32, #tpu.memory_space<vmem>>) dst(%dma_wait3A_243 : memref<10240x128xf32, #tpu.memory_space<vmem_shared>>)
          tpu.yield
        }) : () -> ()
        %add3A_210 = arith.constant 2 : i32
        %add3A_211 = arith.addi %add3A_199, %add3A_210 : i32
        %lt3A = arith.constant 50 : i32
        %lt3A_212 = arith.cmpi slt, %add3A_211, %lt3A : i32
        %convert_element_type3A_213 = arith.extui %lt3A_212 : i1 to i32
        %cond3A_214 = arith.constant 0 : i32
        %cond3A_215 = arith.cmpi ne, %convert_element_type3A_213, %cond3A_214 : i32
        scf.if %cond3A_215 {
          %add3A_236 = arith.constant 2 : i32
          %add3A_237 = arith.addi %add3A_199, %add3A_236 : i32
          %mul3A_238 = arith.constant 80 : i32
          %mul3A_239 = arith.muli %add3A_237, %mul3A_238 : i32
          %multiple_of3A_240 = tpu.assume_multiple %mul3A_239, 80 : i32
          %dma_start3A_241 = tpu.memref_slice %arg9[%multiple_of3A_240] : memref<4000xi32, #tpu.memory_space<vmem>> -> memref<80xi32, #tpu.memory_space<vmem>>
          %dma_start3A_242 = arith.constant 0 : i32
          %dma_start3A_243 = arith.constant 0 : i32
          %dma_start3A_244 = tpu.memref_slice %arg3[%dma_start3A_242, %dma_start3A_243] : memref<10000x128xf32, #tpu.memory_space<hbm>> -> memref<10000x128xf32, #tpu.memory_space<hbm>>
          tpu.enqueue_indirect_dma source(%dma_start3A_244 : memref<10000x128xf32, #tpu.memory_space<hbm>>) target(%arg12 : memref<80x128xf32, #tpu.memory_space<vmem>>) offsets(%dma_start3A_241 : memref<80xi32, #tpu.memory_space<vmem>>) semaphore(%arg15 : memref<!tpu.dma_semaphore, #tpu.memory_space<semaphore_mem>>)
        } else {
        }
        %add3A_216 = arith.constant 1 : i32
        %add3A_217 = arith.addi %mul3A_197, %add3A_216 : i32
        %mul3A_218 = arith.constant 80 : i32
        %mul3A_219 = arith.muli %add3A_217, %mul3A_218 : i32
        %multiple_of3A_220 = tpu.assume_multiple %mul3A_219, 80 : i32
        %dma_wait3A_221 = tpu.memref_slice %arg9[%multiple_of3A_220] : memref<4000xi32, #tpu.memory_space<vmem>> -> memref<80xi32, #tpu.memory_space<vmem>>
        %dma_wait3A_222 = arith.constant 0 : i32
        %dma_wait3A_223 = arith.constant 0 : i32
        %dma_wait3A_224 = tpu.memref_slice %arg3[%dma_wait3A_222, %dma_wait3A_223] : memref<10000x128xf32, #tpu.memory_space<hbm>> -> memref<10000x128xf32, #tpu.memory_space<hbm>>
        tpu.wait_indirect_dma semaphore(%arg16 : memref<!tpu.dma_semaphore, #tpu.memory_space<semaphore_mem>>) src(%dma_wait3A_224 : memref<10000x128xf32, #tpu.memory_space<hbm>>) dst(%arg13 : memref<80x128xf32, #tpu.memory_space<vmem>>)
        %mul3A_225 = arith.constant 80 : i32
        %mul3A_226 = arith.muli %add3A_217, %mul3A_225 : i32
        %multiple_of3A_227 = tpu.assume_multiple %mul3A_226, 80 : i32
        "tpu.region"() ({
          %run_scoped3A = tpu.sem_alloc : memref<!tpu.dma_semaphore, #tpu.memory_space<semaphore_mem>>
          %dma_start3A_236 = tpu.memref_slice %arg11[%multiple_of3A_227] : memref<4000xi32, #tpu.memory_space<vmem>> -> memref<80xi32, #tpu.memory_space<vmem>>
          %dma_start3A_237 = arith.constant 0 : i32
          %dma_start3A_238 = arith.constant 0 : i32
          %dma_start3A_239 = tpu.memref_slice %arg14[%dma_start3A_237, %dma_start3A_238] : memref<10240x128xf32, #tpu.memory_space<vmem_shared>> -> memref<10240x128xf32, #tpu.memory_space<vmem_shared>>
          tpu.enqueue_indirect_dma source(%arg13 : memref<80x128xf32, #tpu.memory_space<vmem>>) target(%dma_start3A_239 : memref<10240x128xf32, #tpu.memory_space<vmem_shared>>) offsets(%dma_start3A_236 : memref<80xi32, #tpu.memory_space<vmem>>) semaphore(%run_scoped3A : memref<!tpu.dma_semaphore, #tpu.memory_space<semaphore_mem>>) {add = true}
          %dma_wait3A_240 = tpu.memref_slice %arg11[%multiple_of3A_227] : memref<4000xi32, #tpu.memory_space<vmem>> -> memref<80xi32, #tpu.memory_space<vmem>>
          %dma_wait3A_241 = arith.constant 0 : i32
          %dma_wait3A_242 = arith.constant 0 : i32
          %dma_wait3A_243 = tpu.memref_slice %arg14[%dma_wait3A_241, %dma_wait3A_242] : memref<10240x128xf32, #tpu.memory_space<vmem_shared>> -> memref<10240x128xf32, #tpu.memory_space<vmem_shared>>
          tpu.wait_indirect_dma semaphore(%run_scoped3A : memref<!tpu.dma_semaphore, #tpu.memory_space<semaphore_mem>>) src(%arg13 : memref<80x128xf32, #tpu.memory_space<vmem>>) dst(%dma_wait3A_243 : memref<10240x128xf32, #tpu.memory_space<vmem_shared>>)
          tpu.yield
        }) : () -> ()
        %add3A_228 = arith.constant 2 : i32
        %add3A_229 = arith.addi %add3A_217, %add3A_228 : i32
        %lt3A_230 = arith.constant 50 : i32
        %lt3A_231 = arith.cmpi slt, %add3A_229, %lt3A_230 : i32
        %convert_element_type3A_232 = arith.extui %lt3A_231 : i1 to i32
        %cond3A_233 = arith.constant 0 : i32
        %cond3A_234 = arith.cmpi ne, %convert_element_type3A_232, %cond3A_233 : i32
        scf.if %cond3A_234 {
          %add3A_236 = arith.constant 2 : i32
          %add3A_237 = arith.addi %add3A_217, %add3A_236 : i32
          %mul3A_238 = arith.constant 80 : i32
          %mul3A_239 = arith.muli %add3A_237, %mul3A_238 : i32
          %multiple_of3A_240 = tpu.assume_multiple %mul3A_239, 80 : i32
          %dma_start3A_241 = tpu.memref_slice %arg9[%multiple_of3A_240] : memref<4000xi32, #tpu.memory_space<vmem>> -> memref<80xi32, #tpu.memory_space<vmem>>
          %dma_start3A_242 = arith.constant 0 : i32
          %dma_start3A_243 = arith.constant 0 : i32
          %dma_start3A_244 = tpu.memref_slice %arg3[%dma_start3A_242, %dma_start3A_243] : memref<10000x128xf32, #tpu.memory_space<hbm>> -> memref<10000x128xf32, #tpu.memory_space<hbm>>
          tpu.enqueue_indirect_dma source(%dma_start3A_244 : memref<10000x128xf32, #tpu.memory_space<hbm>>) target(%arg13 : memref<80x128xf32, #tpu.memory_space<vmem>>) offsets(%dma_start3A_241 : memref<80xi32, #tpu.memory_space<vmem>>) semaphore(%arg16 : memref<!tpu.dma_semaphore, #tpu.memory_space<semaphore_mem>>)
        } else {
        }
        %scan3A_235 = arith.constant 0 : i32
        scf.yield %scan3A_235 : i32
      }
      %scan3A_106 = arith.constant 25 : i32
      %add3A_107 = arith.constant 8000 : i32
      %add3A_108 = arith.addi %mul3A_2, %add3A_107 : i32
      %dma_wait3A_109 = tpu.memref_slice %arg4[%add3A_108] : memref<320000xi32, #tpu.memory_space<hbm>> -> memref<4000xi32, #tpu.memory_space<hbm>>
      %dma_wait3A_110 = tpu.memref_slice %arg4[%add3A_108] : memref<320000xi32, #tpu.memory_space<hbm>> -> memref<4000xi32, #tpu.memory_space<hbm>>
      tpu.wait_dma2 semaphore(%arg17 : memref<!tpu.dma_semaphore, #tpu.memory_space<semaphore_mem>>) src(%dma_wait3A_110 : memref<4000xi32, #tpu.memory_space<hbm>>) dst(%arg8 : memref<4000xi32, #tpu.memory_space<vmem>>)
      %dma_wait3A_111 = tpu.memref_slice %arg5[%add3A_108] : memref<320000xi32, #tpu.memory_space<hbm>> -> memref<4000xi32, #tpu.memory_space<hbm>>
      %dma_wait3A_112 = tpu.memref_slice %arg5[%add3A_108] : memref<320000xi32, #tpu.memory_space<hbm>> -> memref<4000xi32, #tpu.memory_space<hbm>>
      tpu.wait_dma2 semaphore(%arg17 : memref<!tpu.dma_semaphore, #tpu.memory_space<semaphore_mem>>) src(%dma_wait3A_112 : memref<4000xi32, #tpu.memory_space<hbm>>) dst(%arg10 : memref<4000xi32, #tpu.memory_space<vmem>>)
      %add3A_113 = arith.constant 12000 : i32
      %add3A_114 = arith.addi %mul3A_2, %add3A_113 : i32
      %dma_start3A_115 = tpu.memref_slice %arg4[%add3A_114] : memref<320000xi32, #tpu.memory_space<hbm>> -> memref<4000xi32, #tpu.memory_space<hbm>>
      %dma_start3A_116 = tpu.memref_slice %arg4[%add3A_114] : memref<320000xi32, #tpu.memory_space<hbm>> -> memref<4000xi32, #tpu.memory_space<hbm>>
      tpu.enqueue_dma source(%dma_start3A_116 : memref<4000xi32, #tpu.memory_space<hbm>>) target(%arg9 : memref<4000xi32, #tpu.memory_space<vmem>>) target_semaphore(%arg18 : memref<!tpu.dma_semaphore, #tpu.memory_space<semaphore_mem>>)
      %dma_start3A_117 = tpu.memref_slice %arg5[%add3A_114] : memref<320000xi32, #tpu.memory_space<hbm>> -> memref<4000xi32, #tpu.memory_space<hbm>>
      %dma_start3A_118 = tpu.memref_slice %arg5[%add3A_114] : memref<320000xi32, #tpu.memory_space<hbm>> -> memref<4000xi32, #tpu.memory_space<hbm>>
      tpu.enqueue_dma source(%dma_start3A_118 : memref<4000xi32, #tpu.memory_space<hbm>>) target(%arg11 : memref<4000xi32, #tpu.memory_space<vmem>>) target_semaphore(%arg18 : memref<!tpu.dma_semaphore, #tpu.memory_space<semaphore_mem>>)
      %multiple_of3A_119 = arith.constant 0 : i32
      %multiple_of3A_120 = tpu.assume_multiple %multiple_of3A_119, 80 : i32
      %dma_start3A_121 = tpu.memref_slice %arg8[%multiple_of3A_120] : memref<4000xi32, #tpu.memory_space<vmem>> -> memref<80xi32, #tpu.memory_space<vmem>>
      %dma_start3A_122 = arith.constant 0 : i32
      %dma_start3A_123 = arith.constant 0 : i32
      %dma_start3A_124 = tpu.memref_slice %arg3[%dma_start3A_122, %dma_start3A_123] : memref<10000x128xf32, #tpu.memory_space<hbm>> -> memref<10000x128xf32, #tpu.memory_space<hbm>>
      tpu.enqueue_indirect_dma source(%dma_start3A_124 : memref<10000x128xf32, #tpu.memory_space<hbm>>) target(%arg12 : memref<80x128xf32, #tpu.memory_space<vmem>>) offsets(%dma_start3A_121 : memref<80xi32, #tpu.memory_space<vmem>>) semaphore(%arg15 : memref<!tpu.dma_semaphore, #tpu.memory_space<semaphore_mem>>)
      %multiple_of3A_125 = arith.constant 80 : i32
      %multiple_of3A_126 = tpu.assume_multiple %multiple_of3A_125, 80 : i32
      %dma_start3A_127 = tpu.memref_slice %arg8[%multiple_of3A_126] : memref<4000xi32, #tpu.memory_space<vmem>> -> memref<80xi32, #tpu.memory_space<vmem>>
      %dma_start3A_128 = arith.constant 0 : i32
      %dma_start3A_129 = arith.constant 0 : i32
      %dma_start3A_130 = tpu.memref_slice %arg3[%dma_start3A_128, %dma_start3A_129] : memref<10000x128xf32, #tpu.memory_space<hbm>> -> memref<10000x128xf32, #tpu.memory_space<hbm>>
      tpu.enqueue_indirect_dma source(%dma_start3A_130 : memref<10000x128xf32, #tpu.memory_space<hbm>>) target(%arg13 : memref<80x128xf32, #tpu.memory_space<vmem>>) offsets(%dma_start3A_127 : memref<80xi32, #tpu.memory_space<vmem>>) semaphore(%arg16 : memref<!tpu.dma_semaphore, #tpu.memory_space<semaphore_mem>>)
      %scan3A_131 = arith.constant 0 : i32
      %scan3A_132 = arith.constant 0 : i32
      %scan3A_133 = arith.constant 25 : i32
      %scan3A_134 = arith.addi %scan3A_132, %scan3A_133 : i32
      %scan3A_135 = arith.constant 1 : i32
      %scan3A_136 = scf.for %scan3A_194 = %scan3A_132 to %scan3A_134 step %scan3A_135 iter_args(%scan3A_195 = %scan3A_131) -> (i32)  : i32 {
        %mul3A_196 = arith.constant 2 : i32
        %mul3A_197 = arith.muli %scan3A_194, %mul3A_196 : i32
        %add3A_198 = arith.constant 0 : i32
        %add3A_199 = arith.addi %mul3A_197, %add3A_198 : i32
        %mul3A_200 = arith.constant 80 : i32
        %mul3A_201 = arith.muli %add3A_199, %mul3A_200 : i32
        %multiple_of3A_202 = tpu.assume_multiple %mul3A_201, 80 : i32
        %dma_wait3A_203 = tpu.memref_slice %arg8[%multiple_of3A_202] : memref<4000xi32, #tpu.memory_space<vmem>> -> memref<80xi32, #tpu.memory_space<vmem>>
        %dma_wait3A_204 = arith.constant 0 : i32
        %dma_wait3A_205 = arith.constant 0 : i32
        %dma_wait3A_206 = tpu.memref_slice %arg3[%dma_wait3A_204, %dma_wait3A_205] : memref<10000x128xf32, #tpu.memory_space<hbm>> -> memref<10000x128xf32, #tpu.memory_space<hbm>>
        tpu.wait_indirect_dma semaphore(%arg15 : memref<!tpu.dma_semaphore, #tpu.memory_space<semaphore_mem>>) src(%dma_wait3A_206 : memref<10000x128xf32, #tpu.memory_space<hbm>>) dst(%arg12 : memref<80x128xf32, #tpu.memory_space<vmem>>)
        %mul3A_207 = arith.constant 80 : i32
        %mul3A_208 = arith.muli %add3A_199, %mul3A_207 : i32
        %multiple_of3A_209 = tpu.assume_multiple %mul3A_208, 80 : i32
        "tpu.region"() ({
          %run_scoped3A = tpu.sem_alloc : memref<!tpu.dma_semaphore, #tpu.memory_space<semaphore_mem>>
          %dma_start3A_236 = tpu.memref_slice %arg10[%multiple_of3A_209] : memref<4000xi32, #tpu.memory_space<vmem>> -> memref<80xi32, #tpu.memory_space<vmem>>
          %dma_start3A_237 = arith.constant 0 : i32
          %dma_start3A_238 = arith.constant 0 : i32
          %dma_start3A_239 = tpu.memref_slice %arg14[%dma_start3A_237, %dma_start3A_238] : memref<10240x128xf32, #tpu.memory_space<vmem_shared>> -> memref<10240x128xf32, #tpu.memory_space<vmem_shared>>
          tpu.enqueue_indirect_dma source(%arg12 : memref<80x128xf32, #tpu.memory_space<vmem>>) target(%dma_start3A_239 : memref<10240x128xf32, #tpu.memory_space<vmem_shared>>) offsets(%dma_start3A_236 : memref<80xi32, #tpu.memory_space<vmem>>) semaphore(%run_scoped3A : memref<!tpu.dma_semaphore, #tpu.memory_space<semaphore_mem>>) {add = true}
          %dma_wait3A_240 = tpu.memref_slice %arg10[%multiple_of3A_209] : memref<4000xi32, #tpu.memory_space<vmem>> -> memref<80xi32, #tpu.memory_space<vmem>>
          %dma_wait3A_241 = arith.constant 0 : i32
          %dma_wait3A_242 = arith.constant 0 : i32
          %dma_wait3A_243 = tpu.memref_slice %arg14[%dma_wait3A_241, %dma_wait3A_242] : memref<10240x128xf32, #tpu.memory_space<vmem_shared>> -> memref<10240x128xf32, #tpu.memory_space<vmem_shared>>
          tpu.wait_indirect_dma semaphore(%run_scoped3A : memref<!tpu.dma_semaphore, #tpu.memory_space<semaphore_mem>>) src(%arg12 : memref<80x128xf32, #tpu.memory_space<vmem>>) dst(%dma_wait3A_243 : memref<10240x128xf32, #tpu.memory_space<vmem_shared>>)
          tpu.yield
        }) : () -> ()
        %add3A_210 = arith.constant 2 : i32
        %add3A_211 = arith.addi %add3A_199, %add3A_210 : i32
        %lt3A = arith.constant 50 : i32
        %lt3A_212 = arith.cmpi slt, %add3A_211, %lt3A : i32
        %convert_element_type3A_213 = arith.extui %lt3A_212 : i1 to i32
        %cond3A_214 = arith.constant 0 : i32
        %cond3A_215 = arith.cmpi ne, %convert_element_type3A_213, %cond3A_214 : i32
        scf.if %cond3A_215 {
          %add3A_236 = arith.constant 2 : i32
          %add3A_237 = arith.addi %add3A_199, %add3A_236 : i32
          %mul3A_238 = arith.constant 80 : i32
          %mul3A_239 = arith.muli %add3A_237, %mul3A_238 : i32
          %multiple_of3A_240 = tpu.assume_multiple %mul3A_239, 80 : i32
          %dma_start3A_241 = tpu.memref_slice %arg8[%multiple_of3A_240] : memref<4000xi32, #tpu.memory_space<vmem>> -> memref<80xi32, #tpu.memory_space<vmem>>
          %dma_start3A_242 = arith.constant 0 : i32
          %dma_start3A_243 = arith.constant 0 : i32
          %dma_start3A_244 = tpu.memref_slice %arg3[%dma_start3A_242, %dma_start3A_243] : memref<10000x128xf32, #tpu.memory_space<hbm>> -> memref<10000x128xf32, #tpu.memory_space<hbm>>
          tpu.enqueue_indirect_dma source(%dma_start3A_244 : memref<10000x128xf32, #tpu.memory_space<hbm>>) target(%arg12 : memref<80x128xf32, #tpu.memory_space<vmem>>) offsets(%dma_start3A_241 : memref<80xi32, #tpu.memory_space<vmem>>) semaphore(%arg15 : memref<!tpu.dma_semaphore, #tpu.memory_space<semaphore_mem>>)
        } else {
        }
        %add3A_216 = arith.constant 1 : i32
        %add3A_217 = arith.addi %mul3A_197, %add3A_216 : i32
        %mul3A_218 = arith.constant 80 : i32
        %mul3A_219 = arith.muli %add3A_217, %mul3A_218 : i32
        %multiple_of3A_220 = tpu.assume_multiple %mul3A_219, 80 : i32
        %dma_wait3A_221 = tpu.memref_slice %arg8[%multiple_of3A_220] : memref<4000xi32, #tpu.memory_space<vmem>> -> memref<80xi32, #tpu.memory_space<vmem>>
        %dma_wait3A_222 = arith.constant 0 : i32
        %dma_wait3A_223 = arith.constant 0 : i32
        %dma_wait3A_224 = tpu.memref_slice %arg3[%dma_wait3A_222, %dma_wait3A_223] : memref<10000x128xf32, #tpu.memory_space<hbm>> -> memref<10000x128xf32, #tpu.memory_space<hbm>>
        tpu.wait_indirect_dma semaphore(%arg16 : memref<!tpu.dma_semaphore, #tpu.memory_space<semaphore_mem>>) src(%dma_wait3A_224 : memref<10000x128xf32, #tpu.memory_space<hbm>>) dst(%arg13 : memref<80x128xf32, #tpu.memory_space<vmem>>)
        %mul3A_225 = arith.constant 80 : i32
        %mul3A_226 = arith.muli %add3A_217, %mul3A_225 : i32
        %multiple_of3A_227 = tpu.assume_multiple %mul3A_226, 80 : i32
        "tpu.region"() ({
          %run_scoped3A = tpu.sem_alloc : memref<!tpu.dma_semaphore, #tpu.memory_space<semaphore_mem>>
          %dma_start3A_236 = tpu.memref_slice %arg10[%multiple_of3A_227] : memref<4000xi32, #tpu.memory_space<vmem>> -> memref<80xi32, #tpu.memory_space<vmem>>
          %dma_start3A_237 = arith.constant 0 : i32
          %dma_start3A_238 = arith.constant 0 : i32
          %dma_start3A_239 = tpu.memref_slice %arg14[%dma_start3A_237, %dma_start3A_238] : memref<10240x128xf32, #tpu.memory_space<vmem_shared>> -> memref<10240x128xf32, #tpu.memory_space<vmem_shared>>
          tpu.enqueue_indirect_dma source(%arg13 : memref<80x128xf32, #tpu.memory_space<vmem>>) target(%dma_start3A_239 : memref<10240x128xf32, #tpu.memory_space<vmem_shared>>) offsets(%dma_start3A_236 : memref<80xi32, #tpu.memory_space<vmem>>) semaphore(%run_scoped3A : memref<!tpu.dma_semaphore, #tpu.memory_space<semaphore_mem>>) {add = true}
          %dma_wait3A_240 = tpu.memref_slice %arg10[%multiple_of3A_227] : memref<4000xi32, #tpu.memory_space<vmem>> -> memref<80xi32, #tpu.memory_space<vmem>>
          %dma_wait3A_241 = arith.constant 0 : i32
          %dma_wait3A_242 = arith.constant 0 : i32
          %dma_wait3A_243 = tpu.memref_slice %arg14[%dma_wait3A_241, %dma_wait3A_242] : memref<10240x128xf32, #tpu.memory_space<vmem_shared>> -> memref<10240x128xf32, #tpu.memory_space<vmem_shared>>
          tpu.wait_indirect_dma semaphore(%run_scoped3A : memref<!tpu.dma_semaphore, #tpu.memory_space<semaphore_mem>>) src(%arg13 : memref<80x128xf32, #tpu.memory_space<vmem>>) dst(%dma_wait3A_243 : memref<10240x128xf32, #tpu.memory_space<vmem_shared>>)
          tpu.yield
        }) : () -> ()
        %add3A_228 = arith.constant 2 : i32
        %add3A_229 = arith.addi %add3A_217, %add3A_228 : i32
        %lt3A_230 = arith.constant 50 : i32
        %lt3A_231 = arith.cmpi slt, %add3A_229, %lt3A_230 : i32
        %convert_element_type3A_232 = arith.extui %lt3A_231 : i1 to i32
        %cond3A_233 = arith.constant 0 : i32
        %cond3A_234 = arith.cmpi ne, %convert_element_type3A_232, %cond3A_233 : i32
        scf.if %cond3A_234 {
          %add3A_236 = arith.constant 2 : i32
          %add3A_237 = arith.addi %add3A_217, %add3A_236 : i32
          %mul3A_238 = arith.constant 80 : i32
          %mul3A_239 = arith.muli %add3A_237, %mul3A_238 : i32
          %multiple_of3A_240 = tpu.assume_multiple %mul3A_239, 80 : i32
          %dma_start3A_241 = tpu.memref_slice %arg8[%multiple_of3A_240] : memref<4000xi32, #tpu.memory_space<vmem>> -> memref<80xi32, #tpu.memory_space<vmem>>
          %dma_start3A_242 = arith.constant 0 : i32
          %dma_start3A_243 = arith.constant 0 : i32
          %dma_start3A_244 = tpu.memref_slice %arg3[%dma_start3A_242, %dma_start3A_243] : memref<10000x128xf32, #tpu.memory_space<hbm>> -> memref<10000x128xf32, #tpu.memory_space<hbm>>
          tpu.enqueue_indirect_dma source(%dma_start3A_244 : memref<10000x128xf32, #tpu.memory_space<hbm>>) target(%arg13 : memref<80x128xf32, #tpu.memory_space<vmem>>) offsets(%dma_start3A_241 : memref<80xi32, #tpu.memory_space<vmem>>) semaphore(%arg16 : memref<!tpu.dma_semaphore, #tpu.memory_space<semaphore_mem>>)
        } else {
        }
        %scan3A_235 = arith.constant 0 : i32
        scf.yield %scan3A_235 : i32
      }
      %scan3A_137 = arith.constant 25 : i32
      %add3A_138 = arith.constant 12000 : i32
      %add3A_139 = arith.addi %mul3A_2, %add3A_138 : i32
      %dma_wait3A_140 = tpu.memref_slice %arg4[%add3A_139] : memref<320000xi32, #tpu.memory_space<hbm>> -> memref<4000xi32, #tpu.memory_space<hbm>>
      %dma_wait3A_141 = tpu.memref_slice %arg4[%add3A_139] : memref<320000xi32, #tpu.memory_space<hbm>> -> memref<4000xi32, #tpu.memory_space<hbm>>
      tpu.wait_dma2 semaphore(%arg18 : memref<!tpu.dma_semaphore, #tpu.memory_space<semaphore_mem>>) src(%dma_wait3A_141 : memref<4000xi32, #tpu.memory_space<hbm>>) dst(%arg9 : memref<4000xi32, #tpu.memory_space<vmem>>)
      %dma_wait3A_142 = tpu.memref_slice %arg5[%add3A_139] : memref<320000xi32, #tpu.memory_space<hbm>> -> memref<4000xi32, #tpu.memory_space<hbm>>
      %dma_wait3A_143 = tpu.memref_slice %arg5[%add3A_139] : memref<320000xi32, #tpu.memory_space<hbm>> -> memref<4000xi32, #tpu.memory_space<hbm>>
      tpu.wait_dma2 semaphore(%arg18 : memref<!tpu.dma_semaphore, #tpu.memory_space<semaphore_mem>>) src(%dma_wait3A_143 : memref<4000xi32, #tpu.memory_space<hbm>>) dst(%arg11 : memref<4000xi32, #tpu.memory_space<vmem>>)
      %add3A_144 = arith.constant 16000 : i32
      %add3A_145 = arith.addi %mul3A_2, %add3A_144 : i32
      %dma_start3A_146 = tpu.memref_slice %arg4[%add3A_145] : memref<320000xi32, #tpu.memory_space<hbm>> -> memref<4000xi32, #tpu.memory_space<hbm>>
      %dma_start3A_147 = tpu.memref_slice %arg4[%add3A_145] : memref<320000xi32, #tpu.memory_space<hbm>> -> memref<4000xi32, #tpu.memory_space<hbm>>
      tpu.enqueue_dma source(%dma_start3A_147 : memref<4000xi32, #tpu.memory_space<hbm>>) target(%arg8 : memref<4000xi32, #tpu.memory_space<vmem>>) target_semaphore(%arg17 : memref<!tpu.dma_semaphore, #tpu.memory_space<semaphore_mem>>)
      %dma_start3A_148 = tpu.memref_slice %arg5[%add3A_145] : memref<320000xi32, #tpu.memory_space<hbm>> -> memref<4000xi32, #tpu.memory_space<hbm>>
      %dma_start3A_149 = tpu.memref_slice %arg5[%add3A_145] : memref<320000xi32, #tpu.memory_space<hbm>> -> memref<4000xi32, #tpu.memory_space<hbm>>
      tpu.enqueue_dma source(%dma_start3A_149 : memref<4000xi32, #tpu.memory_space<hbm>>) target(%arg10 : memref<4000xi32, #tpu.memory_space<vmem>>) target_semaphore(%arg17 : memref<!tpu.dma_semaphore, #tpu.memory_space<semaphore_mem>>)
      %multiple_of3A_150 = arith.constant 0 : i32
      %multiple_of3A_151 = tpu.assume_multiple %multiple_of3A_150, 80 : i32
      %dma_start3A_152 = tpu.memref_slice %arg9[%multiple_of3A_151] : memref<4000xi32, #tpu.memory_space<vmem>> -> memref<80xi32, #tpu.memory_space<vmem>>
      %dma_start3A_153 = arith.constant 0 : i32
      %dma_start3A_154 = arith.constant 0 : i32
      %dma_start3A_155 = tpu.memref_slice %arg3[%dma_start3A_153, %dma_start3A_154] : memref<10000x128xf32, #tpu.memory_space<hbm>> -> memref<10000x128xf32, #tpu.memory_space<hbm>>
      tpu.enqueue_indirect_dma source(%dma_start3A_155 : memref<10000x128xf32, #tpu.memory_space<hbm>>) target(%arg12 : memref<80x128xf32, #tpu.memory_space<vmem>>) offsets(%dma_start3A_152 : memref<80xi32, #tpu.memory_space<vmem>>) semaphore(%arg15 : memref<!tpu.dma_semaphore, #tpu.memory_space<semaphore_mem>>)
      %multiple_of3A_156 = arith.constant 80 : i32
      %multiple_of3A_157 = tpu.assume_multiple %multiple_of3A_156, 80 : i32
      %dma_start3A_158 = tpu.memref_slice %arg9[%multiple_of3A_157] : memref<4000xi32, #tpu.memory_space<vmem>> -> memref<80xi32, #tpu.memory_space<vmem>>
      %dma_start3A_159 = arith.constant 0 : i32
      %dma_start3A_160 = arith.constant 0 : i32
      %dma_start3A_161 = tpu.memref_slice %arg3[%dma_start3A_159, %dma_start3A_160] : memref<10000x128xf32, #tpu.memory_space<hbm>> -> memref<10000x128xf32, #tpu.memory_space<hbm>>
      tpu.enqueue_indirect_dma source(%dma_start3A_161 : memref<10000x128xf32, #tpu.memory_space<hbm>>) target(%arg13 : memref<80x128xf32, #tpu.memory_space<vmem>>) offsets(%dma_start3A_158 : memref<80xi32, #tpu.memory_space<vmem>>) semaphore(%arg16 : memref<!tpu.dma_semaphore, #tpu.memory_space<semaphore_mem>>)
      %scan3A_162 = arith.constant 0 : i32
      %scan3A_163 = arith.constant 0 : i32
      %scan3A_164 = arith.constant 25 : i32
      %scan3A_165 = arith.addi %scan3A_163, %scan3A_164 : i32
      %scan3A_166 = arith.constant 1 : i32
      %scan3A_167 = scf.for %scan3A_194 = %scan3A_163 to %scan3A_165 step %scan3A_166 iter_args(%scan3A_195 = %scan3A_162) -> (i32)  : i32 {
        %mul3A_196 = arith.constant 2 : i32
        %mul3A_197 = arith.muli %scan3A_194, %mul3A_196 : i32
        %add3A_198 = arith.constant 0 : i32
        %add3A_199 = arith.addi %mul3A_197, %add3A_198 : i32
        %mul3A_200 = arith.constant 80 : i32
        %mul3A_201 = arith.muli %add3A_199, %mul3A_200 : i32
        %multiple_of3A_202 = tpu.assume_multiple %mul3A_201, 80 : i32
        %dma_wait3A_203 = tpu.memref_slice %arg9[%multiple_of3A_202] : memref<4000xi32, #tpu.memory_space<vmem>> -> memref<80xi32, #tpu.memory_space<vmem>>
        %dma_wait3A_204 = arith.constant 0 : i32
        %dma_wait3A_205 = arith.constant 0 : i32
        %dma_wait3A_206 = tpu.memref_slice %arg3[%dma_wait3A_204, %dma_wait3A_205] : memref<10000x128xf32, #tpu.memory_space<hbm>> -> memref<10000x128xf32, #tpu.memory_space<hbm>>
        tpu.wait_indirect_dma semaphore(%arg15 : memref<!tpu.dma_semaphore, #tpu.memory_space<semaphore_mem>>) src(%dma_wait3A_206 : memref<10000x128xf32, #tpu.memory_space<hbm>>) dst(%arg12 : memref<80x128xf32, #tpu.memory_space<vmem>>)
        %mul3A_207 = arith.constant 80 : i32
        %mul3A_208 = arith.muli %add3A_199, %mul3A_207 : i32
        %multiple_of3A_209 = tpu.assume_multiple %mul3A_208, 80 : i32
        "tpu.region"() ({
          %run_scoped3A = tpu.sem_alloc : memref<!tpu.dma_semaphore, #tpu.memory_space<semaphore_mem>>
          %dma_start3A_236 = tpu.memref_slice %arg11[%multiple_of3A_209] : memref<4000xi32, #tpu.memory_space<vmem>> -> memref<80xi32, #tpu.memory_space<vmem>>
          %dma_start3A_237 = arith.constant 0 : i32
          %dma_start3A_238 = arith.constant 0 : i32
          %dma_start3A_239 = tpu.memref_slice %arg14[%dma_start3A_237, %dma_start3A_238] : memref<10240x128xf32, #tpu.memory_space<vmem_shared>> -> memref<10240x128xf32, #tpu.memory_space<vmem_shared>>
          tpu.enqueue_indirect_dma source(%arg12 : memref<80x128xf32, #tpu.memory_space<vmem>>) target(%dma_start3A_239 : memref<10240x128xf32, #tpu.memory_space<vmem_shared>>) offsets(%dma_start3A_236 : memref<80xi32, #tpu.memory_space<vmem>>) semaphore(%run_scoped3A : memref<!tpu.dma_semaphore, #tpu.memory_space<semaphore_mem>>) {add = true}
          %dma_wait3A_240 = tpu.memref_slice %arg11[%multiple_of3A_209] : memref<4000xi32, #tpu.memory_space<vmem>> -> memref<80xi32, #tpu.memory_space<vmem>>
          %dma_wait3A_241 = arith.constant 0 : i32
          %dma_wait3A_242 = arith.constant 0 : i32
          %dma_wait3A_243 = tpu.memref_slice %arg14[%dma_wait3A_241, %dma_wait3A_242] : memref<10240x128xf32, #tpu.memory_space<vmem_shared>> -> memref<10240x128xf32, #tpu.memory_space<vmem_shared>>
          tpu.wait_indirect_dma semaphore(%run_scoped3A : memref<!tpu.dma_semaphore, #tpu.memory_space<semaphore_mem>>) src(%arg12 : memref<80x128xf32, #tpu.memory_space<vmem>>) dst(%dma_wait3A_243 : memref<10240x128xf32, #tpu.memory_space<vmem_shared>>)
          tpu.yield
        }) : () -> ()
        %add3A_210 = arith.constant 2 : i32
        %add3A_211 = arith.addi %add3A_199, %add3A_210 : i32
        %lt3A = arith.constant 50 : i32
        %lt3A_212 = arith.cmpi slt, %add3A_211, %lt3A : i32
        %convert_element_type3A_213 = arith.extui %lt3A_212 : i1 to i32
        %cond3A_214 = arith.constant 0 : i32
        %cond3A_215 = arith.cmpi ne, %convert_element_type3A_213, %cond3A_214 : i32
        scf.if %cond3A_215 {
          %add3A_236 = arith.constant 2 : i32
          %add3A_237 = arith.addi %add3A_199, %add3A_236 : i32
          %mul3A_238 = arith.constant 80 : i32
          %mul3A_239 = arith.muli %add3A_237, %mul3A_238 : i32
          %multiple_of3A_240 = tpu.assume_multiple %mul3A_239, 80 : i32
          %dma_start3A_241 = tpu.memref_slice %arg9[%multiple_of3A_240] : memref<4000xi32, #tpu.memory_space<vmem>> -> memref<80xi32, #tpu.memory_space<vmem>>
          %dma_start3A_242 = arith.constant 0 : i32
          %dma_start3A_243 = arith.constant 0 : i32
          %dma_start3A_244 = tpu.memref_slice %arg3[%dma_start3A_242, %dma_start3A_243] : memref<10000x128xf32, #tpu.memory_space<hbm>> -> memref<10000x128xf32, #tpu.memory_space<hbm>>
          tpu.enqueue_indirect_dma source(%dma_start3A_244 : memref<10000x128xf32, #tpu.memory_space<hbm>>) target(%arg12 : memref<80x128xf32, #tpu.memory_space<vmem>>) offsets(%dma_start3A_241 : memref<80xi32, #tpu.memory_space<vmem>>) semaphore(%arg15 : memref<!tpu.dma_semaphore, #tpu.memory_space<semaphore_mem>>)
        } else {
        }
        %add3A_216 = arith.constant 1 : i32
        %add3A_217 = arith.addi %mul3A_197, %add3A_216 : i32
        %mul3A_218 = arith.constant 80 : i32
        %mul3A_219 = arith.muli %add3A_217, %mul3A_218 : i32
        %multiple_of3A_220 = tpu.assume_multiple %mul3A_219, 80 : i32
        %dma_wait3A_221 = tpu.memref_slice %arg9[%multiple_of3A_220] : memref<4000xi32, #tpu.memory_space<vmem>> -> memref<80xi32, #tpu.memory_space<vmem>>
        %dma_wait3A_222 = arith.constant 0 : i32
        %dma_wait3A_223 = arith.constant 0 : i32
        %dma_wait3A_224 = tpu.memref_slice %arg3[%dma_wait3A_222, %dma_wait3A_223] : memref<10000x128xf32, #tpu.memory_space<hbm>> -> memref<10000x128xf32, #tpu.memory_space<hbm>>
        tpu.wait_indirect_dma semaphore(%arg16 : memref<!tpu.dma_semaphore, #tpu.memory_space<semaphore_mem>>) src(%dma_wait3A_224 : memref<10000x128xf32, #tpu.memory_space<hbm>>) dst(%arg13 : memref<80x128xf32, #tpu.memory_space<vmem>>)
        %mul3A_225 = arith.constant 80 : i32
        %mul3A_226 = arith.muli %add3A_217, %mul3A_225 : i32
        %multiple_of3A_227 = tpu.assume_multiple %mul3A_226, 80 : i32
        "tpu.region"() ({
          %run_scoped3A = tpu.sem_alloc : memref<!tpu.dma_semaphore, #tpu.memory_space<semaphore_mem>>
          %dma_start3A_236 = tpu.memref_slice %arg11[%multiple_of3A_227] : memref<4000xi32, #tpu.memory_space<vmem>> -> memref<80xi32, #tpu.memory_space<vmem>>
          %dma_start3A_237 = arith.constant 0 : i32
          %dma_start3A_238 = arith.constant 0 : i32
          %dma_start3A_239 = tpu.memref_slice %arg14[%dma_start3A_237, %dma_start3A_238] : memref<10240x128xf32, #tpu.memory_space<vmem_shared>> -> memref<10240x128xf32, #tpu.memory_space<vmem_shared>>
          tpu.enqueue_indirect_dma source(%arg13 : memref<80x128xf32, #tpu.memory_space<vmem>>) target(%dma_start3A_239 : memref<10240x128xf32, #tpu.memory_space<vmem_shared>>) offsets(%dma_start3A_236 : memref<80xi32, #tpu.memory_space<vmem>>) semaphore(%run_scoped3A : memref<!tpu.dma_semaphore, #tpu.memory_space<semaphore_mem>>) {add = true}
          %dma_wait3A_240 = tpu.memref_slice %arg11[%multiple_of3A_227] : memref<4000xi32, #tpu.memory_space<vmem>> -> memref<80xi32, #tpu.memory_space<vmem>>
          %dma_wait3A_241 = arith.constant 0 : i32
          %dma_wait3A_242 = arith.constant 0 : i32
          %dma_wait3A_243 = tpu.memref_slice %arg14[%dma_wait3A_241, %dma_wait3A_242] : memref<10240x128xf32, #tpu.memory_space<vmem_shared>> -> memref<10240x128xf32, #tpu.memory_space<vmem_shared>>
          tpu.wait_indirect_dma semaphore(%run_scoped3A : memref<!tpu.dma_semaphore, #tpu.memory_space<semaphore_mem>>) src(%arg13 : memref<80x128xf32, #tpu.memory_space<vmem>>) dst(%dma_wait3A_243 : memref<10240x128xf32, #tpu.memory_space<vmem_shared>>)
          tpu.yield
        }) : () -> ()
        %add3A_228 = arith.constant 2 : i32
        %add3A_229 = arith.addi %add3A_217, %add3A_228 : i32
        %lt3A_230 = arith.constant 50 : i32
        %lt3A_231 = arith.cmpi slt, %add3A_229, %lt3A_230 : i32
        %convert_element_type3A_232 = arith.extui %lt3A_231 : i1 to i32
        %cond3A_233 = arith.constant 0 : i32
        %cond3A_234 = arith.cmpi ne, %convert_element_type3A_232, %cond3A_233 : i32
        scf.if %cond3A_234 {
          %add3A_236 = arith.constant 2 : i32
          %add3A_237 = arith.addi %add3A_217, %add3A_236 : i32
          %mul3A_238 = arith.constant 80 : i32
          %mul3A_239 = arith.muli %add3A_237, %mul3A_238 : i32
          %multiple_of3A_240 = tpu.assume_multiple %mul3A_239, 80 : i32
          %dma_start3A_241 = tpu.memref_slice %arg9[%multiple_of3A_240] : memref<4000xi32, #tpu.memory_space<vmem>> -> memref<80xi32, #tpu.memory_space<vmem>>
          %dma_start3A_242 = arith.constant 0 : i32
          %dma_start3A_243 = arith.constant 0 : i32
          %dma_start3A_244 = tpu.memref_slice %arg3[%dma_start3A_242, %dma_start3A_243] : memref<10000x128xf32, #tpu.memory_space<hbm>> -> memref<10000x128xf32, #tpu.memory_space<hbm>>
          tpu.enqueue_indirect_dma source(%dma_start3A_244 : memref<10000x128xf32, #tpu.memory_space<hbm>>) target(%arg13 : memref<80x128xf32, #tpu.memory_space<vmem>>) offsets(%dma_start3A_241 : memref<80xi32, #tpu.memory_space<vmem>>) semaphore(%arg16 : memref<!tpu.dma_semaphore, #tpu.memory_space<semaphore_mem>>)
        } else {
        }
        %scan3A_235 = arith.constant 0 : i32
        scf.yield %scan3A_235 : i32
      }
      %scan3A_168 = arith.constant 25 : i32
      %add3A_169 = arith.constant 16000 : i32
      %add3A_170 = arith.addi %mul3A_2, %add3A_169 : i32
      %dma_wait3A_171 = tpu.memref_slice %arg4[%add3A_170] : memref<320000xi32, #tpu.memory_space<hbm>> -> memref<4000xi32, #tpu.memory_space<hbm>>
      %dma_wait3A_172 = tpu.memref_slice %arg4[%add3A_170] : memref<320000xi32, #tpu.memory_space<hbm>> -> memref<4000xi32, #tpu.memory_space<hbm>>
      tpu.wait_dma2 semaphore(%arg17 : memref<!tpu.dma_semaphore, #tpu.memory_space<semaphore_mem>>) src(%dma_wait3A_172 : memref<4000xi32, #tpu.memory_space<hbm>>) dst(%arg8 : memref<4000xi32, #tpu.memory_space<vmem>>)
      %dma_wait3A_173 = tpu.memref_slice %arg5[%add3A_170] : memref<320000xi32, #tpu.memory_space<hbm>> -> memref<4000xi32, #tpu.memory_space<hbm>>
      %dma_wait3A_174 = tpu.memref_slice %arg5[%add3A_170] : memref<320000xi32, #tpu.memory_space<hbm>> -> memref<4000xi32, #tpu.memory_space<hbm>>
      tpu.wait_dma2 semaphore(%arg17 : memref<!tpu.dma_semaphore, #tpu.memory_space<semaphore_mem>>) src(%dma_wait3A_174 : memref<4000xi32, #tpu.memory_space<hbm>>) dst(%arg10 : memref<4000xi32, #tpu.memory_space<vmem>>)
      %multiple_of3A_175 = arith.constant 0 : i32
      %multiple_of3A_176 = tpu.assume_multiple %multiple_of3A_175, 80 : i32
      %dma_start3A_177 = tpu.memref_slice %arg8[%multiple_of3A_176] : memref<4000xi32, #tpu.memory_space<vmem>> -> memref<80xi32, #tpu.memory_space<vmem>>
      %dma_start3A_178 = arith.constant 0 : i32
      %dma_start3A_179 = arith.constant 0 : i32
      %dma_start3A_180 = tpu.memref_slice %arg3[%dma_start3A_178, %dma_start3A_179] : memref<10000x128xf32, #tpu.memory_space<hbm>> -> memref<10000x128xf32, #tpu.memory_space<hbm>>
      tpu.enqueue_indirect_dma source(%dma_start3A_180 : memref<10000x128xf32, #tpu.memory_space<hbm>>) target(%arg12 : memref<80x128xf32, #tpu.memory_space<vmem>>) offsets(%dma_start3A_177 : memref<80xi32, #tpu.memory_space<vmem>>) semaphore(%arg15 : memref<!tpu.dma_semaphore, #tpu.memory_space<semaphore_mem>>)
      %multiple_of3A_181 = arith.constant 80 : i32
      %multiple_of3A_182 = tpu.assume_multiple %multiple_of3A_181, 80 : i32
      %dma_start3A_183 = tpu.memref_slice %arg8[%multiple_of3A_182] : memref<4000xi32, #tpu.memory_space<vmem>> -> memref<80xi32, #tpu.memory_space<vmem>>
      %dma_start3A_184 = arith.constant 0 : i32
      %dma_start3A_185 = arith.constant 0 : i32
      %dma_start3A_186 = tpu.memref_slice %arg3[%dma_start3A_184, %dma_start3A_185] : memref<10000x128xf32, #tpu.memory_space<hbm>> -> memref<10000x128xf32, #tpu.memory_space<hbm>>
      tpu.enqueue_indirect_dma source(%dma_start3A_186 : memref<10000x128xf32, #tpu.memory_space<hbm>>) target(%arg13 : memref<80x128xf32, #tpu.memory_space<vmem>>) offsets(%dma_start3A_183 : memref<80xi32, #tpu.memory_space<vmem>>) semaphore(%arg16 : memref<!tpu.dma_semaphore, #tpu.memory_space<semaphore_mem>>)
      %scan3A_187 = arith.constant 0 : i32
      %scan3A_188 = arith.constant 0 : i32
      %scan3A_189 = arith.constant 25 : i32
      %scan3A_190 = arith.addi %scan3A_188, %scan3A_189 : i32
      %scan3A_191 = arith.constant 1 : i32
      %scan3A_192 = scf.for %scan3A_194 = %scan3A_188 to %scan3A_190 step %scan3A_191 iter_args(%scan3A_195 = %scan3A_187) -> (i32)  : i32 {
        %mul3A_196 = arith.constant 2 : i32
        %mul3A_197 = arith.muli %scan3A_194, %mul3A_196 : i32
        %add3A_198 = arith.constant 0 : i32
        %add3A_199 = arith.addi %mul3A_197, %add3A_198 : i32
        %mul3A_200 = arith.constant 80 : i32
        %mul3A_201 = arith.muli %add3A_199, %mul3A_200 : i32
        %multiple_of3A_202 = tpu.assume_multiple %mul3A_201, 80 : i32
        %dma_wait3A_203 = tpu.memref_slice %arg8[%multiple_of3A_202] : memref<4000xi32, #tpu.memory_space<vmem>> -> memref<80xi32, #tpu.memory_space<vmem>>
        %dma_wait3A_204 = arith.constant 0 : i32
        %dma_wait3A_205 = arith.constant 0 : i32
        %dma_wait3A_206 = tpu.memref_slice %arg3[%dma_wait3A_204, %dma_wait3A_205] : memref<10000x128xf32, #tpu.memory_space<hbm>> -> memref<10000x128xf32, #tpu.memory_space<hbm>>
        tpu.wait_indirect_dma semaphore(%arg15 : memref<!tpu.dma_semaphore, #tpu.memory_space<semaphore_mem>>) src(%dma_wait3A_206 : memref<10000x128xf32, #tpu.memory_space<hbm>>) dst(%arg12 : memref<80x128xf32, #tpu.memory_space<vmem>>)
        %mul3A_207 = arith.constant 80 : i32
        %mul3A_208 = arith.muli %add3A_199, %mul3A_207 : i32
        %multiple_of3A_209 = tpu.assume_multiple %mul3A_208, 80 : i32
        "tpu.region"() ({
          %run_scoped3A = tpu.sem_alloc : memref<!tpu.dma_semaphore, #tpu.memory_space<semaphore_mem>>
          %dma_start3A_236 = tpu.memref_slice %arg10[%multiple_of3A_209] : memref<4000xi32, #tpu.memory_space<vmem>> -> memref<80xi32, #tpu.memory_space<vmem>>
          %dma_start3A_237 = arith.constant 0 : i32
          %dma_start3A_238 = arith.constant 0 : i32
          %dma_start3A_239 = tpu.memref_slice %arg14[%dma_start3A_237, %dma_start3A_238] : memref<10240x128xf32, #tpu.memory_space<vmem_shared>> -> memref<10240x128xf32, #tpu.memory_space<vmem_shared>>
          tpu.enqueue_indirect_dma source(%arg12 : memref<80x128xf32, #tpu.memory_space<vmem>>) target(%dma_start3A_239 : memref<10240x128xf32, #tpu.memory_space<vmem_shared>>) offsets(%dma_start3A_236 : memref<80xi32, #tpu.memory_space<vmem>>) semaphore(%run_scoped3A : memref<!tpu.dma_semaphore, #tpu.memory_space<semaphore_mem>>) {add = true}
          %dma_wait3A_240 = tpu.memref_slice %arg10[%multiple_of3A_209] : memref<4000xi32, #tpu.memory_space<vmem>> -> memref<80xi32, #tpu.memory_space<vmem>>
          %dma_wait3A_241 = arith.constant 0 : i32
          %dma_wait3A_242 = arith.constant 0 : i32
          %dma_wait3A_243 = tpu.memref_slice %arg14[%dma_wait3A_241, %dma_wait3A_242] : memref<10240x128xf32, #tpu.memory_space<vmem_shared>> -> memref<10240x128xf32, #tpu.memory_space<vmem_shared>>
          tpu.wait_indirect_dma semaphore(%run_scoped3A : memref<!tpu.dma_semaphore, #tpu.memory_space<semaphore_mem>>) src(%arg12 : memref<80x128xf32, #tpu.memory_space<vmem>>) dst(%dma_wait3A_243 : memref<10240x128xf32, #tpu.memory_space<vmem_shared>>)
          tpu.yield
        }) : () -> ()
        %add3A_210 = arith.constant 2 : i32
        %add3A_211 = arith.addi %add3A_199, %add3A_210 : i32
        %lt3A = arith.constant 50 : i32
        %lt3A_212 = arith.cmpi slt, %add3A_211, %lt3A : i32
        %convert_element_type3A_213 = arith.extui %lt3A_212 : i1 to i32
        %cond3A_214 = arith.constant 0 : i32
        %cond3A_215 = arith.cmpi ne, %convert_element_type3A_213, %cond3A_214 : i32
        scf.if %cond3A_215 {
          %add3A_236 = arith.constant 2 : i32
          %add3A_237 = arith.addi %add3A_199, %add3A_236 : i32
          %mul3A_238 = arith.constant 80 : i32
          %mul3A_239 = arith.muli %add3A_237, %mul3A_238 : i32
          %multiple_of3A_240 = tpu.assume_multiple %mul3A_239, 80 : i32
          %dma_start3A_241 = tpu.memref_slice %arg8[%multiple_of3A_240] : memref<4000xi32, #tpu.memory_space<vmem>> -> memref<80xi32, #tpu.memory_space<vmem>>
          %dma_start3A_242 = arith.constant 0 : i32
          %dma_start3A_243 = arith.constant 0 : i32
          %dma_start3A_244 = tpu.memref_slice %arg3[%dma_start3A_242, %dma_start3A_243] : memref<10000x128xf32, #tpu.memory_space<hbm>> -> memref<10000x128xf32, #tpu.memory_space<hbm>>
          tpu.enqueue_indirect_dma source(%dma_start3A_244 : memref<10000x128xf32, #tpu.memory_space<hbm>>) target(%arg12 : memref<80x128xf32, #tpu.memory_space<vmem>>) offsets(%dma_start3A_241 : memref<80xi32, #tpu.memory_space<vmem>>) semaphore(%arg15 : memref<!tpu.dma_semaphore, #tpu.memory_space<semaphore_mem>>)
        } else {
        }
        %add3A_216 = arith.constant 1 : i32
        %add3A_217 = arith.addi %mul3A_197, %add3A_216 : i32
        %mul3A_218 = arith.constant 80 : i32
        %mul3A_219 = arith.muli %add3A_217, %mul3A_218 : i32
        %multiple_of3A_220 = tpu.assume_multiple %mul3A_219, 80 : i32
        %dma_wait3A_221 = tpu.memref_slice %arg8[%multiple_of3A_220] : memref<4000xi32, #tpu.memory_space<vmem>> -> memref<80xi32, #tpu.memory_space<vmem>>
        %dma_wait3A_222 = arith.constant 0 : i32
        %dma_wait3A_223 = arith.constant 0 : i32
        %dma_wait3A_224 = tpu.memref_slice %arg3[%dma_wait3A_222, %dma_wait3A_223] : memref<10000x128xf32, #tpu.memory_space<hbm>> -> memref<10000x128xf32, #tpu.memory_space<hbm>>
        tpu.wait_indirect_dma semaphore(%arg16 : memref<!tpu.dma_semaphore, #tpu.memory_space<semaphore_mem>>) src(%dma_wait3A_224 : memref<10000x128xf32, #tpu.memory_space<hbm>>) dst(%arg13 : memref<80x128xf32, #tpu.memory_space<vmem>>)
        %mul3A_225 = arith.constant 80 : i32
        %mul3A_226 = arith.muli %add3A_217, %mul3A_225 : i32
        %multiple_of3A_227 = tpu.assume_multiple %mul3A_226, 80 : i32
        "tpu.region"() ({
          %run_scoped3A = tpu.sem_alloc : memref<!tpu.dma_semaphore, #tpu.memory_space<semaphore_mem>>
          %dma_start3A_236 = tpu.memref_slice %arg10[%multiple_of3A_227] : memref<4000xi32, #tpu.memory_space<vmem>> -> memref<80xi32, #tpu.memory_space<vmem>>
          %dma_start3A_237 = arith.constant 0 : i32
          %dma_start3A_238 = arith.constant 0 : i32
          %dma_start3A_239 = tpu.memref_slice %arg14[%dma_start3A_237, %dma_start3A_238] : memref<10240x128xf32, #tpu.memory_space<vmem_shared>> -> memref<10240x128xf32, #tpu.memory_space<vmem_shared>>
          tpu.enqueue_indirect_dma source(%arg13 : memref<80x128xf32, #tpu.memory_space<vmem>>) target(%dma_start3A_239 : memref<10240x128xf32, #tpu.memory_space<vmem_shared>>) offsets(%dma_start3A_236 : memref<80xi32, #tpu.memory_space<vmem>>) semaphore(%run_scoped3A : memref<!tpu.dma_semaphore, #tpu.memory_space<semaphore_mem>>) {add = true}
          %dma_wait3A_240 = tpu.memref_slice %arg10[%multiple_of3A_227] : memref<4000xi32, #tpu.memory_space<vmem>> -> memref<80xi32, #tpu.memory_space<vmem>>
          %dma_wait3A_241 = arith.constant 0 : i32
          %dma_wait3A_242 = arith.constant 0 : i32
          %dma_wait3A_243 = tpu.memref_slice %arg14[%dma_wait3A_241, %dma_wait3A_242] : memref<10240x128xf32, #tpu.memory_space<vmem_shared>> -> memref<10240x128xf32, #tpu.memory_space<vmem_shared>>
          tpu.wait_indirect_dma semaphore(%run_scoped3A : memref<!tpu.dma_semaphore, #tpu.memory_space<semaphore_mem>>) src(%arg13 : memref<80x128xf32, #tpu.memory_space<vmem>>) dst(%dma_wait3A_243 : memref<10240x128xf32, #tpu.memory_space<vmem_shared>>)
          tpu.yield
        }) : () -> ()
        %add3A_228 = arith.constant 2 : i32
        %add3A_229 = arith.addi %add3A_217, %add3A_228 : i32
        %lt3A_230 = arith.constant 50 : i32
        %lt3A_231 = arith.cmpi slt, %add3A_229, %lt3A_230 : i32
        %convert_element_type3A_232 = arith.extui %lt3A_231 : i1 to i32
        %cond3A_233 = arith.constant 0 : i32
        %cond3A_234 = arith.cmpi ne, %convert_element_type3A_232, %cond3A_233 : i32
        scf.if %cond3A_234 {
          %add3A_236 = arith.constant 2 : i32
          %add3A_237 = arith.addi %add3A_217, %add3A_236 : i32
          %mul3A_238 = arith.constant 80 : i32
          %mul3A_239 = arith.muli %add3A_237, %mul3A_238 : i32
          %multiple_of3A_240 = tpu.assume_multiple %mul3A_239, 80 : i32
          %dma_start3A_241 = tpu.memref_slice %arg8[%multiple_of3A_240] : memref<4000xi32, #tpu.memory_space<vmem>> -> memref<80xi32, #tpu.memory_space<vmem>>
          %dma_start3A_242 = arith.constant 0 : i32
          %dma_start3A_243 = arith.constant 0 : i32
          %dma_start3A_244 = tpu.memref_slice %arg3[%dma_start3A_242, %dma_start3A_243] : memref<10000x128xf32, #tpu.memory_space<hbm>> -> memref<10000x128xf32, #tpu.memory_space<hbm>>
          tpu.enqueue_indirect_dma source(%dma_start3A_244 : memref<10000x128xf32, #tpu.memory_space<hbm>>) target(%arg13 : memref<80x128xf32, #tpu.memory_space<vmem>>) offsets(%dma_start3A_241 : memref<80xi32, #tpu.memory_space<vmem>>) semaphore(%arg16 : memref<!tpu.dma_semaphore, #tpu.memory_space<semaphore_mem>>)
        } else {
        }
        %scan3A_235 = arith.constant 0 : i32
        scf.yield %scan3A_235 : i32
      }
      %scan3A_193 = arith.constant 25 : i32
    } else {
    }
    %barrier3A_36 = arith.constant 0 : index
    tpu.barrier barrier_id(%barrier3A_36)
    %eq3A_37 = arith.constant 0 : i32
    %eq3A_38 = arith.cmpi eq, %arg0, %eq3A_37 : i32
    %convert_element_type3A_39 = arith.extui %eq3A_38 : i1 to i32
    %cond3A_40 = arith.constant 0 : i32
    %cond3A_41 = arith.cmpi ne, %convert_element_type3A_39, %cond3A_40 : i32
    scf.if %cond3A_41 {
      "tpu.region"() ({
        %run_scoped3A = tpu.sem_alloc : memref<!tpu.dma_semaphore, #tpu.memory_space<semaphore_mem>>
        %dma_start3A_47 = arith.constant 0 : i32
        %dma_start3A_48 = tpu.memref_slice %arg6[%mul3A_0, %dma_start3A_47] : memref<10240x128xf32, #tpu.memory_space<hbm>> -> memref<640x128xf32, #tpu.memory_space<hbm>>
        %dma_start3A_49 = arith.constant 0 : i32
        %dma_start3A_50 = tpu.memref_slice %arg14[%mul3A_0, %dma_start3A_49] : memref<10240x128xf32, #tpu.memory_space<vmem_shared>> -> memref<640x128xf32, #tpu.memory_space<vmem_shared>>
        tpu.enqueue_dma source(%dma_start3A_50 : memref<640x128xf32, #tpu.memory_space<vmem_shared>>) target(%dma_start3A_48 : memref<640x128xf32, #tpu.memory_space<hbm>>) target_semaphore(%run_scoped3A : memref<!tpu.dma_semaphore, #tpu.memory_space<semaphore_mem>>)
        %dma_wait3A = arith.constant 0 : i32
        %dma_wait3A_51 = tpu.memref_slice %arg6[%mul3A_0, %dma_wait3A] : memref<10240x128xf32, #tpu.memory_space<hbm>> -> memref<640x128xf32, #tpu.memory_space<hbm>>
        %dma_wait3A_52 = arith.constant 0 : i32
        %dma_wait3A_53 = tpu.memref_slice %arg14[%mul3A_0, %dma_wait3A_52] : memref<10240x128xf32, #tpu.memory_space<vmem_shared>> -> memref<640x128xf32, #tpu.memory_space<vmem_shared>>
        tpu.wait_dma2 semaphore(%run_scoped3A : memref<!tpu.dma_semaphore, #tpu.memory_space<semaphore_mem>>) src(%dma_wait3A_53 : memref<640x128xf32, #tpu.memory_space<vmem_shared>>) dst(%dma_wait3A_51 : memref<640x128xf32, #tpu.memory_space<hbm>>)
        tpu.yield
      }) : () -> ()
    } else {
    }
    %eq3A_42 = arith.constant 1 : i32
    %eq3A_43 = arith.cmpi eq, %arg0, %eq3A_42 : i32
    %convert_element_type3A_44 = arith.extui %eq3A_43 : i1 to i32
    %cond3A_45 = arith.constant 0 : i32
    %cond3A_46 = arith.cmpi ne, %convert_element_type3A_44, %cond3A_45 : i32
    scf.if %cond3A_46 {
      "tpu.region"() ({
        %run_scoped3A = tpu.sem_alloc : memref<!tpu.dma_semaphore, #tpu.memory_space<semaphore_mem>>
        %dma_start3A_47 = arith.constant 0 : i32
        %dma_start3A_48 = tpu.memref_slice %arg7[%mul3A_0, %dma_start3A_47] : memref<10240x128xf32, #tpu.memory_space<hbm>> -> memref<640x128xf32, #tpu.memory_space<hbm>>
        %dma_start3A_49 = arith.constant 0 : i32
        %dma_start3A_50 = tpu.memref_slice %arg14[%mul3A_0, %dma_start3A_49] : memref<10240x128xf32, #tpu.memory_space<vmem_shared>> -> memref<640x128xf32, #tpu.memory_space<vmem_shared>>
        tpu.enqueue_dma source(%dma_start3A_50 : memref<640x128xf32, #tpu.memory_space<vmem_shared>>) target(%dma_start3A_48 : memref<640x128xf32, #tpu.memory_space<hbm>>) target_semaphore(%run_scoped3A : memref<!tpu.dma_semaphore, #tpu.memory_space<semaphore_mem>>)
        %dma_wait3A = arith.constant 0 : i32
        %dma_wait3A_51 = tpu.memref_slice %arg7[%mul3A_0, %dma_wait3A] : memref<10240x128xf32, #tpu.memory_space<hbm>> -> memref<640x128xf32, #tpu.memory_space<hbm>>
        %dma_wait3A_52 = arith.constant 0 : i32
        %dma_wait3A_53 = tpu.memref_slice %arg14[%mul3A_0, %dma_wait3A_52] : memref<10240x128xf32, #tpu.memory_space<vmem_shared>> -> memref<640x128xf32, #tpu.memory_space<vmem_shared>>
        tpu.wait_dma2 semaphore(%run_scoped3A : memref<!tpu.dma_semaphore, #tpu.memory_space<semaphore_mem>>) src(%dma_wait3A_53 : memref<640x128xf32, #tpu.memory_space<vmem_shared>>) dst(%dma_wait3A_51 : memref<640x128xf32, #tpu.memory_space<hbm>>)
        tpu.yield
      }) : () -> ()
    } else {
    }
    return
  }
}

#map = affine_map<(d0, d1) -> (0, 0)>
#map1 = affine_map<(d0, d1) -> (0)>
#map2 = affine_map<(d0, d1) -> (0, 0, 0)>
module attributes {stable_mosaic.version = 14 : i64} {
  func.func @sc_segsum_l1(%arg0: i32, %arg1: i32, %arg2: memref<10240x128xf32, #tpu.memory_space<hbm>>, %arg3: memref<320000xi32, #tpu.memory_space<hbm>>, %arg4: memref<320000xi32, #tpu.memory_space<hbm>>, %arg5: memref<2x10240x128xf32, #tpu.memory_space<hbm>>, %arg6: memref<10000xi32, #tpu.memory_space<vmem>>, %arg7: memref<10000xi32, #tpu.memory_space<vmem>>, %arg8: memref<80x128xf32, #tpu.memory_space<vmem>>, %arg9: memref<80x128xf32, #tpu.memory_space<vmem>>, %arg10: memref<10240x128xf32, #tpu.memory_space<vmem_shared>>, %arg11: memref<!tpu.dma_semaphore, #tpu.memory_space<semaphore_mem>>, %arg12: memref<!tpu.dma_semaphore, #tpu.memory_space<semaphore_mem>>) attributes {dimension_semantics = [#tpu.dimension_semantics<core_parallel>, #tpu.dimension_semantics<subcore_parallel>], iteration_bounds = array<i64: 2, 16>, scalar_prefetch = 0 : i64, scratch_operands = 7 : i64, tpu.core_type = #tpu.core_type<sc_vector_subcore>, window_params = [{transform_indices = #map}, {transform_indices = #map1}, {transform_indices = #map1}, {transform_indices = #map2}]} {
    %mul3A = arith.constant 2 : i32
    %mul3A_0 = arith.muli %arg1, %mul3A : i32
    %add3A = arith.addi %mul3A_0, %arg0 : i32
    %mul3A_1 = arith.constant 640 : i32
    %mul3A_2 = arith.muli %arg1, %mul3A_1 : i32
    %mul3A_3 = arith.constant 10000 : i32
    %mul3A_4 = arith.muli %add3A, %mul3A_3 : i32
    "tpu.region"() ({
      %run_scoped3A = tpu.sem_alloc : memref<!tpu.dma_semaphore, #tpu.memory_space<semaphore_mem>>
      %dma_start3A_54 = tpu.memref_slice %arg3[%mul3A_4] : memref<320000xi32, #tpu.memory_space<hbm>> -> memref<10000xi32, #tpu.memory_space<hbm>>
      %dma_start3A_55 = tpu.memref_slice %arg3[%mul3A_4] : memref<320000xi32, #tpu.memory_space<hbm>> -> memref<10000xi32, #tpu.memory_space<hbm>>
      tpu.enqueue_dma source(%dma_start3A_55 : memref<10000xi32, #tpu.memory_space<hbm>>) target(%arg6 : memref<10000xi32, #tpu.memory_space<vmem>>) target_semaphore(%run_scoped3A : memref<!tpu.dma_semaphore, #tpu.memory_space<semaphore_mem>>)
      %dma_wait3A_56 = tpu.memref_slice %arg3[%mul3A_4] : memref<320000xi32, #tpu.memory_space<hbm>> -> memref<10000xi32, #tpu.memory_space<hbm>>
      %dma_wait3A_57 = tpu.memref_slice %arg3[%mul3A_4] : memref<320000xi32, #tpu.memory_space<hbm>> -> memref<10000xi32, #tpu.memory_space<hbm>>
      tpu.wait_dma2 semaphore(%run_scoped3A : memref<!tpu.dma_semaphore, #tpu.memory_space<semaphore_mem>>) src(%dma_wait3A_57 : memref<10000xi32, #tpu.memory_space<hbm>>) dst(%arg6 : memref<10000xi32, #tpu.memory_space<vmem>>)
      tpu.yield
    }) : () -> ()
    %mul3A_5 = arith.constant 10000 : i32
    %mul3A_6 = arith.muli %add3A, %mul3A_5 : i32
    "tpu.region"() ({
      %run_scoped3A = tpu.sem_alloc : memref<!tpu.dma_semaphore, #tpu.memory_space<semaphore_mem>>
      %dma_start3A_54 = tpu.memref_slice %arg4[%mul3A_6] : memref<320000xi32, #tpu.memory_space<hbm>> -> memref<10000xi32, #tpu.memory_space<hbm>>
      %dma_start3A_55 = tpu.memref_slice %arg4[%mul3A_6] : memref<320000xi32, #tpu.memory_space<hbm>> -> memref<10000xi32, #tpu.memory_space<hbm>>
      tpu.enqueue_dma source(%dma_start3A_55 : memref<10000xi32, #tpu.memory_space<hbm>>) target(%arg7 : memref<10000xi32, #tpu.memory_space<vmem>>) target_semaphore(%run_scoped3A : memref<!tpu.dma_semaphore, #tpu.memory_space<semaphore_mem>>)
      %dma_wait3A_56 = tpu.memref_slice %arg4[%mul3A_6] : memref<320000xi32, #tpu.memory_space<hbm>> -> memref<10000xi32, #tpu.memory_space<hbm>>
      %dma_wait3A_57 = tpu.memref_slice %arg4[%mul3A_6] : memref<320000xi32, #tpu.memory_space<hbm>> -> memref<10000xi32, #tpu.memory_space<hbm>>
      tpu.wait_dma2 semaphore(%run_scoped3A : memref<!tpu.dma_semaphore, #tpu.memory_space<semaphore_mem>>) src(%dma_wait3A_57 : memref<10000xi32, #tpu.memory_space<hbm>>) dst(%arg7 : memref<10000xi32, #tpu.memory_space<vmem>>)
      tpu.yield
    }) : () -> ()
    %scan3A = arith.constant 0 : i32
    %scan3A_7 = arith.constant 0 : i32
    %scan3A_8 = arith.constant 80 : i32
    %scan3A_9 = arith.addi %scan3A_7, %scan3A_8 : i32
    %scan3A_10 = arith.constant 1 : i32
    %scan3A_11 = scf.for %scan3A_54 = %scan3A_7 to %scan3A_9 step %scan3A_10 iter_args(%scan3A_55 = %scan3A) -> (i32)  : i32 {
      %broadcast_in_dim3A = arith.constant 0.000000e+00 : f32
      %broadcast_in_dim3A_56 = vector.broadcast %broadcast_in_dim3A : f32 to vector<16xf32>
      %swap3A = arith.index_cast %scan3A_54 : i32 to index
      %swap3A_57 = arith.constant 0 : index
      %swap3A_58 = tpu.vector_load %arg8[%swap3A, %swap3A_57] {strides = array<i32>} : memref<80x128xf32, #tpu.memory_space<vmem>>, vector<1x16xf32>,
      %swap3A_59 = vector.shape_cast %swap3A_58 : vector<1x16xf32> to vector<16xf32>
      %swap3A_60 = vector.shape_cast %broadcast_in_dim3A_56 : vector<16xf32> to vector<1x16xf32>
      tpu.vector_store %arg8[%swap3A, %swap3A_57], %swap3A_60 {strides = array<i32>} : memref<80x128xf32, #tpu.memory_space<vmem>>, vector<1x16xf32>,
      %broadcast_in_dim3A_61 = arith.constant 0.000000e+00 : f32
      %broadcast_in_dim3A_62 = vector.broadcast %broadcast_in_dim3A_61 : f32 to vector<16xf32>
      %swap3A_63 = arith.index_cast %scan3A_54 : i32 to index
      %swap3A_64 = arith.constant 16 : index
      %swap3A_65 = tpu.vector_load %arg8[%swap3A_63, %swap3A_64] {strides = array<i32>} : memref<80x128xf32, #tpu.memory_space<vmem>>, vector<1x16xf32>,
      %swap3A_66 = vector.shape_cast %swap3A_65 : vector<1x16xf32> to vector<16xf32>
      %swap3A_67 = vector.shape_cast %broadcast_in_dim3A_62 : vector<16xf32> to vector<1x16xf32>
      tpu.vector_store %arg8[%swap3A_63, %swap3A_64], %swap3A_67 {strides = array<i32>} : memref<80x128xf32, #tpu.memory_space<vmem>>, vector<1x16xf32>,
      %broadcast_in_dim3A_68 = arith.constant 0.000000e+00 : f32
      %broadcast_in_dim3A_69 = vector.broadcast %broadcast_in_dim3A_68 : f32 to vector<16xf32>
      %swap3A_70 = arith.index_cast %scan3A_54 : i32 to index
      %swap3A_71 = arith.constant 32 : index
      %swap3A_72 = tpu.vector_load %arg8[%swap3A_70, %swap3A_71] {strides = array<i32>} : memref<80x128xf32, #tpu.memory_space<vmem>>, vector<1x16xf32>,
      %swap3A_73 = vector.shape_cast %swap3A_72 : vector<1x16xf32> to vector<16xf32>
      %swap3A_74 = vector.shape_cast %broadcast_in_dim3A_69 : vector<16xf32> to vector<1x16xf32>
      tpu.vector_store %arg8[%swap3A_70, %swap3A_71], %swap3A_74 {strides = array<i32>} : memref<80x128xf32, #tpu.memory_space<vmem>>, vector<1x16xf32>,
      %broadcast_in_dim3A_75 = arith.constant 0.000000e+00 : f32
      %broadcast_in_dim3A_76 = vector.broadcast %broadcast_in_dim3A_75 : f32 to vector<16xf32>
      %swap3A_77 = arith.index_cast %scan3A_54 : i32 to index
      %swap3A_78 = arith.constant 48 : index
      %swap3A_79 = tpu.vector_load %arg8[%swap3A_77, %swap3A_78] {strides = array<i32>} : memref<80x128xf32, #tpu.memory_space<vmem>>, vector<1x16xf32>,
      %swap3A_80 = vector.shape_cast %swap3A_79 : vector<1x16xf32> to vector<16xf32>
      %swap3A_81 = vector.shape_cast %broadcast_in_dim3A_76 : vector<16xf32> to vector<1x16xf32>
      tpu.vector_store %arg8[%swap3A_77, %swap3A_78], %swap3A_81 {strides = array<i32>} : memref<80x128xf32, #tpu.memory_space<vmem>>, vector<1x16xf32>,
      %broadcast_in_dim3A_82 = arith.constant 0.000000e+00 : f32
      %broadcast_in_dim3A_83 = vector.broadcast %broadcast_in_dim3A_82 : f32 to vector<16xf32>
      %swap3A_84 = arith.index_cast %scan3A_54 : i32 to index
      %swap3A_85 = arith.constant 64 : index
      %swap3A_86 = tpu.vector_load %arg8[%swap3A_84, %swap3A_85] {strides = array<i32>} : memref<80x128xf32, #tpu.memory_space<vmem>>, vector<1x16xf32>,
      %swap3A_87 = vector.shape_cast %swap3A_86 : vector<1x16xf32> to vector<16xf32>
      %swap3A_88 = vector.shape_cast %broadcast_in_dim3A_83 : vector<16xf32> to vector<1x16xf32>
      tpu.vector_store %arg8[%swap3A_84, %swap3A_85], %swap3A_88 {strides = array<i32>} : memref<80x128xf32, #tpu.memory_space<vmem>>, vector<1x16xf32>,
      %broadcast_in_dim3A_89 = arith.constant 0.000000e+00 : f32
      %broadcast_in_dim3A_90 = vector.broadcast %broadcast_in_dim3A_89 : f32 to vector<16xf32>
      %swap3A_91 = arith.index_cast %scan3A_54 : i32 to index
      %swap3A_92 = arith.constant 80 : index
      %swap3A_93 = tpu.vector_load %arg8[%swap3A_91, %swap3A_92] {strides = array<i32>} : memref<80x128xf32, #tpu.memory_space<vmem>>, vector<1x16xf32>,
      %swap3A_94 = vector.shape_cast %swap3A_93 : vector<1x16xf32> to vector<16xf32>
      %swap3A_95 = vector.shape_cast %broadcast_in_dim3A_90 : vector<16xf32> to vector<1x16xf32>
      tpu.vector_store %arg8[%swap3A_91, %swap3A_92], %swap3A_95 {strides = array<i32>} : memref<80x128xf32, #tpu.memory_space<vmem>>, vector<1x16xf32>,
      %broadcast_in_dim3A_96 = arith.constant 0.000000e+00 : f32
      %broadcast_in_dim3A_97 = vector.broadcast %broadcast_in_dim3A_96 : f32 to vector<16xf32>
      %swap3A_98 = arith.index_cast %scan3A_54 : i32 to index
      %swap3A_99 = arith.constant 96 : index
      %swap3A_100 = tpu.vector_load %arg8[%swap3A_98, %swap3A_99] {strides = array<i32>} : memref<80x128xf32, #tpu.memory_space<vmem>>, vector<1x16xf32>,
      %swap3A_101 = vector.shape_cast %swap3A_100 : vector<1x16xf32> to vector<16xf32>
      %swap3A_102 = vector.shape_cast %broadcast_in_dim3A_97 : vector<16xf32> to vector<1x16xf32>
      tpu.vector_store %arg8[%swap3A_98, %swap3A_99], %swap3A_102 {strides = array<i32>} : memref<80x128xf32, #tpu.memory_space<vmem>>, vector<1x16xf32>,
      %broadcast_in_dim3A_103 = arith.constant 0.000000e+00 : f32
      %broadcast_in_dim3A_104 = vector.broadcast %broadcast_in_dim3A_103 : f32 to vector<16xf32>
      %swap3A_105 = arith.index_cast %scan3A_54 : i32 to index
      %swap3A_106 = arith.constant 112 : index
      %swap3A_107 = tpu.vector_load %arg8[%swap3A_105, %swap3A_106] {strides = array<i32>} : memref<80x128xf32, #tpu.memory_space<vmem>>, vector<1x16xf32>,
      %swap3A_108 = vector.shape_cast %swap3A_107 : vector<1x16xf32> to vector<16xf32>
      %swap3A_109 = vector.shape_cast %broadcast_in_dim3A_104 : vector<16xf32> to vector<1x16xf32>
      tpu.vector_store %arg8[%swap3A_105, %swap3A_106], %swap3A_109 {strides = array<i32>} : memref<80x128xf32, #tpu.memory_space<vmem>>, vector<1x16xf32>,
      %scan3A_110 = arith.constant 0 : i32
      scf.yield %scan3A_110 : i32
    }
    %scan3A_12 = arith.constant 80 : i32
    %add3A_13 = arith.constant 0 : i32
    %add3A_14 = arith.addi %mul3A_2, %add3A_13 : i32
    "tpu.region"() ({
      %run_scoped3A = tpu.sem_alloc : memref<!tpu.dma_semaphore, #tpu.memory_space<semaphore_mem>>
      %dma_start3A_54 = arith.constant 0 : i32
      %dma_start3A_55 = tpu.memref_slice %arg10[%add3A_14, %dma_start3A_54] : memref<10240x128xf32, #tpu.memory_space<vmem_shared>> -> memref<80x128xf32, #tpu.memory_space<vmem_shared>>
      %dma_start3A_56 = arith.constant 0 : i32
      %dma_start3A_57 = tpu.memref_slice %arg10[%add3A_14, %dma_start3A_56] : memref<10240x128xf32, #tpu.memory_space<vmem_shared>> -> memref<80x128xf32, #tpu.memory_space<vmem_shared>>
      tpu.enqueue_dma source(%arg8 : memref<80x128xf32, #tpu.memory_space<vmem>>) target(%dma_start3A_57 : memref<80x128xf32, #tpu.memory_space<vmem_shared>>) target_semaphore(%run_scoped3A : memref<!tpu.dma_semaphore, #tpu.memory_space<semaphore_mem>>)
      %dma_wait3A_58 = arith.constant 0 : i32
      %dma_wait3A_59 = tpu.memref_slice %arg10[%add3A_14, %dma_wait3A_58] : memref<10240x128xf32, #tpu.memory_space<vmem_shared>> -> memref<80x128xf32, #tpu.memory_space<vmem_shared>>
      %dma_wait3A_60 = arith.constant 0 : i32
      %dma_wait3A_61 = tpu.memref_slice %arg10[%add3A_14, %dma_wait3A_60] : memref<10240x128xf32, #tpu.memory_space<vmem_shared>> -> memref<80x128xf32, #tpu.memory_space<vmem_shared>>
      tpu.wait_dma2 semaphore(%run_scoped3A : memref<!tpu.dma_semaphore, #tpu.memory_space<semaphore_mem>>) src(%arg8 : memref<80x128xf32, #tpu.memory_space<vmem>>) dst(%dma_wait3A_61 : memref<80x128xf32, #tpu.memory_space<vmem_shared>>)
      tpu.yield
    }) : () -> ()
    %add3A_15 = arith.constant 80 : i32
    %add3A_16 = arith.addi %mul3A_2, %add3A_15 : i32
    "tpu.region"() ({
      %run_scoped3A = tpu.sem_alloc : memref<!tpu.dma_semaphore, #tpu.memory_space<semaphore_mem>>
      %dma_start3A_54 = arith.constant 0 : i32
      %dma_start3A_55 = tpu.memref_slice %arg10[%add3A_16, %dma_start3A_54] : memref<10240x128xf32, #tpu.memory_space<vmem_shared>> -> memref<80x128xf32, #tpu.memory_space<vmem_shared>>
      %dma_start3A_56 = arith.constant 0 : i32
      %dma_start3A_57 = tpu.memref_slice %arg10[%add3A_16, %dma_start3A_56] : memref<10240x128xf32, #tpu.memory_space<vmem_shared>> -> memref<80x128xf32, #tpu.memory_space<vmem_shared>>
      tpu.enqueue_dma source(%arg8 : memref<80x128xf32, #tpu.memory_space<vmem>>) target(%dma_start3A_57 : memref<80x128xf32, #tpu.memory_space<vmem_shared>>) target_semaphore(%run_scoped3A : memref<!tpu.dma_semaphore, #tpu.memory_space<semaphore_mem>>)
      %dma_wait3A_58 = arith.constant 0 : i32
      %dma_wait3A_59 = tpu.memref_slice %arg10[%add3A_16, %dma_wait3A_58] : memref<10240x128xf32, #tpu.memory_space<vmem_shared>> -> memref<80x128xf32, #tpu.memory_space<vmem_shared>>
      %dma_wait3A_60 = arith.constant 0 : i32
      %dma_wait3A_61 = tpu.memref_slice %arg10[%add3A_16, %dma_wait3A_60] : memref<10240x128xf32, #tpu.memory_space<vmem_shared>> -> memref<80x128xf32, #tpu.memory_space<vmem_shared>>
      tpu.wait_dma2 semaphore(%run_scoped3A : memref<!tpu.dma_semaphore, #tpu.memory_space<semaphore_mem>>) src(%arg8 : memref<80x128xf32, #tpu.memory_space<vmem>>) dst(%dma_wait3A_61 : memref<80x128xf32, #tpu.memory_space<vmem_shared>>)
      tpu.yield
    }) : () -> ()
    %add3A_17 = arith.constant 160 : i32
    %add3A_18 = arith.addi %mul3A_2, %add3A_17 : i32
    "tpu.region"() ({
      %run_scoped3A = tpu.sem_alloc : memref<!tpu.dma_semaphore, #tpu.memory_space<semaphore_mem>>
      %dma_start3A_54 = arith.constant 0 : i32
      %dma_start3A_55 = tpu.memref_slice %arg10[%add3A_18, %dma_start3A_54] : memref<10240x128xf32, #tpu.memory_space<vmem_shared>> -> memref<80x128xf32, #tpu.memory_space<vmem_shared>>
      %dma_start3A_56 = arith.constant 0 : i32
      %dma_start3A_57 = tpu.memref_slice %arg10[%add3A_18, %dma_start3A_56] : memref<10240x128xf32, #tpu.memory_space<vmem_shared>> -> memref<80x128xf32, #tpu.memory_space<vmem_shared>>
      tpu.enqueue_dma source(%arg8 : memref<80x128xf32, #tpu.memory_space<vmem>>) target(%dma_start3A_57 : memref<80x128xf32, #tpu.memory_space<vmem_shared>>) target_semaphore(%run_scoped3A : memref<!tpu.dma_semaphore, #tpu.memory_space<semaphore_mem>>)
      %dma_wait3A_58 = arith.constant 0 : i32
      %dma_wait3A_59 = tpu.memref_slice %arg10[%add3A_18, %dma_wait3A_58] : memref<10240x128xf32, #tpu.memory_space<vmem_shared>> -> memref<80x128xf32, #tpu.memory_space<vmem_shared>>
      %dma_wait3A_60 = arith.constant 0 : i32
      %dma_wait3A_61 = tpu.memref_slice %arg10[%add3A_18, %dma_wait3A_60] : memref<10240x128xf32, #tpu.memory_space<vmem_shared>> -> memref<80x128xf32, #tpu.memory_space<vmem_shared>>
      tpu.wait_dma2 semaphore(%run_scoped3A : memref<!tpu.dma_semaphore, #tpu.memory_space<semaphore_mem>>) src(%arg8 : memref<80x128xf32, #tpu.memory_space<vmem>>) dst(%dma_wait3A_61 : memref<80x128xf32, #tpu.memory_space<vmem_shared>>)
      tpu.yield
    }) : () -> ()
    %add3A_19 = arith.constant 240 : i32
    %add3A_20 = arith.addi %mul3A_2, %add3A_19 : i32
    "tpu.region"() ({
      %run_scoped3A = tpu.sem_alloc : memref<!tpu.dma_semaphore, #tpu.memory_space<semaphore_mem>>
      %dma_start3A_54 = arith.constant 0 : i32
      %dma_start3A_55 = tpu.memref_slice %arg10[%add3A_20, %dma_start3A_54] : memref<10240x128xf32, #tpu.memory_space<vmem_shared>> -> memref<80x128xf32, #tpu.memory_space<vmem_shared>>
      %dma_start3A_56 = arith.constant 0 : i32
      %dma_start3A_57 = tpu.memref_slice %arg10[%add3A_20, %dma_start3A_56] : memref<10240x128xf32, #tpu.memory_space<vmem_shared>> -> memref<80x128xf32, #tpu.memory_space<vmem_shared>>
      tpu.enqueue_dma source(%arg8 : memref<80x128xf32, #tpu.memory_space<vmem>>) target(%dma_start3A_57 : memref<80x128xf32, #tpu.memory_space<vmem_shared>>) target_semaphore(%run_scoped3A : memref<!tpu.dma_semaphore, #tpu.memory_space<semaphore_mem>>)
      %dma_wait3A_58 = arith.constant 0 : i32
      %dma_wait3A_59 = tpu.memref_slice %arg10[%add3A_20, %dma_wait3A_58] : memref<10240x128xf32, #tpu.memory_space<vmem_shared>> -> memref<80x128xf32, #tpu.memory_space<vmem_shared>>
      %dma_wait3A_60 = arith.constant 0 : i32
      %dma_wait3A_61 = tpu.memref_slice %arg10[%add3A_20, %dma_wait3A_60] : memref<10240x128xf32, #tpu.memory_space<vmem_shared>> -> memref<80x128xf32, #tpu.memory_space<vmem_shared>>
      tpu.wait_dma2 semaphore(%run_scoped3A : memref<!tpu.dma_semaphore, #tpu.memory_space<semaphore_mem>>) src(%arg8 : memref<80x128xf32, #tpu.memory_space<vmem>>) dst(%dma_wait3A_61 : memref<80x128xf32, #tpu.memory_space<vmem_shared>>)
      tpu.yield
    }) : () -> ()
    %add3A_21 = arith.constant 320 : i32
    %add3A_22 = arith.addi %mul3A_2, %add3A_21 : i32
    "tpu.region"() ({
      %run_scoped3A = tpu.sem_alloc : memref<!tpu.dma_semaphore, #tpu.memory_space<semaphore_mem>>
      %dma_start3A_54 = arith.constant 0 : i32
      %dma_start3A_55 = tpu.memref_slice %arg10[%add3A_22, %dma_start3A_54] : memref<10240x128xf32, #tpu.memory_space<vmem_shared>> -> memref<80x128xf32, #tpu.memory_space<vmem_shared>>
      %dma_start3A_56 = arith.constant 0 : i32
      %dma_start3A_57 = tpu.memref_slice %arg10[%add3A_22, %dma_start3A_56] : memref<10240x128xf32, #tpu.memory_space<vmem_shared>> -> memref<80x128xf32, #tpu.memory_space<vmem_shared>>
      tpu.enqueue_dma source(%arg8 : memref<80x128xf32, #tpu.memory_space<vmem>>) target(%dma_start3A_57 : memref<80x128xf32, #tpu.memory_space<vmem_shared>>) target_semaphore(%run_scoped3A : memref<!tpu.dma_semaphore, #tpu.memory_space<semaphore_mem>>)
      %dma_wait3A_58 = arith.constant 0 : i32
      %dma_wait3A_59 = tpu.memref_slice %arg10[%add3A_22, %dma_wait3A_58] : memref<10240x128xf32, #tpu.memory_space<vmem_shared>> -> memref<80x128xf32, #tpu.memory_space<vmem_shared>>
      %dma_wait3A_60 = arith.constant 0 : i32
      %dma_wait3A_61 = tpu.memref_slice %arg10[%add3A_22, %dma_wait3A_60] : memref<10240x128xf32, #tpu.memory_space<vmem_shared>> -> memref<80x128xf32, #tpu.memory_space<vmem_shared>>
      tpu.wait_dma2 semaphore(%run_scoped3A : memref<!tpu.dma_semaphore, #tpu.memory_space<semaphore_mem>>) src(%arg8 : memref<80x128xf32, #tpu.memory_space<vmem>>) dst(%dma_wait3A_61 : memref<80x128xf32, #tpu.memory_space<vmem_shared>>)
      tpu.yield
    }) : () -> ()
    %add3A_23 = arith.constant 400 : i32
    %add3A_24 = arith.addi %mul3A_2, %add3A_23 : i32
    "tpu.region"() ({
      %run_scoped3A = tpu.sem_alloc : memref<!tpu.dma_semaphore, #tpu.memory_space<semaphore_mem>>
      %dma_start3A_54 = arith.constant 0 : i32
      %dma_start3A_55 = tpu.memref_slice %arg10[%add3A_24, %dma_start3A_54] : memref<10240x128xf32, #tpu.memory_space<vmem_shared>> -> memref<80x128xf32, #tpu.memory_space<vmem_shared>>
      %dma_start3A_56 = arith.constant 0 : i32
      %dma_start3A_57 = tpu.memref_slice %arg10[%add3A_24, %dma_start3A_56] : memref<10240x128xf32, #tpu.memory_space<vmem_shared>> -> memref<80x128xf32, #tpu.memory_space<vmem_shared>>
      tpu.enqueue_dma source(%arg8 : memref<80x128xf32, #tpu.memory_space<vmem>>) target(%dma_start3A_57 : memref<80x128xf32, #tpu.memory_space<vmem_shared>>) target_semaphore(%run_scoped3A : memref<!tpu.dma_semaphore, #tpu.memory_space<semaphore_mem>>)
      %dma_wait3A_58 = arith.constant 0 : i32
      %dma_wait3A_59 = tpu.memref_slice %arg10[%add3A_24, %dma_wait3A_58] : memref<10240x128xf32, #tpu.memory_space<vmem_shared>> -> memref<80x128xf32, #tpu.memory_space<vmem_shared>>
      %dma_wait3A_60 = arith.constant 0 : i32
      %dma_wait3A_61 = tpu.memref_slice %arg10[%add3A_24, %dma_wait3A_60] : memref<10240x128xf32, #tpu.memory_space<vmem_shared>> -> memref<80x128xf32, #tpu.memory_space<vmem_shared>>
      tpu.wait_dma2 semaphore(%run_scoped3A : memref<!tpu.dma_semaphore, #tpu.memory_space<semaphore_mem>>) src(%arg8 : memref<80x128xf32, #tpu.memory_space<vmem>>) dst(%dma_wait3A_61 : memref<80x128xf32, #tpu.memory_space<vmem_shared>>)
      tpu.yield
    }) : () -> ()
    %add3A_25 = arith.constant 480 : i32
    %add3A_26 = arith.addi %mul3A_2, %add3A_25 : i32
    "tpu.region"() ({
      %run_scoped3A = tpu.sem_alloc : memref<!tpu.dma_semaphore, #tpu.memory_space<semaphore_mem>>
      %dma_start3A_54 = arith.constant 0 : i32
      %dma_start3A_55 = tpu.memref_slice %arg10[%add3A_26, %dma_start3A_54] : memref<10240x128xf32, #tpu.memory_space<vmem_shared>> -> memref<80x128xf32, #tpu.memory_space<vmem_shared>>
      %dma_start3A_56 = arith.constant 0 : i32
      %dma_start3A_57 = tpu.memref_slice %arg10[%add3A_26, %dma_start3A_56] : memref<10240x128xf32, #tpu.memory_space<vmem_shared>> -> memref<80x128xf32, #tpu.memory_space<vmem_shared>>
      tpu.enqueue_dma source(%arg8 : memref<80x128xf32, #tpu.memory_space<vmem>>) target(%dma_start3A_57 : memref<80x128xf32, #tpu.memory_space<vmem_shared>>) target_semaphore(%run_scoped3A : memref<!tpu.dma_semaphore, #tpu.memory_space<semaphore_mem>>)
      %dma_wait3A_58 = arith.constant 0 : i32
      %dma_wait3A_59 = tpu.memref_slice %arg10[%add3A_26, %dma_wait3A_58] : memref<10240x128xf32, #tpu.memory_space<vmem_shared>> -> memref<80x128xf32, #tpu.memory_space<vmem_shared>>
      %dma_wait3A_60 = arith.constant 0 : i32
      %dma_wait3A_61 = tpu.memref_slice %arg10[%add3A_26, %dma_wait3A_60] : memref<10240x128xf32, #tpu.memory_space<vmem_shared>> -> memref<80x128xf32, #tpu.memory_space<vmem_shared>>
      tpu.wait_dma2 semaphore(%run_scoped3A : memref<!tpu.dma_semaphore, #tpu.memory_space<semaphore_mem>>) src(%arg8 : memref<80x128xf32, #tpu.memory_space<vmem>>) dst(%dma_wait3A_61 : memref<80x128xf32, #tpu.memory_space<vmem_shared>>)
      tpu.yield
    }) : () -> ()
    %add3A_27 = arith.constant 560 : i32
    %add3A_28 = arith.addi %mul3A_2, %add3A_27 : i32
    "tpu.region"() ({
      %run_scoped3A = tpu.sem_alloc : memref<!tpu.dma_semaphore, #tpu.memory_space<semaphore_mem>>
      %dma_start3A_54 = arith.constant 0 : i32
      %dma_start3A_55 = tpu.memref_slice %arg10[%add3A_28, %dma_start3A_54] : memref<10240x128xf32, #tpu.memory_space<vmem_shared>> -> memref<80x128xf32, #tpu.memory_space<vmem_shared>>
      %dma_start3A_56 = arith.constant 0 : i32
      %dma_start3A_57 = tpu.memref_slice %arg10[%add3A_28, %dma_start3A_56] : memref<10240x128xf32, #tpu.memory_space<vmem_shared>> -> memref<80x128xf32, #tpu.memory_space<vmem_shared>>
      tpu.enqueue_dma source(%arg8 : memref<80x128xf32, #tpu.memory_space<vmem>>) target(%dma_start3A_57 : memref<80x128xf32, #tpu.memory_space<vmem_shared>>) target_semaphore(%run_scoped3A : memref<!tpu.dma_semaphore, #tpu.memory_space<semaphore_mem>>)
      %dma_wait3A_58 = arith.constant 0 : i32
      %dma_wait3A_59 = tpu.memref_slice %arg10[%add3A_28, %dma_wait3A_58] : memref<10240x128xf32, #tpu.memory_space<vmem_shared>> -> memref<80x128xf32, #tpu.memory_space<vmem_shared>>
      %dma_wait3A_60 = arith.constant 0 : i32
      %dma_wait3A_61 = tpu.memref_slice %arg10[%add3A_28, %dma_wait3A_60] : memref<10240x128xf32, #tpu.memory_space<vmem_shared>> -> memref<80x128xf32, #tpu.memory_space<vmem_shared>>
      tpu.wait_dma2 semaphore(%run_scoped3A : memref<!tpu.dma_semaphore, #tpu.memory_space<semaphore_mem>>) src(%arg8 : memref<80x128xf32, #tpu.memory_space<vmem>>) dst(%dma_wait3A_61 : memref<80x128xf32, #tpu.memory_space<vmem_shared>>)
      tpu.yield
    }) : () -> ()
    %barrier3A = arith.constant 0 : index
    tpu.barrier barrier_id(%barrier3A)
    %multiple_of3A = arith.constant 0 : i32
    %multiple_of3A_29 = tpu.assume_multiple %multiple_of3A, 80 : i32
    %dma_start3A = tpu.memref_slice %arg6[%multiple_of3A_29] : memref<10000xi32, #tpu.memory_space<vmem>> -> memref<80xi32, #tpu.memory_space<vmem>>
    %dma_start3A_30 = arith.constant 0 : i32
    %dma_start3A_31 = arith.constant 0 : i32
    %dma_start3A_32 = tpu.memref_slice %arg2[%dma_start3A_30, %dma_start3A_31] : memref<10240x128xf32, #tpu.memory_space<hbm>> -> memref<10240x128xf32, #tpu.memory_space<hbm>>
    tpu.enqueue_indirect_dma source(%dma_start3A_32 : memref<10240x128xf32, #tpu.memory_space<hbm>>) target(%arg8 : memref<80x128xf32, #tpu.memory_space<vmem>>) offsets(%dma_start3A : memref<80xi32, #tpu.memory_space<vmem>>) semaphore(%arg11 : memref<!tpu.dma_semaphore, #tpu.memory_space<semaphore_mem>>)
    %multiple_of3A_33 = arith.constant 80 : i32
    %multiple_of3A_34 = tpu.assume_multiple %multiple_of3A_33, 80 : i32
    %dma_start3A_35 = tpu.memref_slice %arg6[%multiple_of3A_34] : memref<10000xi32, #tpu.memory_space<vmem>> -> memref<80xi32, #tpu.memory_space<vmem>>
    %dma_start3A_36 = arith.constant 0 : i32
    %dma_start3A_37 = arith.constant 0 : i32
    %dma_start3A_38 = tpu.memref_slice %arg2[%dma_start3A_36, %dma_start3A_37] : memref<10240x128xf32, #tpu.memory_space<hbm>> -> memref<10240x128xf32, #tpu.memory_space<hbm>>
    tpu.enqueue_indirect_dma source(%dma_start3A_38 : memref<10240x128xf32, #tpu.memory_space<hbm>>) target(%arg9 : memref<80x128xf32, #tpu.memory_space<vmem>>) offsets(%dma_start3A_35 : memref<80xi32, #tpu.memory_space<vmem>>) semaphore(%arg12 : memref<!tpu.dma_semaphore, #tpu.memory_space<semaphore_mem>>)
    %scan3A_39 = arith.constant 0 : i32
    %scan3A_40 = arith.constant 0 : i32
    %scan3A_41 = arith.constant 62 : i32
    %scan3A_42 = arith.addi %scan3A_40, %scan3A_41 : i32
    %scan3A_43 = arith.constant 1 : i32
    %scan3A_44 = scf.for %scan3A_54 = %scan3A_40 to %scan3A_42 step %scan3A_43 iter_args(%scan3A_55 = %scan3A_39) -> (i32)  : i32 {
      %mul3A_56 = arith.constant 2 : i32
      %mul3A_57 = arith.muli %scan3A_54, %mul3A_56 : i32
      %add3A_58 = arith.constant 0 : i32
      %add3A_59 = arith.addi %mul3A_57, %add3A_58 : i32
      %mul3A_60 = arith.constant 80 : i32
      %mul3A_61 = arith.muli %add3A_59, %mul3A_60 : i32
      %multiple_of3A_62 = tpu.assume_multiple %mul3A_61, 80 : i32
      %dma_wait3A_63 = tpu.memref_slice %arg6[%multiple_of3A_62] : memref<10000xi32, #tpu.memory_space<vmem>> -> memref<80xi32, #tpu.memory_space<vmem>>
      %dma_wait3A_64 = arith.constant 0 : i32
      %dma_wait3A_65 = arith.constant 0 : i32
      %dma_wait3A_66 = tpu.memref_slice %arg2[%dma_wait3A_64, %dma_wait3A_65] : memref<10240x128xf32, #tpu.memory_space<hbm>> -> memref<10240x128xf32, #tpu.memory_space<hbm>>
      tpu.wait_indirect_dma semaphore(%arg11 : memref<!tpu.dma_semaphore, #tpu.memory_space<semaphore_mem>>) src(%dma_wait3A_66 : memref<10240x128xf32, #tpu.memory_space<hbm>>) dst(%arg8 : memref<80x128xf32, #tpu.memory_space<vmem>>)
      %mul3A_67 = arith.constant 80 : i32
      %mul3A_68 = arith.muli %add3A_59, %mul3A_67 : i32
      %multiple_of3A_69 = tpu.assume_multiple %mul3A_68, 80 : i32
      "tpu.region"() ({
        %run_scoped3A = tpu.sem_alloc : memref<!tpu.dma_semaphore, #tpu.memory_space<semaphore_mem>>
        %dma_start3A_94 = tpu.memref_slice %arg7[%multiple_of3A_69] : memref<10000xi32, #tpu.memory_space<vmem>> -> memref<80xi32, #tpu.memory_space<vmem>>
        %dma_start3A_95 = arith.constant 0 : i32
        %dma_start3A_96 = arith.constant 0 : i32
        %dma_start3A_97 = tpu.memref_slice %arg10[%dma_start3A_95, %dma_start3A_96] : memref<10240x128xf32, #tpu.memory_space<vmem_shared>> -> memref<10240x128xf32, #tpu.memory_space<vmem_shared>>
        tpu.enqueue_indirect_dma source(%arg8 : memref<80x128xf32, #tpu.memory_space<vmem>>) target(%dma_start3A_97 : memref<10240x128xf32, #tpu.memory_space<vmem_shared>>) offsets(%dma_start3A_94 : memref<80xi32, #tpu.memory_space<vmem>>) semaphore(%run_scoped3A : memref<!tpu.dma_semaphore, #tpu.memory_space<semaphore_mem>>) {add = true}
        %dma_wait3A_98 = tpu.memref_slice %arg7[%multiple_of3A_69] : memref<10000xi32, #tpu.memory_space<vmem>> -> memref<80xi32, #tpu.memory_space<vmem>>
        %dma_wait3A_99 = arith.constant 0 : i32
        %dma_wait3A_100 = arith.constant 0 : i32
        %dma_wait3A_101 = tpu.memref_slice %arg10[%dma_wait3A_99, %dma_wait3A_100] : memref<10240x128xf32, #tpu.memory_space<vmem_shared>> -> memref<10240x128xf32, #tpu.memory_space<vmem_shared>>
        tpu.wait_indirect_dma semaphore(%run_scoped3A : memref<!tpu.dma_semaphore, #tpu.memory_space<semaphore_mem>>) src(%arg8 : memref<80x128xf32, #tpu.memory_space<vmem>>) dst(%dma_wait3A_101 : memref<10240x128xf32, #tpu.memory_space<vmem_shared>>)
        tpu.yield
      }) : () -> ()
      %add3A_70 = arith.constant 2 : i32
      %add3A_71 = arith.addi %add3A_59, %add3A_70 : i32
      %lt3A = arith.constant 125 : i32
      %lt3A_72 = arith.cmpi slt, %add3A_71, %lt3A : i32
      %convert_element_type3A = arith.extui %lt3A_72 : i1 to i32
      %cond3A = arith.constant 0 : i32
      %cond3A_73 = arith.cmpi ne, %convert_element_type3A, %cond3A : i32
      scf.if %cond3A_73 {
        %add3A_94 = arith.constant 2 : i32
        %add3A_95 = arith.addi %add3A_59, %add3A_94 : i32
        %mul3A_96 = arith.constant 80 : i32
        %mul3A_97 = arith.muli %add3A_95, %mul3A_96 : i32
        %multiple_of3A_98 = tpu.assume_multiple %mul3A_97, 80 : i32
        %dma_start3A_99 = tpu.memref_slice %arg6[%multiple_of3A_98] : memref<10000xi32, #tpu.memory_space<vmem>> -> memref<80xi32, #tpu.memory_space<vmem>>
        %dma_start3A_100 = arith.constant 0 : i32
        %dma_start3A_101 = arith.constant 0 : i32
        %dma_start3A_102 = tpu.memref_slice %arg2[%dma_start3A_100, %dma_start3A_101] : memref<10240x128xf32, #tpu.memory_space<hbm>> -> memref<10240x128xf32, #tpu.memory_space<hbm>>
        tpu.enqueue_indirect_dma source(%dma_start3A_102 : memref<10240x128xf32, #tpu.memory_space<hbm>>) target(%arg8 : memref<80x128xf32, #tpu.memory_space<vmem>>) offsets(%dma_start3A_99 : memref<80xi32, #tpu.memory_space<vmem>>) semaphore(%arg11 : memref<!tpu.dma_semaphore, #tpu.memory_space<semaphore_mem>>)
      } else {
      }
      %add3A_74 = arith.constant 1 : i32
      %add3A_75 = arith.addi %mul3A_57, %add3A_74 : i32
      %mul3A_76 = arith.constant 80 : i32
      %mul3A_77 = arith.muli %add3A_75, %mul3A_76 : i32
      %multiple_of3A_78 = tpu.assume_multiple %mul3A_77, 80 : i32
      %dma_wait3A_79 = tpu.memref_slice %arg6[%multiple_of3A_78] : memref<10000xi32, #tpu.memory_space<vmem>> -> memref<80xi32, #tpu.memory_space<vmem>>
      %dma_wait3A_80 = arith.constant 0 : i32
      %dma_wait3A_81 = arith.constant 0 : i32
      %dma_wait3A_82 = tpu.memref_slice %arg2[%dma_wait3A_80, %dma_wait3A_81] : memref<10240x128xf32, #tpu.memory_space<hbm>> -> memref<10240x128xf32, #tpu.memory_space<hbm>>
      tpu.wait_indirect_dma semaphore(%arg12 : memref<!tpu.dma_semaphore, #tpu.memory_space<semaphore_mem>>) src(%dma_wait3A_82 : memref<10240x128xf32, #tpu.memory_space<hbm>>) dst(%arg9 : memref<80x128xf32, #tpu.memory_space<vmem>>)
      %mul3A_83 = arith.constant 80 : i32
      %mul3A_84 = arith.muli %add3A_75, %mul3A_83 : i32
      %multiple_of3A_85 = tpu.assume_multiple %mul3A_84, 80 : i32
      "tpu.region"() ({
        %run_scoped3A = tpu.sem_alloc : memref<!tpu.dma_semaphore, #tpu.memory_space<semaphore_mem>>
        %dma_start3A_94 = tpu.memref_slice %arg7[%multiple_of3A_85] : memref<10000xi32, #tpu.memory_space<vmem>> -> memref<80xi32, #tpu.memory_space<vmem>>
        %dma_start3A_95 = arith.constant 0 : i32
        %dma_start3A_96 = arith.constant 0 : i32
        %dma_start3A_97 = tpu.memref_slice %arg10[%dma_start3A_95, %dma_start3A_96] : memref<10240x128xf32, #tpu.memory_space<vmem_shared>> -> memref<10240x128xf32, #tpu.memory_space<vmem_shared>>
        tpu.enqueue_indirect_dma source(%arg9 : memref<80x128xf32, #tpu.memory_space<vmem>>) target(%dma_start3A_97 : memref<10240x128xf32, #tpu.memory_space<vmem_shared>>) offsets(%dma_start3A_94 : memref<80xi32, #tpu.memory_space<vmem>>) semaphore(%run_scoped3A : memref<!tpu.dma_semaphore, #tpu.memory_space<semaphore_mem>>) {add = true}
        %dma_wait3A_98 = tpu.memref_slice %arg7[%multiple_of3A_85] : memref<10000xi32, #tpu.memory_space<vmem>> -> memref<80xi32, #tpu.memory_space<vmem>>
        %dma_wait3A_99 = arith.constant 0 : i32
        %dma_wait3A_100 = arith.constant 0 : i32
        %dma_wait3A_101 = tpu.memref_slice %arg10[%dma_wait3A_99, %dma_wait3A_100] : memref<10240x128xf32, #tpu.memory_space<vmem_shared>> -> memref<10240x128xf32, #tpu.memory_space<vmem_shared>>
        tpu.wait_indirect_dma semaphore(%run_scoped3A : memref<!tpu.dma_semaphore, #tpu.memory_space<semaphore_mem>>) src(%arg9 : memref<80x128xf32, #tpu.memory_space<vmem>>) dst(%dma_wait3A_101 : memref<10240x128xf32, #tpu.memory_space<vmem_shared>>)
        tpu.yield
      }) : () -> ()
      %add3A_86 = arith.constant 2 : i32
      %add3A_87 = arith.addi %add3A_75, %add3A_86 : i32
      %lt3A_88 = arith.constant 125 : i32
      %lt3A_89 = arith.cmpi slt, %add3A_87, %lt3A_88 : i32
      %convert_element_type3A_90 = arith.extui %lt3A_89 : i1 to i32
      %cond3A_91 = arith.constant 0 : i32
      %cond3A_92 = arith.cmpi ne, %convert_element_type3A_90, %cond3A_91 : i32
      scf.if %cond3A_92 {
        %add3A_94 = arith.constant 2 : i32
        %add3A_95 = arith.addi %add3A_75, %add3A_94 : i32
        %mul3A_96 = arith.constant 80 : i32
        %mul3A_97 = arith.muli %add3A_95, %mul3A_96 : i32
        %multiple_of3A_98 = tpu.assume_multiple %mul3A_97, 80 : i32
        %dma_start3A_99 = tpu.memref_slice %arg6[%multiple_of3A_98] : memref<10000xi32, #tpu.memory_space<vmem>> -> memref<80xi32, #tpu.memory_space<vmem>>
        %dma_start3A_100 = arith.constant 0 : i32
        %dma_start3A_101 = arith.constant 0 : i32
        %dma_start3A_102 = tpu.memref_slice %arg2[%dma_start3A_100, %dma_start3A_101] : memref<10240x128xf32, #tpu.memory_space<hbm>> -> memref<10240x128xf32, #tpu.memory_space<hbm>>
        tpu.enqueue_indirect_dma source(%dma_start3A_102 : memref<10240x128xf32, #tpu.memory_space<hbm>>) target(%arg9 : memref<80x128xf32, #tpu.memory_space<vmem>>) offsets(%dma_start3A_99 : memref<80xi32, #tpu.memory_space<vmem>>) semaphore(%arg12 : memref<!tpu.dma_semaphore, #tpu.memory_space<semaphore_mem>>)
      } else {
      }
      %scan3A_93 = arith.constant 0 : i32
      scf.yield %scan3A_93 : i32
    }
    %scan3A_45 = arith.constant 62 : i32
    %multiple_of3A_46 = arith.constant 9920 : i32
    %multiple_of3A_47 = tpu.assume_multiple %multiple_of3A_46, 80 : i32
    %dma_wait3A = tpu.memref_slice %arg6[%multiple_of3A_47] : memref<10000xi32, #tpu.memory_space<vmem>> -> memref<80xi32, #tpu.memory_space<vmem>>
    %dma_wait3A_48 = arith.constant 0 : i32
    %dma_wait3A_49 = arith.constant 0 : i32
    %dma_wait3A_50 = tpu.memref_slice %arg2[%dma_wait3A_48, %dma_wait3A_49] : memref<10240x128xf32, #tpu.memory_space<hbm>> -> memref<10240x128xf32, #tpu.memory_space<hbm>>
    tpu.wait_indirect_dma semaphore(%arg11 : memref<!tpu.dma_semaphore, #tpu.memory_space<semaphore_mem>>) src(%dma_wait3A_50 : memref<10240x128xf32, #tpu.memory_space<hbm>>) dst(%arg8 : memref<80x128xf32, #tpu.memory_space<vmem>>)
    %multiple_of3A_51 = arith.constant 9920 : i32
    %multiple_of3A_52 = tpu.assume_multiple %multiple_of3A_51, 80 : i32
    "tpu.region"() ({
      %run_scoped3A = tpu.sem_alloc : memref<!tpu.dma_semaphore, #tpu.memory_space<semaphore_mem>>
      %dma_start3A_54 = tpu.memref_slice %arg7[%multiple_of3A_52] : memref<10000xi32, #tpu.memory_space<vmem>> -> memref<80xi32, #tpu.memory_space<vmem>>
      %dma_start3A_55 = arith.constant 0 : i32
      %dma_start3A_56 = arith.constant 0 : i32
      %dma_start3A_57 = tpu.memref_slice %arg10[%dma_start3A_55, %dma_start3A_56] : memref<10240x128xf32, #tpu.memory_space<vmem_shared>> -> memref<10240x128xf32, #tpu.memory_space<vmem_shared>>
      tpu.enqueue_indirect_dma source(%arg8 : memref<80x128xf32, #tpu.memory_space<vmem>>) target(%dma_start3A_57 : memref<10240x128xf32, #tpu.memory_space<vmem_shared>>) offsets(%dma_start3A_54 : memref<80xi32, #tpu.memory_space<vmem>>) semaphore(%run_scoped3A : memref<!tpu.dma_semaphore, #tpu.memory_space<semaphore_mem>>) {add = true}
      %dma_wait3A_58 = tpu.memref_slice %arg7[%multiple_of3A_52] : memref<10000xi32, #tpu.memory_space<vmem>> -> memref<80xi32, #tpu.memory_space<vmem>>
      %dma_wait3A_59 = arith.constant 0 : i32
      %dma_wait3A_60 = arith.constant 0 : i32
      %dma_wait3A_61 = tpu.memref_slice %arg10[%dma_wait3A_59, %dma_wait3A_60] : memref<10240x128xf32, #tpu.memory_space<vmem_shared>> -> memref<10240x128xf32, #tpu.memory_space<vmem_shared>>
      tpu.wait_indirect_dma semaphore(%run_scoped3A : memref<!tpu.dma_semaphore, #tpu.memory_space<semaphore_mem>>) src(%arg8 : memref<80x128xf32, #tpu.memory_space<vmem>>) dst(%dma_wait3A_61 : memref<10240x128xf32, #tpu.memory_space<vmem_shared>>)
      tpu.yield
    }) : () -> ()
    %barrier3A_53 = arith.constant 0 : index
    tpu.barrier barrier_id(%barrier3A_53)
    "tpu.region"() ({
      %run_scoped3A = tpu.sem_alloc : memref<!tpu.dma_semaphore, #tpu.memory_space<semaphore_mem>>
      %dma_start3A_54 = arith.constant 0 : i32
      %dma_start3A_55 = tpu.memref_slice %arg5[%arg0, %mul3A_2, %dma_start3A_54] : memref<2x10240x128xf32, #tpu.memory_space<hbm>> -> memref<1x640x128xf32, #tpu.memory_space<hbm>>
      %dma_start3A_56 = tpu.memref_squeeze %dma_start3A_55 : memref<1x640x128xf32, #tpu.memory_space<hbm>> -> memref<640x128xf32, #tpu.memory_space<hbm>>
      %dma_start3A_57 = arith.constant 0 : i32
      %dma_start3A_58 = tpu.memref_slice %arg10[%mul3A_2, %dma_start3A_57] : memref<10240x128xf32, #tpu.memory_space<vmem_shared>> -> memref<640x128xf32, #tpu.memory_space<vmem_shared>>
      tpu.enqueue_dma source(%dma_start3A_58 : memref<640x128xf32, #tpu.memory_space<vmem_shared>>) target(%dma_start3A_56 : memref<640x128xf32, #tpu.memory_space<hbm>>) target_semaphore(%run_scoped3A : memref<!tpu.dma_semaphore, #tpu.memory_space<semaphore_mem>>)
      %dma_wait3A_59 = arith.constant 0 : i32
      %dma_wait3A_60 = tpu.memref_slice %arg5[%arg0, %mul3A_2, %dma_wait3A_59] : memref<2x10240x128xf32, #tpu.memory_space<hbm>> -> memref<1x640x128xf32, #tpu.memory_space<hbm>>
      %dma_wait3A_61 = tpu.memref_squeeze %dma_wait3A_60 : memref<1x640x128xf32, #tpu.memory_space<hbm>> -> memref<640x128xf32, #tpu.memory_space<hbm>>
      %dma_wait3A_62 = arith.constant 0 : i32
      %dma_wait3A_63 = tpu.memref_slice %arg10[%mul3A_2, %dma_wait3A_62] : memref<10240x128xf32, #tpu.memory_space<vmem_shared>> -> memref<640x128xf32, #tpu.memory_space<vmem_shared>>
      tpu.wait_dma2 semaphore(%run_scoped3A : memref<!tpu.dma_semaphore, #tpu.memory_space<semaphore_mem>>) src(%dma_wait3A_63 : memref<640x128xf32, #tpu.memory_space<vmem_shared>>) dst(%dma_wait3A_61 : memref<640x128xf32, #tpu.memory_space<hbm>>)
      tpu.yield
    }) : () -> ()
    return
  }
}

module attributes {stable_mosaic.version = 14 : i64} {
  func.func @_layer0_body(%arg0: i32, %arg1: memref<1024x128xf32, #tpu.memory_space<vmem>>, %arg2: memref<1024x128xf32, #tpu.memory_space<vmem>>, %arg3: memref<1024x128xf32, #tpu.memory_space<vmem>>, %arg4: memref<1024x128xf32, #tpu.memory_space<vmem>>, %arg5: memref<128x128xf32, #tpu.memory_space<vmem>>, %arg6: memref<8x128xf32, #tpu.memory_space<vmem>>, %arg7: memref<128x128xf32, #tpu.memory_space<vmem>>, %arg8: memref<1x128xf32, #tpu.memory_space<vmem>>, %arg9: memref<1024x128xf32, #tpu.memory_space<vmem>>) attributes {dimension_semantics = [#tpu.dimension_semantics<arbitrary>], iteration_bounds = array<i64: 10>, scalar_prefetch = 0 : i64, scratch_operands = 0 : i64, tpu.core_type = #tpu.core_type<tc>, window_params = [{transform_indices = @transform_0, window_bounds = array<i64: 1024, 128>}, {transform_indices = @transform_1, window_bounds = array<i64: 1024, 128>}, {transform_indices = @transform_2, window_bounds = array<i64: 1024, 128>}, {transform_indices = @transform_3, window_bounds = array<i64: 1024, 128>}, {pipeline_mode = #tpu.pipeline_mode<synchronous>, transform_indices = @transform_4, window_bounds = array<i64: 128, 128>}, {pipeline_mode = #tpu.pipeline_mode<synchronous>, transform_indices = @transform_5, window_bounds = array<i64: 8, 128>}, {pipeline_mode = #tpu.pipeline_mode<synchronous>, transform_indices = @transform_6, window_bounds = array<i64: 128, 128>}, {pipeline_mode = #tpu.pipeline_mode<synchronous>, transform_indices = @transform_7, window_bounds = array<i64: 1, 128>}, {transform_indices = @transform_8, window_bounds = array<i64: 1024, 128>}]} {
    %get3A = arith.constant 0 : index
    %get3A_0 = arith.constant 0 : index
    %get3A_1 = vector.load %arg1[%get3A, %get3A_0] : memref<1024x128xf32, #tpu.memory_space<vmem>>, vector<1024x128xf32>
    %get3A_2 = arith.constant 0 : index
    %get3A_3 = arith.constant 0 : index
    %get3A_4 = vector.load %arg2[%get3A_2, %get3A_3] : memref<1024x128xf32, #tpu.memory_space<vmem>>, vector<1024x128xf32>
    %get3A_5 = arith.constant 0 : index
    %get3A_6 = arith.constant 0 : index
    %get3A_7 = vector.load %arg3[%get3A_5, %get3A_6] : memref<1024x128xf32, #tpu.memory_space<vmem>>, vector<1024x128xf32>
    %get3A_8 = arith.constant 0 : index
    %get3A_9 = arith.constant 0 : index
    %get3A_10 = vector.load %arg4[%get3A_8, %get3A_9] : memref<1024x128xf32, #tpu.memory_space<vmem>>, vector<1024x128xf32>
    %slice3A = vector.extract_strided_slice %get3A_4 {offsets = [0, 2], sizes = [1024, 1], strides = [1, 1]} : vector<1024x128xf32> to vector<1024x1xf32>
    %max3A = arith.constant 1.000000e+00 : f32
    %max3A_11 = vector.broadcast %max3A : f32 to vector<1024x1xf32>
    %max3A_12 = arith.maximumf %slice3A, %max3A_11 : vector<1024x1xf32>
    %div3A = vector.broadcast %max3A_12 : vector<1024x1xf32> to vector<1024x128xf32>
    %div3A_13 = arith.divf %get3A_1, %div3A : vector<1024x128xf32>
    %slice3A_14 = vector.extract_strided_slice %get3A_4 {offsets = [0, 0], sizes = [1024, 1], strides = [1, 1]} : vector<1024x128xf32> to vector<1024x1xf32>
    %slice3A_15 = vector.extract_strided_slice %get3A_7 {offsets = [0, 0], sizes = [1024, 1], strides = [1, 1]} : vector<1024x128xf32> to vector<1024x1xf32>
    %mul3A = arith.mulf %slice3A, %slice3A_15 : vector<1024x1xf32>
    %sub3A = arith.subf %slice3A_14, %mul3A : vector<1024x1xf32>
    %div3A_16 = arith.divf %sub3A, %max3A_12 : vector<1024x1xf32>
    %slice3A_17 = vector.extract_strided_slice %get3A_4 {offsets = [0, 1], sizes = [1024, 1], strides = [1, 1]} : vector<1024x128xf32> to vector<1024x1xf32>
    %slice3A_18 = vector.extract_strided_slice %get3A_7 {offsets = [0, 1], sizes = [1024, 1], strides = [1, 1]} : vector<1024x128xf32> to vector<1024x1xf32>
    %mul3A_19 = arith.mulf %slice3A, %slice3A_18 : vector<1024x1xf32>
    %sub3A_20 = arith.subf %slice3A_17, %mul3A_19 : vector<1024x1xf32>
    %div3A_21 = arith.divf %sub3A_20, %max3A_12 : vector<1024x1xf32>
    %get3A_22 = arith.constant 0 : index
    %get3A_23 = arith.constant 0 : index
    %get3A_24 = vector.load %arg5[%get3A_22, %get3A_23] : memref<128x128xf32, #tpu.memory_space<vmem>>, vector<128x128xf32>
    %dot_general3A = arith.constant dense<0.000000e+00> : vector<1024x128xf32>
    %dot_general3A_25 = tpu.matmul %div3A_13, %get3A_24, %dot_general3A {dimension_numbers = #tpu.dot_dimension_numbers<[1], [0], [0], [1], [0, 0, 1, 1], [], []>, transpose_lhs_hint = false} : vector<1024x128xf32>, vector<128x128xf32>, vector<1024x128xf32> -> vector<1024x128xf32>
    %get3A_26 = arith.constant 0 : index
    %get3A_27 = arith.constant 0 : index
    %get3A_28 = vector.load %arg6[%get3A_26, %get3A_27] : memref<8x128xf32, #tpu.memory_space<vmem>>, vector<1x128xf32>
    %mul3A_29 = vector.broadcast %div3A_16 : vector<1024x1xf32> to vector<1024x128xf32>
    %mul3A_30 = vector.broadcast %get3A_28 : vector<1x128xf32> to vector<1024x128xf32>
    %mul3A_31 = arith.mulf %mul3A_29, %mul3A_30 : vector<1024x128xf32>
    %get3A_32 = arith.constant 1 : index
    %get3A_33 = arith.constant 0 : index
    %get3A_34 = vector.load %arg6[%get3A_32, %get3A_33] : memref<8x128xf32, #tpu.memory_space<vmem>>, vector<1x128xf32>
    %mul3A_35 = vector.broadcast %div3A_21 : vector<1024x1xf32> to vector<1024x128xf32>
    %mul3A_36 = vector.broadcast %get3A_34 : vector<1x128xf32> to vector<1024x128xf32>
    %mul3A_37 = arith.mulf %mul3A_35, %mul3A_36 : vector<1024x128xf32>
    %add3A = arith.addf %mul3A_31, %mul3A_37 : vector<1024x128xf32>
    %add3A_38 = arith.addf %dot_general3A_25, %add3A : vector<1024x128xf32>
    %get3A_39 = arith.constant 0 : index
    %get3A_40 = arith.constant 0 : index
    %get3A_41 = vector.load %arg7[%get3A_39, %get3A_40] : memref<128x128xf32, #tpu.memory_space<vmem>>, vector<128x128xf32>
    %dot_general3A_42 = arith.constant dense<0.000000e+00> : vector<1024x128xf32>
    %dot_general3A_43 = tpu.matmul %get3A_10, %get3A_41, %dot_general3A_42 {dimension_numbers = #tpu.dot_dimension_numbers<[1], [0], [0], [1], [0, 0, 1, 1], [], []>, transpose_lhs_hint = false} : vector<1024x128xf32>, vector<128x128xf32>, vector<1024x128xf32> -> vector<1024x128xf32>
    %add3A_44 = arith.addf %add3A_38, %dot_general3A_43 : vector<1024x128xf32>
    %get3A_45 = arith.constant 0 : index
    %get3A_46 = arith.constant 0 : index
    %get3A_47 = vector.load %arg8[%get3A_45, %get3A_46] : memref<1x128xf32, #tpu.memory_space<vmem>>, vector<1x128xf32>
    %add3A_48 = vector.broadcast %get3A_47 : vector<1x128xf32> to vector<1024x128xf32>
    %add3A_49 = arith.addf %add3A_44, %add3A_48 : vector<1024x128xf32>
    %max3A_50 = arith.constant 0.000000e+00 : f32
    %max3A_51 = vector.broadcast %max3A_50 : f32 to vector<1024x128xf32>
    %max3A_52 = arith.maximumf %add3A_49, %max3A_51 : vector<1024x128xf32>
    %swap3A = arith.constant 0 : index
    %swap3A_53 = arith.constant 0 : index
    %swap3A_54 = vector.load %arg9[%swap3A, %swap3A_53] : memref<1024x128xf32, #tpu.memory_space<vmem>>, vector<1024x128xf32>
    tpu.vector_store %arg9[%swap3A, %swap3A_53], %max3A_52 {strides = array<i32>} : memref<1024x128xf32, #tpu.memory_space<vmem>>, vector<1024x128xf32>,
    return
  }
  func.func @transform_0(%arg0: i32) -> (i32, i32) {
    %c0_i32 = arith.constant 0 : i32
    %c0_i32_0 = arith.constant 0 : i32
    return %arg0, %c0_i32 : i32, i32
  }
  func.func @transform_1(%arg0: i32) -> (i32, i32) {
    %c0_i32 = arith.constant 0 : i32
    %c0_i32_0 = arith.constant 0 : i32
    return %arg0, %c0_i32 : i32, i32
  }
  func.func @transform_2(%arg0: i32) -> (i32, i32) {
    %c0_i32 = arith.constant 0 : i32
    %c0_i32_0 = arith.constant 0 : i32
    return %arg0, %c0_i32 : i32, i32
  }
  func.func @transform_3(%arg0: i32) -> (i32, i32) {
    %c0_i32 = arith.constant 0 : i32
    %c0_i32_0 = arith.constant 0 : i32
    return %arg0, %c0_i32 : i32, i32
  }
  func.func @transform_4(%arg0: i32) -> (i32, i32) {
    %c0_i32 = arith.constant 0 : i32
    %c0_i32_0 = arith.constant 0 : i32
    %c0_i32_1 = arith.constant 0 : i32
    return %c0_i32, %c0_i32_0 : i32, i32
  }
  func.func @transform_5(%arg0: i32) -> (i32, i32) {
    %c0_i32 = arith.constant 0 : i32
    %c0_i32_0 = arith.constant 0 : i32
    %c0_i32_1 = arith.constant 0 : i32
    return %c0_i32, %c0_i32_0 : i32, i32
  }
  func.func @transform_6(%arg0: i32) -> (i32, i32) {
    %c0_i32 = arith.constant 0 : i32
    %c0_i32_0 = arith.constant 0 : i32
    %c0_i32_1 = arith.constant 0 : i32
    return %c0_i32, %c0_i32_0 : i32, i32
  }
  func.func @transform_7(%arg0: i32) -> (i32, i32) {
    %c0_i32 = arith.constant 0 : i32
    %c0_i32_0 = arith.constant 0 : i32
    %c0_i32_1 = arith.constant 0 : i32
    return %c0_i32, %c0_i32_0 : i32, i32
  }
  func.func @transform_8(%arg0: i32) -> (i32, i32) {
    %c0_i32 = arith.constant 0 : i32
    %c0_i32_0 = arith.constant 0 : i32
    return %arg0, %c0_i32 : i32, i32
  }
}

module attributes {stable_mosaic.version = 14 : i64} {
  func.func @_final_body(%arg0: i32, %arg1: memref<2x256x128xf32, #tpu.memory_space<vmem>>, %arg2: memref<256x128xf32, #tpu.memory_space<vmem>>, %arg3: memref<256x128xf32, #tpu.memory_space<vmem>>, %arg4: memref<256x128xf32, #tpu.memory_space<vmem>>, %arg5: memref<128x128xf32, #tpu.memory_space<vmem>>, %arg6: memref<8x128xf32, #tpu.memory_space<vmem>>, %arg7: memref<128x128xf32, #tpu.memory_space<vmem>>, %arg8: memref<1x128xf32, #tpu.memory_space<vmem>>, %arg9: memref<256x1xi32, #tpu.memory_space<vmem>>, %arg10: memref<128x128xf32, #tpu.memory_space<vmem>>, %arg11: memref<1x128xf32, #tpu.memory_space<vmem>>, %arg12: memref<128x16xf32, #tpu.memory_space<vmem>>, %arg13: memref<1x16xf32, #tpu.memory_space<vmem>>, %arg14: memref<64x16xf32, #tpu.memory_space<vmem>>, %arg15: memref<64x128xf32, #tpu.memory_space<vmem>>) attributes {dimension_semantics = [#tpu.dimension_semantics<arbitrary>], iteration_bounds = array<i64: 40>, scalar_prefetch = 0 : i64, scratch_operands = 1 : i64, tpu.core_type = #tpu.core_type<tc>, window_params = [{transform_indices = @transform_0, window_bounds = array<i64: 2, 256, 128>}, {transform_indices = @transform_1, window_bounds = array<i64: 256, 128>}, {transform_indices = @transform_2, window_bounds = array<i64: 256, 128>}, {transform_indices = @transform_3, window_bounds = array<i64: 256, 128>}, {pipeline_mode = #tpu.pipeline_mode<synchronous>, transform_indices = @transform_4, window_bounds = array<i64: 128, 128>}, {pipeline_mode = #tpu.pipeline_mode<synchronous>, transform_indices = @transform_5, window_bounds = array<i64: 8, 128>}, {pipeline_mode = #tpu.pipeline_mode<synchronous>, transform_indices = @transform_6, window_bounds = array<i64: 128, 128>}, {pipeline_mode = #tpu.pipeline_mode<synchronous>, transform_indices = @transform_7, window_bounds = array<i64: 1, 128>}, {transform_indices = @transform_8, window_bounds = array<i64: 256, 1>}, {pipeline_mode = #tpu.pipeline_mode<synchronous>, transform_indices = @transform_9, window_bounds = array<i64: 128, 128>}, {pipeline_mode = #tpu.pipeline_mode<synchronous>, transform_indices = @transform_10, window_bounds = array<i64: 1, 128>}, {pipeline_mode = #tpu.pipeline_mode<synchronous>, transform_indices = @transform_11, window_bounds = array<i64: 128, 16>}, {pipeline_mode = #tpu.pipeline_mode<synchronous>, transform_indices = @transform_12, window_bounds = array<i64: 1, 16>}, {pipeline_mode = #tpu.pipeline_mode<synchronous>, transform_indices = @transform_13, window_bounds = array<i64: 64, 16>}]} {
    %eq3A = arith.constant 0 : i32
    %eq3A_0 = arith.cmpi eq, %arg0, %eq3A : i32
    %convert_element_type3A = arith.extui %eq3A_0 : i1 to i32
    %cond3A = arith.constant 0 : i32
    %cond3A_1 = arith.cmpi ne, %convert_element_type3A, %cond3A : i32
    scf.if %cond3A_1 {
      %broadcast_in_dim3A = arith.constant 0.000000e+00 : f32
      %broadcast_in_dim3A_588 = vector.broadcast %broadcast_in_dim3A : f32 to vector<64x128xf32>
      %swap3A = arith.constant 0 : index
      %swap3A_589 = arith.constant 0 : index
      %swap3A_590 = vector.load %arg15[%swap3A, %swap3A_589] : memref<64x128xf32, #tpu.memory_space<vmem>>, vector<64x128xf32>
      tpu.vector_store %arg15[%swap3A, %swap3A_589], %broadcast_in_dim3A_588 {strides = array<i32>} : memref<64x128xf32, #tpu.memory_space<vmem>>, vector<64x128xf32>,
    } else {
    }
    %get3A = arith.constant 0 : index
    %get3A_2 = arith.constant 0 : index
    %get3A_3 = arith.constant 0 : index
    %get3A_4 = vector.load %arg1[%get3A, %get3A_2, %get3A_3] : memref<2x256x128xf32, #tpu.memory_space<vmem>>, vector<1x256x128xf32>
    %get3A_5 = vector.shape_cast %get3A_4 : vector<1x256x128xf32> to vector<256x128xf32>
    %get3A_6 = arith.constant 1 : index
    %get3A_7 = arith.constant 0 : index
    %get3A_8 = arith.constant 0 : index
    %get3A_9 = vector.load %arg1[%get3A_6, %get3A_7, %get3A_8] : memref<2x256x128xf32, #tpu.memory_space<vmem>>, vector<1x256x128xf32>
    %get3A_10 = vector.shape_cast %get3A_9 : vector<1x256x128xf32> to vector<256x128xf32>
    %add3A = arith.addf %get3A_5, %get3A_10 : vector<256x128xf32>
    %get3A_11 = arith.constant 0 : index
    %get3A_12 = arith.constant 0 : index
    %get3A_13 = vector.load %arg2[%get3A_11, %get3A_12] : memref<256x128xf32, #tpu.memory_space<vmem>>, vector<256x128xf32>
    %get3A_14 = arith.constant 0 : index
    %get3A_15 = arith.constant 0 : index
    %get3A_16 = vector.load %arg3[%get3A_14, %get3A_15] : memref<256x128xf32, #tpu.memory_space<vmem>>, vector<256x128xf32>
    %get3A_17 = arith.constant 0 : index
    %get3A_18 = arith.constant 0 : index
    %get3A_19 = vector.load %arg4[%get3A_17, %get3A_18] : memref<256x128xf32, #tpu.memory_space<vmem>>, vector<256x128xf32>
    %slice3A = vector.extract_strided_slice %get3A_13 {offsets = [0, 2], sizes = [256, 1], strides = [1, 1]} : vector<256x128xf32> to vector<256x1xf32>
    %max3A = arith.constant 1.000000e+00 : f32
    %max3A_20 = vector.broadcast %max3A : f32 to vector<256x1xf32>
    %max3A_21 = arith.maximumf %slice3A, %max3A_20 : vector<256x1xf32>
    %div3A = vector.broadcast %max3A_21 : vector<256x1xf32> to vector<256x128xf32>
    %div3A_22 = arith.divf %add3A, %div3A : vector<256x128xf32>
    %slice3A_23 = vector.extract_strided_slice %get3A_13 {offsets = [0, 0], sizes = [256, 1], strides = [1, 1]} : vector<256x128xf32> to vector<256x1xf32>
    %slice3A_24 = vector.extract_strided_slice %get3A_16 {offsets = [0, 0], sizes = [256, 1], strides = [1, 1]} : vector<256x128xf32> to vector<256x1xf32>
    %mul3A = arith.mulf %slice3A, %slice3A_24 : vector<256x1xf32>
    %sub3A = arith.subf %slice3A_23, %mul3A : vector<256x1xf32>
    %div3A_25 = arith.divf %sub3A, %max3A_21 : vector<256x1xf32>
    %slice3A_26 = vector.extract_strided_slice %get3A_13 {offsets = [0, 1], sizes = [256, 1], strides = [1, 1]} : vector<256x128xf32> to vector<256x1xf32>
    %slice3A_27 = vector.extract_strided_slice %get3A_16 {offsets = [0, 1], sizes = [256, 1], strides = [1, 1]} : vector<256x128xf32> to vector<256x1xf32>
    %mul3A_28 = arith.mulf %slice3A, %slice3A_27 : vector<256x1xf32>
    %sub3A_29 = arith.subf %slice3A_26, %mul3A_28 : vector<256x1xf32>
    %div3A_30 = arith.divf %sub3A_29, %max3A_21 : vector<256x1xf32>
    %get3A_31 = arith.constant 0 : index
    %get3A_32 = arith.constant 0 : index
    %get3A_33 = vector.load %arg5[%get3A_31, %get3A_32] : memref<128x128xf32, #tpu.memory_space<vmem>>, vector<128x128xf32>
    %dot_general3A = arith.constant dense<0.000000e+00> : vector<256x128xf32>
    %dot_general3A_34 = tpu.matmul %div3A_22, %get3A_33, %dot_general3A {dimension_numbers = #tpu.dot_dimension_numbers<[1], [0], [0], [1], [0, 0, 1, 1], [], []>, transpose_lhs_hint = false} : vector<256x128xf32>, vector<128x128xf32>, vector<256x128xf32> -> vector<256x128xf32>
    %get3A_35 = arith.constant 0 : index
    %get3A_36 = arith.constant 0 : index
    %get3A_37 = vector.load %arg6[%get3A_35, %get3A_36] : memref<8x128xf32, #tpu.memory_space<vmem>>, vector<1x128xf32>
    %mul3A_38 = vector.broadcast %div3A_25 : vector<256x1xf32> to vector<256x128xf32>
    %mul3A_39 = vector.broadcast %get3A_37 : vector<1x128xf32> to vector<256x128xf32>
    %mul3A_40 = arith.mulf %mul3A_38, %mul3A_39 : vector<256x128xf32>
    %get3A_41 = arith.constant 1 : index
    %get3A_42 = arith.constant 0 : index
    %get3A_43 = vector.load %arg6[%get3A_41, %get3A_42] : memref<8x128xf32, #tpu.memory_space<vmem>>, vector<1x128xf32>
    %mul3A_44 = vector.broadcast %div3A_30 : vector<256x1xf32> to vector<256x128xf32>
    %mul3A_45 = vector.broadcast %get3A_43 : vector<1x128xf32> to vector<256x128xf32>
    %mul3A_46 = arith.mulf %mul3A_44, %mul3A_45 : vector<256x128xf32>
    %add3A_47 = arith.addf %mul3A_40, %mul3A_46 : vector<256x128xf32>
    %add3A_48 = arith.addf %dot_general3A_34, %add3A_47 : vector<256x128xf32>
    %get3A_49 = arith.constant 0 : index
    %get3A_50 = arith.constant 0 : index
    %get3A_51 = vector.load %arg7[%get3A_49, %get3A_50] : memref<128x128xf32, #tpu.memory_space<vmem>>, vector<128x128xf32>
    %dot_general3A_52 = arith.constant dense<0.000000e+00> : vector<256x128xf32>
    %dot_general3A_53 = tpu.matmul %get3A_19, %get3A_51, %dot_general3A_52 {dimension_numbers = #tpu.dot_dimension_numbers<[1], [0], [0], [1], [0, 0, 1, 1], [], []>, transpose_lhs_hint = false} : vector<256x128xf32>, vector<128x128xf32>, vector<256x128xf32> -> vector<256x128xf32>
    %add3A_54 = arith.addf %add3A_48, %dot_general3A_53 : vector<256x128xf32>
    %get3A_55 = arith.constant 0 : index
    %get3A_56 = arith.constant 0 : index
    %get3A_57 = vector.load %arg8[%get3A_55, %get3A_56] : memref<1x128xf32, #tpu.memory_space<vmem>>, vector<1x128xf32>
    %add3A_58 = vector.broadcast %get3A_57 : vector<1x128xf32> to vector<256x128xf32>
    %add3A_59 = arith.addf %add3A_54, %add3A_58 : vector<256x128xf32>
    %max3A_60 = arith.constant 0.000000e+00 : f32
    %max3A_61 = vector.broadcast %max3A_60 : f32 to vector<256x128xf32>
    %max3A_62 = arith.maximumf %add3A_59, %max3A_61 : vector<256x128xf32>
    %get3A_63 = arith.constant 0 : index
    %get3A_64 = arith.constant 0 : index
    %get3A_65 = vector.load %arg9[%get3A_63, %get3A_64] : memref<256x1xi32, #tpu.memory_space<vmem>>, vector<256x1xi32>
    %get3A_66 = arith.constant 0 : index
    %get3A_67 = arith.constant 0 : index
    %get3A_68 = vector.load %arg9[%get3A_66, %get3A_67] : memref<256x1xi32, #tpu.memory_space<vmem>>, vector<1x1xi32>
    %get3A_69 = vector.extract %get3A_68[0, 0] : i32 from vector<1x1xi32>
    %get3A_70 = arith.constant 255 : index
    %get3A_71 = arith.constant 0 : index
    %get3A_72 = vector.load %arg9[%get3A_70, %get3A_71] : memref<256x1xi32, #tpu.memory_space<vmem>>, vector<1x1xi32>
    %get3A_73 = vector.extract %get3A_72[0, 0] : i32 from vector<1x1xi32>
    %le3A = arith.constant 0 : i32
    %le3A_74 = arith.cmpi sle, %get3A_69, %le3A : i32
    %ge3A = arith.constant 0 : i32
    %ge3A_75 = arith.cmpi sge, %get3A_73, %ge3A : i32
    %and3A = arith.andi %le3A_74, %ge3A_75 : i1
    %convert_element_type3A_76 = arith.extui %and3A : i1 to i32
    %cond3A_77 = arith.constant 0 : i32
    %cond3A_78 = arith.cmpi ne, %convert_element_type3A_76, %cond3A_77 : i32
    scf.if %cond3A_78 {
      %eq3A_588 = arith.constant 0 : i32
      %eq3A_589 = vector.broadcast %eq3A_588 : i32 to vector<256x1xi32>
      %eq3A_590 = arith.cmpi eq, %get3A_65, %eq3A_589 : vector<256x1xi32>
      %jit3A = arith.constant 0.000000e+00 : f32
      %broadcast_in_dim3A = vector.shape_cast %eq3A_590 : vector<256x1xi1> to vector<256x1xi1>
      %broadcast_in_dim3A_591 = vector.broadcast %broadcast_in_dim3A : vector<256x1xi1> to vector<256x128xi1>
      %broadcast_in_dim3A_592 = vector.broadcast %jit3A : f32 to vector<256x128xf32>
      %select_n3A = arith.select %broadcast_in_dim3A_591, %max3A_62, %broadcast_in_dim3A_592 : vector<256x128xi1>, vector<256x128xf32>
      %reduce_max3A = arith.constant dense<0xFF800000> : vector<128xf32>
      %reduce_max3A_593 = vector.multi_reduction <maximumf>, %select_n3A, %reduce_max3A [0] : vector<256x128xf32> to vector<128xf32>
      %broadcast_in_dim3A_594 = vector.shape_cast %reduce_max3A_593 : vector<128xf32> to vector<1x128xf32>
      %get3A_595 = arith.constant 0 : index
      %get3A_596 = arith.constant 0 : index
      %get3A_597 = vector.load %arg15[%get3A_595, %get3A_596] : memref<64x128xf32, #tpu.memory_space<vmem>>, vector<1x128xf32>
      %max3A_598 = arith.maximumf %get3A_597, %broadcast_in_dim3A_594 : vector<1x128xf32>
      %swap3A = arith.constant 0 : index
      %swap3A_599 = arith.constant 0 : index
      %swap3A_600 = vector.load %arg15[%swap3A, %swap3A_599] : memref<64x128xf32, #tpu.memory_space<vmem>>, vector<1x128xf32>
      tpu.vector_store %arg15[%swap3A, %swap3A_599], %max3A_598 {strides = array<i32>} : memref<64x128xf32, #tpu.memory_space<vmem>>, vector<1x128xf32>,
    } else {
    }
    %le3A_79 = arith.constant 1 : i32
    %le3A_80 = arith.cmpi sle, %get3A_69, %le3A_79 : i32
    %ge3A_81 = arith.constant 1 : i32
    %ge3A_82 = arith.cmpi sge, %get3A_73, %ge3A_81 : i32
    %and3A_83 = arith.andi %le3A_80, %ge3A_82 : i1
    %convert_element_type3A_84 = arith.extui %and3A_83 : i1 to i32
    %cond3A_85 = arith.constant 0 : i32
    %cond3A_86 = arith.cmpi ne, %convert_element_type3A_84, %cond3A_85 : i32
    scf.if %cond3A_86 {
      %eq3A_588 = arith.constant 1 : i32
      %eq3A_589 = vector.broadcast %eq3A_588 : i32 to vector<256x1xi32>
      %eq3A_590 = arith.cmpi eq, %get3A_65, %eq3A_589 : vector<256x1xi32>
      %jit3A = arith.constant 0.000000e+00 : f32
      %broadcast_in_dim3A = vector.shape_cast %eq3A_590 : vector<256x1xi1> to vector<256x1xi1>
      %broadcast_in_dim3A_591 = vector.broadcast %broadcast_in_dim3A : vector<256x1xi1> to vector<256x128xi1>
      %broadcast_in_dim3A_592 = vector.broadcast %jit3A : f32 to vector<256x128xf32>
      %select_n3A = arith.select %broadcast_in_dim3A_591, %max3A_62, %broadcast_in_dim3A_592 : vector<256x128xi1>, vector<256x128xf32>
      %reduce_max3A = arith.constant dense<0xFF800000> : vector<128xf32>
      %reduce_max3A_593 = vector.multi_reduction <maximumf>, %select_n3A, %reduce_max3A [0] : vector<256x128xf32> to vector<128xf32>
      %broadcast_in_dim3A_594 = vector.shape_cast %reduce_max3A_593 : vector<128xf32> to vector<1x128xf32>
      %get3A_595 = arith.constant 1 : index
      %get3A_596 = arith.constant 0 : index
      %get3A_597 = vector.load %arg15[%get3A_595, %get3A_596] : memref<64x128xf32, #tpu.memory_space<vmem>>, vector<1x128xf32>
      %max3A_598 = arith.maximumf %get3A_597, %broadcast_in_dim3A_594 : vector<1x128xf32>
      %swap3A = arith.constant 1 : index
      %swap3A_599 = arith.constant 0 : index
      %swap3A_600 = vector.load %arg15[%swap3A, %swap3A_599] : memref<64x128xf32, #tpu.memory_space<vmem>>, vector<1x128xf32>
      tpu.vector_store %arg15[%swap3A, %swap3A_599], %max3A_598 {strides = array<i32>} : memref<64x128xf32, #tpu.memory_space<vmem>>, vector<1x128xf32>,
    } else {
    }
    %le3A_87 = arith.constant 2 : i32
    %le3A_88 = arith.cmpi sle, %get3A_69, %le3A_87 : i32
    %ge3A_89 = arith.constant 2 : i32
    %ge3A_90 = arith.cmpi sge, %get3A_73, %ge3A_89 : i32
    %and3A_91 = arith.andi %le3A_88, %ge3A_90 : i1
    %convert_element_type3A_92 = arith.extui %and3A_91 : i1 to i32
    %cond3A_93 = arith.constant 0 : i32
    %cond3A_94 = arith.cmpi ne, %convert_element_type3A_92, %cond3A_93 : i32
    scf.if %cond3A_94 {
      %eq3A_588 = arith.constant 2 : i32
      %eq3A_589 = vector.broadcast %eq3A_588 : i32 to vector<256x1xi32>
      %eq3A_590 = arith.cmpi eq, %get3A_65, %eq3A_589 : vector<256x1xi32>
      %jit3A = arith.constant 0.000000e+00 : f32
      %broadcast_in_dim3A = vector.shape_cast %eq3A_590 : vector<256x1xi1> to vector<256x1xi1>
      %broadcast_in_dim3A_591 = vector.broadcast %broadcast_in_dim3A : vector<256x1xi1> to vector<256x128xi1>
      %broadcast_in_dim3A_592 = vector.broadcast %jit3A : f32 to vector<256x128xf32>
      %select_n3A = arith.select %broadcast_in_dim3A_591, %max3A_62, %broadcast_in_dim3A_592 : vector<256x128xi1>, vector<256x128xf32>
      %reduce_max3A = arith.constant dense<0xFF800000> : vector<128xf32>
      %reduce_max3A_593 = vector.multi_reduction <maximumf>, %select_n3A, %reduce_max3A [0] : vector<256x128xf32> to vector<128xf32>
      %broadcast_in_dim3A_594 = vector.shape_cast %reduce_max3A_593 : vector<128xf32> to vector<1x128xf32>
      %get3A_595 = arith.constant 2 : index
      %get3A_596 = arith.constant 0 : index
      %get3A_597 = vector.load %arg15[%get3A_595, %get3A_596] : memref<64x128xf32, #tpu.memory_space<vmem>>, vector<1x128xf32>
      %max3A_598 = arith.maximumf %get3A_597, %broadcast_in_dim3A_594 : vector<1x128xf32>
      %swap3A = arith.constant 2 : index
      %swap3A_599 = arith.constant 0 : index
      %swap3A_600 = vector.load %arg15[%swap3A, %swap3A_599] : memref<64x128xf32, #tpu.memory_space<vmem>>, vector<1x128xf32>
      tpu.vector_store %arg15[%swap3A, %swap3A_599], %max3A_598 {strides = array<i32>} : memref<64x128xf32, #tpu.memory_space<vmem>>, vector<1x128xf32>,
    } else {
    }
    %le3A_95 = arith.constant 3 : i32
    %le3A_96 = arith.cmpi sle, %get3A_69, %le3A_95 : i32
    %ge3A_97 = arith.constant 3 : i32
    %ge3A_98 = arith.cmpi sge, %get3A_73, %ge3A_97 : i32
    %and3A_99 = arith.andi %le3A_96, %ge3A_98 : i1
    %convert_element_type3A_100 = arith.extui %and3A_99 : i1 to i32
    %cond3A_101 = arith.constant 0 : i32
    %cond3A_102 = arith.cmpi ne, %convert_element_type3A_100, %cond3A_101 : i32
    scf.if %cond3A_102 {
      %eq3A_588 = arith.constant 3 : i32
      %eq3A_589 = vector.broadcast %eq3A_588 : i32 to vector<256x1xi32>
      %eq3A_590 = arith.cmpi eq, %get3A_65, %eq3A_589 : vector<256x1xi32>
      %jit3A = arith.constant 0.000000e+00 : f32
      %broadcast_in_dim3A = vector.shape_cast %eq3A_590 : vector<256x1xi1> to vector<256x1xi1>
      %broadcast_in_dim3A_591 = vector.broadcast %broadcast_in_dim3A : vector<256x1xi1> to vector<256x128xi1>
      %broadcast_in_dim3A_592 = vector.broadcast %jit3A : f32 to vector<256x128xf32>
      %select_n3A = arith.select %broadcast_in_dim3A_591, %max3A_62, %broadcast_in_dim3A_592 : vector<256x128xi1>, vector<256x128xf32>
      %reduce_max3A = arith.constant dense<0xFF800000> : vector<128xf32>
      %reduce_max3A_593 = vector.multi_reduction <maximumf>, %select_n3A, %reduce_max3A [0] : vector<256x128xf32> to vector<128xf32>
      %broadcast_in_dim3A_594 = vector.shape_cast %reduce_max3A_593 : vector<128xf32> to vector<1x128xf32>
      %get3A_595 = arith.constant 3 : index
      %get3A_596 = arith.constant 0 : index
      %get3A_597 = vector.load %arg15[%get3A_595, %get3A_596] : memref<64x128xf32, #tpu.memory_space<vmem>>, vector<1x128xf32>
      %max3A_598 = arith.maximumf %get3A_597, %broadcast_in_dim3A_594 : vector<1x128xf32>
      %swap3A = arith.constant 3 : index
      %swap3A_599 = arith.constant 0 : index
      %swap3A_600 = vector.load %arg15[%swap3A, %swap3A_599] : memref<64x128xf32, #tpu.memory_space<vmem>>, vector<1x128xf32>
      tpu.vector_store %arg15[%swap3A, %swap3A_599], %max3A_598 {strides = array<i32>} : memref<64x128xf32, #tpu.memory_space<vmem>>, vector<1x128xf32>,
    } else {
    }
    %le3A_103 = arith.constant 4 : i32
    %le3A_104 = arith.cmpi sle, %get3A_69, %le3A_103 : i32
    %ge3A_105 = arith.constant 4 : i32
    %ge3A_106 = arith.cmpi sge, %get3A_73, %ge3A_105 : i32
    %and3A_107 = arith.andi %le3A_104, %ge3A_106 : i1
    %convert_element_type3A_108 = arith.extui %and3A_107 : i1 to i32
    %cond3A_109 = arith.constant 0 : i32
    %cond3A_110 = arith.cmpi ne, %convert_element_type3A_108, %cond3A_109 : i32
    scf.if %cond3A_110 {
      %eq3A_588 = arith.constant 4 : i32
      %eq3A_589 = vector.broadcast %eq3A_588 : i32 to vector<256x1xi32>
      %eq3A_590 = arith.cmpi eq, %get3A_65, %eq3A_589 : vector<256x1xi32>
      %jit3A = arith.constant 0.000000e+00 : f32
      %broadcast_in_dim3A = vector.shape_cast %eq3A_590 : vector<256x1xi1> to vector<256x1xi1>
      %broadcast_in_dim3A_591 = vector.broadcast %broadcast_in_dim3A : vector<256x1xi1> to vector<256x128xi1>
      %broadcast_in_dim3A_592 = vector.broadcast %jit3A : f32 to vector<256x128xf32>
      %select_n3A = arith.select %broadcast_in_dim3A_591, %max3A_62, %broadcast_in_dim3A_592 : vector<256x128xi1>, vector<256x128xf32>
      %reduce_max3A = arith.constant dense<0xFF800000> : vector<128xf32>
      %reduce_max3A_593 = vector.multi_reduction <maximumf>, %select_n3A, %reduce_max3A [0] : vector<256x128xf32> to vector<128xf32>
      %broadcast_in_dim3A_594 = vector.shape_cast %reduce_max3A_593 : vector<128xf32> to vector<1x128xf32>
      %get3A_595 = arith.constant 4 : index
      %get3A_596 = arith.constant 0 : index
      %get3A_597 = vector.load %arg15[%get3A_595, %get3A_596] : memref<64x128xf32, #tpu.memory_space<vmem>>, vector<1x128xf32>
      %max3A_598 = arith.maximumf %get3A_597, %broadcast_in_dim3A_594 : vector<1x128xf32>
      %swap3A = arith.constant 4 : index
      %swap3A_599 = arith.constant 0 : index
      %swap3A_600 = vector.load %arg15[%swap3A, %swap3A_599] : memref<64x128xf32, #tpu.memory_space<vmem>>, vector<1x128xf32>
      tpu.vector_store %arg15[%swap3A, %swap3A_599], %max3A_598 {strides = array<i32>} : memref<64x128xf32, #tpu.memory_space<vmem>>, vector<1x128xf32>,
    } else {
    }
    %le3A_111 = arith.constant 5 : i32
    %le3A_112 = arith.cmpi sle, %get3A_69, %le3A_111 : i32
    %ge3A_113 = arith.constant 5 : i32
    %ge3A_114 = arith.cmpi sge, %get3A_73, %ge3A_113 : i32
    %and3A_115 = arith.andi %le3A_112, %ge3A_114 : i1
    %convert_element_type3A_116 = arith.extui %and3A_115 : i1 to i32
    %cond3A_117 = arith.constant 0 : i32
    %cond3A_118 = arith.cmpi ne, %convert_element_type3A_116, %cond3A_117 : i32
    scf.if %cond3A_118 {
      %eq3A_588 = arith.constant 5 : i32
      %eq3A_589 = vector.broadcast %eq3A_588 : i32 to vector<256x1xi32>
      %eq3A_590 = arith.cmpi eq, %get3A_65, %eq3A_589 : vector<256x1xi32>
      %jit3A = arith.constant 0.000000e+00 : f32
      %broadcast_in_dim3A = vector.shape_cast %eq3A_590 : vector<256x1xi1> to vector<256x1xi1>
      %broadcast_in_dim3A_591 = vector.broadcast %broadcast_in_dim3A : vector<256x1xi1> to vector<256x128xi1>
      %broadcast_in_dim3A_592 = vector.broadcast %jit3A : f32 to vector<256x128xf32>
      %select_n3A = arith.select %broadcast_in_dim3A_591, %max3A_62, %broadcast_in_dim3A_592 : vector<256x128xi1>, vector<256x128xf32>
      %reduce_max3A = arith.constant dense<0xFF800000> : vector<128xf32>
      %reduce_max3A_593 = vector.multi_reduction <maximumf>, %select_n3A, %reduce_max3A [0] : vector<256x128xf32> to vector<128xf32>
      %broadcast_in_dim3A_594 = vector.shape_cast %reduce_max3A_593 : vector<128xf32> to vector<1x128xf32>
      %get3A_595 = arith.constant 5 : index
      %get3A_596 = arith.constant 0 : index
      %get3A_597 = vector.load %arg15[%get3A_595, %get3A_596] : memref<64x128xf32, #tpu.memory_space<vmem>>, vector<1x128xf32>
      %max3A_598 = arith.maximumf %get3A_597, %broadcast_in_dim3A_594 : vector<1x128xf32>
      %swap3A = arith.constant 5 : index
      %swap3A_599 = arith.constant 0 : index
      %swap3A_600 = vector.load %arg15[%swap3A, %swap3A_599] : memref<64x128xf32, #tpu.memory_space<vmem>>, vector<1x128xf32>
      tpu.vector_store %arg15[%swap3A, %swap3A_599], %max3A_598 {strides = array<i32>} : memref<64x128xf32, #tpu.memory_space<vmem>>, vector<1x128xf32>,
    } else {
    }
    %le3A_119 = arith.constant 6 : i32
    %le3A_120 = arith.cmpi sle, %get3A_69, %le3A_119 : i32
    %ge3A_121 = arith.constant 6 : i32
    %ge3A_122 = arith.cmpi sge, %get3A_73, %ge3A_121 : i32
    %and3A_123 = arith.andi %le3A_120, %ge3A_122 : i1
    %convert_element_type3A_124 = arith.extui %and3A_123 : i1 to i32
    %cond3A_125 = arith.constant 0 : i32
    %cond3A_126 = arith.cmpi ne, %convert_element_type3A_124, %cond3A_125 : i32
    scf.if %cond3A_126 {
      %eq3A_588 = arith.constant 6 : i32
      %eq3A_589 = vector.broadcast %eq3A_588 : i32 to vector<256x1xi32>
      %eq3A_590 = arith.cmpi eq, %get3A_65, %eq3A_589 : vector<256x1xi32>
      %jit3A = arith.constant 0.000000e+00 : f32
      %broadcast_in_dim3A = vector.shape_cast %eq3A_590 : vector<256x1xi1> to vector<256x1xi1>
      %broadcast_in_dim3A_591 = vector.broadcast %broadcast_in_dim3A : vector<256x1xi1> to vector<256x128xi1>
      %broadcast_in_dim3A_592 = vector.broadcast %jit3A : f32 to vector<256x128xf32>
      %select_n3A = arith.select %broadcast_in_dim3A_591, %max3A_62, %broadcast_in_dim3A_592 : vector<256x128xi1>, vector<256x128xf32>
      %reduce_max3A = arith.constant dense<0xFF800000> : vector<128xf32>
      %reduce_max3A_593 = vector.multi_reduction <maximumf>, %select_n3A, %reduce_max3A [0] : vector<256x128xf32> to vector<128xf32>
      %broadcast_in_dim3A_594 = vector.shape_cast %reduce_max3A_593 : vector<128xf32> to vector<1x128xf32>
      %get3A_595 = arith.constant 6 : index
      %get3A_596 = arith.constant 0 : index
      %get3A_597 = vector.load %arg15[%get3A_595, %get3A_596] : memref<64x128xf32, #tpu.memory_space<vmem>>, vector<1x128xf32>
      %max3A_598 = arith.maximumf %get3A_597, %broadcast_in_dim3A_594 : vector<1x128xf32>
      %swap3A = arith.constant 6 : index
      %swap3A_599 = arith.constant 0 : index
      %swap3A_600 = vector.load %arg15[%swap3A, %swap3A_599] : memref<64x128xf32, #tpu.memory_space<vmem>>, vector<1x128xf32>
      tpu.vector_store %arg15[%swap3A, %swap3A_599], %max3A_598 {strides = array<i32>} : memref<64x128xf32, #tpu.memory_space<vmem>>, vector<1x128xf32>,
    } else {
    }
    %le3A_127 = arith.constant 7 : i32
    %le3A_128 = arith.cmpi sle, %get3A_69, %le3A_127 : i32
    %ge3A_129 = arith.constant 7 : i32
    %ge3A_130 = arith.cmpi sge, %get3A_73, %ge3A_129 : i32
    %and3A_131 = arith.andi %le3A_128, %ge3A_130 : i1
    %convert_element_type3A_132 = arith.extui %and3A_131 : i1 to i32
    %cond3A_133 = arith.constant 0 : i32
    %cond3A_134 = arith.cmpi ne, %convert_element_type3A_132, %cond3A_133 : i32
    scf.if %cond3A_134 {
      %eq3A_588 = arith.constant 7 : i32
      %eq3A_589 = vector.broadcast %eq3A_588 : i32 to vector<256x1xi32>
      %eq3A_590 = arith.cmpi eq, %get3A_65, %eq3A_589 : vector<256x1xi32>
      %jit3A = arith.constant 0.000000e+00 : f32
      %broadcast_in_dim3A = vector.shape_cast %eq3A_590 : vector<256x1xi1> to vector<256x1xi1>
      %broadcast_in_dim3A_591 = vector.broadcast %broadcast_in_dim3A : vector<256x1xi1> to vector<256x128xi1>
      %broadcast_in_dim3A_592 = vector.broadcast %jit3A : f32 to vector<256x128xf32>
      %select_n3A = arith.select %broadcast_in_dim3A_591, %max3A_62, %broadcast_in_dim3A_592 : vector<256x128xi1>, vector<256x128xf32>
      %reduce_max3A = arith.constant dense<0xFF800000> : vector<128xf32>
      %reduce_max3A_593 = vector.multi_reduction <maximumf>, %select_n3A, %reduce_max3A [0] : vector<256x128xf32> to vector<128xf32>
      %broadcast_in_dim3A_594 = vector.shape_cast %reduce_max3A_593 : vector<128xf32> to vector<1x128xf32>
      %get3A_595 = arith.constant 7 : index
      %get3A_596 = arith.constant 0 : index
      %get3A_597 = vector.load %arg15[%get3A_595, %get3A_596] : memref<64x128xf32, #tpu.memory_space<vmem>>, vector<1x128xf32>
      %max3A_598 = arith.maximumf %get3A_597, %broadcast_in_dim3A_594 : vector<1x128xf32>
      %swap3A = arith.constant 7 : index
      %swap3A_599 = arith.constant 0 : index
      %swap3A_600 = vector.load %arg15[%swap3A, %swap3A_599] : memref<64x128xf32, #tpu.memory_space<vmem>>, vector<1x128xf32>
      tpu.vector_store %arg15[%swap3A, %swap3A_599], %max3A_598 {strides = array<i32>} : memref<64x128xf32, #tpu.memory_space<vmem>>, vector<1x128xf32>,
    } else {
    }
    %le3A_135 = arith.constant 8 : i32
    %le3A_136 = arith.cmpi sle, %get3A_69, %le3A_135 : i32
    %ge3A_137 = arith.constant 8 : i32
    %ge3A_138 = arith.cmpi sge, %get3A_73, %ge3A_137 : i32
    %and3A_139 = arith.andi %le3A_136, %ge3A_138 : i1
    %convert_element_type3A_140 = arith.extui %and3A_139 : i1 to i32
    %cond3A_141 = arith.constant 0 : i32
    %cond3A_142 = arith.cmpi ne, %convert_element_type3A_140, %cond3A_141 : i32
    scf.if %cond3A_142 {
      %eq3A_588 = arith.constant 8 : i32
      %eq3A_589 = vector.broadcast %eq3A_588 : i32 to vector<256x1xi32>
      %eq3A_590 = arith.cmpi eq, %get3A_65, %eq3A_589 : vector<256x1xi32>
      %jit3A = arith.constant 0.000000e+00 : f32
      %broadcast_in_dim3A = vector.shape_cast %eq3A_590 : vector<256x1xi1> to vector<256x1xi1>
      %broadcast_in_dim3A_591 = vector.broadcast %broadcast_in_dim3A : vector<256x1xi1> to vector<256x128xi1>
      %broadcast_in_dim3A_592 = vector.broadcast %jit3A : f32 to vector<256x128xf32>
      %select_n3A = arith.select %broadcast_in_dim3A_591, %max3A_62, %broadcast_in_dim3A_592 : vector<256x128xi1>, vector<256x128xf32>
      %reduce_max3A = arith.constant dense<0xFF800000> : vector<128xf32>
      %reduce_max3A_593 = vector.multi_reduction <maximumf>, %select_n3A, %reduce_max3A [0] : vector<256x128xf32> to vector<128xf32>
      %broadcast_in_dim3A_594 = vector.shape_cast %reduce_max3A_593 : vector<128xf32> to vector<1x128xf32>
      %get3A_595 = arith.constant 8 : index
      %get3A_596 = arith.constant 0 : index
      %get3A_597 = vector.load %arg15[%get3A_595, %get3A_596] : memref<64x128xf32, #tpu.memory_space<vmem>>, vector<1x128xf32>
      %max3A_598 = arith.maximumf %get3A_597, %broadcast_in_dim3A_594 : vector<1x128xf32>
      %swap3A = arith.constant 8 : index
      %swap3A_599 = arith.constant 0 : index
      %swap3A_600 = vector.load %arg15[%swap3A, %swap3A_599] : memref<64x128xf32, #tpu.memory_space<vmem>>, vector<1x128xf32>
      tpu.vector_store %arg15[%swap3A, %swap3A_599], %max3A_598 {strides = array<i32>} : memref<64x128xf32, #tpu.memory_space<vmem>>, vector<1x128xf32>,
    } else {
    }
    %le3A_143 = arith.constant 9 : i32
    %le3A_144 = arith.cmpi sle, %get3A_69, %le3A_143 : i32
    %ge3A_145 = arith.constant 9 : i32
    %ge3A_146 = arith.cmpi sge, %get3A_73, %ge3A_145 : i32
    %and3A_147 = arith.andi %le3A_144, %ge3A_146 : i1
    %convert_element_type3A_148 = arith.extui %and3A_147 : i1 to i32
    %cond3A_149 = arith.constant 0 : i32
    %cond3A_150 = arith.cmpi ne, %convert_element_type3A_148, %cond3A_149 : i32
    scf.if %cond3A_150 {
      %eq3A_588 = arith.constant 9 : i32
      %eq3A_589 = vector.broadcast %eq3A_588 : i32 to vector<256x1xi32>
      %eq3A_590 = arith.cmpi eq, %get3A_65, %eq3A_589 : vector<256x1xi32>
      %jit3A = arith.constant 0.000000e+00 : f32
      %broadcast_in_dim3A = vector.shape_cast %eq3A_590 : vector<256x1xi1> to vector<256x1xi1>
      %broadcast_in_dim3A_591 = vector.broadcast %broadcast_in_dim3A : vector<256x1xi1> to vector<256x128xi1>
      %broadcast_in_dim3A_592 = vector.broadcast %jit3A : f32 to vector<256x128xf32>
      %select_n3A = arith.select %broadcast_in_dim3A_591, %max3A_62, %broadcast_in_dim3A_592 : vector<256x128xi1>, vector<256x128xf32>
      %reduce_max3A = arith.constant dense<0xFF800000> : vector<128xf32>
      %reduce_max3A_593 = vector.multi_reduction <maximumf>, %select_n3A, %reduce_max3A [0] : vector<256x128xf32> to vector<128xf32>
      %broadcast_in_dim3A_594 = vector.shape_cast %reduce_max3A_593 : vector<128xf32> to vector<1x128xf32>
      %get3A_595 = arith.constant 9 : index
      %get3A_596 = arith.constant 0 : index
      %get3A_597 = vector.load %arg15[%get3A_595, %get3A_596] : memref<64x128xf32, #tpu.memory_space<vmem>>, vector<1x128xf32>
      %max3A_598 = arith.maximumf %get3A_597, %broadcast_in_dim3A_594 : vector<1x128xf32>
      %swap3A = arith.constant 9 : index
      %swap3A_599 = arith.constant 0 : index
      %swap3A_600 = vector.load %arg15[%swap3A, %swap3A_599] : memref<64x128xf32, #tpu.memory_space<vmem>>, vector<1x128xf32>
      tpu.vector_store %arg15[%swap3A, %swap3A_599], %max3A_598 {strides = array<i32>} : memref<64x128xf32, #tpu.memory_space<vmem>>, vector<1x128xf32>,
    } else {
    }
    %le3A_151 = arith.constant 10 : i32
    %le3A_152 = arith.cmpi sle, %get3A_69, %le3A_151 : i32
    %ge3A_153 = arith.constant 10 : i32
    %ge3A_154 = arith.cmpi sge, %get3A_73, %ge3A_153 : i32
    %and3A_155 = arith.andi %le3A_152, %ge3A_154 : i1
    %convert_element_type3A_156 = arith.extui %and3A_155 : i1 to i32
    %cond3A_157 = arith.constant 0 : i32
    %cond3A_158 = arith.cmpi ne, %convert_element_type3A_156, %cond3A_157 : i32
    scf.if %cond3A_158 {
      %eq3A_588 = arith.constant 10 : i32
      %eq3A_589 = vector.broadcast %eq3A_588 : i32 to vector<256x1xi32>
      %eq3A_590 = arith.cmpi eq, %get3A_65, %eq3A_589 : vector<256x1xi32>
      %jit3A = arith.constant 0.000000e+00 : f32
      %broadcast_in_dim3A = vector.shape_cast %eq3A_590 : vector<256x1xi1> to vector<256x1xi1>
      %broadcast_in_dim3A_591 = vector.broadcast %broadcast_in_dim3A : vector<256x1xi1> to vector<256x128xi1>
      %broadcast_in_dim3A_592 = vector.broadcast %jit3A : f32 to vector<256x128xf32>
      %select_n3A = arith.select %broadcast_in_dim3A_591, %max3A_62, %broadcast_in_dim3A_592 : vector<256x128xi1>, vector<256x128xf32>
      %reduce_max3A = arith.constant dense<0xFF800000> : vector<128xf32>
      %reduce_max3A_593 = vector.multi_reduction <maximumf>, %select_n3A, %reduce_max3A [0] : vector<256x128xf32> to vector<128xf32>
      %broadcast_in_dim3A_594 = vector.shape_cast %reduce_max3A_593 : vector<128xf32> to vector<1x128xf32>
      %get3A_595 = arith.constant 10 : index
      %get3A_596 = arith.constant 0 : index
      %get3A_597 = vector.load %arg15[%get3A_595, %get3A_596] : memref<64x128xf32, #tpu.memory_space<vmem>>, vector<1x128xf32>
      %max3A_598 = arith.maximumf %get3A_597, %broadcast_in_dim3A_594 : vector<1x128xf32>
      %swap3A = arith.constant 10 : index
      %swap3A_599 = arith.constant 0 : index
      %swap3A_600 = vector.load %arg15[%swap3A, %swap3A_599] : memref<64x128xf32, #tpu.memory_space<vmem>>, vector<1x128xf32>
      tpu.vector_store %arg15[%swap3A, %swap3A_599], %max3A_598 {strides = array<i32>} : memref<64x128xf32, #tpu.memory_space<vmem>>, vector<1x128xf32>,
    } else {
    }
    %le3A_159 = arith.constant 11 : i32
    %le3A_160 = arith.cmpi sle, %get3A_69, %le3A_159 : i32
    %ge3A_161 = arith.constant 11 : i32
    %ge3A_162 = arith.cmpi sge, %get3A_73, %ge3A_161 : i32
    %and3A_163 = arith.andi %le3A_160, %ge3A_162 : i1
    %convert_element_type3A_164 = arith.extui %and3A_163 : i1 to i32
    %cond3A_165 = arith.constant 0 : i32
    %cond3A_166 = arith.cmpi ne, %convert_element_type3A_164, %cond3A_165 : i32
    scf.if %cond3A_166 {
      %eq3A_588 = arith.constant 11 : i32
      %eq3A_589 = vector.broadcast %eq3A_588 : i32 to vector<256x1xi32>
      %eq3A_590 = arith.cmpi eq, %get3A_65, %eq3A_589 : vector<256x1xi32>
      %jit3A = arith.constant 0.000000e+00 : f32
      %broadcast_in_dim3A = vector.shape_cast %eq3A_590 : vector<256x1xi1> to vector<256x1xi1>
      %broadcast_in_dim3A_591 = vector.broadcast %broadcast_in_dim3A : vector<256x1xi1> to vector<256x128xi1>
      %broadcast_in_dim3A_592 = vector.broadcast %jit3A : f32 to vector<256x128xf32>
      %select_n3A = arith.select %broadcast_in_dim3A_591, %max3A_62, %broadcast_in_dim3A_592 : vector<256x128xi1>, vector<256x128xf32>
      %reduce_max3A = arith.constant dense<0xFF800000> : vector<128xf32>
      %reduce_max3A_593 = vector.multi_reduction <maximumf>, %select_n3A, %reduce_max3A [0] : vector<256x128xf32> to vector<128xf32>
      %broadcast_in_dim3A_594 = vector.shape_cast %reduce_max3A_593 : vector<128xf32> to vector<1x128xf32>
      %get3A_595 = arith.constant 11 : index
      %get3A_596 = arith.constant 0 : index
      %get3A_597 = vector.load %arg15[%get3A_595, %get3A_596] : memref<64x128xf32, #tpu.memory_space<vmem>>, vector<1x128xf32>
      %max3A_598 = arith.maximumf %get3A_597, %broadcast_in_dim3A_594 : vector<1x128xf32>
      %swap3A = arith.constant 11 : index
      %swap3A_599 = arith.constant 0 : index
      %swap3A_600 = vector.load %arg15[%swap3A, %swap3A_599] : memref<64x128xf32, #tpu.memory_space<vmem>>, vector<1x128xf32>
      tpu.vector_store %arg15[%swap3A, %swap3A_599], %max3A_598 {strides = array<i32>} : memref<64x128xf32, #tpu.memory_space<vmem>>, vector<1x128xf32>,
    } else {
    }
    %le3A_167 = arith.constant 12 : i32
    %le3A_168 = arith.cmpi sle, %get3A_69, %le3A_167 : i32
    %ge3A_169 = arith.constant 12 : i32
    %ge3A_170 = arith.cmpi sge, %get3A_73, %ge3A_169 : i32
    %and3A_171 = arith.andi %le3A_168, %ge3A_170 : i1
    %convert_element_type3A_172 = arith.extui %and3A_171 : i1 to i32
    %cond3A_173 = arith.constant 0 : i32
    %cond3A_174 = arith.cmpi ne, %convert_element_type3A_172, %cond3A_173 : i32
    scf.if %cond3A_174 {
      %eq3A_588 = arith.constant 12 : i32
      %eq3A_589 = vector.broadcast %eq3A_588 : i32 to vector<256x1xi32>
      %eq3A_590 = arith.cmpi eq, %get3A_65, %eq3A_589 : vector<256x1xi32>
      %jit3A = arith.constant 0.000000e+00 : f32
      %broadcast_in_dim3A = vector.shape_cast %eq3A_590 : vector<256x1xi1> to vector<256x1xi1>
      %broadcast_in_dim3A_591 = vector.broadcast %broadcast_in_dim3A : vector<256x1xi1> to vector<256x128xi1>
      %broadcast_in_dim3A_592 = vector.broadcast %jit3A : f32 to vector<256x128xf32>
      %select_n3A = arith.select %broadcast_in_dim3A_591, %max3A_62, %broadcast_in_dim3A_592 : vector<256x128xi1>, vector<256x128xf32>
      %reduce_max3A = arith.constant dense<0xFF800000> : vector<128xf32>
      %reduce_max3A_593 = vector.multi_reduction <maximumf>, %select_n3A, %reduce_max3A [0] : vector<256x128xf32> to vector<128xf32>
      %broadcast_in_dim3A_594 = vector.shape_cast %reduce_max3A_593 : vector<128xf32> to vector<1x128xf32>
      %get3A_595 = arith.constant 12 : index
      %get3A_596 = arith.constant 0 : index
      %get3A_597 = vector.load %arg15[%get3A_595, %get3A_596] : memref<64x128xf32, #tpu.memory_space<vmem>>, vector<1x128xf32>
      %max3A_598 = arith.maximumf %get3A_597, %broadcast_in_dim3A_594 : vector<1x128xf32>
      %swap3A = arith.constant 12 : index
      %swap3A_599 = arith.constant 0 : index
      %swap3A_600 = vector.load %arg15[%swap3A, %swap3A_599] : memref<64x128xf32, #tpu.memory_space<vmem>>, vector<1x128xf32>
      tpu.vector_store %arg15[%swap3A, %swap3A_599], %max3A_598 {strides = array<i32>} : memref<64x128xf32, #tpu.memory_space<vmem>>, vector<1x128xf32>,
    } else {
    }
    %le3A_175 = arith.constant 13 : i32
    %le3A_176 = arith.cmpi sle, %get3A_69, %le3A_175 : i32
    %ge3A_177 = arith.constant 13 : i32
    %ge3A_178 = arith.cmpi sge, %get3A_73, %ge3A_177 : i32
    %and3A_179 = arith.andi %le3A_176, %ge3A_178 : i1
    %convert_element_type3A_180 = arith.extui %and3A_179 : i1 to i32
    %cond3A_181 = arith.constant 0 : i32
    %cond3A_182 = arith.cmpi ne, %convert_element_type3A_180, %cond3A_181 : i32
    scf.if %cond3A_182 {
      %eq3A_588 = arith.constant 13 : i32
      %eq3A_589 = vector.broadcast %eq3A_588 : i32 to vector<256x1xi32>
      %eq3A_590 = arith.cmpi eq, %get3A_65, %eq3A_589 : vector<256x1xi32>
      %jit3A = arith.constant 0.000000e+00 : f32
      %broadcast_in_dim3A = vector.shape_cast %eq3A_590 : vector<256x1xi1> to vector<256x1xi1>
      %broadcast_in_dim3A_591 = vector.broadcast %broadcast_in_dim3A : vector<256x1xi1> to vector<256x128xi1>
      %broadcast_in_dim3A_592 = vector.broadcast %jit3A : f32 to vector<256x128xf32>
      %select_n3A = arith.select %broadcast_in_dim3A_591, %max3A_62, %broadcast_in_dim3A_592 : vector<256x128xi1>, vector<256x128xf32>
      %reduce_max3A = arith.constant dense<0xFF800000> : vector<128xf32>
      %reduce_max3A_593 = vector.multi_reduction <maximumf>, %select_n3A, %reduce_max3A [0] : vector<256x128xf32> to vector<128xf32>
      %broadcast_in_dim3A_594 = vector.shape_cast %reduce_max3A_593 : vector<128xf32> to vector<1x128xf32>
      %get3A_595 = arith.constant 13 : index
      %get3A_596 = arith.constant 0 : index
      %get3A_597 = vector.load %arg15[%get3A_595, %get3A_596] : memref<64x128xf32, #tpu.memory_space<vmem>>, vector<1x128xf32>
      %max3A_598 = arith.maximumf %get3A_597, %broadcast_in_dim3A_594 : vector<1x128xf32>
      %swap3A = arith.constant 13 : index
      %swap3A_599 = arith.constant 0 : index
      %swap3A_600 = vector.load %arg15[%swap3A, %swap3A_599] : memref<64x128xf32, #tpu.memory_space<vmem>>, vector<1x128xf32>
      tpu.vector_store %arg15[%swap3A, %swap3A_599], %max3A_598 {strides = array<i32>} : memref<64x128xf32, #tpu.memory_space<vmem>>, vector<1x128xf32>,
    } else {
    }
    %le3A_183 = arith.constant 14 : i32
    %le3A_184 = arith.cmpi sle, %get3A_69, %le3A_183 : i32
    %ge3A_185 = arith.constant 14 : i32
    %ge3A_186 = arith.cmpi sge, %get3A_73, %ge3A_185 : i32
    %and3A_187 = arith.andi %le3A_184, %ge3A_186 : i1
    %convert_element_type3A_188 = arith.extui %and3A_187 : i1 to i32
    %cond3A_189 = arith.constant 0 : i32
    %cond3A_190 = arith.cmpi ne, %convert_element_type3A_188, %cond3A_189 : i32
    scf.if %cond3A_190 {
      %eq3A_588 = arith.constant 14 : i32
      %eq3A_589 = vector.broadcast %eq3A_588 : i32 to vector<256x1xi32>
      %eq3A_590 = arith.cmpi eq, %get3A_65, %eq3A_589 : vector<256x1xi32>
      %jit3A = arith.constant 0.000000e+00 : f32
      %broadcast_in_dim3A = vector.shape_cast %eq3A_590 : vector<256x1xi1> to vector<256x1xi1>
      %broadcast_in_dim3A_591 = vector.broadcast %broadcast_in_dim3A : vector<256x1xi1> to vector<256x128xi1>
      %broadcast_in_dim3A_592 = vector.broadcast %jit3A : f32 to vector<256x128xf32>
      %select_n3A = arith.select %broadcast_in_dim3A_591, %max3A_62, %broadcast_in_dim3A_592 : vector<256x128xi1>, vector<256x128xf32>
      %reduce_max3A = arith.constant dense<0xFF800000> : vector<128xf32>
      %reduce_max3A_593 = vector.multi_reduction <maximumf>, %select_n3A, %reduce_max3A [0] : vector<256x128xf32> to vector<128xf32>
      %broadcast_in_dim3A_594 = vector.shape_cast %reduce_max3A_593 : vector<128xf32> to vector<1x128xf32>
      %get3A_595 = arith.constant 14 : index
      %get3A_596 = arith.constant 0 : index
      %get3A_597 = vector.load %arg15[%get3A_595, %get3A_596] : memref<64x128xf32, #tpu.memory_space<vmem>>, vector<1x128xf32>
      %max3A_598 = arith.maximumf %get3A_597, %broadcast_in_dim3A_594 : vector<1x128xf32>
      %swap3A = arith.constant 14 : index
      %swap3A_599 = arith.constant 0 : index
      %swap3A_600 = vector.load %arg15[%swap3A, %swap3A_599] : memref<64x128xf32, #tpu.memory_space<vmem>>, vector<1x128xf32>
      tpu.vector_store %arg15[%swap3A, %swap3A_599], %max3A_598 {strides = array<i32>} : memref<64x128xf32, #tpu.memory_space<vmem>>, vector<1x128xf32>,
    } else {
    }
    %le3A_191 = arith.constant 15 : i32
    %le3A_192 = arith.cmpi sle, %get3A_69, %le3A_191 : i32
    %ge3A_193 = arith.constant 15 : i32
    %ge3A_194 = arith.cmpi sge, %get3A_73, %ge3A_193 : i32
    %and3A_195 = arith.andi %le3A_192, %ge3A_194 : i1
    %convert_element_type3A_196 = arith.extui %and3A_195 : i1 to i32
    %cond3A_197 = arith.constant 0 : i32
    %cond3A_198 = arith.cmpi ne, %convert_element_type3A_196, %cond3A_197 : i32
    scf.if %cond3A_198 {
      %eq3A_588 = arith.constant 15 : i32
      %eq3A_589 = vector.broadcast %eq3A_588 : i32 to vector<256x1xi32>
      %eq3A_590 = arith.cmpi eq, %get3A_65, %eq3A_589 : vector<256x1xi32>
      %jit3A = arith.constant 0.000000e+00 : f32
      %broadcast_in_dim3A = vector.shape_cast %eq3A_590 : vector<256x1xi1> to vector<256x1xi1>
      %broadcast_in_dim3A_591 = vector.broadcast %broadcast_in_dim3A : vector<256x1xi1> to vector<256x128xi1>
      %broadcast_in_dim3A_592 = vector.broadcast %jit3A : f32 to vector<256x128xf32>
      %select_n3A = arith.select %broadcast_in_dim3A_591, %max3A_62, %broadcast_in_dim3A_592 : vector<256x128xi1>, vector<256x128xf32>
      %reduce_max3A = arith.constant dense<0xFF800000> : vector<128xf32>
      %reduce_max3A_593 = vector.multi_reduction <maximumf>, %select_n3A, %reduce_max3A [0] : vector<256x128xf32> to vector<128xf32>
      %broadcast_in_dim3A_594 = vector.shape_cast %reduce_max3A_593 : vector<128xf32> to vector<1x128xf32>
      %get3A_595 = arith.constant 15 : index
      %get3A_596 = arith.constant 0 : index
      %get3A_597 = vector.load %arg15[%get3A_595, %get3A_596] : memref<64x128xf32, #tpu.memory_space<vmem>>, vector<1x128xf32>
      %max3A_598 = arith.maximumf %get3A_597, %broadcast_in_dim3A_594 : vector<1x128xf32>
      %swap3A = arith.constant 15 : index
      %swap3A_599 = arith.constant 0 : index
      %swap3A_600 = vector.load %arg15[%swap3A, %swap3A_599] : memref<64x128xf32, #tpu.memory_space<vmem>>, vector<1x128xf32>
      tpu.vector_store %arg15[%swap3A, %swap3A_599], %max3A_598 {strides = array<i32>} : memref<64x128xf32, #tpu.memory_space<vmem>>, vector<1x128xf32>,
    } else {
    }
    %le3A_199 = arith.constant 16 : i32
    %le3A_200 = arith.cmpi sle, %get3A_69, %le3A_199 : i32
    %ge3A_201 = arith.constant 16 : i32
    %ge3A_202 = arith.cmpi sge, %get3A_73, %ge3A_201 : i32
    %and3A_203 = arith.andi %le3A_200, %ge3A_202 : i1
    %convert_element_type3A_204 = arith.extui %and3A_203 : i1 to i32
    %cond3A_205 = arith.constant 0 : i32
    %cond3A_206 = arith.cmpi ne, %convert_element_type3A_204, %cond3A_205 : i32
    scf.if %cond3A_206 {
      %eq3A_588 = arith.constant 16 : i32
      %eq3A_589 = vector.broadcast %eq3A_588 : i32 to vector<256x1xi32>
      %eq3A_590 = arith.cmpi eq, %get3A_65, %eq3A_589 : vector<256x1xi32>
      %jit3A = arith.constant 0.000000e+00 : f32
      %broadcast_in_dim3A = vector.shape_cast %eq3A_590 : vector<256x1xi1> to vector<256x1xi1>
      %broadcast_in_dim3A_591 = vector.broadcast %broadcast_in_dim3A : vector<256x1xi1> to vector<256x128xi1>
      %broadcast_in_dim3A_592 = vector.broadcast %jit3A : f32 to vector<256x128xf32>
      %select_n3A = arith.select %broadcast_in_dim3A_591, %max3A_62, %broadcast_in_dim3A_592 : vector<256x128xi1>, vector<256x128xf32>
      %reduce_max3A = arith.constant dense<0xFF800000> : vector<128xf32>
      %reduce_max3A_593 = vector.multi_reduction <maximumf>, %select_n3A, %reduce_max3A [0] : vector<256x128xf32> to vector<128xf32>
      %broadcast_in_dim3A_594 = vector.shape_cast %reduce_max3A_593 : vector<128xf32> to vector<1x128xf32>
      %get3A_595 = arith.constant 16 : index
      %get3A_596 = arith.constant 0 : index
      %get3A_597 = vector.load %arg15[%get3A_595, %get3A_596] : memref<64x128xf32, #tpu.memory_space<vmem>>, vector<1x128xf32>
      %max3A_598 = arith.maximumf %get3A_597, %broadcast_in_dim3A_594 : vector<1x128xf32>
      %swap3A = arith.constant 16 : index
      %swap3A_599 = arith.constant 0 : index
      %swap3A_600 = vector.load %arg15[%swap3A, %swap3A_599] : memref<64x128xf32, #tpu.memory_space<vmem>>, vector<1x128xf32>
      tpu.vector_store %arg15[%swap3A, %swap3A_599], %max3A_598 {strides = array<i32>} : memref<64x128xf32, #tpu.memory_space<vmem>>, vector<1x128xf32>,
    } else {
    }
    %le3A_207 = arith.constant 17 : i32
    %le3A_208 = arith.cmpi sle, %get3A_69, %le3A_207 : i32
    %ge3A_209 = arith.constant 17 : i32
    %ge3A_210 = arith.cmpi sge, %get3A_73, %ge3A_209 : i32
    %and3A_211 = arith.andi %le3A_208, %ge3A_210 : i1
    %convert_element_type3A_212 = arith.extui %and3A_211 : i1 to i32
    %cond3A_213 = arith.constant 0 : i32
    %cond3A_214 = arith.cmpi ne, %convert_element_type3A_212, %cond3A_213 : i32
    scf.if %cond3A_214 {
      %eq3A_588 = arith.constant 17 : i32
      %eq3A_589 = vector.broadcast %eq3A_588 : i32 to vector<256x1xi32>
      %eq3A_590 = arith.cmpi eq, %get3A_65, %eq3A_589 : vector<256x1xi32>
      %jit3A = arith.constant 0.000000e+00 : f32
      %broadcast_in_dim3A = vector.shape_cast %eq3A_590 : vector<256x1xi1> to vector<256x1xi1>
      %broadcast_in_dim3A_591 = vector.broadcast %broadcast_in_dim3A : vector<256x1xi1> to vector<256x128xi1>
      %broadcast_in_dim3A_592 = vector.broadcast %jit3A : f32 to vector<256x128xf32>
      %select_n3A = arith.select %broadcast_in_dim3A_591, %max3A_62, %broadcast_in_dim3A_592 : vector<256x128xi1>, vector<256x128xf32>
      %reduce_max3A = arith.constant dense<0xFF800000> : vector<128xf32>
      %reduce_max3A_593 = vector.multi_reduction <maximumf>, %select_n3A, %reduce_max3A [0] : vector<256x128xf32> to vector<128xf32>
      %broadcast_in_dim3A_594 = vector.shape_cast %reduce_max3A_593 : vector<128xf32> to vector<1x128xf32>
      %get3A_595 = arith.constant 17 : index
      %get3A_596 = arith.constant 0 : index
      %get3A_597 = vector.load %arg15[%get3A_595, %get3A_596] : memref<64x128xf32, #tpu.memory_space<vmem>>, vector<1x128xf32>
      %max3A_598 = arith.maximumf %get3A_597, %broadcast_in_dim3A_594 : vector<1x128xf32>
      %swap3A = arith.constant 17 : index
      %swap3A_599 = arith.constant 0 : index
      %swap3A_600 = vector.load %arg15[%swap3A, %swap3A_599] : memref<64x128xf32, #tpu.memory_space<vmem>>, vector<1x128xf32>
      tpu.vector_store %arg15[%swap3A, %swap3A_599], %max3A_598 {strides = array<i32>} : memref<64x128xf32, #tpu.memory_space<vmem>>, vector<1x128xf32>,
    } else {
    }
    %le3A_215 = arith.constant 18 : i32
    %le3A_216 = arith.cmpi sle, %get3A_69, %le3A_215 : i32
    %ge3A_217 = arith.constant 18 : i32
    %ge3A_218 = arith.cmpi sge, %get3A_73, %ge3A_217 : i32
    %and3A_219 = arith.andi %le3A_216, %ge3A_218 : i1
    %convert_element_type3A_220 = arith.extui %and3A_219 : i1 to i32
    %cond3A_221 = arith.constant 0 : i32
    %cond3A_222 = arith.cmpi ne, %convert_element_type3A_220, %cond3A_221 : i32
    scf.if %cond3A_222 {
      %eq3A_588 = arith.constant 18 : i32
      %eq3A_589 = vector.broadcast %eq3A_588 : i32 to vector<256x1xi32>
      %eq3A_590 = arith.cmpi eq, %get3A_65, %eq3A_589 : vector<256x1xi32>
      %jit3A = arith.constant 0.000000e+00 : f32
      %broadcast_in_dim3A = vector.shape_cast %eq3A_590 : vector<256x1xi1> to vector<256x1xi1>
      %broadcast_in_dim3A_591 = vector.broadcast %broadcast_in_dim3A : vector<256x1xi1> to vector<256x128xi1>
      %broadcast_in_dim3A_592 = vector.broadcast %jit3A : f32 to vector<256x128xf32>
      %select_n3A = arith.select %broadcast_in_dim3A_591, %max3A_62, %broadcast_in_dim3A_592 : vector<256x128xi1>, vector<256x128xf32>
      %reduce_max3A = arith.constant dense<0xFF800000> : vector<128xf32>
      %reduce_max3A_593 = vector.multi_reduction <maximumf>, %select_n3A, %reduce_max3A [0] : vector<256x128xf32> to vector<128xf32>
      %broadcast_in_dim3A_594 = vector.shape_cast %reduce_max3A_593 : vector<128xf32> to vector<1x128xf32>
      %get3A_595 = arith.constant 18 : index
      %get3A_596 = arith.constant 0 : index
      %get3A_597 = vector.load %arg15[%get3A_595, %get3A_596] : memref<64x128xf32, #tpu.memory_space<vmem>>, vector<1x128xf32>
      %max3A_598 = arith.maximumf %get3A_597, %broadcast_in_dim3A_594 : vector<1x128xf32>
      %swap3A = arith.constant 18 : index
      %swap3A_599 = arith.constant 0 : index
      %swap3A_600 = vector.load %arg15[%swap3A, %swap3A_599] : memref<64x128xf32, #tpu.memory_space<vmem>>, vector<1x128xf32>
      tpu.vector_store %arg15[%swap3A, %swap3A_599], %max3A_598 {strides = array<i32>} : memref<64x128xf32, #tpu.memory_space<vmem>>, vector<1x128xf32>,
    } else {
    }
    %le3A_223 = arith.constant 19 : i32
    %le3A_224 = arith.cmpi sle, %get3A_69, %le3A_223 : i32
    %ge3A_225 = arith.constant 19 : i32
    %ge3A_226 = arith.cmpi sge, %get3A_73, %ge3A_225 : i32
    %and3A_227 = arith.andi %le3A_224, %ge3A_226 : i1
    %convert_element_type3A_228 = arith.extui %and3A_227 : i1 to i32
    %cond3A_229 = arith.constant 0 : i32
    %cond3A_230 = arith.cmpi ne, %convert_element_type3A_228, %cond3A_229 : i32
    scf.if %cond3A_230 {
      %eq3A_588 = arith.constant 19 : i32
      %eq3A_589 = vector.broadcast %eq3A_588 : i32 to vector<256x1xi32>
      %eq3A_590 = arith.cmpi eq, %get3A_65, %eq3A_589 : vector<256x1xi32>
      %jit3A = arith.constant 0.000000e+00 : f32
      %broadcast_in_dim3A = vector.shape_cast %eq3A_590 : vector<256x1xi1> to vector<256x1xi1>
      %broadcast_in_dim3A_591 = vector.broadcast %broadcast_in_dim3A : vector<256x1xi1> to vector<256x128xi1>
      %broadcast_in_dim3A_592 = vector.broadcast %jit3A : f32 to vector<256x128xf32>
      %select_n3A = arith.select %broadcast_in_dim3A_591, %max3A_62, %broadcast_in_dim3A_592 : vector<256x128xi1>, vector<256x128xf32>
      %reduce_max3A = arith.constant dense<0xFF800000> : vector<128xf32>
      %reduce_max3A_593 = vector.multi_reduction <maximumf>, %select_n3A, %reduce_max3A [0] : vector<256x128xf32> to vector<128xf32>
      %broadcast_in_dim3A_594 = vector.shape_cast %reduce_max3A_593 : vector<128xf32> to vector<1x128xf32>
      %get3A_595 = arith.constant 19 : index
      %get3A_596 = arith.constant 0 : index
      %get3A_597 = vector.load %arg15[%get3A_595, %get3A_596] : memref<64x128xf32, #tpu.memory_space<vmem>>, vector<1x128xf32>
      %max3A_598 = arith.maximumf %get3A_597, %broadcast_in_dim3A_594 : vector<1x128xf32>
      %swap3A = arith.constant 19 : index
      %swap3A_599 = arith.constant 0 : index
      %swap3A_600 = vector.load %arg15[%swap3A, %swap3A_599] : memref<64x128xf32, #tpu.memory_space<vmem>>, vector<1x128xf32>
      tpu.vector_store %arg15[%swap3A, %swap3A_599], %max3A_598 {strides = array<i32>} : memref<64x128xf32, #tpu.memory_space<vmem>>, vector<1x128xf32>,
    } else {
    }
    %le3A_231 = arith.constant 20 : i32
    %le3A_232 = arith.cmpi sle, %get3A_69, %le3A_231 : i32
    %ge3A_233 = arith.constant 20 : i32
    %ge3A_234 = arith.cmpi sge, %get3A_73, %ge3A_233 : i32
    %and3A_235 = arith.andi %le3A_232, %ge3A_234 : i1
    %convert_element_type3A_236 = arith.extui %and3A_235 : i1 to i32
    %cond3A_237 = arith.constant 0 : i32
    %cond3A_238 = arith.cmpi ne, %convert_element_type3A_236, %cond3A_237 : i32
    scf.if %cond3A_238 {
      %eq3A_588 = arith.constant 20 : i32
      %eq3A_589 = vector.broadcast %eq3A_588 : i32 to vector<256x1xi32>
      %eq3A_590 = arith.cmpi eq, %get3A_65, %eq3A_589 : vector<256x1xi32>
      %jit3A = arith.constant 0.000000e+00 : f32
      %broadcast_in_dim3A = vector.shape_cast %eq3A_590 : vector<256x1xi1> to vector<256x1xi1>
      %broadcast_in_dim3A_591 = vector.broadcast %broadcast_in_dim3A : vector<256x1xi1> to vector<256x128xi1>
      %broadcast_in_dim3A_592 = vector.broadcast %jit3A : f32 to vector<256x128xf32>
      %select_n3A = arith.select %broadcast_in_dim3A_591, %max3A_62, %broadcast_in_dim3A_592 : vector<256x128xi1>, vector<256x128xf32>
      %reduce_max3A = arith.constant dense<0xFF800000> : vector<128xf32>
      %reduce_max3A_593 = vector.multi_reduction <maximumf>, %select_n3A, %reduce_max3A [0] : vector<256x128xf32> to vector<128xf32>
      %broadcast_in_dim3A_594 = vector.shape_cast %reduce_max3A_593 : vector<128xf32> to vector<1x128xf32>
      %get3A_595 = arith.constant 20 : index
      %get3A_596 = arith.constant 0 : index
      %get3A_597 = vector.load %arg15[%get3A_595, %get3A_596] : memref<64x128xf32, #tpu.memory_space<vmem>>, vector<1x128xf32>
      %max3A_598 = arith.maximumf %get3A_597, %broadcast_in_dim3A_594 : vector<1x128xf32>
      %swap3A = arith.constant 20 : index
      %swap3A_599 = arith.constant 0 : index
      %swap3A_600 = vector.load %arg15[%swap3A, %swap3A_599] : memref<64x128xf32, #tpu.memory_space<vmem>>, vector<1x128xf32>
      tpu.vector_store %arg15[%swap3A, %swap3A_599], %max3A_598 {strides = array<i32>} : memref<64x128xf32, #tpu.memory_space<vmem>>, vector<1x128xf32>,
    } else {
    }
    %le3A_239 = arith.constant 21 : i32
    %le3A_240 = arith.cmpi sle, %get3A_69, %le3A_239 : i32
    %ge3A_241 = arith.constant 21 : i32
    %ge3A_242 = arith.cmpi sge, %get3A_73, %ge3A_241 : i32
    %and3A_243 = arith.andi %le3A_240, %ge3A_242 : i1
    %convert_element_type3A_244 = arith.extui %and3A_243 : i1 to i32
    %cond3A_245 = arith.constant 0 : i32
    %cond3A_246 = arith.cmpi ne, %convert_element_type3A_244, %cond3A_245 : i32
    scf.if %cond3A_246 {
      %eq3A_588 = arith.constant 21 : i32
      %eq3A_589 = vector.broadcast %eq3A_588 : i32 to vector<256x1xi32>
      %eq3A_590 = arith.cmpi eq, %get3A_65, %eq3A_589 : vector<256x1xi32>
      %jit3A = arith.constant 0.000000e+00 : f32
      %broadcast_in_dim3A = vector.shape_cast %eq3A_590 : vector<256x1xi1> to vector<256x1xi1>
      %broadcast_in_dim3A_591 = vector.broadcast %broadcast_in_dim3A : vector<256x1xi1> to vector<256x128xi1>
      %broadcast_in_dim3A_592 = vector.broadcast %jit3A : f32 to vector<256x128xf32>
      %select_n3A = arith.select %broadcast_in_dim3A_591, %max3A_62, %broadcast_in_dim3A_592 : vector<256x128xi1>, vector<256x128xf32>
      %reduce_max3A = arith.constant dense<0xFF800000> : vector<128xf32>
      %reduce_max3A_593 = vector.multi_reduction <maximumf>, %select_n3A, %reduce_max3A [0] : vector<256x128xf32> to vector<128xf32>
      %broadcast_in_dim3A_594 = vector.shape_cast %reduce_max3A_593 : vector<128xf32> to vector<1x128xf32>
      %get3A_595 = arith.constant 21 : index
      %get3A_596 = arith.constant 0 : index
      %get3A_597 = vector.load %arg15[%get3A_595, %get3A_596] : memref<64x128xf32, #tpu.memory_space<vmem>>, vector<1x128xf32>
      %max3A_598 = arith.maximumf %get3A_597, %broadcast_in_dim3A_594 : vector<1x128xf32>
      %swap3A = arith.constant 21 : index
      %swap3A_599 = arith.constant 0 : index
      %swap3A_600 = vector.load %arg15[%swap3A, %swap3A_599] : memref<64x128xf32, #tpu.memory_space<vmem>>, vector<1x128xf32>
      tpu.vector_store %arg15[%swap3A, %swap3A_599], %max3A_598 {strides = array<i32>} : memref<64x128xf32, #tpu.memory_space<vmem>>, vector<1x128xf32>,
    } else {
    }
    %le3A_247 = arith.constant 22 : i32
    %le3A_248 = arith.cmpi sle, %get3A_69, %le3A_247 : i32
    %ge3A_249 = arith.constant 22 : i32
    %ge3A_250 = arith.cmpi sge, %get3A_73, %ge3A_249 : i32
    %and3A_251 = arith.andi %le3A_248, %ge3A_250 : i1
    %convert_element_type3A_252 = arith.extui %and3A_251 : i1 to i32
    %cond3A_253 = arith.constant 0 : i32
    %cond3A_254 = arith.cmpi ne, %convert_element_type3A_252, %cond3A_253 : i32
    scf.if %cond3A_254 {
      %eq3A_588 = arith.constant 22 : i32
      %eq3A_589 = vector.broadcast %eq3A_588 : i32 to vector<256x1xi32>
      %eq3A_590 = arith.cmpi eq, %get3A_65, %eq3A_589 : vector<256x1xi32>
      %jit3A = arith.constant 0.000000e+00 : f32
      %broadcast_in_dim3A = vector.shape_cast %eq3A_590 : vector<256x1xi1> to vector<256x1xi1>
      %broadcast_in_dim3A_591 = vector.broadcast %broadcast_in_dim3A : vector<256x1xi1> to vector<256x128xi1>
      %broadcast_in_dim3A_592 = vector.broadcast %jit3A : f32 to vector<256x128xf32>
      %select_n3A = arith.select %broadcast_in_dim3A_591, %max3A_62, %broadcast_in_dim3A_592 : vector<256x128xi1>, vector<256x128xf32>
      %reduce_max3A = arith.constant dense<0xFF800000> : vector<128xf32>
      %reduce_max3A_593 = vector.multi_reduction <maximumf>, %select_n3A, %reduce_max3A [0] : vector<256x128xf32> to vector<128xf32>
      %broadcast_in_dim3A_594 = vector.shape_cast %reduce_max3A_593 : vector<128xf32> to vector<1x128xf32>
      %get3A_595 = arith.constant 22 : index
      %get3A_596 = arith.constant 0 : index
      %get3A_597 = vector.load %arg15[%get3A_595, %get3A_596] : memref<64x128xf32, #tpu.memory_space<vmem>>, vector<1x128xf32>
      %max3A_598 = arith.maximumf %get3A_597, %broadcast_in_dim3A_594 : vector<1x128xf32>
      %swap3A = arith.constant 22 : index
      %swap3A_599 = arith.constant 0 : index
      %swap3A_600 = vector.load %arg15[%swap3A, %swap3A_599] : memref<64x128xf32, #tpu.memory_space<vmem>>, vector<1x128xf32>
      tpu.vector_store %arg15[%swap3A, %swap3A_599], %max3A_598 {strides = array<i32>} : memref<64x128xf32, #tpu.memory_space<vmem>>, vector<1x128xf32>,
    } else {
    }
    %le3A_255 = arith.constant 23 : i32
    %le3A_256 = arith.cmpi sle, %get3A_69, %le3A_255 : i32
    %ge3A_257 = arith.constant 23 : i32
    %ge3A_258 = arith.cmpi sge, %get3A_73, %ge3A_257 : i32
    %and3A_259 = arith.andi %le3A_256, %ge3A_258 : i1
    %convert_element_type3A_260 = arith.extui %and3A_259 : i1 to i32
    %cond3A_261 = arith.constant 0 : i32
    %cond3A_262 = arith.cmpi ne, %convert_element_type3A_260, %cond3A_261 : i32
    scf.if %cond3A_262 {
      %eq3A_588 = arith.constant 23 : i32
      %eq3A_589 = vector.broadcast %eq3A_588 : i32 to vector<256x1xi32>
      %eq3A_590 = arith.cmpi eq, %get3A_65, %eq3A_589 : vector<256x1xi32>
      %jit3A = arith.constant 0.000000e+00 : f32
      %broadcast_in_dim3A = vector.shape_cast %eq3A_590 : vector<256x1xi1> to vector<256x1xi1>
      %broadcast_in_dim3A_591 = vector.broadcast %broadcast_in_dim3A : vector<256x1xi1> to vector<256x128xi1>
      %broadcast_in_dim3A_592 = vector.broadcast %jit3A : f32 to vector<256x128xf32>
      %select_n3A = arith.select %broadcast_in_dim3A_591, %max3A_62, %broadcast_in_dim3A_592 : vector<256x128xi1>, vector<256x128xf32>
      %reduce_max3A = arith.constant dense<0xFF800000> : vector<128xf32>
      %reduce_max3A_593 = vector.multi_reduction <maximumf>, %select_n3A, %reduce_max3A [0] : vector<256x128xf32> to vector<128xf32>
      %broadcast_in_dim3A_594 = vector.shape_cast %reduce_max3A_593 : vector<128xf32> to vector<1x128xf32>
      %get3A_595 = arith.constant 23 : index
      %get3A_596 = arith.constant 0 : index
      %get3A_597 = vector.load %arg15[%get3A_595, %get3A_596] : memref<64x128xf32, #tpu.memory_space<vmem>>, vector<1x128xf32>
      %max3A_598 = arith.maximumf %get3A_597, %broadcast_in_dim3A_594 : vector<1x128xf32>
      %swap3A = arith.constant 23 : index
      %swap3A_599 = arith.constant 0 : index
      %swap3A_600 = vector.load %arg15[%swap3A, %swap3A_599] : memref<64x128xf32, #tpu.memory_space<vmem>>, vector<1x128xf32>
      tpu.vector_store %arg15[%swap3A, %swap3A_599], %max3A_598 {strides = array<i32>} : memref<64x128xf32, #tpu.memory_space<vmem>>, vector<1x128xf32>,
    } else {
    }
    %le3A_263 = arith.constant 24 : i32
    %le3A_264 = arith.cmpi sle, %get3A_69, %le3A_263 : i32
    %ge3A_265 = arith.constant 24 : i32
    %ge3A_266 = arith.cmpi sge, %get3A_73, %ge3A_265 : i32
    %and3A_267 = arith.andi %le3A_264, %ge3A_266 : i1
    %convert_element_type3A_268 = arith.extui %and3A_267 : i1 to i32
    %cond3A_269 = arith.constant 0 : i32
    %cond3A_270 = arith.cmpi ne, %convert_element_type3A_268, %cond3A_269 : i32
    scf.if %cond3A_270 {
      %eq3A_588 = arith.constant 24 : i32
      %eq3A_589 = vector.broadcast %eq3A_588 : i32 to vector<256x1xi32>
      %eq3A_590 = arith.cmpi eq, %get3A_65, %eq3A_589 : vector<256x1xi32>
      %jit3A = arith.constant 0.000000e+00 : f32
      %broadcast_in_dim3A = vector.shape_cast %eq3A_590 : vector<256x1xi1> to vector<256x1xi1>
      %broadcast_in_dim3A_591 = vector.broadcast %broadcast_in_dim3A : vector<256x1xi1> to vector<256x128xi1>
      %broadcast_in_dim3A_592 = vector.broadcast %jit3A : f32 to vector<256x128xf32>
      %select_n3A = arith.select %broadcast_in_dim3A_591, %max3A_62, %broadcast_in_dim3A_592 : vector<256x128xi1>, vector<256x128xf32>
      %reduce_max3A = arith.constant dense<0xFF800000> : vector<128xf32>
      %reduce_max3A_593 = vector.multi_reduction <maximumf>, %select_n3A, %reduce_max3A [0] : vector<256x128xf32> to vector<128xf32>
      %broadcast_in_dim3A_594 = vector.shape_cast %reduce_max3A_593 : vector<128xf32> to vector<1x128xf32>
      %get3A_595 = arith.constant 24 : index
      %get3A_596 = arith.constant 0 : index
      %get3A_597 = vector.load %arg15[%get3A_595, %get3A_596] : memref<64x128xf32, #tpu.memory_space<vmem>>, vector<1x128xf32>
      %max3A_598 = arith.maximumf %get3A_597, %broadcast_in_dim3A_594 : vector<1x128xf32>
      %swap3A = arith.constant 24 : index
      %swap3A_599 = arith.constant 0 : index
      %swap3A_600 = vector.load %arg15[%swap3A, %swap3A_599] : memref<64x128xf32, #tpu.memory_space<vmem>>, vector<1x128xf32>
      tpu.vector_store %arg15[%swap3A, %swap3A_599], %max3A_598 {strides = array<i32>} : memref<64x128xf32, #tpu.memory_space<vmem>>, vector<1x128xf32>,
    } else {
    }
    %le3A_271 = arith.constant 25 : i32
    %le3A_272 = arith.cmpi sle, %get3A_69, %le3A_271 : i32
    %ge3A_273 = arith.constant 25 : i32
    %ge3A_274 = arith.cmpi sge, %get3A_73, %ge3A_273 : i32
    %and3A_275 = arith.andi %le3A_272, %ge3A_274 : i1
    %convert_element_type3A_276 = arith.extui %and3A_275 : i1 to i32
    %cond3A_277 = arith.constant 0 : i32
    %cond3A_278 = arith.cmpi ne, %convert_element_type3A_276, %cond3A_277 : i32
    scf.if %cond3A_278 {
      %eq3A_588 = arith.constant 25 : i32
      %eq3A_589 = vector.broadcast %eq3A_588 : i32 to vector<256x1xi32>
      %eq3A_590 = arith.cmpi eq, %get3A_65, %eq3A_589 : vector<256x1xi32>
      %jit3A = arith.constant 0.000000e+00 : f32
      %broadcast_in_dim3A = vector.shape_cast %eq3A_590 : vector<256x1xi1> to vector<256x1xi1>
      %broadcast_in_dim3A_591 = vector.broadcast %broadcast_in_dim3A : vector<256x1xi1> to vector<256x128xi1>
      %broadcast_in_dim3A_592 = vector.broadcast %jit3A : f32 to vector<256x128xf32>
      %select_n3A = arith.select %broadcast_in_dim3A_591, %max3A_62, %broadcast_in_dim3A_592 : vector<256x128xi1>, vector<256x128xf32>
      %reduce_max3A = arith.constant dense<0xFF800000> : vector<128xf32>
      %reduce_max3A_593 = vector.multi_reduction <maximumf>, %select_n3A, %reduce_max3A [0] : vector<256x128xf32> to vector<128xf32>
      %broadcast_in_dim3A_594 = vector.shape_cast %reduce_max3A_593 : vector<128xf32> to vector<1x128xf32>
      %get3A_595 = arith.constant 25 : index
      %get3A_596 = arith.constant 0 : index
      %get3A_597 = vector.load %arg15[%get3A_595, %get3A_596] : memref<64x128xf32, #tpu.memory_space<vmem>>, vector<1x128xf32>
      %max3A_598 = arith.maximumf %get3A_597, %broadcast_in_dim3A_594 : vector<1x128xf32>
      %swap3A = arith.constant 25 : index
      %swap3A_599 = arith.constant 0 : index
      %swap3A_600 = vector.load %arg15[%swap3A, %swap3A_599] : memref<64x128xf32, #tpu.memory_space<vmem>>, vector<1x128xf32>
      tpu.vector_store %arg15[%swap3A, %swap3A_599], %max3A_598 {strides = array<i32>} : memref<64x128xf32, #tpu.memory_space<vmem>>, vector<1x128xf32>,
    } else {
    }
    %le3A_279 = arith.constant 26 : i32
    %le3A_280 = arith.cmpi sle, %get3A_69, %le3A_279 : i32
    %ge3A_281 = arith.constant 26 : i32
    %ge3A_282 = arith.cmpi sge, %get3A_73, %ge3A_281 : i32
    %and3A_283 = arith.andi %le3A_280, %ge3A_282 : i1
    %convert_element_type3A_284 = arith.extui %and3A_283 : i1 to i32
    %cond3A_285 = arith.constant 0 : i32
    %cond3A_286 = arith.cmpi ne, %convert_element_type3A_284, %cond3A_285 : i32
    scf.if %cond3A_286 {
      %eq3A_588 = arith.constant 26 : i32
      %eq3A_589 = vector.broadcast %eq3A_588 : i32 to vector<256x1xi32>
      %eq3A_590 = arith.cmpi eq, %get3A_65, %eq3A_589 : vector<256x1xi32>
      %jit3A = arith.constant 0.000000e+00 : f32
      %broadcast_in_dim3A = vector.shape_cast %eq3A_590 : vector<256x1xi1> to vector<256x1xi1>
      %broadcast_in_dim3A_591 = vector.broadcast %broadcast_in_dim3A : vector<256x1xi1> to vector<256x128xi1>
      %broadcast_in_dim3A_592 = vector.broadcast %jit3A : f32 to vector<256x128xf32>
      %select_n3A = arith.select %broadcast_in_dim3A_591, %max3A_62, %broadcast_in_dim3A_592 : vector<256x128xi1>, vector<256x128xf32>
      %reduce_max3A = arith.constant dense<0xFF800000> : vector<128xf32>
      %reduce_max3A_593 = vector.multi_reduction <maximumf>, %select_n3A, %reduce_max3A [0] : vector<256x128xf32> to vector<128xf32>
      %broadcast_in_dim3A_594 = vector.shape_cast %reduce_max3A_593 : vector<128xf32> to vector<1x128xf32>
      %get3A_595 = arith.constant 26 : index
      %get3A_596 = arith.constant 0 : index
      %get3A_597 = vector.load %arg15[%get3A_595, %get3A_596] : memref<64x128xf32, #tpu.memory_space<vmem>>, vector<1x128xf32>
      %max3A_598 = arith.maximumf %get3A_597, %broadcast_in_dim3A_594 : vector<1x128xf32>
      %swap3A = arith.constant 26 : index
      %swap3A_599 = arith.constant 0 : index
      %swap3A_600 = vector.load %arg15[%swap3A, %swap3A_599] : memref<64x128xf32, #tpu.memory_space<vmem>>, vector<1x128xf32>
      tpu.vector_store %arg15[%swap3A, %swap3A_599], %max3A_598 {strides = array<i32>} : memref<64x128xf32, #tpu.memory_space<vmem>>, vector<1x128xf32>,
    } else {
    }
    %le3A_287 = arith.constant 27 : i32
    %le3A_288 = arith.cmpi sle, %get3A_69, %le3A_287 : i32
    %ge3A_289 = arith.constant 27 : i32
    %ge3A_290 = arith.cmpi sge, %get3A_73, %ge3A_289 : i32
    %and3A_291 = arith.andi %le3A_288, %ge3A_290 : i1
    %convert_element_type3A_292 = arith.extui %and3A_291 : i1 to i32
    %cond3A_293 = arith.constant 0 : i32
    %cond3A_294 = arith.cmpi ne, %convert_element_type3A_292, %cond3A_293 : i32
    scf.if %cond3A_294 {
      %eq3A_588 = arith.constant 27 : i32
      %eq3A_589 = vector.broadcast %eq3A_588 : i32 to vector<256x1xi32>
      %eq3A_590 = arith.cmpi eq, %get3A_65, %eq3A_589 : vector<256x1xi32>
      %jit3A = arith.constant 0.000000e+00 : f32
      %broadcast_in_dim3A = vector.shape_cast %eq3A_590 : vector<256x1xi1> to vector<256x1xi1>
      %broadcast_in_dim3A_591 = vector.broadcast %broadcast_in_dim3A : vector<256x1xi1> to vector<256x128xi1>
      %broadcast_in_dim3A_592 = vector.broadcast %jit3A : f32 to vector<256x128xf32>
      %select_n3A = arith.select %broadcast_in_dim3A_591, %max3A_62, %broadcast_in_dim3A_592 : vector<256x128xi1>, vector<256x128xf32>
      %reduce_max3A = arith.constant dense<0xFF800000> : vector<128xf32>
      %reduce_max3A_593 = vector.multi_reduction <maximumf>, %select_n3A, %reduce_max3A [0] : vector<256x128xf32> to vector<128xf32>
      %broadcast_in_dim3A_594 = vector.shape_cast %reduce_max3A_593 : vector<128xf32> to vector<1x128xf32>
      %get3A_595 = arith.constant 27 : index
      %get3A_596 = arith.constant 0 : index
      %get3A_597 = vector.load %arg15[%get3A_595, %get3A_596] : memref<64x128xf32, #tpu.memory_space<vmem>>, vector<1x128xf32>
      %max3A_598 = arith.maximumf %get3A_597, %broadcast_in_dim3A_594 : vector<1x128xf32>
      %swap3A = arith.constant 27 : index
      %swap3A_599 = arith.constant 0 : index
      %swap3A_600 = vector.load %arg15[%swap3A, %swap3A_599] : memref<64x128xf32, #tpu.memory_space<vmem>>, vector<1x128xf32>
      tpu.vector_store %arg15[%swap3A, %swap3A_599], %max3A_598 {strides = array<i32>} : memref<64x128xf32, #tpu.memory_space<vmem>>, vector<1x128xf32>,
    } else {
    }
    %le3A_295 = arith.constant 28 : i32
    %le3A_296 = arith.cmpi sle, %get3A_69, %le3A_295 : i32
    %ge3A_297 = arith.constant 28 : i32
    %ge3A_298 = arith.cmpi sge, %get3A_73, %ge3A_297 : i32
    %and3A_299 = arith.andi %le3A_296, %ge3A_298 : i1
    %convert_element_type3A_300 = arith.extui %and3A_299 : i1 to i32
    %cond3A_301 = arith.constant 0 : i32
    %cond3A_302 = arith.cmpi ne, %convert_element_type3A_300, %cond3A_301 : i32
    scf.if %cond3A_302 {
      %eq3A_588 = arith.constant 28 : i32
      %eq3A_589 = vector.broadcast %eq3A_588 : i32 to vector<256x1xi32>
      %eq3A_590 = arith.cmpi eq, %get3A_65, %eq3A_589 : vector<256x1xi32>
      %jit3A = arith.constant 0.000000e+00 : f32
      %broadcast_in_dim3A = vector.shape_cast %eq3A_590 : vector<256x1xi1> to vector<256x1xi1>
      %broadcast_in_dim3A_591 = vector.broadcast %broadcast_in_dim3A : vector<256x1xi1> to vector<256x128xi1>
      %broadcast_in_dim3A_592 = vector.broadcast %jit3A : f32 to vector<256x128xf32>
      %select_n3A = arith.select %broadcast_in_dim3A_591, %max3A_62, %broadcast_in_dim3A_592 : vector<256x128xi1>, vector<256x128xf32>
      %reduce_max3A = arith.constant dense<0xFF800000> : vector<128xf32>
      %reduce_max3A_593 = vector.multi_reduction <maximumf>, %select_n3A, %reduce_max3A [0] : vector<256x128xf32> to vector<128xf32>
      %broadcast_in_dim3A_594 = vector.shape_cast %reduce_max3A_593 : vector<128xf32> to vector<1x128xf32>
      %get3A_595 = arith.constant 28 : index
      %get3A_596 = arith.constant 0 : index
      %get3A_597 = vector.load %arg15[%get3A_595, %get3A_596] : memref<64x128xf32, #tpu.memory_space<vmem>>, vector<1x128xf32>
      %max3A_598 = arith.maximumf %get3A_597, %broadcast_in_dim3A_594 : vector<1x128xf32>
      %swap3A = arith.constant 28 : index
      %swap3A_599 = arith.constant 0 : index
      %swap3A_600 = vector.load %arg15[%swap3A, %swap3A_599] : memref<64x128xf32, #tpu.memory_space<vmem>>, vector<1x128xf32>
      tpu.vector_store %arg15[%swap3A, %swap3A_599], %max3A_598 {strides = array<i32>} : memref<64x128xf32, #tpu.memory_space<vmem>>, vector<1x128xf32>,
    } else {
    }
    %le3A_303 = arith.constant 29 : i32
    %le3A_304 = arith.cmpi sle, %get3A_69, %le3A_303 : i32
    %ge3A_305 = arith.constant 29 : i32
    %ge3A_306 = arith.cmpi sge, %get3A_73, %ge3A_305 : i32
    %and3A_307 = arith.andi %le3A_304, %ge3A_306 : i1
    %convert_element_type3A_308 = arith.extui %and3A_307 : i1 to i32
    %cond3A_309 = arith.constant 0 : i32
    %cond3A_310 = arith.cmpi ne, %convert_element_type3A_308, %cond3A_309 : i32
    scf.if %cond3A_310 {
      %eq3A_588 = arith.constant 29 : i32
      %eq3A_589 = vector.broadcast %eq3A_588 : i32 to vector<256x1xi32>
      %eq3A_590 = arith.cmpi eq, %get3A_65, %eq3A_589 : vector<256x1xi32>
      %jit3A = arith.constant 0.000000e+00 : f32
      %broadcast_in_dim3A = vector.shape_cast %eq3A_590 : vector<256x1xi1> to vector<256x1xi1>
      %broadcast_in_dim3A_591 = vector.broadcast %broadcast_in_dim3A : vector<256x1xi1> to vector<256x128xi1>
      %broadcast_in_dim3A_592 = vector.broadcast %jit3A : f32 to vector<256x128xf32>
      %select_n3A = arith.select %broadcast_in_dim3A_591, %max3A_62, %broadcast_in_dim3A_592 : vector<256x128xi1>, vector<256x128xf32>
      %reduce_max3A = arith.constant dense<0xFF800000> : vector<128xf32>
      %reduce_max3A_593 = vector.multi_reduction <maximumf>, %select_n3A, %reduce_max3A [0] : vector<256x128xf32> to vector<128xf32>
      %broadcast_in_dim3A_594 = vector.shape_cast %reduce_max3A_593 : vector<128xf32> to vector<1x128xf32>
      %get3A_595 = arith.constant 29 : index
      %get3A_596 = arith.constant 0 : index
      %get3A_597 = vector.load %arg15[%get3A_595, %get3A_596] : memref<64x128xf32, #tpu.memory_space<vmem>>, vector<1x128xf32>
      %max3A_598 = arith.maximumf %get3A_597, %broadcast_in_dim3A_594 : vector<1x128xf32>
      %swap3A = arith.constant 29 : index
      %swap3A_599 = arith.constant 0 : index
      %swap3A_600 = vector.load %arg15[%swap3A, %swap3A_599] : memref<64x128xf32, #tpu.memory_space<vmem>>, vector<1x128xf32>
      tpu.vector_store %arg15[%swap3A, %swap3A_599], %max3A_598 {strides = array<i32>} : memref<64x128xf32, #tpu.memory_space<vmem>>, vector<1x128xf32>,
    } else {
    }
    %le3A_311 = arith.constant 30 : i32
    %le3A_312 = arith.cmpi sle, %get3A_69, %le3A_311 : i32
    %ge3A_313 = arith.constant 30 : i32
    %ge3A_314 = arith.cmpi sge, %get3A_73, %ge3A_313 : i32
    %and3A_315 = arith.andi %le3A_312, %ge3A_314 : i1
    %convert_element_type3A_316 = arith.extui %and3A_315 : i1 to i32
    %cond3A_317 = arith.constant 0 : i32
    %cond3A_318 = arith.cmpi ne, %convert_element_type3A_316, %cond3A_317 : i32
    scf.if %cond3A_318 {
      %eq3A_588 = arith.constant 30 : i32
      %eq3A_589 = vector.broadcast %eq3A_588 : i32 to vector<256x1xi32>
      %eq3A_590 = arith.cmpi eq, %get3A_65, %eq3A_589 : vector<256x1xi32>
      %jit3A = arith.constant 0.000000e+00 : f32
      %broadcast_in_dim3A = vector.shape_cast %eq3A_590 : vector<256x1xi1> to vector<256x1xi1>
      %broadcast_in_dim3A_591 = vector.broadcast %broadcast_in_dim3A : vector<256x1xi1> to vector<256x128xi1>
      %broadcast_in_dim3A_592 = vector.broadcast %jit3A : f32 to vector<256x128xf32>
      %select_n3A = arith.select %broadcast_in_dim3A_591, %max3A_62, %broadcast_in_dim3A_592 : vector<256x128xi1>, vector<256x128xf32>
      %reduce_max3A = arith.constant dense<0xFF800000> : vector<128xf32>
      %reduce_max3A_593 = vector.multi_reduction <maximumf>, %select_n3A, %reduce_max3A [0] : vector<256x128xf32> to vector<128xf32>
      %broadcast_in_dim3A_594 = vector.shape_cast %reduce_max3A_593 : vector<128xf32> to vector<1x128xf32>
      %get3A_595 = arith.constant 30 : index
      %get3A_596 = arith.constant 0 : index
      %get3A_597 = vector.load %arg15[%get3A_595, %get3A_596] : memref<64x128xf32, #tpu.memory_space<vmem>>, vector<1x128xf32>
      %max3A_598 = arith.maximumf %get3A_597, %broadcast_in_dim3A_594 : vector<1x128xf32>
      %swap3A = arith.constant 30 : index
      %swap3A_599 = arith.constant 0 : index
      %swap3A_600 = vector.load %arg15[%swap3A, %swap3A_599] : memref<64x128xf32, #tpu.memory_space<vmem>>, vector<1x128xf32>
      tpu.vector_store %arg15[%swap3A, %swap3A_599], %max3A_598 {strides = array<i32>} : memref<64x128xf32, #tpu.memory_space<vmem>>, vector<1x128xf32>,
    } else {
    }
    %le3A_319 = arith.constant 31 : i32
    %le3A_320 = arith.cmpi sle, %get3A_69, %le3A_319 : i32
    %ge3A_321 = arith.constant 31 : i32
    %ge3A_322 = arith.cmpi sge, %get3A_73, %ge3A_321 : i32
    %and3A_323 = arith.andi %le3A_320, %ge3A_322 : i1
    %convert_element_type3A_324 = arith.extui %and3A_323 : i1 to i32
    %cond3A_325 = arith.constant 0 : i32
    %cond3A_326 = arith.cmpi ne, %convert_element_type3A_324, %cond3A_325 : i32
    scf.if %cond3A_326 {
      %eq3A_588 = arith.constant 31 : i32
      %eq3A_589 = vector.broadcast %eq3A_588 : i32 to vector<256x1xi32>
      %eq3A_590 = arith.cmpi eq, %get3A_65, %eq3A_589 : vector<256x1xi32>
      %jit3A = arith.constant 0.000000e+00 : f32
      %broadcast_in_dim3A = vector.shape_cast %eq3A_590 : vector<256x1xi1> to vector<256x1xi1>
      %broadcast_in_dim3A_591 = vector.broadcast %broadcast_in_dim3A : vector<256x1xi1> to vector<256x128xi1>
      %broadcast_in_dim3A_592 = vector.broadcast %jit3A : f32 to vector<256x128xf32>
      %select_n3A = arith.select %broadcast_in_dim3A_591, %max3A_62, %broadcast_in_dim3A_592 : vector<256x128xi1>, vector<256x128xf32>
      %reduce_max3A = arith.constant dense<0xFF800000> : vector<128xf32>
      %reduce_max3A_593 = vector.multi_reduction <maximumf>, %select_n3A, %reduce_max3A [0] : vector<256x128xf32> to vector<128xf32>
      %broadcast_in_dim3A_594 = vector.shape_cast %reduce_max3A_593 : vector<128xf32> to vector<1x128xf32>
      %get3A_595 = arith.constant 31 : index
      %get3A_596 = arith.constant 0 : index
      %get3A_597 = vector.load %arg15[%get3A_595, %get3A_596] : memref<64x128xf32, #tpu.memory_space<vmem>>, vector<1x128xf32>
      %max3A_598 = arith.maximumf %get3A_597, %broadcast_in_dim3A_594 : vector<1x128xf32>
      %swap3A = arith.constant 31 : index
      %swap3A_599 = arith.constant 0 : index
      %swap3A_600 = vector.load %arg15[%swap3A, %swap3A_599] : memref<64x128xf32, #tpu.memory_space<vmem>>, vector<1x128xf32>
      tpu.vector_store %arg15[%swap3A, %swap3A_599], %max3A_598 {strides = array<i32>} : memref<64x128xf32, #tpu.memory_space<vmem>>, vector<1x128xf32>,
    } else {
    }
    %le3A_327 = arith.constant 32 : i32
    %le3A_328 = arith.cmpi sle, %get3A_69, %le3A_327 : i32
    %ge3A_329 = arith.constant 32 : i32
    %ge3A_330 = arith.cmpi sge, %get3A_73, %ge3A_329 : i32
    %and3A_331 = arith.andi %le3A_328, %ge3A_330 : i1
    %convert_element_type3A_332 = arith.extui %and3A_331 : i1 to i32
    %cond3A_333 = arith.constant 0 : i32
    %cond3A_334 = arith.cmpi ne, %convert_element_type3A_332, %cond3A_333 : i32
    scf.if %cond3A_334 {
      %eq3A_588 = arith.constant 32 : i32
      %eq3A_589 = vector.broadcast %eq3A_588 : i32 to vector<256x1xi32>
      %eq3A_590 = arith.cmpi eq, %get3A_65, %eq3A_589 : vector<256x1xi32>
      %jit3A = arith.constant 0.000000e+00 : f32
      %broadcast_in_dim3A = vector.shape_cast %eq3A_590 : vector<256x1xi1> to vector<256x1xi1>
      %broadcast_in_dim3A_591 = vector.broadcast %broadcast_in_dim3A : vector<256x1xi1> to vector<256x128xi1>
      %broadcast_in_dim3A_592 = vector.broadcast %jit3A : f32 to vector<256x128xf32>
      %select_n3A = arith.select %broadcast_in_dim3A_591, %max3A_62, %broadcast_in_dim3A_592 : vector<256x128xi1>, vector<256x128xf32>
      %reduce_max3A = arith.constant dense<0xFF800000> : vector<128xf32>
      %reduce_max3A_593 = vector.multi_reduction <maximumf>, %select_n3A, %reduce_max3A [0] : vector<256x128xf32> to vector<128xf32>
      %broadcast_in_dim3A_594 = vector.shape_cast %reduce_max3A_593 : vector<128xf32> to vector<1x128xf32>
      %get3A_595 = arith.constant 32 : index
      %get3A_596 = arith.constant 0 : index
      %get3A_597 = vector.load %arg15[%get3A_595, %get3A_596] : memref<64x128xf32, #tpu.memory_space<vmem>>, vector<1x128xf32>
      %max3A_598 = arith.maximumf %get3A_597, %broadcast_in_dim3A_594 : vector<1x128xf32>
      %swap3A = arith.constant 32 : index
      %swap3A_599 = arith.constant 0 : index
      %swap3A_600 = vector.load %arg15[%swap3A, %swap3A_599] : memref<64x128xf32, #tpu.memory_space<vmem>>, vector<1x128xf32>
      tpu.vector_store %arg15[%swap3A, %swap3A_599], %max3A_598 {strides = array<i32>} : memref<64x128xf32, #tpu.memory_space<vmem>>, vector<1x128xf32>,
    } else {
    }
    %le3A_335 = arith.constant 33 : i32
    %le3A_336 = arith.cmpi sle, %get3A_69, %le3A_335 : i32
    %ge3A_337 = arith.constant 33 : i32
    %ge3A_338 = arith.cmpi sge, %get3A_73, %ge3A_337 : i32
    %and3A_339 = arith.andi %le3A_336, %ge3A_338 : i1
    %convert_element_type3A_340 = arith.extui %and3A_339 : i1 to i32
    %cond3A_341 = arith.constant 0 : i32
    %cond3A_342 = arith.cmpi ne, %convert_element_type3A_340, %cond3A_341 : i32
    scf.if %cond3A_342 {
      %eq3A_588 = arith.constant 33 : i32
      %eq3A_589 = vector.broadcast %eq3A_588 : i32 to vector<256x1xi32>
      %eq3A_590 = arith.cmpi eq, %get3A_65, %eq3A_589 : vector<256x1xi32>
      %jit3A = arith.constant 0.000000e+00 : f32
      %broadcast_in_dim3A = vector.shape_cast %eq3A_590 : vector<256x1xi1> to vector<256x1xi1>
      %broadcast_in_dim3A_591 = vector.broadcast %broadcast_in_dim3A : vector<256x1xi1> to vector<256x128xi1>
      %broadcast_in_dim3A_592 = vector.broadcast %jit3A : f32 to vector<256x128xf32>
      %select_n3A = arith.select %broadcast_in_dim3A_591, %max3A_62, %broadcast_in_dim3A_592 : vector<256x128xi1>, vector<256x128xf32>
      %reduce_max3A = arith.constant dense<0xFF800000> : vector<128xf32>
      %reduce_max3A_593 = vector.multi_reduction <maximumf>, %select_n3A, %reduce_max3A [0] : vector<256x128xf32> to vector<128xf32>
      %broadcast_in_dim3A_594 = vector.shape_cast %reduce_max3A_593 : vector<128xf32> to vector<1x128xf32>
      %get3A_595 = arith.constant 33 : index
      %get3A_596 = arith.constant 0 : index
      %get3A_597 = vector.load %arg15[%get3A_595, %get3A_596] : memref<64x128xf32, #tpu.memory_space<vmem>>, vector<1x128xf32>
      %max3A_598 = arith.maximumf %get3A_597, %broadcast_in_dim3A_594 : vector<1x128xf32>
      %swap3A = arith.constant 33 : index
      %swap3A_599 = arith.constant 0 : index
      %swap3A_600 = vector.load %arg15[%swap3A, %swap3A_599] : memref<64x128xf32, #tpu.memory_space<vmem>>, vector<1x128xf32>
      tpu.vector_store %arg15[%swap3A, %swap3A_599], %max3A_598 {strides = array<i32>} : memref<64x128xf32, #tpu.memory_space<vmem>>, vector<1x128xf32>,
    } else {
    }
    %le3A_343 = arith.constant 34 : i32
    %le3A_344 = arith.cmpi sle, %get3A_69, %le3A_343 : i32
    %ge3A_345 = arith.constant 34 : i32
    %ge3A_346 = arith.cmpi sge, %get3A_73, %ge3A_345 : i32
    %and3A_347 = arith.andi %le3A_344, %ge3A_346 : i1
    %convert_element_type3A_348 = arith.extui %and3A_347 : i1 to i32
    %cond3A_349 = arith.constant 0 : i32
    %cond3A_350 = arith.cmpi ne, %convert_element_type3A_348, %cond3A_349 : i32
    scf.if %cond3A_350 {
      %eq3A_588 = arith.constant 34 : i32
      %eq3A_589 = vector.broadcast %eq3A_588 : i32 to vector<256x1xi32>
      %eq3A_590 = arith.cmpi eq, %get3A_65, %eq3A_589 : vector<256x1xi32>
      %jit3A = arith.constant 0.000000e+00 : f32
      %broadcast_in_dim3A = vector.shape_cast %eq3A_590 : vector<256x1xi1> to vector<256x1xi1>
      %broadcast_in_dim3A_591 = vector.broadcast %broadcast_in_dim3A : vector<256x1xi1> to vector<256x128xi1>
      %broadcast_in_dim3A_592 = vector.broadcast %jit3A : f32 to vector<256x128xf32>
      %select_n3A = arith.select %broadcast_in_dim3A_591, %max3A_62, %broadcast_in_dim3A_592 : vector<256x128xi1>, vector<256x128xf32>
      %reduce_max3A = arith.constant dense<0xFF800000> : vector<128xf32>
      %reduce_max3A_593 = vector.multi_reduction <maximumf>, %select_n3A, %reduce_max3A [0] : vector<256x128xf32> to vector<128xf32>
      %broadcast_in_dim3A_594 = vector.shape_cast %reduce_max3A_593 : vector<128xf32> to vector<1x128xf32>
      %get3A_595 = arith.constant 34 : index
      %get3A_596 = arith.constant 0 : index
      %get3A_597 = vector.load %arg15[%get3A_595, %get3A_596] : memref<64x128xf32, #tpu.memory_space<vmem>>, vector<1x128xf32>
      %max3A_598 = arith.maximumf %get3A_597, %broadcast_in_dim3A_594 : vector<1x128xf32>
      %swap3A = arith.constant 34 : index
      %swap3A_599 = arith.constant 0 : index
      %swap3A_600 = vector.load %arg15[%swap3A, %swap3A_599] : memref<64x128xf32, #tpu.memory_space<vmem>>, vector<1x128xf32>
      tpu.vector_store %arg15[%swap3A, %swap3A_599], %max3A_598 {strides = array<i32>} : memref<64x128xf32, #tpu.memory_space<vmem>>, vector<1x128xf32>,
    } else {
    }
    %le3A_351 = arith.constant 35 : i32
    %le3A_352 = arith.cmpi sle, %get3A_69, %le3A_351 : i32
    %ge3A_353 = arith.constant 35 : i32
    %ge3A_354 = arith.cmpi sge, %get3A_73, %ge3A_353 : i32
    %and3A_355 = arith.andi %le3A_352, %ge3A_354 : i1
    %convert_element_type3A_356 = arith.extui %and3A_355 : i1 to i32
    %cond3A_357 = arith.constant 0 : i32
    %cond3A_358 = arith.cmpi ne, %convert_element_type3A_356, %cond3A_357 : i32
    scf.if %cond3A_358 {
      %eq3A_588 = arith.constant 35 : i32
      %eq3A_589 = vector.broadcast %eq3A_588 : i32 to vector<256x1xi32>
      %eq3A_590 = arith.cmpi eq, %get3A_65, %eq3A_589 : vector<256x1xi32>
      %jit3A = arith.constant 0.000000e+00 : f32
      %broadcast_in_dim3A = vector.shape_cast %eq3A_590 : vector<256x1xi1> to vector<256x1xi1>
      %broadcast_in_dim3A_591 = vector.broadcast %broadcast_in_dim3A : vector<256x1xi1> to vector<256x128xi1>
      %broadcast_in_dim3A_592 = vector.broadcast %jit3A : f32 to vector<256x128xf32>
      %select_n3A = arith.select %broadcast_in_dim3A_591, %max3A_62, %broadcast_in_dim3A_592 : vector<256x128xi1>, vector<256x128xf32>
      %reduce_max3A = arith.constant dense<0xFF800000> : vector<128xf32>
      %reduce_max3A_593 = vector.multi_reduction <maximumf>, %select_n3A, %reduce_max3A [0] : vector<256x128xf32> to vector<128xf32>
      %broadcast_in_dim3A_594 = vector.shape_cast %reduce_max3A_593 : vector<128xf32> to vector<1x128xf32>
      %get3A_595 = arith.constant 35 : index
      %get3A_596 = arith.constant 0 : index
      %get3A_597 = vector.load %arg15[%get3A_595, %get3A_596] : memref<64x128xf32, #tpu.memory_space<vmem>>, vector<1x128xf32>
      %max3A_598 = arith.maximumf %get3A_597, %broadcast_in_dim3A_594 : vector<1x128xf32>
      %swap3A = arith.constant 35 : index
      %swap3A_599 = arith.constant 0 : index
      %swap3A_600 = vector.load %arg15[%swap3A, %swap3A_599] : memref<64x128xf32, #tpu.memory_space<vmem>>, vector<1x128xf32>
      tpu.vector_store %arg15[%swap3A, %swap3A_599], %max3A_598 {strides = array<i32>} : memref<64x128xf32, #tpu.memory_space<vmem>>, vector<1x128xf32>,
    } else {
    }
    %le3A_359 = arith.constant 36 : i32
    %le3A_360 = arith.cmpi sle, %get3A_69, %le3A_359 : i32
    %ge3A_361 = arith.constant 36 : i32
    %ge3A_362 = arith.cmpi sge, %get3A_73, %ge3A_361 : i32
    %and3A_363 = arith.andi %le3A_360, %ge3A_362 : i1
    %convert_element_type3A_364 = arith.extui %and3A_363 : i1 to i32
    %cond3A_365 = arith.constant 0 : i32
    %cond3A_366 = arith.cmpi ne, %convert_element_type3A_364, %cond3A_365 : i32
    scf.if %cond3A_366 {
      %eq3A_588 = arith.constant 36 : i32
      %eq3A_589 = vector.broadcast %eq3A_588 : i32 to vector<256x1xi32>
      %eq3A_590 = arith.cmpi eq, %get3A_65, %eq3A_589 : vector<256x1xi32>
      %jit3A = arith.constant 0.000000e+00 : f32
      %broadcast_in_dim3A = vector.shape_cast %eq3A_590 : vector<256x1xi1> to vector<256x1xi1>
      %broadcast_in_dim3A_591 = vector.broadcast %broadcast_in_dim3A : vector<256x1xi1> to vector<256x128xi1>
      %broadcast_in_dim3A_592 = vector.broadcast %jit3A : f32 to vector<256x128xf32>
      %select_n3A = arith.select %broadcast_in_dim3A_591, %max3A_62, %broadcast_in_dim3A_592 : vector<256x128xi1>, vector<256x128xf32>
      %reduce_max3A = arith.constant dense<0xFF800000> : vector<128xf32>
      %reduce_max3A_593 = vector.multi_reduction <maximumf>, %select_n3A, %reduce_max3A [0] : vector<256x128xf32> to vector<128xf32>
      %broadcast_in_dim3A_594 = vector.shape_cast %reduce_max3A_593 : vector<128xf32> to vector<1x128xf32>
      %get3A_595 = arith.constant 36 : index
      %get3A_596 = arith.constant 0 : index
      %get3A_597 = vector.load %arg15[%get3A_595, %get3A_596] : memref<64x128xf32, #tpu.memory_space<vmem>>, vector<1x128xf32>
      %max3A_598 = arith.maximumf %get3A_597, %broadcast_in_dim3A_594 : vector<1x128xf32>
      %swap3A = arith.constant 36 : index
      %swap3A_599 = arith.constant 0 : index
      %swap3A_600 = vector.load %arg15[%swap3A, %swap3A_599] : memref<64x128xf32, #tpu.memory_space<vmem>>, vector<1x128xf32>
      tpu.vector_store %arg15[%swap3A, %swap3A_599], %max3A_598 {strides = array<i32>} : memref<64x128xf32, #tpu.memory_space<vmem>>, vector<1x128xf32>,
    } else {
    }
    %le3A_367 = arith.constant 37 : i32
    %le3A_368 = arith.cmpi sle, %get3A_69, %le3A_367 : i32
    %ge3A_369 = arith.constant 37 : i32
    %ge3A_370 = arith.cmpi sge, %get3A_73, %ge3A_369 : i32
    %and3A_371 = arith.andi %le3A_368, %ge3A_370 : i1
    %convert_element_type3A_372 = arith.extui %and3A_371 : i1 to i32
    %cond3A_373 = arith.constant 0 : i32
    %cond3A_374 = arith.cmpi ne, %convert_element_type3A_372, %cond3A_373 : i32
    scf.if %cond3A_374 {
      %eq3A_588 = arith.constant 37 : i32
      %eq3A_589 = vector.broadcast %eq3A_588 : i32 to vector<256x1xi32>
      %eq3A_590 = arith.cmpi eq, %get3A_65, %eq3A_589 : vector<256x1xi32>
      %jit3A = arith.constant 0.000000e+00 : f32
      %broadcast_in_dim3A = vector.shape_cast %eq3A_590 : vector<256x1xi1> to vector<256x1xi1>
      %broadcast_in_dim3A_591 = vector.broadcast %broadcast_in_dim3A : vector<256x1xi1> to vector<256x128xi1>
      %broadcast_in_dim3A_592 = vector.broadcast %jit3A : f32 to vector<256x128xf32>
      %select_n3A = arith.select %broadcast_in_dim3A_591, %max3A_62, %broadcast_in_dim3A_592 : vector<256x128xi1>, vector<256x128xf32>
      %reduce_max3A = arith.constant dense<0xFF800000> : vector<128xf32>
      %reduce_max3A_593 = vector.multi_reduction <maximumf>, %select_n3A, %reduce_max3A [0] : vector<256x128xf32> to vector<128xf32>
      %broadcast_in_dim3A_594 = vector.shape_cast %reduce_max3A_593 : vector<128xf32> to vector<1x128xf32>
      %get3A_595 = arith.constant 37 : index
      %get3A_596 = arith.constant 0 : index
      %get3A_597 = vector.load %arg15[%get3A_595, %get3A_596] : memref<64x128xf32, #tpu.memory_space<vmem>>, vector<1x128xf32>
      %max3A_598 = arith.maximumf %get3A_597, %broadcast_in_dim3A_594 : vector<1x128xf32>
      %swap3A = arith.constant 37 : index
      %swap3A_599 = arith.constant 0 : index
      %swap3A_600 = vector.load %arg15[%swap3A, %swap3A_599] : memref<64x128xf32, #tpu.memory_space<vmem>>, vector<1x128xf32>
      tpu.vector_store %arg15[%swap3A, %swap3A_599], %max3A_598 {strides = array<i32>} : memref<64x128xf32, #tpu.memory_space<vmem>>, vector<1x128xf32>,
    } else {
    }
    %le3A_375 = arith.constant 38 : i32
    %le3A_376 = arith.cmpi sle, %get3A_69, %le3A_375 : i32
    %ge3A_377 = arith.constant 38 : i32
    %ge3A_378 = arith.cmpi sge, %get3A_73, %ge3A_377 : i32
    %and3A_379 = arith.andi %le3A_376, %ge3A_378 : i1
    %convert_element_type3A_380 = arith.extui %and3A_379 : i1 to i32
    %cond3A_381 = arith.constant 0 : i32
    %cond3A_382 = arith.cmpi ne, %convert_element_type3A_380, %cond3A_381 : i32
    scf.if %cond3A_382 {
      %eq3A_588 = arith.constant 38 : i32
      %eq3A_589 = vector.broadcast %eq3A_588 : i32 to vector<256x1xi32>
      %eq3A_590 = arith.cmpi eq, %get3A_65, %eq3A_589 : vector<256x1xi32>
      %jit3A = arith.constant 0.000000e+00 : f32
      %broadcast_in_dim3A = vector.shape_cast %eq3A_590 : vector<256x1xi1> to vector<256x1xi1>
      %broadcast_in_dim3A_591 = vector.broadcast %broadcast_in_dim3A : vector<256x1xi1> to vector<256x128xi1>
      %broadcast_in_dim3A_592 = vector.broadcast %jit3A : f32 to vector<256x128xf32>
      %select_n3A = arith.select %broadcast_in_dim3A_591, %max3A_62, %broadcast_in_dim3A_592 : vector<256x128xi1>, vector<256x128xf32>
      %reduce_max3A = arith.constant dense<0xFF800000> : vector<128xf32>
      %reduce_max3A_593 = vector.multi_reduction <maximumf>, %select_n3A, %reduce_max3A [0] : vector<256x128xf32> to vector<128xf32>
      %broadcast_in_dim3A_594 = vector.shape_cast %reduce_max3A_593 : vector<128xf32> to vector<1x128xf32>
      %get3A_595 = arith.constant 38 : index
      %get3A_596 = arith.constant 0 : index
      %get3A_597 = vector.load %arg15[%get3A_595, %get3A_596] : memref<64x128xf32, #tpu.memory_space<vmem>>, vector<1x128xf32>
      %max3A_598 = arith.maximumf %get3A_597, %broadcast_in_dim3A_594 : vector<1x128xf32>
      %swap3A = arith.constant 38 : index
      %swap3A_599 = arith.constant 0 : index
      %swap3A_600 = vector.load %arg15[%swap3A, %swap3A_599] : memref<64x128xf32, #tpu.memory_space<vmem>>, vector<1x128xf32>
      tpu.vector_store %arg15[%swap3A, %swap3A_599], %max3A_598 {strides = array<i32>} : memref<64x128xf32, #tpu.memory_space<vmem>>, vector<1x128xf32>,
    } else {
    }
    %le3A_383 = arith.constant 39 : i32
    %le3A_384 = arith.cmpi sle, %get3A_69, %le3A_383 : i32
    %ge3A_385 = arith.constant 39 : i32
    %ge3A_386 = arith.cmpi sge, %get3A_73, %ge3A_385 : i32
    %and3A_387 = arith.andi %le3A_384, %ge3A_386 : i1
    %convert_element_type3A_388 = arith.extui %and3A_387 : i1 to i32
    %cond3A_389 = arith.constant 0 : i32
    %cond3A_390 = arith.cmpi ne, %convert_element_type3A_388, %cond3A_389 : i32
    scf.if %cond3A_390 {
      %eq3A_588 = arith.constant 39 : i32
      %eq3A_589 = vector.broadcast %eq3A_588 : i32 to vector<256x1xi32>
      %eq3A_590 = arith.cmpi eq, %get3A_65, %eq3A_589 : vector<256x1xi32>
      %jit3A = arith.constant 0.000000e+00 : f32
      %broadcast_in_dim3A = vector.shape_cast %eq3A_590 : vector<256x1xi1> to vector<256x1xi1>
      %broadcast_in_dim3A_591 = vector.broadcast %broadcast_in_dim3A : vector<256x1xi1> to vector<256x128xi1>
      %broadcast_in_dim3A_592 = vector.broadcast %jit3A : f32 to vector<256x128xf32>
      %select_n3A = arith.select %broadcast_in_dim3A_591, %max3A_62, %broadcast_in_dim3A_592 : vector<256x128xi1>, vector<256x128xf32>
      %reduce_max3A = arith.constant dense<0xFF800000> : vector<128xf32>
      %reduce_max3A_593 = vector.multi_reduction <maximumf>, %select_n3A, %reduce_max3A [0] : vector<256x128xf32> to vector<128xf32>
      %broadcast_in_dim3A_594 = vector.shape_cast %reduce_max3A_593 : vector<128xf32> to vector<1x128xf32>
      %get3A_595 = arith.constant 39 : index
      %get3A_596 = arith.constant 0 : index
      %get3A_597 = vector.load %arg15[%get3A_595, %get3A_596] : memref<64x128xf32, #tpu.memory_space<vmem>>, vector<1x128xf32>
      %max3A_598 = arith.maximumf %get3A_597, %broadcast_in_dim3A_594 : vector<1x128xf32>
      %swap3A = arith.constant 39 : index
      %swap3A_599 = arith.constant 0 : index
      %swap3A_600 = vector.load %arg15[%swap3A, %swap3A_599] : memref<64x128xf32, #tpu.memory_space<vmem>>, vector<1x128xf32>
      tpu.vector_store %arg15[%swap3A, %swap3A_599], %max3A_598 {strides = array<i32>} : memref<64x128xf32, #tpu.memory_space<vmem>>, vector<1x128xf32>,
    } else {
    }
    %le3A_391 = arith.constant 40 : i32
    %le3A_392 = arith.cmpi sle, %get3A_69, %le3A_391 : i32
    %ge3A_393 = arith.constant 40 : i32
    %ge3A_394 = arith.cmpi sge, %get3A_73, %ge3A_393 : i32
    %and3A_395 = arith.andi %le3A_392, %ge3A_394 : i1
    %convert_element_type3A_396 = arith.extui %and3A_395 : i1 to i32
    %cond3A_397 = arith.constant 0 : i32
    %cond3A_398 = arith.cmpi ne, %convert_element_type3A_396, %cond3A_397 : i32
    scf.if %cond3A_398 {
      %eq3A_588 = arith.constant 40 : i32
      %eq3A_589 = vector.broadcast %eq3A_588 : i32 to vector<256x1xi32>
      %eq3A_590 = arith.cmpi eq, %get3A_65, %eq3A_589 : vector<256x1xi32>
      %jit3A = arith.constant 0.000000e+00 : f32
      %broadcast_in_dim3A = vector.shape_cast %eq3A_590 : vector<256x1xi1> to vector<256x1xi1>
      %broadcast_in_dim3A_591 = vector.broadcast %broadcast_in_dim3A : vector<256x1xi1> to vector<256x128xi1>
      %broadcast_in_dim3A_592 = vector.broadcast %jit3A : f32 to vector<256x128xf32>
      %select_n3A = arith.select %broadcast_in_dim3A_591, %max3A_62, %broadcast_in_dim3A_592 : vector<256x128xi1>, vector<256x128xf32>
      %reduce_max3A = arith.constant dense<0xFF800000> : vector<128xf32>
      %reduce_max3A_593 = vector.multi_reduction <maximumf>, %select_n3A, %reduce_max3A [0] : vector<256x128xf32> to vector<128xf32>
      %broadcast_in_dim3A_594 = vector.shape_cast %reduce_max3A_593 : vector<128xf32> to vector<1x128xf32>
      %get3A_595 = arith.constant 40 : index
      %get3A_596 = arith.constant 0 : index
      %get3A_597 = vector.load %arg15[%get3A_595, %get3A_596] : memref<64x128xf32, #tpu.memory_space<vmem>>, vector<1x128xf32>
      %max3A_598 = arith.maximumf %get3A_597, %broadcast_in_dim3A_594 : vector<1x128xf32>
      %swap3A = arith.constant 40 : index
      %swap3A_599 = arith.constant 0 : index
      %swap3A_600 = vector.load %arg15[%swap3A, %swap3A_599] : memref<64x128xf32, #tpu.memory_space<vmem>>, vector<1x128xf32>
      tpu.vector_store %arg15[%swap3A, %swap3A_599], %max3A_598 {strides = array<i32>} : memref<64x128xf32, #tpu.memory_space<vmem>>, vector<1x128xf32>,
    } else {
    }
    %le3A_399 = arith.constant 41 : i32
    %le3A_400 = arith.cmpi sle, %get3A_69, %le3A_399 : i32
    %ge3A_401 = arith.constant 41 : i32
    %ge3A_402 = arith.cmpi sge, %get3A_73, %ge3A_401 : i32
    %and3A_403 = arith.andi %le3A_400, %ge3A_402 : i1
    %convert_element_type3A_404 = arith.extui %and3A_403 : i1 to i32
    %cond3A_405 = arith.constant 0 : i32
    %cond3A_406 = arith.cmpi ne, %convert_element_type3A_404, %cond3A_405 : i32
    scf.if %cond3A_406 {
      %eq3A_588 = arith.constant 41 : i32
      %eq3A_589 = vector.broadcast %eq3A_588 : i32 to vector<256x1xi32>
      %eq3A_590 = arith.cmpi eq, %get3A_65, %eq3A_589 : vector<256x1xi32>
      %jit3A = arith.constant 0.000000e+00 : f32
      %broadcast_in_dim3A = vector.shape_cast %eq3A_590 : vector<256x1xi1> to vector<256x1xi1>
      %broadcast_in_dim3A_591 = vector.broadcast %broadcast_in_dim3A : vector<256x1xi1> to vector<256x128xi1>
      %broadcast_in_dim3A_592 = vector.broadcast %jit3A : f32 to vector<256x128xf32>
      %select_n3A = arith.select %broadcast_in_dim3A_591, %max3A_62, %broadcast_in_dim3A_592 : vector<256x128xi1>, vector<256x128xf32>
      %reduce_max3A = arith.constant dense<0xFF800000> : vector<128xf32>
      %reduce_max3A_593 = vector.multi_reduction <maximumf>, %select_n3A, %reduce_max3A [0] : vector<256x128xf32> to vector<128xf32>
      %broadcast_in_dim3A_594 = vector.shape_cast %reduce_max3A_593 : vector<128xf32> to vector<1x128xf32>
      %get3A_595 = arith.constant 41 : index
      %get3A_596 = arith.constant 0 : index
      %get3A_597 = vector.load %arg15[%get3A_595, %get3A_596] : memref<64x128xf32, #tpu.memory_space<vmem>>, vector<1x128xf32>
      %max3A_598 = arith.maximumf %get3A_597, %broadcast_in_dim3A_594 : vector<1x128xf32>
      %swap3A = arith.constant 41 : index
      %swap3A_599 = arith.constant 0 : index
      %swap3A_600 = vector.load %arg15[%swap3A, %swap3A_599] : memref<64x128xf32, #tpu.memory_space<vmem>>, vector<1x128xf32>
      tpu.vector_store %arg15[%swap3A, %swap3A_599], %max3A_598 {strides = array<i32>} : memref<64x128xf32, #tpu.memory_space<vmem>>, vector<1x128xf32>,
    } else {
    }
    %le3A_407 = arith.constant 42 : i32
    %le3A_408 = arith.cmpi sle, %get3A_69, %le3A_407 : i32
    %ge3A_409 = arith.constant 42 : i32
    %ge3A_410 = arith.cmpi sge, %get3A_73, %ge3A_409 : i32
    %and3A_411 = arith.andi %le3A_408, %ge3A_410 : i1
    %convert_element_type3A_412 = arith.extui %and3A_411 : i1 to i32
    %cond3A_413 = arith.constant 0 : i32
    %cond3A_414 = arith.cmpi ne, %convert_element_type3A_412, %cond3A_413 : i32
    scf.if %cond3A_414 {
      %eq3A_588 = arith.constant 42 : i32
      %eq3A_589 = vector.broadcast %eq3A_588 : i32 to vector<256x1xi32>
      %eq3A_590 = arith.cmpi eq, %get3A_65, %eq3A_589 : vector<256x1xi32>
      %jit3A = arith.constant 0.000000e+00 : f32
      %broadcast_in_dim3A = vector.shape_cast %eq3A_590 : vector<256x1xi1> to vector<256x1xi1>
      %broadcast_in_dim3A_591 = vector.broadcast %broadcast_in_dim3A : vector<256x1xi1> to vector<256x128xi1>
      %broadcast_in_dim3A_592 = vector.broadcast %jit3A : f32 to vector<256x128xf32>
      %select_n3A = arith.select %broadcast_in_dim3A_591, %max3A_62, %broadcast_in_dim3A_592 : vector<256x128xi1>, vector<256x128xf32>
      %reduce_max3A = arith.constant dense<0xFF800000> : vector<128xf32>
      %reduce_max3A_593 = vector.multi_reduction <maximumf>, %select_n3A, %reduce_max3A [0] : vector<256x128xf32> to vector<128xf32>
      %broadcast_in_dim3A_594 = vector.shape_cast %reduce_max3A_593 : vector<128xf32> to vector<1x128xf32>
      %get3A_595 = arith.constant 42 : index
      %get3A_596 = arith.constant 0 : index
      %get3A_597 = vector.load %arg15[%get3A_595, %get3A_596] : memref<64x128xf32, #tpu.memory_space<vmem>>, vector<1x128xf32>
      %max3A_598 = arith.maximumf %get3A_597, %broadcast_in_dim3A_594 : vector<1x128xf32>
      %swap3A = arith.constant 42 : index
      %swap3A_599 = arith.constant 0 : index
      %swap3A_600 = vector.load %arg15[%swap3A, %swap3A_599] : memref<64x128xf32, #tpu.memory_space<vmem>>, vector<1x128xf32>
      tpu.vector_store %arg15[%swap3A, %swap3A_599], %max3A_598 {strides = array<i32>} : memref<64x128xf32, #tpu.memory_space<vmem>>, vector<1x128xf32>,
    } else {
    }
    %le3A_415 = arith.constant 43 : i32
    %le3A_416 = arith.cmpi sle, %get3A_69, %le3A_415 : i32
    %ge3A_417 = arith.constant 43 : i32
    %ge3A_418 = arith.cmpi sge, %get3A_73, %ge3A_417 : i32
    %and3A_419 = arith.andi %le3A_416, %ge3A_418 : i1
    %convert_element_type3A_420 = arith.extui %and3A_419 : i1 to i32
    %cond3A_421 = arith.constant 0 : i32
    %cond3A_422 = arith.cmpi ne, %convert_element_type3A_420, %cond3A_421 : i32
    scf.if %cond3A_422 {
      %eq3A_588 = arith.constant 43 : i32
      %eq3A_589 = vector.broadcast %eq3A_588 : i32 to vector<256x1xi32>
      %eq3A_590 = arith.cmpi eq, %get3A_65, %eq3A_589 : vector<256x1xi32>
      %jit3A = arith.constant 0.000000e+00 : f32
      %broadcast_in_dim3A = vector.shape_cast %eq3A_590 : vector<256x1xi1> to vector<256x1xi1>
      %broadcast_in_dim3A_591 = vector.broadcast %broadcast_in_dim3A : vector<256x1xi1> to vector<256x128xi1>
      %broadcast_in_dim3A_592 = vector.broadcast %jit3A : f32 to vector<256x128xf32>
      %select_n3A = arith.select %broadcast_in_dim3A_591, %max3A_62, %broadcast_in_dim3A_592 : vector<256x128xi1>, vector<256x128xf32>
      %reduce_max3A = arith.constant dense<0xFF800000> : vector<128xf32>
      %reduce_max3A_593 = vector.multi_reduction <maximumf>, %select_n3A, %reduce_max3A [0] : vector<256x128xf32> to vector<128xf32>
      %broadcast_in_dim3A_594 = vector.shape_cast %reduce_max3A_593 : vector<128xf32> to vector<1x128xf32>
      %get3A_595 = arith.constant 43 : index
      %get3A_596 = arith.constant 0 : index
      %get3A_597 = vector.load %arg15[%get3A_595, %get3A_596] : memref<64x128xf32, #tpu.memory_space<vmem>>, vector<1x128xf32>
      %max3A_598 = arith.maximumf %get3A_597, %broadcast_in_dim3A_594 : vector<1x128xf32>
      %swap3A = arith.constant 43 : index
      %swap3A_599 = arith.constant 0 : index
      %swap3A_600 = vector.load %arg15[%swap3A, %swap3A_599] : memref<64x128xf32, #tpu.memory_space<vmem>>, vector<1x128xf32>
      tpu.vector_store %arg15[%swap3A, %swap3A_599], %max3A_598 {strides = array<i32>} : memref<64x128xf32, #tpu.memory_space<vmem>>, vector<1x128xf32>,
    } else {
    }
    %le3A_423 = arith.constant 44 : i32
    %le3A_424 = arith.cmpi sle, %get3A_69, %le3A_423 : i32
    %ge3A_425 = arith.constant 44 : i32
    %ge3A_426 = arith.cmpi sge, %get3A_73, %ge3A_425 : i32
    %and3A_427 = arith.andi %le3A_424, %ge3A_426 : i1
    %convert_element_type3A_428 = arith.extui %and3A_427 : i1 to i32
    %cond3A_429 = arith.constant 0 : i32
    %cond3A_430 = arith.cmpi ne, %convert_element_type3A_428, %cond3A_429 : i32
    scf.if %cond3A_430 {
      %eq3A_588 = arith.constant 44 : i32
      %eq3A_589 = vector.broadcast %eq3A_588 : i32 to vector<256x1xi32>
      %eq3A_590 = arith.cmpi eq, %get3A_65, %eq3A_589 : vector<256x1xi32>
      %jit3A = arith.constant 0.000000e+00 : f32
      %broadcast_in_dim3A = vector.shape_cast %eq3A_590 : vector<256x1xi1> to vector<256x1xi1>
      %broadcast_in_dim3A_591 = vector.broadcast %broadcast_in_dim3A : vector<256x1xi1> to vector<256x128xi1>
      %broadcast_in_dim3A_592 = vector.broadcast %jit3A : f32 to vector<256x128xf32>
      %select_n3A = arith.select %broadcast_in_dim3A_591, %max3A_62, %broadcast_in_dim3A_592 : vector<256x128xi1>, vector<256x128xf32>
      %reduce_max3A = arith.constant dense<0xFF800000> : vector<128xf32>
      %reduce_max3A_593 = vector.multi_reduction <maximumf>, %select_n3A, %reduce_max3A [0] : vector<256x128xf32> to vector<128xf32>
      %broadcast_in_dim3A_594 = vector.shape_cast %reduce_max3A_593 : vector<128xf32> to vector<1x128xf32>
      %get3A_595 = arith.constant 44 : index
      %get3A_596 = arith.constant 0 : index
      %get3A_597 = vector.load %arg15[%get3A_595, %get3A_596] : memref<64x128xf32, #tpu.memory_space<vmem>>, vector<1x128xf32>
      %max3A_598 = arith.maximumf %get3A_597, %broadcast_in_dim3A_594 : vector<1x128xf32>
      %swap3A = arith.constant 44 : index
      %swap3A_599 = arith.constant 0 : index
      %swap3A_600 = vector.load %arg15[%swap3A, %swap3A_599] : memref<64x128xf32, #tpu.memory_space<vmem>>, vector<1x128xf32>
      tpu.vector_store %arg15[%swap3A, %swap3A_599], %max3A_598 {strides = array<i32>} : memref<64x128xf32, #tpu.memory_space<vmem>>, vector<1x128xf32>,
    } else {
    }
    %le3A_431 = arith.constant 45 : i32
    %le3A_432 = arith.cmpi sle, %get3A_69, %le3A_431 : i32
    %ge3A_433 = arith.constant 45 : i32
    %ge3A_434 = arith.cmpi sge, %get3A_73, %ge3A_433 : i32
    %and3A_435 = arith.andi %le3A_432, %ge3A_434 : i1
    %convert_element_type3A_436 = arith.extui %and3A_435 : i1 to i32
    %cond3A_437 = arith.constant 0 : i32
    %cond3A_438 = arith.cmpi ne, %convert_element_type3A_436, %cond3A_437 : i32
    scf.if %cond3A_438 {
      %eq3A_588 = arith.constant 45 : i32
      %eq3A_589 = vector.broadcast %eq3A_588 : i32 to vector<256x1xi32>
      %eq3A_590 = arith.cmpi eq, %get3A_65, %eq3A_589 : vector<256x1xi32>
      %jit3A = arith.constant 0.000000e+00 : f32
      %broadcast_in_dim3A = vector.shape_cast %eq3A_590 : vector<256x1xi1> to vector<256x1xi1>
      %broadcast_in_dim3A_591 = vector.broadcast %broadcast_in_dim3A : vector<256x1xi1> to vector<256x128xi1>
      %broadcast_in_dim3A_592 = vector.broadcast %jit3A : f32 to vector<256x128xf32>
      %select_n3A = arith.select %broadcast_in_dim3A_591, %max3A_62, %broadcast_in_dim3A_592 : vector<256x128xi1>, vector<256x128xf32>
      %reduce_max3A = arith.constant dense<0xFF800000> : vector<128xf32>
      %reduce_max3A_593 = vector.multi_reduction <maximumf>, %select_n3A, %reduce_max3A [0] : vector<256x128xf32> to vector<128xf32>
      %broadcast_in_dim3A_594 = vector.shape_cast %reduce_max3A_593 : vector<128xf32> to vector<1x128xf32>
      %get3A_595 = arith.constant 45 : index
      %get3A_596 = arith.constant 0 : index
      %get3A_597 = vector.load %arg15[%get3A_595, %get3A_596] : memref<64x128xf32, #tpu.memory_space<vmem>>, vector<1x128xf32>
      %max3A_598 = arith.maximumf %get3A_597, %broadcast_in_dim3A_594 : vector<1x128xf32>
      %swap3A = arith.constant 45 : index
      %swap3A_599 = arith.constant 0 : index
      %swap3A_600 = vector.load %arg15[%swap3A, %swap3A_599] : memref<64x128xf32, #tpu.memory_space<vmem>>, vector<1x128xf32>
      tpu.vector_store %arg15[%swap3A, %swap3A_599], %max3A_598 {strides = array<i32>} : memref<64x128xf32, #tpu.memory_space<vmem>>, vector<1x128xf32>,
    } else {
    }
    %le3A_439 = arith.constant 46 : i32
    %le3A_440 = arith.cmpi sle, %get3A_69, %le3A_439 : i32
    %ge3A_441 = arith.constant 46 : i32
    %ge3A_442 = arith.cmpi sge, %get3A_73, %ge3A_441 : i32
    %and3A_443 = arith.andi %le3A_440, %ge3A_442 : i1
    %convert_element_type3A_444 = arith.extui %and3A_443 : i1 to i32
    %cond3A_445 = arith.constant 0 : i32
    %cond3A_446 = arith.cmpi ne, %convert_element_type3A_444, %cond3A_445 : i32
    scf.if %cond3A_446 {
      %eq3A_588 = arith.constant 46 : i32
      %eq3A_589 = vector.broadcast %eq3A_588 : i32 to vector<256x1xi32>
      %eq3A_590 = arith.cmpi eq, %get3A_65, %eq3A_589 : vector<256x1xi32>
      %jit3A = arith.constant 0.000000e+00 : f32
      %broadcast_in_dim3A = vector.shape_cast %eq3A_590 : vector<256x1xi1> to vector<256x1xi1>
      %broadcast_in_dim3A_591 = vector.broadcast %broadcast_in_dim3A : vector<256x1xi1> to vector<256x128xi1>
      %broadcast_in_dim3A_592 = vector.broadcast %jit3A : f32 to vector<256x128xf32>
      %select_n3A = arith.select %broadcast_in_dim3A_591, %max3A_62, %broadcast_in_dim3A_592 : vector<256x128xi1>, vector<256x128xf32>
      %reduce_max3A = arith.constant dense<0xFF800000> : vector<128xf32>
      %reduce_max3A_593 = vector.multi_reduction <maximumf>, %select_n3A, %reduce_max3A [0] : vector<256x128xf32> to vector<128xf32>
      %broadcast_in_dim3A_594 = vector.shape_cast %reduce_max3A_593 : vector<128xf32> to vector<1x128xf32>
      %get3A_595 = arith.constant 46 : index
      %get3A_596 = arith.constant 0 : index
      %get3A_597 = vector.load %arg15[%get3A_595, %get3A_596] : memref<64x128xf32, #tpu.memory_space<vmem>>, vector<1x128xf32>
      %max3A_598 = arith.maximumf %get3A_597, %broadcast_in_dim3A_594 : vector<1x128xf32>
      %swap3A = arith.constant 46 : index
      %swap3A_599 = arith.constant 0 : index
      %swap3A_600 = vector.load %arg15[%swap3A, %swap3A_599] : memref<64x128xf32, #tpu.memory_space<vmem>>, vector<1x128xf32>
      tpu.vector_store %arg15[%swap3A, %swap3A_599], %max3A_598 {strides = array<i32>} : memref<64x128xf32, #tpu.memory_space<vmem>>, vector<1x128xf32>,
    } else {
    }
    %le3A_447 = arith.constant 47 : i32
    %le3A_448 = arith.cmpi sle, %get3A_69, %le3A_447 : i32
    %ge3A_449 = arith.constant 47 : i32
    %ge3A_450 = arith.cmpi sge, %get3A_73, %ge3A_449 : i32
    %and3A_451 = arith.andi %le3A_448, %ge3A_450 : i1
    %convert_element_type3A_452 = arith.extui %and3A_451 : i1 to i32
    %cond3A_453 = arith.constant 0 : i32
    %cond3A_454 = arith.cmpi ne, %convert_element_type3A_452, %cond3A_453 : i32
    scf.if %cond3A_454 {
      %eq3A_588 = arith.constant 47 : i32
      %eq3A_589 = vector.broadcast %eq3A_588 : i32 to vector<256x1xi32>
      %eq3A_590 = arith.cmpi eq, %get3A_65, %eq3A_589 : vector<256x1xi32>
      %jit3A = arith.constant 0.000000e+00 : f32
      %broadcast_in_dim3A = vector.shape_cast %eq3A_590 : vector<256x1xi1> to vector<256x1xi1>
      %broadcast_in_dim3A_591 = vector.broadcast %broadcast_in_dim3A : vector<256x1xi1> to vector<256x128xi1>
      %broadcast_in_dim3A_592 = vector.broadcast %jit3A : f32 to vector<256x128xf32>
      %select_n3A = arith.select %broadcast_in_dim3A_591, %max3A_62, %broadcast_in_dim3A_592 : vector<256x128xi1>, vector<256x128xf32>
      %reduce_max3A = arith.constant dense<0xFF800000> : vector<128xf32>
      %reduce_max3A_593 = vector.multi_reduction <maximumf>, %select_n3A, %reduce_max3A [0] : vector<256x128xf32> to vector<128xf32>
      %broadcast_in_dim3A_594 = vector.shape_cast %reduce_max3A_593 : vector<128xf32> to vector<1x128xf32>
      %get3A_595 = arith.constant 47 : index
      %get3A_596 = arith.constant 0 : index
      %get3A_597 = vector.load %arg15[%get3A_595, %get3A_596] : memref<64x128xf32, #tpu.memory_space<vmem>>, vector<1x128xf32>
      %max3A_598 = arith.maximumf %get3A_597, %broadcast_in_dim3A_594 : vector<1x128xf32>
      %swap3A = arith.constant 47 : index
      %swap3A_599 = arith.constant 0 : index
      %swap3A_600 = vector.load %arg15[%swap3A, %swap3A_599] : memref<64x128xf32, #tpu.memory_space<vmem>>, vector<1x128xf32>
      tpu.vector_store %arg15[%swap3A, %swap3A_599], %max3A_598 {strides = array<i32>} : memref<64x128xf32, #tpu.memory_space<vmem>>, vector<1x128xf32>,
    } else {
    }
    %le3A_455 = arith.constant 48 : i32
    %le3A_456 = arith.cmpi sle, %get3A_69, %le3A_455 : i32
    %ge3A_457 = arith.constant 48 : i32
    %ge3A_458 = arith.cmpi sge, %get3A_73, %ge3A_457 : i32
    %and3A_459 = arith.andi %le3A_456, %ge3A_458 : i1
    %convert_element_type3A_460 = arith.extui %and3A_459 : i1 to i32
    %cond3A_461 = arith.constant 0 : i32
    %cond3A_462 = arith.cmpi ne, %convert_element_type3A_460, %cond3A_461 : i32
    scf.if %cond3A_462 {
      %eq3A_588 = arith.constant 48 : i32
      %eq3A_589 = vector.broadcast %eq3A_588 : i32 to vector<256x1xi32>
      %eq3A_590 = arith.cmpi eq, %get3A_65, %eq3A_589 : vector<256x1xi32>
      %jit3A = arith.constant 0.000000e+00 : f32
      %broadcast_in_dim3A = vector.shape_cast %eq3A_590 : vector<256x1xi1> to vector<256x1xi1>
      %broadcast_in_dim3A_591 = vector.broadcast %broadcast_in_dim3A : vector<256x1xi1> to vector<256x128xi1>
      %broadcast_in_dim3A_592 = vector.broadcast %jit3A : f32 to vector<256x128xf32>
      %select_n3A = arith.select %broadcast_in_dim3A_591, %max3A_62, %broadcast_in_dim3A_592 : vector<256x128xi1>, vector<256x128xf32>
      %reduce_max3A = arith.constant dense<0xFF800000> : vector<128xf32>
      %reduce_max3A_593 = vector.multi_reduction <maximumf>, %select_n3A, %reduce_max3A [0] : vector<256x128xf32> to vector<128xf32>
      %broadcast_in_dim3A_594 = vector.shape_cast %reduce_max3A_593 : vector<128xf32> to vector<1x128xf32>
      %get3A_595 = arith.constant 48 : index
      %get3A_596 = arith.constant 0 : index
      %get3A_597 = vector.load %arg15[%get3A_595, %get3A_596] : memref<64x128xf32, #tpu.memory_space<vmem>>, vector<1x128xf32>
      %max3A_598 = arith.maximumf %get3A_597, %broadcast_in_dim3A_594 : vector<1x128xf32>
      %swap3A = arith.constant 48 : index
      %swap3A_599 = arith.constant 0 : index
      %swap3A_600 = vector.load %arg15[%swap3A, %swap3A_599] : memref<64x128xf32, #tpu.memory_space<vmem>>, vector<1x128xf32>
      tpu.vector_store %arg15[%swap3A, %swap3A_599], %max3A_598 {strides = array<i32>} : memref<64x128xf32, #tpu.memory_space<vmem>>, vector<1x128xf32>,
    } else {
    }
    %le3A_463 = arith.constant 49 : i32
    %le3A_464 = arith.cmpi sle, %get3A_69, %le3A_463 : i32
    %ge3A_465 = arith.constant 49 : i32
    %ge3A_466 = arith.cmpi sge, %get3A_73, %ge3A_465 : i32
    %and3A_467 = arith.andi %le3A_464, %ge3A_466 : i1
    %convert_element_type3A_468 = arith.extui %and3A_467 : i1 to i32
    %cond3A_469 = arith.constant 0 : i32
    %cond3A_470 = arith.cmpi ne, %convert_element_type3A_468, %cond3A_469 : i32
    scf.if %cond3A_470 {
      %eq3A_588 = arith.constant 49 : i32
      %eq3A_589 = vector.broadcast %eq3A_588 : i32 to vector<256x1xi32>
      %eq3A_590 = arith.cmpi eq, %get3A_65, %eq3A_589 : vector<256x1xi32>
      %jit3A = arith.constant 0.000000e+00 : f32
      %broadcast_in_dim3A = vector.shape_cast %eq3A_590 : vector<256x1xi1> to vector<256x1xi1>
      %broadcast_in_dim3A_591 = vector.broadcast %broadcast_in_dim3A : vector<256x1xi1> to vector<256x128xi1>
      %broadcast_in_dim3A_592 = vector.broadcast %jit3A : f32 to vector<256x128xf32>
      %select_n3A = arith.select %broadcast_in_dim3A_591, %max3A_62, %broadcast_in_dim3A_592 : vector<256x128xi1>, vector<256x128xf32>
      %reduce_max3A = arith.constant dense<0xFF800000> : vector<128xf32>
      %reduce_max3A_593 = vector.multi_reduction <maximumf>, %select_n3A, %reduce_max3A [0] : vector<256x128xf32> to vector<128xf32>
      %broadcast_in_dim3A_594 = vector.shape_cast %reduce_max3A_593 : vector<128xf32> to vector<1x128xf32>
      %get3A_595 = arith.constant 49 : index
      %get3A_596 = arith.constant 0 : index
      %get3A_597 = vector.load %arg15[%get3A_595, %get3A_596] : memref<64x128xf32, #tpu.memory_space<vmem>>, vector<1x128xf32>
      %max3A_598 = arith.maximumf %get3A_597, %broadcast_in_dim3A_594 : vector<1x128xf32>
      %swap3A = arith.constant 49 : index
      %swap3A_599 = arith.constant 0 : index
      %swap3A_600 = vector.load %arg15[%swap3A, %swap3A_599] : memref<64x128xf32, #tpu.memory_space<vmem>>, vector<1x128xf32>
      tpu.vector_store %arg15[%swap3A, %swap3A_599], %max3A_598 {strides = array<i32>} : memref<64x128xf32, #tpu.memory_space<vmem>>, vector<1x128xf32>,
    } else {
    }
    %le3A_471 = arith.constant 50 : i32
    %le3A_472 = arith.cmpi sle, %get3A_69, %le3A_471 : i32
    %ge3A_473 = arith.constant 50 : i32
    %ge3A_474 = arith.cmpi sge, %get3A_73, %ge3A_473 : i32
    %and3A_475 = arith.andi %le3A_472, %ge3A_474 : i1
    %convert_element_type3A_476 = arith.extui %and3A_475 : i1 to i32
    %cond3A_477 = arith.constant 0 : i32
    %cond3A_478 = arith.cmpi ne, %convert_element_type3A_476, %cond3A_477 : i32
    scf.if %cond3A_478 {
      %eq3A_588 = arith.constant 50 : i32
      %eq3A_589 = vector.broadcast %eq3A_588 : i32 to vector<256x1xi32>
      %eq3A_590 = arith.cmpi eq, %get3A_65, %eq3A_589 : vector<256x1xi32>
      %jit3A = arith.constant 0.000000e+00 : f32
      %broadcast_in_dim3A = vector.shape_cast %eq3A_590 : vector<256x1xi1> to vector<256x1xi1>
      %broadcast_in_dim3A_591 = vector.broadcast %broadcast_in_dim3A : vector<256x1xi1> to vector<256x128xi1>
      %broadcast_in_dim3A_592 = vector.broadcast %jit3A : f32 to vector<256x128xf32>
      %select_n3A = arith.select %broadcast_in_dim3A_591, %max3A_62, %broadcast_in_dim3A_592 : vector<256x128xi1>, vector<256x128xf32>
      %reduce_max3A = arith.constant dense<0xFF800000> : vector<128xf32>
      %reduce_max3A_593 = vector.multi_reduction <maximumf>, %select_n3A, %reduce_max3A [0] : vector<256x128xf32> to vector<128xf32>
      %broadcast_in_dim3A_594 = vector.shape_cast %reduce_max3A_593 : vector<128xf32> to vector<1x128xf32>
      %get3A_595 = arith.constant 50 : index
      %get3A_596 = arith.constant 0 : index
      %get3A_597 = vector.load %arg15[%get3A_595, %get3A_596] : memref<64x128xf32, #tpu.memory_space<vmem>>, vector<1x128xf32>
      %max3A_598 = arith.maximumf %get3A_597, %broadcast_in_dim3A_594 : vector<1x128xf32>
      %swap3A = arith.constant 50 : index
      %swap3A_599 = arith.constant 0 : index
      %swap3A_600 = vector.load %arg15[%swap3A, %swap3A_599] : memref<64x128xf32, #tpu.memory_space<vmem>>, vector<1x128xf32>
      tpu.vector_store %arg15[%swap3A, %swap3A_599], %max3A_598 {strides = array<i32>} : memref<64x128xf32, #tpu.memory_space<vmem>>, vector<1x128xf32>,
    } else {
    }
    %le3A_479 = arith.constant 51 : i32
    %le3A_480 = arith.cmpi sle, %get3A_69, %le3A_479 : i32
    %ge3A_481 = arith.constant 51 : i32
    %ge3A_482 = arith.cmpi sge, %get3A_73, %ge3A_481 : i32
    %and3A_483 = arith.andi %le3A_480, %ge3A_482 : i1
    %convert_element_type3A_484 = arith.extui %and3A_483 : i1 to i32
    %cond3A_485 = arith.constant 0 : i32
    %cond3A_486 = arith.cmpi ne, %convert_element_type3A_484, %cond3A_485 : i32
    scf.if %cond3A_486 {
      %eq3A_588 = arith.constant 51 : i32
      %eq3A_589 = vector.broadcast %eq3A_588 : i32 to vector<256x1xi32>
      %eq3A_590 = arith.cmpi eq, %get3A_65, %eq3A_589 : vector<256x1xi32>
      %jit3A = arith.constant 0.000000e+00 : f32
      %broadcast_in_dim3A = vector.shape_cast %eq3A_590 : vector<256x1xi1> to vector<256x1xi1>
      %broadcast_in_dim3A_591 = vector.broadcast %broadcast_in_dim3A : vector<256x1xi1> to vector<256x128xi1>
      %broadcast_in_dim3A_592 = vector.broadcast %jit3A : f32 to vector<256x128xf32>
      %select_n3A = arith.select %broadcast_in_dim3A_591, %max3A_62, %broadcast_in_dim3A_592 : vector<256x128xi1>, vector<256x128xf32>
      %reduce_max3A = arith.constant dense<0xFF800000> : vector<128xf32>
      %reduce_max3A_593 = vector.multi_reduction <maximumf>, %select_n3A, %reduce_max3A [0] : vector<256x128xf32> to vector<128xf32>
      %broadcast_in_dim3A_594 = vector.shape_cast %reduce_max3A_593 : vector<128xf32> to vector<1x128xf32>
      %get3A_595 = arith.constant 51 : index
      %get3A_596 = arith.constant 0 : index
      %get3A_597 = vector.load %arg15[%get3A_595, %get3A_596] : memref<64x128xf32, #tpu.memory_space<vmem>>, vector<1x128xf32>
      %max3A_598 = arith.maximumf %get3A_597, %broadcast_in_dim3A_594 : vector<1x128xf32>
      %swap3A = arith.constant 51 : index
      %swap3A_599 = arith.constant 0 : index
      %swap3A_600 = vector.load %arg15[%swap3A, %swap3A_599] : memref<64x128xf32, #tpu.memory_space<vmem>>, vector<1x128xf32>
      tpu.vector_store %arg15[%swap3A, %swap3A_599], %max3A_598 {strides = array<i32>} : memref<64x128xf32, #tpu.memory_space<vmem>>, vector<1x128xf32>,
    } else {
    }
    %le3A_487 = arith.constant 52 : i32
    %le3A_488 = arith.cmpi sle, %get3A_69, %le3A_487 : i32
    %ge3A_489 = arith.constant 52 : i32
    %ge3A_490 = arith.cmpi sge, %get3A_73, %ge3A_489 : i32
    %and3A_491 = arith.andi %le3A_488, %ge3A_490 : i1
    %convert_element_type3A_492 = arith.extui %and3A_491 : i1 to i32
    %cond3A_493 = arith.constant 0 : i32
    %cond3A_494 = arith.cmpi ne, %convert_element_type3A_492, %cond3A_493 : i32
    scf.if %cond3A_494 {
      %eq3A_588 = arith.constant 52 : i32
      %eq3A_589 = vector.broadcast %eq3A_588 : i32 to vector<256x1xi32>
      %eq3A_590 = arith.cmpi eq, %get3A_65, %eq3A_589 : vector<256x1xi32>
      %jit3A = arith.constant 0.000000e+00 : f32
      %broadcast_in_dim3A = vector.shape_cast %eq3A_590 : vector<256x1xi1> to vector<256x1xi1>
      %broadcast_in_dim3A_591 = vector.broadcast %broadcast_in_dim3A : vector<256x1xi1> to vector<256x128xi1>
      %broadcast_in_dim3A_592 = vector.broadcast %jit3A : f32 to vector<256x128xf32>
      %select_n3A = arith.select %broadcast_in_dim3A_591, %max3A_62, %broadcast_in_dim3A_592 : vector<256x128xi1>, vector<256x128xf32>
      %reduce_max3A = arith.constant dense<0xFF800000> : vector<128xf32>
      %reduce_max3A_593 = vector.multi_reduction <maximumf>, %select_n3A, %reduce_max3A [0] : vector<256x128xf32> to vector<128xf32>
      %broadcast_in_dim3A_594 = vector.shape_cast %reduce_max3A_593 : vector<128xf32> to vector<1x128xf32>
      %get3A_595 = arith.constant 52 : index
      %get3A_596 = arith.constant 0 : index
      %get3A_597 = vector.load %arg15[%get3A_595, %get3A_596] : memref<64x128xf32, #tpu.memory_space<vmem>>, vector<1x128xf32>
      %max3A_598 = arith.maximumf %get3A_597, %broadcast_in_dim3A_594 : vector<1x128xf32>
      %swap3A = arith.constant 52 : index
      %swap3A_599 = arith.constant 0 : index
      %swap3A_600 = vector.load %arg15[%swap3A, %swap3A_599] : memref<64x128xf32, #tpu.memory_space<vmem>>, vector<1x128xf32>
      tpu.vector_store %arg15[%swap3A, %swap3A_599], %max3A_598 {strides = array<i32>} : memref<64x128xf32, #tpu.memory_space<vmem>>, vector<1x128xf32>,
    } else {
    }
    %le3A_495 = arith.constant 53 : i32
    %le3A_496 = arith.cmpi sle, %get3A_69, %le3A_495 : i32
    %ge3A_497 = arith.constant 53 : i32
    %ge3A_498 = arith.cmpi sge, %get3A_73, %ge3A_497 : i32
    %and3A_499 = arith.andi %le3A_496, %ge3A_498 : i1
    %convert_element_type3A_500 = arith.extui %and3A_499 : i1 to i32
    %cond3A_501 = arith.constant 0 : i32
    %cond3A_502 = arith.cmpi ne, %convert_element_type3A_500, %cond3A_501 : i32
    scf.if %cond3A_502 {
      %eq3A_588 = arith.constant 53 : i32
      %eq3A_589 = vector.broadcast %eq3A_588 : i32 to vector<256x1xi32>
      %eq3A_590 = arith.cmpi eq, %get3A_65, %eq3A_589 : vector<256x1xi32>
      %jit3A = arith.constant 0.000000e+00 : f32
      %broadcast_in_dim3A = vector.shape_cast %eq3A_590 : vector<256x1xi1> to vector<256x1xi1>
      %broadcast_in_dim3A_591 = vector.broadcast %broadcast_in_dim3A : vector<256x1xi1> to vector<256x128xi1>
      %broadcast_in_dim3A_592 = vector.broadcast %jit3A : f32 to vector<256x128xf32>
      %select_n3A = arith.select %broadcast_in_dim3A_591, %max3A_62, %broadcast_in_dim3A_592 : vector<256x128xi1>, vector<256x128xf32>
      %reduce_max3A = arith.constant dense<0xFF800000> : vector<128xf32>
      %reduce_max3A_593 = vector.multi_reduction <maximumf>, %select_n3A, %reduce_max3A [0] : vector<256x128xf32> to vector<128xf32>
      %broadcast_in_dim3A_594 = vector.shape_cast %reduce_max3A_593 : vector<128xf32> to vector<1x128xf32>
      %get3A_595 = arith.constant 53 : index
      %get3A_596 = arith.constant 0 : index
      %get3A_597 = vector.load %arg15[%get3A_595, %get3A_596] : memref<64x128xf32, #tpu.memory_space<vmem>>, vector<1x128xf32>
      %max3A_598 = arith.maximumf %get3A_597, %broadcast_in_dim3A_594 : vector<1x128xf32>
      %swap3A = arith.constant 53 : index
      %swap3A_599 = arith.constant 0 : index
      %swap3A_600 = vector.load %arg15[%swap3A, %swap3A_599] : memref<64x128xf32, #tpu.memory_space<vmem>>, vector<1x128xf32>
      tpu.vector_store %arg15[%swap3A, %swap3A_599], %max3A_598 {strides = array<i32>} : memref<64x128xf32, #tpu.memory_space<vmem>>, vector<1x128xf32>,
    } else {
    }
    %le3A_503 = arith.constant 54 : i32
    %le3A_504 = arith.cmpi sle, %get3A_69, %le3A_503 : i32
    %ge3A_505 = arith.constant 54 : i32
    %ge3A_506 = arith.cmpi sge, %get3A_73, %ge3A_505 : i32
    %and3A_507 = arith.andi %le3A_504, %ge3A_506 : i1
    %convert_element_type3A_508 = arith.extui %and3A_507 : i1 to i32
    %cond3A_509 = arith.constant 0 : i32
    %cond3A_510 = arith.cmpi ne, %convert_element_type3A_508, %cond3A_509 : i32
    scf.if %cond3A_510 {
      %eq3A_588 = arith.constant 54 : i32
      %eq3A_589 = vector.broadcast %eq3A_588 : i32 to vector<256x1xi32>
      %eq3A_590 = arith.cmpi eq, %get3A_65, %eq3A_589 : vector<256x1xi32>
      %jit3A = arith.constant 0.000000e+00 : f32
      %broadcast_in_dim3A = vector.shape_cast %eq3A_590 : vector<256x1xi1> to vector<256x1xi1>
      %broadcast_in_dim3A_591 = vector.broadcast %broadcast_in_dim3A : vector<256x1xi1> to vector<256x128xi1>
      %broadcast_in_dim3A_592 = vector.broadcast %jit3A : f32 to vector<256x128xf32>
      %select_n3A = arith.select %broadcast_in_dim3A_591, %max3A_62, %broadcast_in_dim3A_592 : vector<256x128xi1>, vector<256x128xf32>
      %reduce_max3A = arith.constant dense<0xFF800000> : vector<128xf32>
      %reduce_max3A_593 = vector.multi_reduction <maximumf>, %select_n3A, %reduce_max3A [0] : vector<256x128xf32> to vector<128xf32>
      %broadcast_in_dim3A_594 = vector.shape_cast %reduce_max3A_593 : vector<128xf32> to vector<1x128xf32>
      %get3A_595 = arith.constant 54 : index
      %get3A_596 = arith.constant 0 : index
      %get3A_597 = vector.load %arg15[%get3A_595, %get3A_596] : memref<64x128xf32, #tpu.memory_space<vmem>>, vector<1x128xf32>
      %max3A_598 = arith.maximumf %get3A_597, %broadcast_in_dim3A_594 : vector<1x128xf32>
      %swap3A = arith.constant 54 : index
      %swap3A_599 = arith.constant 0 : index
      %swap3A_600 = vector.load %arg15[%swap3A, %swap3A_599] : memref<64x128xf32, #tpu.memory_space<vmem>>, vector<1x128xf32>
      tpu.vector_store %arg15[%swap3A, %swap3A_599], %max3A_598 {strides = array<i32>} : memref<64x128xf32, #tpu.memory_space<vmem>>, vector<1x128xf32>,
    } else {
    }
    %le3A_511 = arith.constant 55 : i32
    %le3A_512 = arith.cmpi sle, %get3A_69, %le3A_511 : i32
    %ge3A_513 = arith.constant 55 : i32
    %ge3A_514 = arith.cmpi sge, %get3A_73, %ge3A_513 : i32
    %and3A_515 = arith.andi %le3A_512, %ge3A_514 : i1
    %convert_element_type3A_516 = arith.extui %and3A_515 : i1 to i32
    %cond3A_517 = arith.constant 0 : i32
    %cond3A_518 = arith.cmpi ne, %convert_element_type3A_516, %cond3A_517 : i32
    scf.if %cond3A_518 {
      %eq3A_588 = arith.constant 55 : i32
      %eq3A_589 = vector.broadcast %eq3A_588 : i32 to vector<256x1xi32>
      %eq3A_590 = arith.cmpi eq, %get3A_65, %eq3A_589 : vector<256x1xi32>
      %jit3A = arith.constant 0.000000e+00 : f32
      %broadcast_in_dim3A = vector.shape_cast %eq3A_590 : vector<256x1xi1> to vector<256x1xi1>
      %broadcast_in_dim3A_591 = vector.broadcast %broadcast_in_dim3A : vector<256x1xi1> to vector<256x128xi1>
      %broadcast_in_dim3A_592 = vector.broadcast %jit3A : f32 to vector<256x128xf32>
      %select_n3A = arith.select %broadcast_in_dim3A_591, %max3A_62, %broadcast_in_dim3A_592 : vector<256x128xi1>, vector<256x128xf32>
      %reduce_max3A = arith.constant dense<0xFF800000> : vector<128xf32>
      %reduce_max3A_593 = vector.multi_reduction <maximumf>, %select_n3A, %reduce_max3A [0] : vector<256x128xf32> to vector<128xf32>
      %broadcast_in_dim3A_594 = vector.shape_cast %reduce_max3A_593 : vector<128xf32> to vector<1x128xf32>
      %get3A_595 = arith.constant 55 : index
      %get3A_596 = arith.constant 0 : index
      %get3A_597 = vector.load %arg15[%get3A_595, %get3A_596] : memref<64x128xf32, #tpu.memory_space<vmem>>, vector<1x128xf32>
      %max3A_598 = arith.maximumf %get3A_597, %broadcast_in_dim3A_594 : vector<1x128xf32>
      %swap3A = arith.constant 55 : index
      %swap3A_599 = arith.constant 0 : index
      %swap3A_600 = vector.load %arg15[%swap3A, %swap3A_599] : memref<64x128xf32, #tpu.memory_space<vmem>>, vector<1x128xf32>
      tpu.vector_store %arg15[%swap3A, %swap3A_599], %max3A_598 {strides = array<i32>} : memref<64x128xf32, #tpu.memory_space<vmem>>, vector<1x128xf32>,
    } else {
    }
    %le3A_519 = arith.constant 56 : i32
    %le3A_520 = arith.cmpi sle, %get3A_69, %le3A_519 : i32
    %ge3A_521 = arith.constant 56 : i32
    %ge3A_522 = arith.cmpi sge, %get3A_73, %ge3A_521 : i32
    %and3A_523 = arith.andi %le3A_520, %ge3A_522 : i1
    %convert_element_type3A_524 = arith.extui %and3A_523 : i1 to i32
    %cond3A_525 = arith.constant 0 : i32
    %cond3A_526 = arith.cmpi ne, %convert_element_type3A_524, %cond3A_525 : i32
    scf.if %cond3A_526 {
      %eq3A_588 = arith.constant 56 : i32
      %eq3A_589 = vector.broadcast %eq3A_588 : i32 to vector<256x1xi32>
      %eq3A_590 = arith.cmpi eq, %get3A_65, %eq3A_589 : vector<256x1xi32>
      %jit3A = arith.constant 0.000000e+00 : f32
      %broadcast_in_dim3A = vector.shape_cast %eq3A_590 : vector<256x1xi1> to vector<256x1xi1>
      %broadcast_in_dim3A_591 = vector.broadcast %broadcast_in_dim3A : vector<256x1xi1> to vector<256x128xi1>
      %broadcast_in_dim3A_592 = vector.broadcast %jit3A : f32 to vector<256x128xf32>
      %select_n3A = arith.select %broadcast_in_dim3A_591, %max3A_62, %broadcast_in_dim3A_592 : vector<256x128xi1>, vector<256x128xf32>
      %reduce_max3A = arith.constant dense<0xFF800000> : vector<128xf32>
      %reduce_max3A_593 = vector.multi_reduction <maximumf>, %select_n3A, %reduce_max3A [0] : vector<256x128xf32> to vector<128xf32>
      %broadcast_in_dim3A_594 = vector.shape_cast %reduce_max3A_593 : vector<128xf32> to vector<1x128xf32>
      %get3A_595 = arith.constant 56 : index
      %get3A_596 = arith.constant 0 : index
      %get3A_597 = vector.load %arg15[%get3A_595, %get3A_596] : memref<64x128xf32, #tpu.memory_space<vmem>>, vector<1x128xf32>
      %max3A_598 = arith.maximumf %get3A_597, %broadcast_in_dim3A_594 : vector<1x128xf32>
      %swap3A = arith.constant 56 : index
      %swap3A_599 = arith.constant 0 : index
      %swap3A_600 = vector.load %arg15[%swap3A, %swap3A_599] : memref<64x128xf32, #tpu.memory_space<vmem>>, vector<1x128xf32>
      tpu.vector_store %arg15[%swap3A, %swap3A_599], %max3A_598 {strides = array<i32>} : memref<64x128xf32, #tpu.memory_space<vmem>>, vector<1x128xf32>,
    } else {
    }
    %le3A_527 = arith.constant 57 : i32
    %le3A_528 = arith.cmpi sle, %get3A_69, %le3A_527 : i32
    %ge3A_529 = arith.constant 57 : i32
    %ge3A_530 = arith.cmpi sge, %get3A_73, %ge3A_529 : i32
    %and3A_531 = arith.andi %le3A_528, %ge3A_530 : i1
    %convert_element_type3A_532 = arith.extui %and3A_531 : i1 to i32
    %cond3A_533 = arith.constant 0 : i32
    %cond3A_534 = arith.cmpi ne, %convert_element_type3A_532, %cond3A_533 : i32
    scf.if %cond3A_534 {
      %eq3A_588 = arith.constant 57 : i32
      %eq3A_589 = vector.broadcast %eq3A_588 : i32 to vector<256x1xi32>
      %eq3A_590 = arith.cmpi eq, %get3A_65, %eq3A_589 : vector<256x1xi32>
      %jit3A = arith.constant 0.000000e+00 : f32
      %broadcast_in_dim3A = vector.shape_cast %eq3A_590 : vector<256x1xi1> to vector<256x1xi1>
      %broadcast_in_dim3A_591 = vector.broadcast %broadcast_in_dim3A : vector<256x1xi1> to vector<256x128xi1>
      %broadcast_in_dim3A_592 = vector.broadcast %jit3A : f32 to vector<256x128xf32>
      %select_n3A = arith.select %broadcast_in_dim3A_591, %max3A_62, %broadcast_in_dim3A_592 : vector<256x128xi1>, vector<256x128xf32>
      %reduce_max3A = arith.constant dense<0xFF800000> : vector<128xf32>
      %reduce_max3A_593 = vector.multi_reduction <maximumf>, %select_n3A, %reduce_max3A [0] : vector<256x128xf32> to vector<128xf32>
      %broadcast_in_dim3A_594 = vector.shape_cast %reduce_max3A_593 : vector<128xf32> to vector<1x128xf32>
      %get3A_595 = arith.constant 57 : index
      %get3A_596 = arith.constant 0 : index
      %get3A_597 = vector.load %arg15[%get3A_595, %get3A_596] : memref<64x128xf32, #tpu.memory_space<vmem>>, vector<1x128xf32>
      %max3A_598 = arith.maximumf %get3A_597, %broadcast_in_dim3A_594 : vector<1x128xf32>
      %swap3A = arith.constant 57 : index
      %swap3A_599 = arith.constant 0 : index
      %swap3A_600 = vector.load %arg15[%swap3A, %swap3A_599] : memref<64x128xf32, #tpu.memory_space<vmem>>, vector<1x128xf32>
      tpu.vector_store %arg15[%swap3A, %swap3A_599], %max3A_598 {strides = array<i32>} : memref<64x128xf32, #tpu.memory_space<vmem>>, vector<1x128xf32>,
    } else {
    }
    %le3A_535 = arith.constant 58 : i32
    %le3A_536 = arith.cmpi sle, %get3A_69, %le3A_535 : i32
    %ge3A_537 = arith.constant 58 : i32
    %ge3A_538 = arith.cmpi sge, %get3A_73, %ge3A_537 : i32
    %and3A_539 = arith.andi %le3A_536, %ge3A_538 : i1
    %convert_element_type3A_540 = arith.extui %and3A_539 : i1 to i32
    %cond3A_541 = arith.constant 0 : i32
    %cond3A_542 = arith.cmpi ne, %convert_element_type3A_540, %cond3A_541 : i32
    scf.if %cond3A_542 {
      %eq3A_588 = arith.constant 58 : i32
      %eq3A_589 = vector.broadcast %eq3A_588 : i32 to vector<256x1xi32>
      %eq3A_590 = arith.cmpi eq, %get3A_65, %eq3A_589 : vector<256x1xi32>
      %jit3A = arith.constant 0.000000e+00 : f32
      %broadcast_in_dim3A = vector.shape_cast %eq3A_590 : vector<256x1xi1> to vector<256x1xi1>
      %broadcast_in_dim3A_591 = vector.broadcast %broadcast_in_dim3A : vector<256x1xi1> to vector<256x128xi1>
      %broadcast_in_dim3A_592 = vector.broadcast %jit3A : f32 to vector<256x128xf32>
      %select_n3A = arith.select %broadcast_in_dim3A_591, %max3A_62, %broadcast_in_dim3A_592 : vector<256x128xi1>, vector<256x128xf32>
      %reduce_max3A = arith.constant dense<0xFF800000> : vector<128xf32>
      %reduce_max3A_593 = vector.multi_reduction <maximumf>, %select_n3A, %reduce_max3A [0] : vector<256x128xf32> to vector<128xf32>
      %broadcast_in_dim3A_594 = vector.shape_cast %reduce_max3A_593 : vector<128xf32> to vector<1x128xf32>
      %get3A_595 = arith.constant 58 : index
      %get3A_596 = arith.constant 0 : index
      %get3A_597 = vector.load %arg15[%get3A_595, %get3A_596] : memref<64x128xf32, #tpu.memory_space<vmem>>, vector<1x128xf32>
      %max3A_598 = arith.maximumf %get3A_597, %broadcast_in_dim3A_594 : vector<1x128xf32>
      %swap3A = arith.constant 58 : index
      %swap3A_599 = arith.constant 0 : index
      %swap3A_600 = vector.load %arg15[%swap3A, %swap3A_599] : memref<64x128xf32, #tpu.memory_space<vmem>>, vector<1x128xf32>
      tpu.vector_store %arg15[%swap3A, %swap3A_599], %max3A_598 {strides = array<i32>} : memref<64x128xf32, #tpu.memory_space<vmem>>, vector<1x128xf32>,
    } else {
    }
    %le3A_543 = arith.constant 59 : i32
    %le3A_544 = arith.cmpi sle, %get3A_69, %le3A_543 : i32
    %ge3A_545 = arith.constant 59 : i32
    %ge3A_546 = arith.cmpi sge, %get3A_73, %ge3A_545 : i32
    %and3A_547 = arith.andi %le3A_544, %ge3A_546 : i1
    %convert_element_type3A_548 = arith.extui %and3A_547 : i1 to i32
    %cond3A_549 = arith.constant 0 : i32
    %cond3A_550 = arith.cmpi ne, %convert_element_type3A_548, %cond3A_549 : i32
    scf.if %cond3A_550 {
      %eq3A_588 = arith.constant 59 : i32
      %eq3A_589 = vector.broadcast %eq3A_588 : i32 to vector<256x1xi32>
      %eq3A_590 = arith.cmpi eq, %get3A_65, %eq3A_589 : vector<256x1xi32>
      %jit3A = arith.constant 0.000000e+00 : f32
      %broadcast_in_dim3A = vector.shape_cast %eq3A_590 : vector<256x1xi1> to vector<256x1xi1>
      %broadcast_in_dim3A_591 = vector.broadcast %broadcast_in_dim3A : vector<256x1xi1> to vector<256x128xi1>
      %broadcast_in_dim3A_592 = vector.broadcast %jit3A : f32 to vector<256x128xf32>
      %select_n3A = arith.select %broadcast_in_dim3A_591, %max3A_62, %broadcast_in_dim3A_592 : vector<256x128xi1>, vector<256x128xf32>
      %reduce_max3A = arith.constant dense<0xFF800000> : vector<128xf32>
      %reduce_max3A_593 = vector.multi_reduction <maximumf>, %select_n3A, %reduce_max3A [0] : vector<256x128xf32> to vector<128xf32>
      %broadcast_in_dim3A_594 = vector.shape_cast %reduce_max3A_593 : vector<128xf32> to vector<1x128xf32>
      %get3A_595 = arith.constant 59 : index
      %get3A_596 = arith.constant 0 : index
      %get3A_597 = vector.load %arg15[%get3A_595, %get3A_596] : memref<64x128xf32, #tpu.memory_space<vmem>>, vector<1x128xf32>
      %max3A_598 = arith.maximumf %get3A_597, %broadcast_in_dim3A_594 : vector<1x128xf32>
      %swap3A = arith.constant 59 : index
      %swap3A_599 = arith.constant 0 : index
      %swap3A_600 = vector.load %arg15[%swap3A, %swap3A_599] : memref<64x128xf32, #tpu.memory_space<vmem>>, vector<1x128xf32>
      tpu.vector_store %arg15[%swap3A, %swap3A_599], %max3A_598 {strides = array<i32>} : memref<64x128xf32, #tpu.memory_space<vmem>>, vector<1x128xf32>,
    } else {
    }
    %le3A_551 = arith.constant 60 : i32
    %le3A_552 = arith.cmpi sle, %get3A_69, %le3A_551 : i32
    %ge3A_553 = arith.constant 60 : i32
    %ge3A_554 = arith.cmpi sge, %get3A_73, %ge3A_553 : i32
    %and3A_555 = arith.andi %le3A_552, %ge3A_554 : i1
    %convert_element_type3A_556 = arith.extui %and3A_555 : i1 to i32
    %cond3A_557 = arith.constant 0 : i32
    %cond3A_558 = arith.cmpi ne, %convert_element_type3A_556, %cond3A_557 : i32
    scf.if %cond3A_558 {
      %eq3A_588 = arith.constant 60 : i32
      %eq3A_589 = vector.broadcast %eq3A_588 : i32 to vector<256x1xi32>
      %eq3A_590 = arith.cmpi eq, %get3A_65, %eq3A_589 : vector<256x1xi32>
      %jit3A = arith.constant 0.000000e+00 : f32
      %broadcast_in_dim3A = vector.shape_cast %eq3A_590 : vector<256x1xi1> to vector<256x1xi1>
      %broadcast_in_dim3A_591 = vector.broadcast %broadcast_in_dim3A : vector<256x1xi1> to vector<256x128xi1>
      %broadcast_in_dim3A_592 = vector.broadcast %jit3A : f32 to vector<256x128xf32>
      %select_n3A = arith.select %broadcast_in_dim3A_591, %max3A_62, %broadcast_in_dim3A_592 : vector<256x128xi1>, vector<256x128xf32>
      %reduce_max3A = arith.constant dense<0xFF800000> : vector<128xf32>
      %reduce_max3A_593 = vector.multi_reduction <maximumf>, %select_n3A, %reduce_max3A [0] : vector<256x128xf32> to vector<128xf32>
      %broadcast_in_dim3A_594 = vector.shape_cast %reduce_max3A_593 : vector<128xf32> to vector<1x128xf32>
      %get3A_595 = arith.constant 60 : index
      %get3A_596 = arith.constant 0 : index
      %get3A_597 = vector.load %arg15[%get3A_595, %get3A_596] : memref<64x128xf32, #tpu.memory_space<vmem>>, vector<1x128xf32>
      %max3A_598 = arith.maximumf %get3A_597, %broadcast_in_dim3A_594 : vector<1x128xf32>
      %swap3A = arith.constant 60 : index
      %swap3A_599 = arith.constant 0 : index
      %swap3A_600 = vector.load %arg15[%swap3A, %swap3A_599] : memref<64x128xf32, #tpu.memory_space<vmem>>, vector<1x128xf32>
      tpu.vector_store %arg15[%swap3A, %swap3A_599], %max3A_598 {strides = array<i32>} : memref<64x128xf32, #tpu.memory_space<vmem>>, vector<1x128xf32>,
    } else {
    }
    %le3A_559 = arith.constant 61 : i32
    %le3A_560 = arith.cmpi sle, %get3A_69, %le3A_559 : i32
    %ge3A_561 = arith.constant 61 : i32
    %ge3A_562 = arith.cmpi sge, %get3A_73, %ge3A_561 : i32
    %and3A_563 = arith.andi %le3A_560, %ge3A_562 : i1
    %convert_element_type3A_564 = arith.extui %and3A_563 : i1 to i32
    %cond3A_565 = arith.constant 0 : i32
    %cond3A_566 = arith.cmpi ne, %convert_element_type3A_564, %cond3A_565 : i32
    scf.if %cond3A_566 {
      %eq3A_588 = arith.constant 61 : i32
      %eq3A_589 = vector.broadcast %eq3A_588 : i32 to vector<256x1xi32>
      %eq3A_590 = arith.cmpi eq, %get3A_65, %eq3A_589 : vector<256x1xi32>
      %jit3A = arith.constant 0.000000e+00 : f32
      %broadcast_in_dim3A = vector.shape_cast %eq3A_590 : vector<256x1xi1> to vector<256x1xi1>
      %broadcast_in_dim3A_591 = vector.broadcast %broadcast_in_dim3A : vector<256x1xi1> to vector<256x128xi1>
      %broadcast_in_dim3A_592 = vector.broadcast %jit3A : f32 to vector<256x128xf32>
      %select_n3A = arith.select %broadcast_in_dim3A_591, %max3A_62, %broadcast_in_dim3A_592 : vector<256x128xi1>, vector<256x128xf32>
      %reduce_max3A = arith.constant dense<0xFF800000> : vector<128xf32>
      %reduce_max3A_593 = vector.multi_reduction <maximumf>, %select_n3A, %reduce_max3A [0] : vector<256x128xf32> to vector<128xf32>
      %broadcast_in_dim3A_594 = vector.shape_cast %reduce_max3A_593 : vector<128xf32> to vector<1x128xf32>
      %get3A_595 = arith.constant 61 : index
      %get3A_596 = arith.constant 0 : index
      %get3A_597 = vector.load %arg15[%get3A_595, %get3A_596] : memref<64x128xf32, #tpu.memory_space<vmem>>, vector<1x128xf32>
      %max3A_598 = arith.maximumf %get3A_597, %broadcast_in_dim3A_594 : vector<1x128xf32>
      %swap3A = arith.constant 61 : index
      %swap3A_599 = arith.constant 0 : index
      %swap3A_600 = vector.load %arg15[%swap3A, %swap3A_599] : memref<64x128xf32, #tpu.memory_space<vmem>>, vector<1x128xf32>
      tpu.vector_store %arg15[%swap3A, %swap3A_599], %max3A_598 {strides = array<i32>} : memref<64x128xf32, #tpu.memory_space<vmem>>, vector<1x128xf32>,
    } else {
    }
    %le3A_567 = arith.constant 62 : i32
    %le3A_568 = arith.cmpi sle, %get3A_69, %le3A_567 : i32
    %ge3A_569 = arith.constant 62 : i32
    %ge3A_570 = arith.cmpi sge, %get3A_73, %ge3A_569 : i32
    %and3A_571 = arith.andi %le3A_568, %ge3A_570 : i1
    %convert_element_type3A_572 = arith.extui %and3A_571 : i1 to i32
    %cond3A_573 = arith.constant 0 : i32
    %cond3A_574 = arith.cmpi ne, %convert_element_type3A_572, %cond3A_573 : i32
    scf.if %cond3A_574 {
      %eq3A_588 = arith.constant 62 : i32
      %eq3A_589 = vector.broadcast %eq3A_588 : i32 to vector<256x1xi32>
      %eq3A_590 = arith.cmpi eq, %get3A_65, %eq3A_589 : vector<256x1xi32>
      %jit3A = arith.constant 0.000000e+00 : f32
      %broadcast_in_dim3A = vector.shape_cast %eq3A_590 : vector<256x1xi1> to vector<256x1xi1>
      %broadcast_in_dim3A_591 = vector.broadcast %broadcast_in_dim3A : vector<256x1xi1> to vector<256x128xi1>
      %broadcast_in_dim3A_592 = vector.broadcast %jit3A : f32 to vector<256x128xf32>
      %select_n3A = arith.select %broadcast_in_dim3A_591, %max3A_62, %broadcast_in_dim3A_592 : vector<256x128xi1>, vector<256x128xf32>
      %reduce_max3A = arith.constant dense<0xFF800000> : vector<128xf32>
      %reduce_max3A_593 = vector.multi_reduction <maximumf>, %select_n3A, %reduce_max3A [0] : vector<256x128xf32> to vector<128xf32>
      %broadcast_in_dim3A_594 = vector.shape_cast %reduce_max3A_593 : vector<128xf32> to vector<1x128xf32>
      %get3A_595 = arith.constant 62 : index
      %get3A_596 = arith.constant 0 : index
      %get3A_597 = vector.load %arg15[%get3A_595, %get3A_596] : memref<64x128xf32, #tpu.memory_space<vmem>>, vector<1x128xf32>
      %max3A_598 = arith.maximumf %get3A_597, %broadcast_in_dim3A_594 : vector<1x128xf32>
      %swap3A = arith.constant 62 : index
      %swap3A_599 = arith.constant 0 : index
      %swap3A_600 = vector.load %arg15[%swap3A, %swap3A_599] : memref<64x128xf32, #tpu.memory_space<vmem>>, vector<1x128xf32>
      tpu.vector_store %arg15[%swap3A, %swap3A_599], %max3A_598 {strides = array<i32>} : memref<64x128xf32, #tpu.memory_space<vmem>>, vector<1x128xf32>,
    } else {
    }
    %le3A_575 = arith.constant 63 : i32
    %le3A_576 = arith.cmpi sle, %get3A_69, %le3A_575 : i32
    %ge3A_577 = arith.constant 63 : i32
    %ge3A_578 = arith.cmpi sge, %get3A_73, %ge3A_577 : i32
    %and3A_579 = arith.andi %le3A_576, %ge3A_578 : i1
    %convert_element_type3A_580 = arith.extui %and3A_579 : i1 to i32
    %cond3A_581 = arith.constant 0 : i32
    %cond3A_582 = arith.cmpi ne, %convert_element_type3A_580, %cond3A_581 : i32
    scf.if %cond3A_582 {
      %eq3A_588 = arith.constant 63 : i32
      %eq3A_589 = vector.broadcast %eq3A_588 : i32 to vector<256x1xi32>
      %eq3A_590 = arith.cmpi eq, %get3A_65, %eq3A_589 : vector<256x1xi32>
      %jit3A = arith.constant 0.000000e+00 : f32
      %broadcast_in_dim3A = vector.shape_cast %eq3A_590 : vector<256x1xi1> to vector<256x1xi1>
      %broadcast_in_dim3A_591 = vector.broadcast %broadcast_in_dim3A : vector<256x1xi1> to vector<256x128xi1>
      %broadcast_in_dim3A_592 = vector.broadcast %jit3A : f32 to vector<256x128xf32>
      %select_n3A = arith.select %broadcast_in_dim3A_591, %max3A_62, %broadcast_in_dim3A_592 : vector<256x128xi1>, vector<256x128xf32>
      %reduce_max3A = arith.constant dense<0xFF800000> : vector<128xf32>
      %reduce_max3A_593 = vector.multi_reduction <maximumf>, %select_n3A, %reduce_max3A [0] : vector<256x128xf32> to vector<128xf32>
      %broadcast_in_dim3A_594 = vector.shape_cast %reduce_max3A_593 : vector<128xf32> to vector<1x128xf32>
      %get3A_595 = arith.constant 63 : index
      %get3A_596 = arith.constant 0 : index
      %get3A_597 = vector.load %arg15[%get3A_595, %get3A_596] : memref<64x128xf32, #tpu.memory_space<vmem>>, vector<1x128xf32>
      %max3A_598 = arith.maximumf %get3A_597, %broadcast_in_dim3A_594 : vector<1x128xf32>
      %swap3A = arith.constant 63 : index
      %swap3A_599 = arith.constant 0 : index
      %swap3A_600 = vector.load %arg15[%swap3A, %swap3A_599] : memref<64x128xf32, #tpu.memory_space<vmem>>, vector<1x128xf32>
      tpu.vector_store %arg15[%swap3A, %swap3A_599], %max3A_598 {strides = array<i32>} : memref<64x128xf32, #tpu.memory_space<vmem>>, vector<1x128xf32>,
    } else {
    }
    %eq3A_583 = arith.constant 39 : i32
    %eq3A_584 = arith.cmpi eq, %arg0, %eq3A_583 : i32
    %convert_element_type3A_585 = arith.extui %eq3A_584 : i1 to i32
    %cond3A_586 = arith.constant 0 : i32
    %cond3A_587 = arith.cmpi ne, %convert_element_type3A_585, %cond3A_586 : i32
    scf.if %cond3A_587 {
      %get3A_588 = arith.constant 0 : index
      %get3A_589 = arith.constant 0 : index
      %get3A_590 = vector.load %arg15[%get3A_588, %get3A_589] : memref<64x128xf32, #tpu.memory_space<vmem>>, vector<64x128xf32>
      %get3A_591 = arith.constant 0 : index
      %get3A_592 = arith.constant 0 : index
      %get3A_593 = vector.load %arg10[%get3A_591, %get3A_592] : memref<128x128xf32, #tpu.memory_space<vmem>>, vector<128x128xf32>
      %dot_general3A_594 = arith.constant dense<0.000000e+00> : vector<64x128xf32>
      %dot_general3A_595 = tpu.matmul %get3A_590, %get3A_593, %dot_general3A_594 {dimension_numbers = #tpu.dot_dimension_numbers<[1], [0], [0], [1], [0, 0, 1, 1], [], []>, transpose_lhs_hint = false} : vector<64x128xf32>, vector<128x128xf32>, vector<64x128xf32> -> vector<64x128xf32>
      %get3A_596 = arith.constant 0 : index
      %get3A_597 = arith.constant 0 : index
      %get3A_598 = vector.load %arg11[%get3A_596, %get3A_597] : memref<1x128xf32, #tpu.memory_space<vmem>>, vector<1x128xf32>
      %add3A_599 = vector.broadcast %get3A_598 : vector<1x128xf32> to vector<64x128xf32>
      %add3A_600 = arith.addf %dot_general3A_595, %add3A_599 : vector<64x128xf32>
      %max3A_601 = arith.constant 0.000000e+00 : f32
      %max3A_602 = vector.broadcast %max3A_601 : f32 to vector<64x128xf32>
      %max3A_603 = arith.maximumf %add3A_600, %max3A_602 : vector<64x128xf32>
      %get3A_604 = arith.constant 0 : index
      %get3A_605 = arith.constant 0 : index
      %get3A_606 = vector.load %arg12[%get3A_604, %get3A_605] : memref<128x16xf32, #tpu.memory_space<vmem>>, vector<128x16xf32>
      %dot_general3A_607 = arith.constant dense<0.000000e+00> : vector<64x16xf32>
      %dot_general3A_608 = tpu.matmul %max3A_603, %get3A_606, %dot_general3A_607 {dimension_numbers = #tpu.dot_dimension_numbers<[1], [0], [0], [1], [0, 0, 1, 1], [], []>, transpose_lhs_hint = false} : vector<64x128xf32>, vector<128x16xf32>, vector<64x16xf32> -> vector<64x16xf32>
      %get3A_609 = arith.constant 0 : index
      %get3A_610 = arith.constant 0 : index
      %get3A_611 = vector.load %arg13[%get3A_609, %get3A_610] : memref<1x16xf32, #tpu.memory_space<vmem>>, vector<1x16xf32>
      %add3A_612 = vector.broadcast %get3A_611 : vector<1x16xf32> to vector<64x16xf32>
      %add3A_613 = arith.addf %dot_general3A_608, %add3A_612 : vector<64x16xf32>
      %swap3A = arith.constant 0 : index
      %swap3A_614 = arith.constant 0 : index
      %swap3A_615 = vector.load %arg14[%swap3A, %swap3A_614] : memref<64x16xf32, #tpu.memory_space<vmem>>, vector<64x16xf32>
      tpu.vector_store %arg14[%swap3A, %swap3A_614], %add3A_613 {strides = array<i32>} : memref<64x16xf32, #tpu.memory_space<vmem>>, vector<64x16xf32>,
    } else {
    }
    return
  }
  func.func @transform_0(%arg0: i32) -> (i32, i32, i32) {
    %c0_i32 = arith.constant 0 : i32
    %c0_i32_0 = arith.constant 0 : i32
    %c0_i32_1 = arith.constant 0 : i32
    return %c0_i32, %arg0, %c0_i32_0 : i32, i32, i32
  }
  func.func @transform_1(%arg0: i32) -> (i32, i32) {
    %c0_i32 = arith.constant 0 : i32
    %c0_i32_0 = arith.constant 0 : i32
    return %arg0, %c0_i32 : i32, i32
  }
  func.func @transform_2(%arg0: i32) -> (i32, i32) {
    %c0_i32 = arith.constant 0 : i32
    %c0_i32_0 = arith.constant 0 : i32
    return %arg0, %c0_i32 : i32, i32
  }
  func.func @transform_3(%arg0: i32) -> (i32, i32) {
    %c0_i32 = arith.constant 0 : i32
    %c0_i32_0 = arith.constant 0 : i32
    return %arg0, %c0_i32 : i32, i32
  }
  func.func @transform_4(%arg0: i32) -> (i32, i32) {
    %c0_i32 = arith.constant 0 : i32
    %c0_i32_0 = arith.constant 0 : i32
    %c0_i32_1 = arith.constant 0 : i32
    return %c0_i32, %c0_i32_0 : i32, i32
  }
  func.func @transform_5(%arg0: i32) -> (i32, i32) {
    %c0_i32 = arith.constant 0 : i32
    %c0_i32_0 = arith.constant 0 : i32
    %c0_i32_1 = arith.constant 0 : i32
    return %c0_i32, %c0_i32_0 : i32, i32
  }
  func.func @transform_6(%arg0: i32) -> (i32, i32) {
    %c0_i32 = arith.constant 0 : i32
    %c0_i32_0 = arith.constant 0 : i32
    %c0_i32_1 = arith.constant 0 : i32
    return %c0_i32, %c0_i32_0 : i32, i32
  }
  func.func @transform_7(%arg0: i32) -> (i32, i32) {
    %c0_i32 = arith.constant 0 : i32
    %c0_i32_0 = arith.constant 0 : i32
    %c0_i32_1 = arith.constant 0 : i32
    return %c0_i32, %c0_i32_0 : i32, i32
  }
  func.func @transform_8(%arg0: i32) -> (i32, i32) {
    %c0_i32 = arith.constant 0 : i32
    %c0_i32_0 = arith.constant 0 : i32
    return %arg0, %c0_i32 : i32, i32
  }
  func.func @transform_9(%arg0: i32) -> (i32, i32) {
    %c0_i32 = arith.constant 0 : i32
    %c0_i32_0 = arith.constant 0 : i32
    %c0_i32_1 = arith.constant 0 : i32
    return %c0_i32, %c0_i32_0 : i32, i32
  }
  func.func @transform_10(%arg0: i32) -> (i32, i32) {
    %c0_i32 = arith.constant 0 : i32
    %c0_i32_0 = arith.constant 0 : i32
    %c0_i32_1 = arith.constant 0 : i32
    return %c0_i32, %c0_i32_0 : i32, i32
  }
  func.func @transform_11(%arg0: i32) -> (i32, i32) {
    %c0_i32 = arith.constant 0 : i32
    %c0_i32_0 = arith.constant 0 : i32
    %c0_i32_1 = arith.constant 0 : i32
    return %c0_i32, %c0_i32_0 : i32, i32
  }
  func.func @transform_12(%arg0: i32) -> (i32, i32) {
    %c0_i32 = arith.constant 0 : i32
    %c0_i32_0 = arith.constant 0 : i32
    %c0_i32_1 = arith.constant 0 : i32
    return %c0_i32, %c0_i32_0 : i32, i32
  }
  func.func @transform_13(%arg0: i32) -> (i32, i32) {
    %c0_i32 = arith.constant 0 : i32
    %c0_i32_0 = arith.constant 0 : i32
    %c0_i32_1 = arith.constant 0 : i32
    return %c0_i32, %c0_i32_0 : i32, i32
  }
}

</mosaic_0001>

<sc_bundles>
// kernel: sc_segsum_l0.3.cloned.1.call-start
scs
__scs_entry_jumppad:
0x0: {  	(pc) =	sbr.rel $0x88, $3  }
0x1: {  	(tag) =	ssettag $0x0;
	lr =	simm.s32 $0x1  }
0x2: {  	[smem:$0x3F91] =	sst lr;
	_ =	strace $0xD0000000  }
0x3: {  	_ = 	snop  }
0x4: {  	_ = 	snop  }
0x5: {  	_ = 	snop  }
0x6: {  	_ = 	snop  }
0x7: {  	_ = 	snop  }
__scs_overlays_trampoline_lowered:
0x8: {  	[smem:$0x3FA0] =	sst s0  }
0x9: {  	[smem:$0x3FA1] =	sst s1  }
0xa: {  	[smem:$0x3FA2] =	sst s2  }
0xb: {  	[smem:$0x3FA3] =	sst s3  }
0xc: {  	[smem:$0x3FA4] =	sst s4  }
0xd: {  	[smem:$0x3FA5] =	sst s5  }
0xe: {  	[smem:$0x3FA6] =	sst s6  }
0xf: {  	[smem:$0x3FA7] =	sst s7  }
0x10: {  	[smem:$0x3FA8] =	sst s8  }
0x11: {  	[smem:$0x3FA9] =	sst s9;
	s0 =	simm.s32 @!p0 $0x0  }
0x12: {  	s1 =	sld [smem:$0x3F8F];
	s0 =	simm.s32 @p0 $0x1  }
0x13: {  	[smem:$0x3FAA] =	sst s0;
	s0 =	simm.s32 @!p1 $0x0  }
0x14: {  	s2 =	sld [smem:$0x3F8E];
	s0 =	simm.s32 @p1 $0x1  }
0x15: {  	[smem:$0x3FAB] =	sst s0;
	s0 =	simm.s32 @!p2 $0x0  }
0x16: {  	s3 =	sld [smem:$0x3FDB];
	s0 =	simm.s32 @p2 $0x1  }
0x17: {  	s4 =	simm.s32 $0x1BF5;
	[smem:$0x3FAD] =	sst s0  }
0x18: {  	s0 =	sld [smem:$0x3F90];
	_ =	swait.ge [sflag:s4], $0x0  }
0x19: {  	s7 =	sld [smem:$0x3F91]  }
0x1a: {  	s8 =	sadd.s32 $0xFFFFE003, lr  }
0x1b: {  	s9 =	sadd.s32 $0xFFFFFEF7, lr;
	s5 =	simm.s32 $0xFFFFFFFF;
	p2 =	slt.u32 s8, $0xFFFFF086  }
0x1c: {  	p1 =	slt.u32 s9, $0xF7A;
	s5 =	simm.s32 @!p2 $0x0  }
0x1d: {  	s5 =	simm.s32 @p1 $0x1;
	p0 =	seq.s32 s7, s2  }
0x1e: {  	s7 =	smul.u32 @!p0 $0xF7A, s2;
	p2 =	seq.s32 @!p0 s5, $0x0  }
0x1f: {  	s9 =	smul.u32 $0xF7A, s1;
	s8 =	simm.s32 @!p0 $0x1BF5;
	p2 =	por !p2, p0  }
0x20: {  	[sflag:s8] =	ssyncset.s32 @!p0 $0xFFFFF086;
	s6 =	sadd.s32 @!p0 s3, s7;
	s7 =	simm.s32 @!p0 $0x108  }
0x21: {  	s3 =	sadd.s32 s3, s9;
	s6 =	sadd.s32 @!p0 $0x88, s6;
	s7 =	simm.s32 @p2 $0x1082  }
0x22: {  	[simem:s7], [sflag:s8] =	dma.local @!p0 [hbm:s6], $0xF7A  }
0x23: {  	s9 =	sor.u32 $0xD0000000, s2;
	s6 =	simm.s32 $0x108;
	_ =	swait.ge @!p0 [sflag:s8], $0x0  }
0x24: {  	s3 =	sadd.s32 $0x88, s3;
	s6 =	simm.s32 @!p1 $0x1082;
	[sflag:s4] =	ssyncset.s32 $0xFFFFF086  }
0x25: {  	[simem:s6], [sflag:s4] =	dma.local [hbm:s3], $0xF7A  }
0x26: {  	[smem:$0x3F91] =	sst s1;
	(tag) =	ssettag s2;
	_ =	strace s9  }
0x27: {  	s1 =	sld [smem:$0x3FA1]  }
0x28: {  	s2 =	sld [smem:$0x3FA2]  }
0x29: {  	s4 =	sld [smem:$0x3FA4]  }
0x2a: {  	p0 =	seq.s32 s5, $0x0;
	s5 =	sld [smem:$0x3FA5]  }
0x2b: {  	s6 =	sld [smem:$0x3FA6]  }
0x2c: {  	s7 =	sld [smem:$0x3FA7]  }
0x2d: {  	s3 =	simm.s32 $0x108;
	s8 =	sld [smem:$0x3FA8]  }
0x2e: {  	s3 =	simm.s32 @!p0 $0x1082;
	s9 =	sld [smem:$0x3FA9]  }
0x2f: {  	lr =	sadd.s32 s0, s3;
	s0 =	sld [smem:$0x3FA0]  }
0x30: {  	s3 =	sld [smem:$0x3FA3]  }
0x31: {  	[smem:$0x3FAC] =	sst s10  }
0x32: {  	s10 =	sld [smem:$0x3FAA];
	_ =	sdelay $0x3  }
0x33: {  	p0 =	seq.s32 s10, $0x1;
	s10 =	sld [smem:$0x3FAC];
	_ =	sdelay $0x3  }
0x34: {  	[smem:$0x3FAC] =	sst s10  }
0x35: {  	s10 =	sld [smem:$0x3FAB];
	_ =	sdelay $0x3  }
0x36: {  	p1 =	seq.s32 s10, $0x1;
	s10 =	sld [smem:$0x3FAC];
	_ =	sdelay $0x3  }
0x37: {  	[smem:$0x3FAC] =	sst s10  }
0x38: {  	s10 =	sld [smem:$0x3FAD]  }
0x39: {  	_ = 	snop;
	(pc) =	sbr.ind lr, $3  }
0x3a: {  	_ = 	snop  }
0x3b: {  	_ = 	snop  }
0x3c: {  	p2 =	seq.s32 s10, $0x1;
	s10 =	sld [smem:$0x3FAC]  }
0x3d: {  	_ =	shalt  }
0x3e: {  	_ =	shalt  }
0x3f: {  	_ =	shalt  }
0x40: {  	_ =	shalt  }
0x41: {  	_ =	shalt  }
0x42: {  	_ =	shalt  }
0x43: {  	_ =	shalt  }
0x44: {  	_ =	shalt  }
0x45: {  	_ =	shalt  }
0x46: {  	_ =	shalt  }
0x47: {  	_ =	shalt  }
0x48: {  	_ =	shalt  }
0x49: {  	_ =	shalt  }
0x4a: {  	_ =	shalt  }
0x4b: {  	_ =	shalt  }
0x4c: {  	_ =	shalt  }
0x4d: {  	_ =	shalt  }
0x4e: {  	_ =	shalt  }
0x4f: {  	_ =	shalt  }
0x50: {  	_ =	shalt  }
0x51: {  	_ =	shalt  }
0x52: {  	_ =	shalt  }
0x53: {  	_ =	shalt  }
0x54: {  	_ =	shalt  }
0x55: {  	_ =	shalt  }
0x56: {  	_ =	shalt  }
0x57: {  	_ =	shalt  }
0x58: {  	_ =	shalt  }
0x59: {  	_ =	shalt  }
0x5a: {  	_ =	shalt  }
0x5b: {  	_ =	shalt  }
0x5c: {  	_ =	shalt  }
0x5d: {  	_ =	shalt  }
0x5e: {  	_ =	shalt  }
0x5f: {  	_ =	shalt  }
0x60: {  	_ =	shalt  }
0x61: {  	_ =	shalt  }
0x62: {  	_ =	shalt  }
0x63: {  	_ =	shalt  }
0x64: {  	_ =	shalt  }
0x65: {  	_ =	shalt  }
0x66: {  	_ =	shalt  }
0x67: {  	_ =	shalt  }
0x68: {  	_ =	shalt  }
0x69: {  	_ =	shalt  }
0x6a: {  	_ =	shalt  }
0x6b: {  	_ =	shalt  }
0x6c: {  	_ =	shalt  }
0x6d: {  	_ =	shalt  }
0x6e: {  	_ =	shalt  }
0x6f: {  	_ =	shalt  }
0x70: {  	_ =	shalt  }
0x71: {  	_ =	shalt  }
0x72: {  	_ =	shalt  }
0x73: {  	_ =	shalt  }
0x74: {  	_ =	shalt  }
0x75: {  	_ =	shalt  }
0x76: {  	_ =	shalt  }
0x77: {  	_ =	shalt  }
0x78: {  	_ =	shalt  }
0x79: {  	_ =	shalt  }
0x7a: {  	_ =	shalt  }
0x7b: {  	_ =	shalt  }
0x7c: {  	_ =	shalt  }
0x7d: {  	_ =	shalt  }
0x7e: {  	_ =	shalt  }
0x7f: {  	_ =	shalt  }
0x80: {  	_ =	shalt  }
0x81: {  	_ =	shalt  }
0x82: {  	_ =	shalt  }
0x83: {  	_ =	shalt  }
0x84: {  	_ =	shalt  }
0x85: {  	_ =	shalt  }
0x86: {  	_ =	shalt  }
0x87: {  	_ =	shalt  }
.Lfunc_end0:
.L_simem_size_0:
called_computation_lowered:
.L_overlay_start_0:
0x88: {  	s2 =	sld [smem:$0x3FD9]  }
0x89: {  	s3 =	sld [smem:$0x3FFE];
	_ =	sdelay $0x1  }
0x8a: {  	s1 =	srdreg.scid  }
0x8b: {  	s0 =	sand.u32 $0x1, s1  }
0x8c: {  	s17 =	sshll.u32 s0, $0xA;
	s2 =	sadd.s32 s3, s2  }
0x8d: {  	s2 =	sadd.s32 s2, s17  }
0x8e: {  	[smem:$0x3FB8] =	sst s2  }
0x8f: {  	_ = 	snop  }
0x90: {  	s2 =	sld [smem:$0x3FC9];
	(tm) =	ssettm $0x1  }
0x91: {  	s18 =	sld [smem:$0x3FFB];
	_ =	sdelay $0x3  }
0x92: {  	_ =	strace s18  }
0x93: {  	s3 =	sld [smem:$0x3FFC];
	_ =	sdelay $0x3  }
0x94: {  	_ =	strace s3  }
0x95: {  	s3 =	sld [smem:$0x3FFD];
	_ =	sdelay $0x3  }
0x96: {  	_ =	strace s3  }
0x97: {  	_ =	strace $0x8FFFFFFF  }
0x98: {  	s19 =	sld [smem:$0x3FDB];
	_ =	sdelay $0x1  }
0x99: {  	s4 =	simm.s32 $_scs_section_size  }
0x9a: {  	s5 =	simm.s32 $_size__tile_overlayer_lowered;
	s6 =	simm.s32 $_tile_overlayer_lowered  }
0x9b: {  	s22 =	simm.s32 $0x1BFF;
	s21 =	sshll.u32 s6, $0x1;
	s3 =	sadd.s32 s4, s19  }
0x9c: {  	s7 =	simm.s32 $0x0;
	s20 =	sshll.u32 s5, $0x1;
	s5 =	sadd.s32 s21, s3  }
0x9d: {  	[timem:s7], [sflag:s22] =	dma.local [hbm:s5], s20  }
0x9e: {  	_ =	swait.ge [sflag:s22], s20  }
0x9f: {  	s4 =	ssub.s32 $0x0, s20;
	[sflag:s22] =	ssyncset.done $0x0  }
0xa0: {  	[sflag:s22] =	ssyncadd.s32 s4;
	_ =	sdelay $0x1  }
0xa1: {  	s23 =	simm.s32 $0x1B8B  }
0xa2: {  	_ =	swait.ge [sflag:s23], $0x1  }
0xa3: {  	[sflag:s23] =	ssyncset.done $0x0  }
0xa4: {  	s25 =	simm.s32 $0x1B8E;
	s24 =	sld [smem:$0x3FFE];
	[sflag:s23] =	ssyncadd.s32 $0xFFFFFFFF  }
0xa5: {  	s26 =	simm.s32 $execute0_lowered;
	[smem:$0x3FD2] =	sst s25  }
0xa6: {  	s5 =	sshll.u32 s26, $0x1;
	_ =	strace $0x80000046;
	[dreg:$0x1] =	wrdreg $0xFFFFFFFF  }
0xa7: {  	s28 =	simm.s32 $_size_execute0_lowered;
	s3 =	sadd.s32 s3, s5;
	[dreg:$0x0] =	wrdreg $0x0  }
0xa8: {  	s5 =	sshll.u32 s28, $0x1;
	[dreg:$0x2] =	wrdreg s3  }
0xa9: {  	[dreg:$0x3] =	wrdreg s5  }
0xaa: {  	[dreg:$0x4] =	wrdreg $0xC0  }
0xab: {  	_ =	task [dreg:s7], $0x5FFFF  }
0xac: {  	[dreg:$0x1] =	wrdreg $0xFFFFFFFF  }
0xad: {  	[dreg:$0x0] =	wrdreg $0x60  }
0xae: {  	[dreg:$0x2] =	wrdreg s2  }
0xaf: {  	[dreg:$0x3] =	wrdreg s24  }
0xb0: {  	[dreg:$0x4] =	wrdreg $0x90000  }
0xb1: {  	[dreg:$0x5] =	wrdreg $0x9  }
0xb2: {  	_ =	task.clear_ibuf [dreg:s7], $0x6FFFF;
	_ =	strace $0x90000046  }
0xb3: {  	s29 =	simm.s32 $0x9;
	_ =	strace $0x80000048  }
0xb4: {  	_ =	swait.ge [sflag:s29], $0x1  }
0xb5: {  	[sflag:s29] =	ssyncadd.s32 $0xFFFFFFFF  }
0xb6: {  	_ =	strace $0x90000048  }
0xb7: {  	_ =	sfence  }
0xb8: {  	s30 =	sld [smem:$0x0];
	_ =	sdelay $0x2  }
0xb9: {  	s31 =	sshll.u32 s1, $0xD;
	s1 =	sshrl.u32 s1, $0x2  }
0xba: {  	s3 =	sand.u32 $0x4000, s31;
	s1 =	sadd.s32 s1, s30  }
0xbb: {  	s0 =	sor.u32 s3, s0;
	s1 =	sshll.u32 s1, $0x11  }
0xbc: {  	s0 =	sor.u32 s1, s0  }
0xbd: {  	s0 =	sadd.s32 $0x8F2B, s0  }
0xbe: {  	[sflag:s0] =	ssyncadd.remote.s32 $0x1  }
0xbf: {  	_ =	sfence.sel $0xFFFF  }
0xc0: {  	[dreg:$0x0] =	wrdreg $0xFFFFFFFF;
	(pc) =	sbr.abs _section_cstart, $3  }
0xc1: {  	[dreg:$0x1] =	wrdreg $0xFFFFFFFF  }
0xc2: {  	_ =	task.clear_ibuf [dreg:s7], $0x2FFFF;
	_ =	strace $0x9FFFFFFF  }
0xc3: {  	(tm) =	ssettm $0x7FFFFFFF  }
tec
execute0_lowered:
.L_overlay_start_1:
0x0: {  	(tag) =	ssettag $0x1  }
0x1: {  	s1 =	rddreg [dreg:$0x0]  }
0x2: {  	s0 =	rddreg [dreg:$0x1]  }
0x3: {  	s2 =	rddreg [dreg:$0x2];
	s3 =	simm.s32 $0x0;
	s4 =	srdreg.scid  }
0x4: {  	s12 =	stileid.u32;
	s29 =	simm.s32 $0x2000;
	s30 =	simm.s32 $0x4000  }
0x5: {  	s31 =	simm.s32 $0x5;
	[smem:$0x7FF] =	sst s3;
	s5 =	sadd.s32 $0x18200, s0  }
0x6: {  	s6 =	sadd.s32 $0xE400, s0;
	s4 =	sand.u32 $0x1, s4;
	s7 =	smul.u32 $0x4E20, s12  }
0x7: {  	s8 =	sadd.s32 $0x4600, s0;
	s10 =	smul.u32 $0x50000, s12;
	s11 =	sadd.s32 $0x3F400, s0  }
0x8: {  	s0 =	sadd.s32 $0x67400, s0;
	s28 =	smul.u32 $0x2800, s12;
	s12 =	simm.s32 $0x2F00  }
0x9: {  	_ =	strace $0x80000047;
	s9 =	ssub.s32 $0x2, s4;
	[dreg:$0x4] =	wrdreg s11  }
0xa: {  	[dreg:$0x5] =	wrdreg s0;
	p0 =	sne.s32 s4, $0x0;
	s4 =	simm.s32 $0x50  }
0xb: {  	s11 =	simm.s32 $0x2;
	s14 =	sshrl.u32 s9, $0x1;
	s7 =	sshrl.u32 s7, $0x3  }
0xc: {  	s15 =	sshrl.u32 s10, $0x2;
	s0 =	ssub.s32 s9, s14;
	s16 =	sadd.s32 s6, s7  }
0xd: {  	s17 =	sadd.s32 s8, s7;
	s10 =	sadd.s32 s15, s2;
	[dreg:$0x6] =	wrdreg s16  }
0xe: {  	s21 =	sadd.s32 $0x1F4, s7;
	[dreg:$0x7] =	wrdreg s17;
	s9 =	sadd.s32 $0x2800, s10  }
0xf: {  	s22 =	sadd.s32 $0x3E8, s7;
	s18 =	sadd.s32 $0x5000, s10;
	[dreg:$0x8] =	wrdreg s9  }
0x10: {  	s25 =	sadd.s32 $0x5DC, s7;
	s19 =	sadd.s32 $0x7800, s10;
	[dreg:$0x9] =	wrdreg s18  }
0x11: {  	s7 =	sadd.s32 $0x7D0, s7;
	s20 =	sadd.s32 $0xA000, s10;
	[dreg:$0xa] =	wrdreg s19  }
0x12: {  	s14 =	simm.s32 $0x4;
	s13 =	sadd.s32 s6, s21;
	[dreg:$0xb] =	wrdreg s20  }
0x13: {  	s15 =	simm.s32 $0x1050;
	s23 =	sadd.s32 s6, s22;
	[dreg:$0xc] =	wrdreg s13  }
0x14: {  	s24 =	sadd.s32 s8, s22;
	s26 =	sadd.s32 s6, s25;
	[dreg:$0xe] =	wrdreg s23  }
0x15: {  	s22 =	sadd.s32 s8, s7;
	s16 =	simm.s32 $0x3F00;
	[dreg:$0xf] =	wrdreg s24  }
0x16: {  	s17 =	simm.s32 $0x3F50;
	s9 =	sadd.s32 s8, s21;
	[dreg:$0x10] =	wrdreg s26  }
.Ltmp0:
0x17: {  	s21 =	sadd.s32 s6, s7;
	s23 =	sadd.s32 $0xC800, s10;
	(pc) =	sbr.rel .LBB2_1-.Ltmp0, $4  }
0x18: {  	s24 =	sadd.s32 $0xF000, s10;
	s26 =	sadd.s32 $0x11800, s10;
	s6 =	simm.s32 $0x1000  }
0x19: {  	s13 =	simm.s32 $0x2F50;
	s18 =	simm.s32 $0x0;
	[dreg:$0xd] =	wrdreg s9  }
0x1a: {  	s9 =	sadd.s32 s8, s25;
	s25 =	smax.u32 s0, $0x1;
	s0 =	simm.s32 $0x3  }
0x1b: {  	v0 =	vimm.f32 $0.0e+00;
	s8 =	simm.s32 $0x6800;
	[dreg:$0x11] =	wrdreg s9;
	s9 =	simm.s32 $0x1  }
.LBB2_25:
0x1c: {  	[tilespmem:s8], [sflag:$0x2] =	stream.indirect.gather [hbm4b:s5+s4], $0x80, s19, s4, $0xb8;
	[tilespmem:$0x1D000] =	vst v63  }
0x1d: {  	s7 =	rddreg [dreg:$0x5]  }
.LBB2_26:
0x1e: {  	_ =	swait.ge [sflag:s9], $0x2800  }
0x1f: {  	[sflag:s9] =	ssyncset.done $0x0  }
0x20: {  	[sflag:s9] =	ssyncadd.s32 $0xFFFFD800  }
0x21: {  	[spmem:s2] =	stream.indirect.scatter.add.f32 [tilespmem:s30], [sflag:$0x5], $0x80, s12, s4, $0xb8;
	[tilespmem:$0x1D000] =	vst v63  }
0x22: {  	_ =	swait.ge [sflag:s31], $0x2800  }
0x23: {  	[sflag:s31] =	ssyncset.done $0x0  }
0x24: {  	[sflag:s31] =	ssyncadd.s32 $0xFFFFD800  }
0x25: {  	_ =	swait.ge [sflag:s11], $0x2800  }
0x26: {  	[sflag:s11] =	ssyncset.done $0x0  }
0x27: {  	[sflag:s11] =	ssyncadd.s32 $0xFFFFD800  }
0x28: {  	[spmem:s2] =	stream.indirect.scatter.add.f32 [tilespmem:s8], [sflag:$0x5], $0x80, s13, s4, $0xb8;
	[tilespmem:$0x1D000] =	vst v63  }
0x29: {  	s7 =	sadd.s32 s7, s28;
	s19 =	stileid.u32;
	_ =	swait.ge [sflag:s31], $0x2800  }
0x2a: {  	s20 =	sshrl.u32 s10, $0x3;
	s18 =	sadd.s32 $0x1, s18;
	[sflag:s31] =	ssyncset.done $0x0  }
0x2b: {  	s19 =	sshll.u32 s19, $0x6;
	p1 =	sne.s32 s18, s25;
	[sflag:s31] =	ssyncadd.s32 $0xFFFFD800  }
.Ltmp1:
0x2c: {  	s19 =	sor.u32 $0x1C05, s19;
	[bflag:$0x0] =	sbarrier.arrive $0xFFFF;
	(pc) =	sbr.rel @!p1 .LBB2_27-.Ltmp1, $4  }
0x2d: {  	[hbm:s7], [sflag:s19] =	dma.local [spmem:s20], $0x2800  }
0x2e: {  	_ =	swait.ge [sflag:s31], $0x2800  }
0x2f: {  	[sflag:s31] =	ssyncset.done $0x0  }
0x30: {  	[sflag:s31] =	ssyncadd.s32 $0xFFFFD800  }
.LBB2_1:
0x31: {  	s7 =	rddreg [dreg:$0x6]  }
0x32: {  	[tilespmem:s3], [sflag:$0x3] =	stream.linear.gather [hbm4b:s7+s3], $0xFA0, $0x38;
	[tilespmem:$0x1D000] =	vst v63  }
0x33: {  	s20 =	rddreg [dreg:$0x7];
	s19 =	simm.s32 $0x200;
	s7 =	simm.s32 $0x0  }
0x34: {  	[tilespmem:s29], [sflag:$0x3] =	stream.linear.gather [hbm4b:s20+s3], $0xFA0, $0x38;
	[tilespmem:$0x1D000] =	vst v63  }
.LBB2_2:
0x35: {  	p1 =	sne.s32 s19, $0x9E00;
	[tilespmem:s7+$0x4070] =	vst v0  }
0x36: {  	[tilespmem:s7+$0x4000] =	vst v0  }
0x37: {  	[tilespmem:s7+$0x4010] =	vst v0  }
.Ltmp2:
0x38: {  	[tilespmem:s7+$0x4020] =	vst v0;
	(pc) =	sbr.rel @p1 .LBB2_2-.Ltmp2, $4  }
0x39: {  	[tilespmem:s7+$0x4030] =	vst v0  }
0x3a: {  	[tilespmem:s7+$0x4040] =	vst v0  }
0x3b: {  	[tilespmem:s7+$0x4050] =	vst v0  }
0x3c: {  	[tilespmem:s7+$0x4060] =	vst v0;
	s7 =	sshra.s32 s19, $0x2;
	s19 =	sadd.s32 $0x200, s19  }
0x3d: {  	[tilespmem:s7+$0x4070] =	vst v0  }
0x3e: {  	[tilespmem:s7+$0x4000] =	vst v0  }
0x3f: {  	[tilespmem:s7+$0x4010] =	vst v0  }
0x40: {  	[tilespmem:s7+$0x4020] =	vst v0  }
0x41: {  	[tilespmem:s7+$0x4030] =	vst v0  }
0x42: {  	[tilespmem:s7+$0x4040] =	vst v0  }
0x43: {  	[tilespmem:s7+$0x4050] =	vst v0  }
0x44: {  	[tilespmem:s7+$0x4060] =	vst v0  }
0x45: {  	[spmem:s10] =	stream.linear.scatter [tilespmem:s30], [sflag:$0x5], $0x2800, $0x38;
	[tilespmem:$0x1D000] =	vst v63  }
0x46: {  	_ =	swait.ge [sflag:s31], $0x2800  }
0x47: {  	[sflag:s31] =	ssyncset.done $0x0  }
0x48: {  	s19 =	rddreg [dreg:$0x8];
	[sflag:s31] =	ssyncadd.s32 $0xFFFFD800  }
0x49: {  	[spmem:s19] =	stream.linear.scatter [tilespmem:s30], [sflag:$0x5], $0x2800, $0x38;
	[tilespmem:$0x1D000] =	vst v63  }
0x4a: {  	_ =	swait.ge [sflag:s31], $0x2800  }
0x4b: {  	[sflag:s31] =	ssyncset.done $0x0  }
0x4c: {  	s20 =	rddreg [dreg:$0x9];
	[sflag:s31] =	ssyncadd.s32 $0xFFFFD800  }
0x4d: {  	[spmem:s20] =	stream.linear.scatter [tilespmem:s30], [sflag:$0x5], $0x2800, $0x38;
	[tilespmem:$0x1D000] =	vst v63  }
0x4e: {  	_ =	swait.ge [sflag:s31], $0x2800  }
0x4f: {  	[sflag:s31] =	ssyncset.done $0x0  }
0x50: {  	s19 =	rddreg [dreg:$0xa];
	[sflag:s31] =	ssyncadd.s32 $0xFFFFD800  }
0x51: {  	[spmem:s19] =	stream.linear.scatter [tilespmem:s30], [sflag:$0x5], $0x2800, $0x38;
	[tilespmem:$0x1D000] =	vst v63  }
0x52: {  	_ =	swait.ge [sflag:s31], $0x2800  }
0x53: {  	[sflag:s31] =	ssyncset.done $0x0  }
0x54: {  	s20 =	rddreg [dreg:$0xb];
	[sflag:s31] =	ssyncadd.s32 $0xFFFFD800  }
0x55: {  	[spmem:s20] =	stream.linear.scatter [tilespmem:s30], [sflag:$0x5], $0x2800, $0x38;
	[tilespmem:$0x1D000] =	vst v63  }
0x56: {  	_ =	swait.ge [sflag:s31], $0x2800  }
0x57: {  	[sflag:s31] =	ssyncset.done $0x0  }
0x58: {  	[sflag:s31] =	ssyncadd.s32 $0xFFFFD800  }
0x59: {  	[spmem:s23] =	stream.linear.scatter [tilespmem:s30], [sflag:$0x5], $0x2800, $0x38;
	[tilespmem:$0x1D000] =	vst v63  }
0x5a: {  	_ =	swait.ge [sflag:s31], $0x2800  }
0x5b: {  	[sflag:s31] =	ssyncset.done $0x0  }
0x5c: {  	[sflag:s31] =	ssyncadd.s32 $0xFFFFD800  }
0x5d: {  	[spmem:s24] =	stream.linear.scatter [tilespmem:s30], [sflag:$0x5], $0x2800, $0x38;
	[tilespmem:$0x1D000] =	vst v63  }
0x5e: {  	_ =	swait.ge [sflag:s31], $0x2800  }
0x5f: {  	[sflag:s31] =	ssyncset.done $0x0  }
0x60: {  	[sflag:s31] =	ssyncadd.s32 $0xFFFFD800  }
0x61: {  	[spmem:s26] =	stream.linear.scatter [tilespmem:s30], [sflag:$0x5], $0x2800, $0x38;
	[tilespmem:$0x1D000] =	vst v63  }
0x62: {  	_ =	swait.ge [sflag:s31], $0x2800  }
0x63: {  	[sflag:s31] =	ssyncset.done $0x0  }
0x64: {  	[sflag:s31] =	ssyncadd.s32 $0xFFFFD800  }
0x65: {  	[bflag:$0x0] =	sbarrier.arrive $0xFFFF  }
0x66: {  	_ =	swait.ge [sflag:s0], $0xFA0  }
0x67: {  	[sflag:s0] =	ssyncset.done $0x0  }
0x68: {  	[sflag:s0] =	ssyncadd.s32 $0xFFFFF060  }
0x69: {  	_ =	swait.ge [sflag:s0], $0xFA0  }
.Ltmp3:
0x6a: {  	[sflag:s0] =	ssyncset.done $0x0;
	(pc) =	sbr.rel @p0 .LBB2_15-.Ltmp3, $4  }
0x6b: {  	s19 =	rddreg [dreg:$0xc];
	[sflag:s0] =	ssyncadd.s32 $0xFFFFF060  }
0x6c: {  	[tilespmem:s6], [sflag:$0x4] =	stream.linear.gather [hbm4b:s19+s3], $0xFA0, $0x38;
	[tilespmem:$0x1D000] =	vst v63  }
0x6d: {  	s7 =	simm.s32 $0x0;
	s20 =	rddreg [dreg:$0xd];
	s19 =	simm.s32 $0x3000  }
0x6e: {  	[tilespmem:s19], [sflag:$0x4] =	stream.linear.gather [hbm4b:s20+s3], $0xFA0, $0x38;
	[tilespmem:$0x1D000] =	vst v63  }
0x6f: {  	[tilespmem:s30], [sflag:$0x1] =	stream.indirect.gather [hbm4b:s1+s4], $0x80, s7, s4, $0xb8;
	[tilespmem:$0x1D000] =	vst v63  }
0x70: {  	_ = 	snop  }
0x71: {  	[tilespmem:s8], [sflag:$0x2] =	stream.indirect.gather [hbm4b:s1+s4], $0x80, s4, s4, $0xb8;
	[tilespmem:$0x1D000] =	vst v63  }
0x72: {  	_ =	swait.ge [sflag:s9], $0x2800  }
0x73: {  	[sflag:s9] =	ssyncset.done $0x0  }
0x74: {  	s20 =	simm.s32 $0x2000;
	[sflag:s9] =	ssyncadd.s32 $0xFFFFD800  }
0x75: {  	[spmem:s2] =	stream.indirect.scatter.add.f32 [tilespmem:s30], [sflag:$0x5], $0x80, s20, s4, $0xb8;
	[tilespmem:$0x1D000] =	vst v63  }
0x76: {  	_ =	swait.ge [sflag:s31], $0x2800  }
0x77: {  	[sflag:s31] =	ssyncset.done $0x0  }
0x78: {  	s19 =	simm.s32 $0xA0;
	[sflag:s31] =	ssyncadd.s32 $0xFFFFD800  }
0x79: {  	[tilespmem:s30], [sflag:$0x1] =	stream.indirect.gather [hbm4b:s1+s4], $0x80, s19, s4, $0xb8;
	[tilespmem:$0x1D000] =	vst v63  }
0x7a: {  	_ =	swait.ge [sflag:s11], $0x2800  }
0x7b: {  	[sflag:s11] =	ssyncset.done $0x0  }
0x7c: {  	s20 =	simm.s32 $0x2050;
	[sflag:s11] =	ssyncadd.s32 $0xFFFFD800  }
0x7d: {  	[spmem:s2] =	stream.indirect.scatter.add.f32 [tilespmem:s8], [sflag:$0x5], $0x80, s20, s4, $0xb8;
	[tilespmem:$0x1D000] =	vst v63  }
0x7e: {  	_ =	swait.ge [sflag:s31], $0x2800  }
0x7f: {  	[sflag:s31] =	ssyncset.done $0x0  }
0x80: {  	s7 =	simm.s32 $0x280;
	s19 =	simm.s32 $0xF0;
	[sflag:s31] =	ssyncadd.s32 $0xFFFFD800  }
.LBB2_5:
0x81: {  	[tilespmem:s8], [sflag:$0x2] =	stream.indirect.gather [hbm4b:s1+s4], $0x80, s19, s4, $0xb8;
	[tilespmem:$0x1D000] =	vst v63  }
0x82: {  	s19 =	smov.u32 s7  }
0x83: {  	p1 =	sne.s32 s7, $0x3980;
	s7 =	sadd.s32 $0x280, s7;
	_ =	swait.ge [sflag:s9], $0x2800  }
0x84: {  	s19 =	sshra.s32 s19, $0x2;
	[sflag:s9] =	ssyncset.done $0x0  }
0x85: {  	s20 =	sadd.s32 $0x2000, s19;
	[sflag:s9] =	ssyncadd.s32 $0xFFFFD800  }
0x86: {  	[spmem:s2] =	stream.indirect.scatter.add.f32 [tilespmem:s30], [sflag:$0x5], $0x80, s20, s4, $0xb8;
	[tilespmem:$0x1D000] =	vst v63  }
0x87: {  	_ =	swait.ge [sflag:s31], $0x2800  }
0x88: {  	[sflag:s31] =	ssyncset.done $0x0  }
0x89: {  	s20 =	sadd.s32 $0xA0, s19;
	[sflag:s31] =	ssyncadd.s32 $0xFFFFD800  }
0x8a: {  	[tilespmem:s30], [sflag:$0x1] =	stream.indirect.gather [hbm4b:s1+s4], $0x80, s20, s4, $0xb8;
	[tilespmem:$0x1D000] =	vst v63  }
0x8b: {  	_ =	swait.ge [sflag:s11], $0x2800  }
0x8c: {  	[sflag:s11] =	ssyncset.done $0x0  }
.Ltmp4:
0x8d: {  	s20 =	sadd.s32 $0x2050, s19;
	[sflag:s11] =	ssyncadd.s32 $0xFFFFD800;
	(pc) =	sbr.rel @p1 .LBB2_5-.Ltmp4, $4  }
0x8e: {  	[spmem:s2] =	stream.indirect.scatter.add.f32 [tilespmem:s8], [sflag:$0x5], $0x80, s20, s4, $0xb8;
	[tilespmem:$0x1D000] =	vst v63  }
0x8f: {  	_ =	swait.ge [sflag:s31], $0x2800  }
0x90: {  	[sflag:s31] =	ssyncset.done $0x0  }
0x91: {  	s19 =	sadd.s32 $0xF0, s19;
	[sflag:s31] =	ssyncadd.s32 $0xFFFFD800  }
0x92: {  	[tilespmem:s8], [sflag:$0x2] =	stream.indirect.gather [hbm4b:s1+s4], $0x80, s19, s4, $0xb8;
	[tilespmem:$0x1D000] =	vst v63  }
0x93: {  	_ =	swait.ge [sflag:s9], $0x2800  }
0x94: {  	[sflag:s9] =	ssyncset.done $0x0  }
0x95: {  	[sflag:s9] =	ssyncadd.s32 $0xFFFFD800  }
0x96: {  	[spmem:s2] =	stream.indirect.scatter.add.f32 [tilespmem:s30], [sflag:$0x5], $0x80, s12, s4, $0xb8;
	[tilespmem:$0x1D000] =	vst v63  }
0x97: {  	_ =	swait.ge [sflag:s31], $0x2800  }
0x98: {  	[sflag:s31] =	ssyncset.done $0x0  }
0x99: {  	[sflag:s31] =	ssyncadd.s32 $0xFFFFD800  }
0x9a: {  	_ =	swait.ge [sflag:s11], $0x2800  }
0x9b: {  	[sflag:s11] =	ssyncset.done $0x0  }
0x9c: {  	[sflag:s11] =	ssyncadd.s32 $0xFFFFD800  }
0x9d: {  	[spmem:s2] =	stream.indirect.scatter.add.f32 [tilespmem:s8], [sflag:$0x5], $0x80, s13, s4, $0xb8;
	[tilespmem:$0x1D000] =	vst v63  }
0x9e: {  	_ =	swait.ge [sflag:s31], $0x2800  }
0x9f: {  	[sflag:s31] =	ssyncset.done $0x0  }
0xa0: {  	[sflag:s31] =	ssyncadd.s32 $0xFFFFD800  }
0xa1: {  	_ =	swait.ge [sflag:s14], $0xFA0  }
0xa2: {  	[sflag:s14] =	ssyncset.done $0x0  }
0xa3: {  	[sflag:s14] =	ssyncadd.s32 $0xFFFFF060  }
0xa4: {  	_ =	swait.ge [sflag:s14], $0xFA0  }
0xa5: {  	[sflag:s14] =	ssyncset.done $0x0  }
0xa6: {  	s7 =	simm.s32 $0x0;
	s20 =	rddreg [dreg:$0xe];
	[sflag:s14] =	ssyncadd.s32 $0xFFFFF060  }
0xa7: {  	[tilespmem:s7], [sflag:$0x3] =	stream.linear.gather [hbm4b:s20+s7], $0xFA0, $0x38;
	[tilespmem:$0x1D000] =	vst v63  }
0xa8: {  	s20 =	rddreg [dreg:$0xf]  }
0xa9: {  	[tilespmem:s29], [sflag:$0x3] =	stream.linear.gather [hbm4b:s20+s7], $0xFA0, $0x38;
	[tilespmem:$0x1D000] =	vst v63  }
0xaa: {  	_ = 	snop  }
0xab: {  	[tilespmem:s30], [sflag:$0x1] =	stream.indirect.gather [hbm4b:s1+s4], $0x80, s6, s4, $0xb8;
	[tilespmem:$0x1D000] =	vst v63  }
0xac: {  	_ = 	snop  }
0xad: {  	[tilespmem:s8], [sflag:$0x2] =	stream.indirect.gather [hbm4b:s1+s4], $0x80, s15, s4, $0xb8;
	[tilespmem:$0x1D000] =	vst v63  }
0xae: {  	_ =	swait.ge [sflag:s9], $0x2800  }
0xaf: {  	[sflag:s9] =	ssyncset.done $0x0  }
0xb0: {  	s20 =	simm.s32 $0x3000;
	[sflag:s9] =	ssyncadd.s32 $0xFFFFD800  }
0xb1: {  	[spmem:s2] =	stream.indirect.scatter.add.f32 [tilespmem:s30], [sflag:$0x5], $0x80, s20, s4, $0xb8;
	[tilespmem:$0x1D000] =	vst v63  }
0xb2: {  	_ =	swait.ge [sflag:s31], $0x2800  }
0xb3: {  	[sflag:s31] =	ssyncset.done $0x0  }
0xb4: {  	s19 =	simm.s32 $0x10A0;
	[sflag:s31] =	ssyncadd.s32 $0xFFFFD800  }
0xb5: {  	[tilespmem:s30], [sflag:$0x1] =	stream.indirect.gather [hbm4b:s1+s4], $0x80, s19, s4, $0xb8;
	[tilespmem:$0x1D000] =	vst v63  }
0xb6: {  	_ =	swait.ge [sflag:s11], $0x2800  }
0xb7: {  	[sflag:s11] =	ssyncset.done $0x0  }
0xb8: {  	s20 =	simm.s32 $0x3050;
	[sflag:s11] =	ssyncadd.s32 $0xFFFFD800  }
0xb9: {  	[spmem:s2] =	stream.indirect.scatter.add.f32 [tilespmem:s8], [sflag:$0x5], $0x80, s20, s4, $0xb8;
	[tilespmem:$0x1D000] =	vst v63  }
0xba: {  	_ =	swait.ge [sflag:s31], $0x2800  }
0xbb: {  	[sflag:s31] =	ssyncset.done $0x0  }
0xbc: {  	s7 =	simm.s32 $0x280;
	s19 =	simm.s32 $0x10F0;
	[sflag:s31] =	ssyncadd.s32 $0xFFFFD800  }
.LBB2_7:
0xbd: {  	[tilespmem:s8], [sflag:$0x2] =	stream.indirect.gather [hbm4b:s1+s4], $0x80, s19, s4, $0xb8;
	[tilespmem:$0x1D000] =	vst v63  }
0xbe: {  	s19 =	smov.u32 s7  }
0xbf: {  	p1 =	sne.s32 s7, $0x3980;
	s7 =	sadd.s32 $0x280, s7;
	_ =	swait.ge [sflag:s9], $0x2800  }
0xc0: {  	s19 =	sshra.s32 s19, $0x2;
	[sflag:s9] =	ssyncset.done $0x0  }
0xc1: {  	s20 =	sadd.s32 $0x3000, s19;
	[sflag:s9] =	ssyncadd.s32 $0xFFFFD800  }
0xc2: {  	[spmem:s2] =	stream.indirect.scatter.add.f32 [tilespmem:s30], [sflag:$0x5], $0x80, s20, s4, $0xb8;
	[tilespmem:$0x1D000] =	vst v63  }
0xc3: {  	_ =	swait.ge [sflag:s31], $0x2800  }
0xc4: {  	[sflag:s31] =	ssyncset.done $0x0  }
0xc5: {  	s20 =	sadd.s32 $0x10A0, s19;
	[sflag:s31] =	ssyncadd.s32 $0xFFFFD800  }
0xc6: {  	[tilespmem:s30], [sflag:$0x1] =	stream.indirect.gather [hbm4b:s1+s4], $0x80, s20, s4, $0xb8;
	[tilespmem:$0x1D000] =	vst v63  }
0xc7: {  	_ =	swait.ge [sflag:s11], $0x2800  }
0xc8: {  	[sflag:s11] =	ssyncset.done $0x0  }
.Ltmp5:
0xc9: {  	s20 =	sadd.s32 $0x3050, s19;
	[sflag:s11] =	ssyncadd.s32 $0xFFFFD800;
	(pc) =	sbr.rel @p1 .LBB2_7-.Ltmp5, $4  }
0xca: {  	[spmem:s2] =	stream.indirect.scatter.add.f32 [tilespmem:s8], [sflag:$0x5], $0x80, s20, s4, $0xb8;
	[tilespmem:$0x1D000] =	vst v63  }
0xcb: {  	_ =	swait.ge [sflag:s31], $0x2800  }
0xcc: {  	[sflag:s31] =	ssyncset.done $0x0  }
0xcd: {  	s19 =	sadd.s32 $0x10F0, s19;
	[sflag:s31] =	ssyncadd.s32 $0xFFFFD800  }
0xce: {  	[tilespmem:s8], [sflag:$0x2] =	stream.indirect.gather [hbm4b:s1+s4], $0x80, s19, s4, $0xb8;
	[tilespmem:$0x1D000] =	vst v63  }
0xcf: {  	_ =	swait.ge [sflag:s9], $0x2800  }
0xd0: {  	[sflag:s9] =	ssyncset.done $0x0  }
0xd1: {  	[sflag:s9] =	ssyncadd.s32 $0xFFFFD800  }
0xd2: {  	[spmem:s2] =	stream.indirect.scatter.add.f32 [tilespmem:s30], [sflag:$0x5], $0x80, s16, s4, $0xb8;
	[tilespmem:$0x1D000] =	vst v63  }
0xd3: {  	_ =	swait.ge [sflag:s31], $0x2800  }
0xd4: {  	[sflag:s31] =	ssyncset.done $0x0  }
0xd5: {  	[sflag:s31] =	ssyncadd.s32 $0xFFFFD800  }
0xd6: {  	_ =	swait.ge [sflag:s11], $0x2800  }
0xd7: {  	[sflag:s11] =	ssyncset.done $0x0  }
0xd8: {  	[sflag:s11] =	ssyncadd.s32 $0xFFFFD800  }
0xd9: {  	[spmem:s2] =	stream.indirect.scatter.add.f32 [tilespmem:s8], [sflag:$0x5], $0x80, s17, s4, $0xb8;
	[tilespmem:$0x1D000] =	vst v63  }
0xda: {  	_ =	swait.ge [sflag:s31], $0x2800  }
0xdb: {  	[sflag:s31] =	ssyncset.done $0x0  }
0xdc: {  	[sflag:s31] =	ssyncadd.s32 $0xFFFFD800  }
0xdd: {  	_ =	swait.ge [sflag:s0], $0xFA0  }
0xde: {  	[sflag:s0] =	ssyncset.done $0x0  }
0xdf: {  	[sflag:s0] =	ssyncadd.s32 $0xFFFFF060  }
0xe0: {  	_ =	swait.ge [sflag:s0], $0xFA0  }
0xe1: {  	[sflag:s0] =	ssyncset.done $0x0  }
0xe2: {  	s7 =	simm.s32 $0x0;
	s20 =	rddreg [dreg:$0x10];
	[sflag:s0] =	ssyncadd.s32 $0xFFFFF060  }
0xe3: {  	[tilespmem:s6], [sflag:$0x4] =	stream.linear.gather [hbm4b:s20+s7], $0xFA0, $0x38;
	[tilespmem:$0x1D000] =	vst v63  }
0xe4: {  	s19 =	rddreg [dreg:$0x11];
	s20 =	simm.s32 $0x3000  }
0xe5: {  	[tilespmem:s20], [sflag:$0x4] =	stream.linear.gather [hbm4b:s19+s7], $0xFA0, $0x38;
	[tilespmem:$0x1D000] =	vst v63  }
0xe6: {  	_ = 	snop  }
0xe7: {  	[tilespmem:s30], [sflag:$0x1] =	stream.indirect.gather [hbm4b:s1+s4], $0x80, s7, s4, $0xb8;
	[tilespmem:$0x1D000] =	vst v63  }
0xe8: {  	_ = 	snop  }
0xe9: {  	[tilespmem:s8], [sflag:$0x2] =	stream.indirect.gather [hbm4b:s1+s4], $0x80, s4, s4, $0xb8;
	[tilespmem:$0x1D000] =	vst v63  }
0xea: {  	_ =	swait.ge [sflag:s9], $0x2800  }
0xeb: {  	[sflag:s9] =	ssyncset.done $0x0  }
0xec: {  	s20 =	simm.s32 $0x2000;
	[sflag:s9] =	ssyncadd.s32 $0xFFFFD800  }
0xed: {  	[spmem:s2] =	stream.indirect.scatter.add.f32 [tilespmem:s30], [sflag:$0x5], $0x80, s20, s4, $0xb8;
	[tilespmem:$0x1D000] =	vst v63  }
0xee: {  	_ =	swait.ge [sflag:s31], $0x2800  }
0xef: {  	[sflag:s31] =	ssyncset.done $0x0  }
0xf0: {  	s19 =	simm.s32 $0xA0;
	[sflag:s31] =	ssyncadd.s32 $0xFFFFD800  }
0xf1: {  	[tilespmem:s30], [sflag:$0x1] =	stream.indirect.gather [hbm4b:s1+s4], $0x80, s19, s4, $0xb8;
	[tilespmem:$0x1D000] =	vst v63  }
0xf2: {  	_ =	swait.ge [sflag:s11], $0x2800  }
0xf3: {  	[sflag:s11] =	ssyncset.done $0x0  }
0xf4: {  	s20 =	simm.s32 $0x2050;
	[sflag:s11] =	ssyncadd.s32 $0xFFFFD800  }
0xf5: {  	[spmem:s2] =	stream.indirect.scatter.add.f32 [tilespmem:s8], [sflag:$0x5], $0x80, s20, s4, $0xb8;
	[tilespmem:$0x1D000] =	vst v63  }
0xf6: {  	_ =	swait.ge [sflag:s31], $0x2800  }
0xf7: {  	[sflag:s31] =	ssyncset.done $0x0  }
0xf8: {  	s7 =	simm.s32 $0x280;
	s19 =	simm.s32 $0xF0;
	[sflag:s31] =	ssyncadd.s32 $0xFFFFD800  }
.LBB2_9:
0xf9: {  	[tilespmem:s8], [sflag:$0x2] =	stream.indirect.gather [hbm4b:s1+s4], $0x80, s19, s4, $0xb8;
	[tilespmem:$0x1D000] =	vst v63  }
0xfa: {  	s19 =	smov.u32 s7  }
0xfb: {  	p1 =	sne.s32 s7, $0x3980;
	s7 =	sadd.s32 $0x280, s7;
	_ =	swait.ge [sflag:s9], $0x2800  }
0xfc: {  	s19 =	sshra.s32 s19, $0x2;
	[sflag:s9] =	ssyncset.done $0x0  }
0xfd: {  	s20 =	sadd.s32 $0x2000, s19;
	[sflag:s9] =	ssyncadd.s32 $0xFFFFD800  }
0xfe: {  	[spmem:s2] =	stream.indirect.scatter.add.f32 [tilespmem:s30], [sflag:$0x5], $0x80, s20, s4, $0xb8;
	[tilespmem:$0x1D000] =	vst v63  }
0xff: {  	_ =	swait.ge [sflag:s31], $0x2800  }
0x100: {  	[sflag:s31] =	ssyncset.done $0x0  }
0x101: {  	s20 =	sadd.s32 $0xA0, s19;
	[sflag:s31] =	ssyncadd.s32 $0xFFFFD800  }
0x102: {  	[tilespmem:s30], [sflag:$0x1] =	stream.indirect.gather [hbm4b:s1+s4], $0x80, s20, s4, $0xb8;
	[tilespmem:$0x1D000] =	vst v63  }
0x103: {  	_ =	swait.ge [sflag:s11], $0x2800  }
0x104: {  	[sflag:s11] =	ssyncset.done $0x0  }
.Ltmp6:
0x105: {  	s20 =	sadd.s32 $0x2050, s19;
	[sflag:s11] =	ssyncadd.s32 $0xFFFFD800;
	(pc) =	sbr.rel @p1 .LBB2_9-.Ltmp6, $4  }
0x106: {  	[spmem:s2] =	stream.indirect.scatter.add.f32 [tilespmem:s8], [sflag:$0x5], $0x80, s20, s4, $0xb8;
	[tilespmem:$0x1D000] =	vst v63  }
0x107: {  	_ =	swait.ge [sflag:s31], $0x2800  }
0x108: {  	[sflag:s31] =	ssyncset.done $0x0  }
0x109: {  	s19 =	sadd.s32 $0xF0, s19;
	[sflag:s31] =	ssyncadd.s32 $0xFFFFD800  }
0x10a: {  	[tilespmem:s8], [sflag:$0x2] =	stream.indirect.gather [hbm4b:s1+s4], $0x80, s19, s4, $0xb8;
	[tilespmem:$0x1D000] =	vst v63  }
0x10b: {  	_ =	swait.ge [sflag:s9], $0x2800  }
0x10c: {  	[sflag:s9] =	ssyncset.done $0x0  }
0x10d: {  	[sflag:s9] =	ssyncadd.s32 $0xFFFFD800  }
0x10e: {  	[spmem:s2] =	stream.indirect.scatter.add.f32 [tilespmem:s30], [sflag:$0x5], $0x80, s12, s4, $0xb8;
	[tilespmem:$0x1D000] =	vst v63  }
0x10f: {  	_ =	swait.ge [sflag:s31], $0x2800  }
0x110: {  	[sflag:s31] =	ssyncset.done $0x0  }
0x111: {  	[sflag:s31] =	ssyncadd.s32 $0xFFFFD800  }
0x112: {  	_ =	swait.ge [sflag:s11], $0x2800  }
0x113: {  	[sflag:s11] =	ssyncset.done $0x0  }
0x114: {  	[sflag:s11] =	ssyncadd.s32 $0xFFFFD800  }
0x115: {  	[spmem:s2] =	stream.indirect.scatter.add.f32 [tilespmem:s8], [sflag:$0x5], $0x80, s13, s4, $0xb8;
	[tilespmem:$0x1D000] =	vst v63  }
0x116: {  	_ =	swait.ge [sflag:s31], $0x2800  }
0x117: {  	[sflag:s31] =	ssyncset.done $0x0  }
0x118: {  	[sflag:s31] =	ssyncadd.s32 $0xFFFFD800  }
0x119: {  	_ =	swait.ge [sflag:s14], $0xFA0  }
0x11a: {  	[sflag:s14] =	ssyncset.done $0x0  }
0x11b: {  	[sflag:s14] =	ssyncadd.s32 $0xFFFFF060  }
0x11c: {  	_ =	swait.ge [sflag:s14], $0xFA0  }
0x11d: {  	[sflag:s14] =	ssyncset.done $0x0  }
0x11e: {  	s7 =	simm.s32 $0x0;
	[sflag:s14] =	ssyncadd.s32 $0xFFFFF060  }
0x11f: {  	[tilespmem:s7], [sflag:$0x3] =	stream.linear.gather [hbm4b:s21+s7], $0xFA0, $0x38;
	[tilespmem:$0x1D000] =	vst v63  }
0x120: {  	_ = 	snop  }
0x121: {  	[tilespmem:s29], [sflag:$0x3] =	stream.linear.gather [hbm4b:s22+s7], $0xFA0, $0x38;
	[tilespmem:$0x1D000] =	vst v63  }
0x122: {  	_ = 	snop  }
0x123: {  	[tilespmem:s30], [sflag:$0x1] =	stream.indirect.gather [hbm4b:s1+s4], $0x80, s6, s4, $0xb8;
	[tilespmem:$0x1D000] =	vst v63  }
0x124: {  	_ = 	snop  }
0x125: {  	[tilespmem:s8], [sflag:$0x2] =	stream.indirect.gather [hbm4b:s1+s4], $0x80, s15, s4, $0xb8;
	[tilespmem:$0x1D000] =	vst v63  }
0x126: {  	_ =	swait.ge [sflag:s9], $0x2800  }
0x127: {  	[sflag:s9] =	ssyncset.done $0x0  }
0x128: {  	s20 =	simm.s32 $0x3000;
	[sflag:s9] =	ssyncadd.s32 $0xFFFFD800  }
0x129: {  	[spmem:s2] =	stream.indirect.scatter.add.f32 [tilespmem:s30], [sflag:$0x5], $0x80, s20, s4, $0xb8;
	[tilespmem:$0x1D000] =	vst v63  }
0x12a: {  	_ =	swait.ge [sflag:s31], $0x2800  }
0x12b: {  	[sflag:s31] =	ssyncset.done $0x0  }
0x12c: {  	s19 =	simm.s32 $0x10A0;
	[sflag:s31] =	ssyncadd.s32 $0xFFFFD800  }
0x12d: {  	[tilespmem:s30], [sflag:$0x1] =	stream.indirect.gather [hbm4b:s1+s4], $0x80, s19, s4, $0xb8;
	[tilespmem:$0x1D000] =	vst v63  }
0x12e: {  	_ =	swait.ge [sflag:s11], $0x2800  }
0x12f: {  	[sflag:s11] =	ssyncset.done $0x0  }
0x130: {  	s20 =	simm.s32 $0x3050;
	[sflag:s11] =	ssyncadd.s32 $0xFFFFD800  }
0x131: {  	[spmem:s2] =	stream.indirect.scatter.add.f32 [tilespmem:s8], [sflag:$0x5], $0x80, s20, s4, $0xb8;
	[tilespmem:$0x1D000] =	vst v63  }
0x132: {  	_ =	swait.ge [sflag:s31], $0x2800  }
0x133: {  	[sflag:s31] =	ssyncset.done $0x0  }
0x134: {  	s7 =	simm.s32 $0x280;
	s19 =	simm.s32 $0x10F0;
	[sflag:s31] =	ssyncadd.s32 $0xFFFFD800  }
.LBB2_11:
0x135: {  	[tilespmem:s8], [sflag:$0x2] =	stream.indirect.gather [hbm4b:s1+s4], $0x80, s19, s4, $0xb8;
	[tilespmem:$0x1D000] =	vst v63  }
0x136: {  	s19 =	smov.u32 s7  }
0x137: {  	p1 =	sne.s32 s7, $0x3980;
	s7 =	sadd.s32 $0x280, s7;
	_ =	swait.ge [sflag:s9], $0x2800  }
0x138: {  	s19 =	sshra.s32 s19, $0x2;
	[sflag:s9] =	ssyncset.done $0x0  }
0x139: {  	s20 =	sadd.s32 $0x3000, s19;
	[sflag:s9] =	ssyncadd.s32 $0xFFFFD800  }
0x13a: {  	[spmem:s2] =	stream.indirect.scatter.add.f32 [tilespmem:s30], [sflag:$0x5], $0x80, s20, s4, $0xb8;
	[tilespmem:$0x1D000] =	vst v63  }
0x13b: {  	_ =	swait.ge [sflag:s31], $0x2800  }
0x13c: {  	[sflag:s31] =	ssyncset.done $0x0  }
0x13d: {  	s20 =	sadd.s32 $0x10A0, s19;
	[sflag:s31] =	ssyncadd.s32 $0xFFFFD800  }
0x13e: {  	[tilespmem:s30], [sflag:$0x1] =	stream.indirect.gather [hbm4b:s1+s4], $0x80, s20, s4, $0xb8;
	[tilespmem:$0x1D000] =	vst v63  }
0x13f: {  	_ =	swait.ge [sflag:s11], $0x2800  }
0x140: {  	[sflag:s11] =	ssyncset.done $0x0  }
.Ltmp7:
0x141: {  	s20 =	sadd.s32 $0x3050, s19;
	[sflag:s11] =	ssyncadd.s32 $0xFFFFD800;
	(pc) =	sbr.rel @p1 .LBB2_11-.Ltmp7, $4  }
0x142: {  	[spmem:s2] =	stream.indirect.scatter.add.f32 [tilespmem:s8], [sflag:$0x5], $0x80, s20, s4, $0xb8;
	[tilespmem:$0x1D000] =	vst v63  }
0x143: {  	_ =	swait.ge [sflag:s31], $0x2800  }
0x144: {  	[sflag:s31] =	ssyncset.done $0x0  }
0x145: {  	s19 =	sadd.s32 $0x10F0, s19;
	[sflag:s31] =	ssyncadd.s32 $0xFFFFD800  }
0x146: {  	[tilespmem:s8], [sflag:$0x2] =	stream.indirect.gather [hbm4b:s1+s4], $0x80, s19, s4, $0xb8;
	[tilespmem:$0x1D000] =	vst v63  }
0x147: {  	_ =	swait.ge [sflag:s9], $0x2800  }
0x148: {  	[sflag:s9] =	ssyncset.done $0x0  }
0x149: {  	[sflag:s9] =	ssyncadd.s32 $0xFFFFD800  }
0x14a: {  	[spmem:s2] =	stream.indirect.scatter.add.f32 [tilespmem:s30], [sflag:$0x5], $0x80, s16, s4, $0xb8;
	[tilespmem:$0x1D000] =	vst v63  }
0x14b: {  	_ =	swait.ge [sflag:s31], $0x2800  }
0x14c: {  	[sflag:s31] =	ssyncset.done $0x0  }
0x14d: {  	[sflag:s31] =	ssyncadd.s32 $0xFFFFD800  }
0x14e: {  	_ =	swait.ge [sflag:s11], $0x2800  }
0x14f: {  	[sflag:s11] =	ssyncset.done $0x0  }
0x150: {  	[sflag:s11] =	ssyncadd.s32 $0xFFFFD800  }
0x151: {  	[spmem:s2] =	stream.indirect.scatter.add.f32 [tilespmem:s8], [sflag:$0x5], $0x80, s17, s4, $0xb8;
	[tilespmem:$0x1D000] =	vst v63  }
0x152: {  	_ =	swait.ge [sflag:s31], $0x2800  }
0x153: {  	[sflag:s31] =	ssyncset.done $0x0  }
0x154: {  	[sflag:s31] =	ssyncadd.s32 $0xFFFFD800  }
0x155: {  	_ =	swait.ge [sflag:s0], $0xFA0  }
0x156: {  	[sflag:s0] =	ssyncset.done $0x0  }
0x157: {  	[sflag:s0] =	ssyncadd.s32 $0xFFFFF060  }
0x158: {  	_ =	swait.ge [sflag:s0], $0xFA0  }
0x159: {  	[sflag:s0] =	ssyncset.done $0x0  }
0x15a: {  	s7 =	simm.s32 $0x0;
	[sflag:s0] =	ssyncadd.s32 $0xFFFFF060  }
0x15b: {  	[tilespmem:s30], [sflag:$0x1] =	stream.indirect.gather [hbm4b:s1+s4], $0x80, s7, s4, $0xb8;
	[tilespmem:$0x1D000] =	vst v63  }
0x15c: {  	_ = 	snop  }
0x15d: {  	[tilespmem:s8], [sflag:$0x2] =	stream.indirect.gather [hbm4b:s1+s4], $0x80, s4, s4, $0xb8;
	[tilespmem:$0x1D000] =	vst v63  }
0x15e: {  	_ =	swait.ge [sflag:s9], $0x2800  }
0x15f: {  	[sflag:s9] =	ssyncset.done $0x0  }
0x160: {  	s20 =	simm.s32 $0x2000;
	[sflag:s9] =	ssyncadd.s32 $0xFFFFD800  }
0x161: {  	[spmem:s2] =	stream.indirect.scatter.add.f32 [tilespmem:s30], [sflag:$0x5], $0x80, s20, s4, $0xb8;
	[tilespmem:$0x1D000] =	vst v63  }
0x162: {  	_ =	swait.ge [sflag:s31], $0x2800  }
0x163: {  	[sflag:s31] =	ssyncset.done $0x0  }
0x164: {  	s19 =	simm.s32 $0xA0;
	[sflag:s31] =	ssyncadd.s32 $0xFFFFD800  }
0x165: {  	[tilespmem:s30], [sflag:$0x1] =	stream.indirect.gather [hbm4b:s1+s4], $0x80, s19, s4, $0xb8;
	[tilespmem:$0x1D000] =	vst v63  }
0x166: {  	_ =	swait.ge [sflag:s11], $0x2800  }
0x167: {  	[sflag:s11] =	ssyncset.done $0x0  }
0x168: {  	s20 =	simm.s32 $0x2050;
	[sflag:s11] =	ssyncadd.s32 $0xFFFFD800  }
0x169: {  	[spmem:s2] =	stream.indirect.scatter.add.f32 [tilespmem:s8], [sflag:$0x5], $0x80, s20, s4, $0xb8;
	[tilespmem:$0x1D000] =	vst v63  }
0x16a: {  	_ =	swait.ge [sflag:s31], $0x2800  }
0x16b: {  	[sflag:s31] =	ssyncset.done $0x0  }
0x16c: {  	s7 =	simm.s32 $0x280;
	s19 =	simm.s32 $0xF0;
	[sflag:s31] =	ssyncadd.s32 $0xFFFFD800  }
.LBB2_13:
0x16d: {  	[tilespmem:s8], [sflag:$0x2] =	stream.indirect.gather [hbm4b:s1+s4], $0x80, s19, s4, $0xb8;
	[tilespmem:$0x1D000] =	vst v63  }
0x16e: {  	s19 =	smov.u32 s7  }
0x16f: {  	p1 =	seq.s32 s7, $0x3980;
	s7 =	sadd.s32 $0x280, s7;
	_ =	swait.ge [sflag:s9], $0x2800  }
0x170: {  	s19 =	sshra.s32 s19, $0x2;
	[sflag:s9] =	ssyncset.done $0x0  }
0x171: {  	s20 =	sadd.s32 $0x2000, s19;
	[sflag:s9] =	ssyncadd.s32 $0xFFFFD800  }
0x172: {  	[spmem:s2] =	stream.indirect.scatter.add.f32 [tilespmem:s30], [sflag:$0x5], $0x80, s20, s4, $0xb8;
	[tilespmem:$0x1D000] =	vst v63  }
0x173: {  	_ =	swait.ge [sflag:s31], $0x2800  }
0x174: {  	[sflag:s31] =	ssyncset.done $0x0  }
0x175: {  	s20 =	sadd.s32 $0xA0, s19;
	[sflag:s31] =	ssyncadd.s32 $0xFFFFD800  }
0x176: {  	[tilespmem:s30], [sflag:$0x1] =	stream.indirect.gather [hbm4b:s1+s4], $0x80, s20, s4, $0xb8;
	[tilespmem:$0x1D000] =	vst v63  }
0x177: {  	_ =	swait.ge [sflag:s11], $0x2800  }
0x178: {  	[sflag:s11] =	ssyncset.done $0x0  }
.Ltmp8:
0x179: {  	s20 =	sadd.s32 $0x2050, s19;
	[sflag:s11] =	ssyncadd.s32 $0xFFFFD800;
	(pc) =	sbr.rel @!p1 .LBB2_13-.Ltmp8, $4  }
0x17a: {  	[spmem:s2] =	stream.indirect.scatter.add.f32 [tilespmem:s8], [sflag:$0x5], $0x80, s20, s4, $0xb8;
	[tilespmem:$0x1D000] =	vst v63  }
0x17b: {  	_ =	swait.ge [sflag:s31], $0x2800  }
0x17c: {  	[sflag:s31] =	ssyncset.done $0x0  }
0x17d: {  	s19 =	sadd.s32 $0xF0, s19;
	[sflag:s31] =	ssyncadd.s32 $0xFFFFD800  }
.Ltmp9:
0x17e: {  	(pc) =	sbr.rel .LBB2_26-.Ltmp9, $3  }
0x17f: {  	_ =	sdelay $0x1  }
0x180: {  	[tilespmem:s8], [sflag:$0x2] =	stream.indirect.gather [hbm4b:s1+s4], $0x80, s19, s4, $0xb8;
	[tilespmem:$0x1D000] =	vst v63  }
0x181: {  	s7 =	rddreg [dreg:$0x4]  }
.LBB2_15:
0x182: {  	[tilespmem:s30], [sflag:$0x1] =	stream.indirect.gather [hbm4b:s5+s4], $0x80, s7, s4, $0xb8;
	[tilespmem:$0x1D000] =	vst v63  }
0x183: {  	_ = 	snop  }
0x184: {  	[tilespmem:s8], [sflag:$0x2] =	stream.indirect.gather [hbm4b:s5+s4], $0x80, s4, s4, $0xb8;
	[tilespmem:$0x1D000] =	vst v63  }
0x185: {  	_ =	swait.ge [sflag:s9], $0x2800  }
0x186: {  	[sflag:s9] =	ssyncset.done $0x0  }
0x187: {  	s20 =	simm.s32 $0x2000;
	[sflag:s9] =	ssyncadd.s32 $0xFFFFD800  }
0x188: {  	[spmem:s2] =	stream.indirect.scatter.add.f32 [tilespmem:s30], [sflag:$0x5], $0x80, s20, s4, $0xb8;
	[tilespmem:$0x1D000] =	vst v63  }
0x189: {  	_ =	swait.ge [sflag:s31], $0x2800  }
0x18a: {  	[sflag:s31] =	ssyncset.done $0x0  }
0x18b: {  	s19 =	simm.s32 $0xA0;
	[sflag:s31] =	ssyncadd.s32 $0xFFFFD800  }
0x18c: {  	[tilespmem:s30], [sflag:$0x1] =	stream.indirect.gather [hbm4b:s5+s4], $0x80, s19, s4, $0xb8;
	[tilespmem:$0x1D000] =	vst v63  }
0x18d: {  	_ =	swait.ge [sflag:s11], $0x2800  }
0x18e: {  	[sflag:s11] =	ssyncset.done $0x0  }
0x18f: {  	s20 =	simm.s32 $0x2050;
	[sflag:s11] =	ssyncadd.s32 $0xFFFFD800  }
0x190: {  	[spmem:s2] =	stream.indirect.scatter.add.f32 [tilespmem:s8], [sflag:$0x5], $0x80, s20, s4, $0xb8;
	[tilespmem:$0x1D000] =	vst v63  }
0x191: {  	_ =	swait.ge [sflag:s31], $0x2800  }
0x192: {  	[sflag:s31] =	ssyncset.done $0x0  }
0x193: {  	s7 =	simm.s32 $0x280;
	s19 =	simm.s32 $0xF0;
	[sflag:s31] =	ssyncadd.s32 $0xFFFFD800  }
.LBB2_16:
0x194: {  	[tilespmem:s8], [sflag:$0x2] =	stream.indirect.gather [hbm4b:s5+s4], $0x80, s19, s4, $0xb8;
	[tilespmem:$0x1D000] =	vst v63  }
0x195: {  	s19 =	smov.u32 s7  }
0x196: {  	p1 =	sne.s32 s7, $0x3980;
	s7 =	sadd.s32 $0x280, s7;
	_ =	swait.ge [sflag:s9], $0x2800  }
0x197: {  	s19 =	sshra.s32 s19, $0x2;
	[sflag:s9] =	ssyncset.done $0x0  }
0x198: {  	s20 =	sadd.s32 $0x2000, s19;
	[sflag:s9] =	ssyncadd.s32 $0xFFFFD800  }
0x199: {  	[spmem:s2] =	stream.indirect.scatter.add.f32 [tilespmem:s30], [sflag:$0x5], $0x80, s20, s4, $0xb8;
	[tilespmem:$0x1D000] =	vst v63  }
0x19a: {  	_ =	swait.ge [sflag:s31], $0x2800  }
0x19b: {  	[sflag:s31] =	ssyncset.done $0x0  }
0x19c: {  	s20 =	sadd.s32 $0xA0, s19;
	[sflag:s31] =	ssyncadd.s32 $0xFFFFD800  }
0x19d: {  	[tilespmem:s30], [sflag:$0x1] =	stream.indirect.gather [hbm4b:s5+s4], $0x80, s20, s4, $0xb8;
	[tilespmem:$0x1D000] =	vst v63  }
0x19e: {  	_ =	swait.ge [sflag:s11], $0x2800  }
0x19f: {  	[sflag:s11] =	ssyncset.done $0x0  }
.Ltmp10:
0x1a0: {  	s20 =	sadd.s32 $0x2050, s19;
	[sflag:s11] =	ssyncadd.s32 $0xFFFFD800;
	(pc) =	sbr.rel @p1 .LBB2_16-.Ltmp10, $4  }
0x1a1: {  	[spmem:s2] =	stream.indirect.scatter.add.f32 [tilespmem:s8], [sflag:$0x5], $0x80, s20, s4, $0xb8;
	[tilespmem:$0x1D000] =	vst v63  }
0x1a2: {  	_ =	swait.ge [sflag:s31], $0x2800  }
0x1a3: {  	[sflag:s31] =	ssyncset.done $0x0  }
0x1a4: {  	s19 =	sadd.s32 $0xF0, s19;
	[sflag:s31] =	ssyncadd.s32 $0xFFFFD800  }
0x1a5: {  	[tilespmem:s8], [sflag:$0x2] =	stream.indirect.gather [hbm4b:s5+s4], $0x80, s19, s4, $0xb8;
	[tilespmem:$0x1D000] =	vst v63  }
0x1a6: {  	_ =	swait.ge [sflag:s9], $0x2800  }
0x1a7: {  	[sflag:s9] =	ssyncset.done $0x0  }
0x1a8: {  	[sflag:s9] =	ssyncadd.s32 $0xFFFFD800  }
0x1a9: {  	[spmem:s2] =	stream.indirect.scatter.add.f32 [tilespmem:s30], [sflag:$0x5], $0x80, s12, s4, $0xb8;
	[tilespmem:$0x1D000] =	vst v63  }
0x1aa: {  	_ =	swait.ge [sflag:s31], $0x2800  }
0x1ab: {  	[sflag:s31] =	ssyncset.done $0x0  }
0x1ac: {  	[sflag:s31] =	ssyncadd.s32 $0xFFFFD800  }
0x1ad: {  	_ =	swait.ge [sflag:s11], $0x2800  }
0x1ae: {  	[sflag:s11] =	ssyncset.done $0x0  }
0x1af: {  	[sflag:s11] =	ssyncadd.s32 $0xFFFFD800  }
0x1b0: {  	[spmem:s2] =	stream.indirect.scatter.add.f32 [tilespmem:s8], [sflag:$0x5], $0x80, s13, s4, $0xb8;
	[tilespmem:$0x1D000] =	vst v63  }
0x1b1: {  	_ =	swait.ge [sflag:s31], $0x2800  }
0x1b2: {  	[sflag:s31] =	ssyncset.done $0x0  }
0x1b3: {  	[sflag:s31] =	ssyncadd.s32 $0xFFFFD800  }
0x1b4: {  	_ =	swait.ge [sflag:s14], $0xFA0  }
0x1b5: {  	[sflag:s14] =	ssyncset.done $0x0  }
0x1b6: {  	[sflag:s14] =	ssyncadd.s32 $0xFFFFF060  }
0x1b7: {  	_ =	swait.ge [sflag:s14], $0xFA0  }
0x1b8: {  	[sflag:s14] =	ssyncset.done $0x0  }
0x1b9: {  	s7 =	simm.s32 $0x0;
	s20 =	rddreg [dreg:$0xe];
	[sflag:s14] =	ssyncadd.s32 $0xFFFFF060  }
0x1ba: {  	[tilespmem:s7], [sflag:$0x3] =	stream.linear.gather [hbm4b:s20+s7], $0xFA0, $0x38;
	[tilespmem:$0x1D000] =	vst v63  }
0x1bb: {  	s20 =	rddreg [dreg:$0xf]  }
0x1bc: {  	[tilespmem:s29], [sflag:$0x3] =	stream.linear.gather [hbm4b:s20+s7], $0xFA0, $0x38;
	[tilespmem:$0x1D000] =	vst v63  }
0x1bd: {  	_ = 	snop  }
0x1be: {  	[tilespmem:s30], [sflag:$0x1] =	stream.indirect.gather [hbm4b:s5+s4], $0x80, s6, s4, $0xb8;
	[tilespmem:$0x1D000] =	vst v63  }
0x1bf: {  	_ = 	snop  }
0x1c0: {  	[tilespmem:s8], [sflag:$0x2] =	stream.indirect.gather [hbm4b:s5+s4], $0x80, s15, s4, $0xb8;
	[tilespmem:$0x1D000] =	vst v63  }
0x1c1: {  	_ =	swait.ge [sflag:s9], $0x2800  }
0x1c2: {  	[sflag:s9] =	ssyncset.done $0x0  }
0x1c3: {  	s20 =	simm.s32 $0x3000;
	[sflag:s9] =	ssyncadd.s32 $0xFFFFD800  }
0x1c4: {  	[spmem:s2] =	stream.indirect.scatter.add.f32 [tilespmem:s30], [sflag:$0x5], $0x80, s20, s4, $0xb8;
	[tilespmem:$0x1D000] =	vst v63  }
0x1c5: {  	_ =	swait.ge [sflag:s31], $0x2800  }
0x1c6: {  	[sflag:s31] =	ssyncset.done $0x0  }
0x1c7: {  	s19 =	simm.s32 $0x10A0;
	[sflag:s31] =	ssyncadd.s32 $0xFFFFD800  }
0x1c8: {  	[tilespmem:s30], [sflag:$0x1] =	stream.indirect.gather [hbm4b:s5+s4], $0x80, s19, s4, $0xb8;
	[tilespmem:$0x1D000] =	vst v63  }
0x1c9: {  	_ =	swait.ge [sflag:s11], $0x2800  }
0x1ca: {  	[sflag:s11] =	ssyncset.done $0x0  }
0x1cb: {  	s20 =	simm.s32 $0x3050;
	[sflag:s11] =	ssyncadd.s32 $0xFFFFD800  }
0x1cc: {  	[spmem:s2] =	stream.indirect.scatter.add.f32 [tilespmem:s8], [sflag:$0x5], $0x80, s20, s4, $0xb8;
	[tilespmem:$0x1D000] =	vst v63  }
0x1cd: {  	_ =	swait.ge [sflag:s31], $0x2800  }
0x1ce: {  	[sflag:s31] =	ssyncset.done $0x0  }
0x1cf: {  	s7 =	simm.s32 $0x280;
	s19 =	simm.s32 $0x10F0;
	[sflag:s31] =	ssyncadd.s32 $0xFFFFD800  }
.LBB2_18:
0x1d0: {  	[tilespmem:s8], [sflag:$0x2] =	stream.indirect.gather [hbm4b:s5+s4], $0x80, s19, s4, $0xb8;
	[tilespmem:$0x1D000] =	vst v63  }
0x1d1: {  	s19 =	smov.u32 s7  }
0x1d2: {  	p1 =	sne.s32 s7, $0x3980;
	s7 =	sadd.s32 $0x280, s7;
	_ =	swait.ge [sflag:s9], $0x2800  }
0x1d3: {  	s19 =	sshra.s32 s19, $0x2;
	[sflag:s9] =	ssyncset.done $0x0  }
0x1d4: {  	s20 =	sadd.s32 $0x3000, s19;
	[sflag:s9] =	ssyncadd.s32 $0xFFFFD800  }
0x1d5: {  	[spmem:s2] =	stream.indirect.scatter.add.f32 [tilespmem:s30], [sflag:$0x5], $0x80, s20, s4, $0xb8;
	[tilespmem:$0x1D000] =	vst v63  }
0x1d6: {  	_ =	swait.ge [sflag:s31], $0x2800  }
0x1d7: {  	[sflag:s31] =	ssyncset.done $0x0  }
0x1d8: {  	s20 =	sadd.s32 $0x10A0, s19;
	[sflag:s31] =	ssyncadd.s32 $0xFFFFD800  }
0x1d9: {  	[tilespmem:s30], [sflag:$0x1] =	stream.indirect.gather [hbm4b:s5+s4], $0x80, s20, s4, $0xb8;
	[tilespmem:$0x1D000] =	vst v63  }
0x1da: {  	_ =	swait.ge [sflag:s11], $0x2800  }
0x1db: {  	[sflag:s11] =	ssyncset.done $0x0  }
.Ltmp11:
0x1dc: {  	s20 =	sadd.s32 $0x3050, s19;
	[sflag:s11] =	ssyncadd.s32 $0xFFFFD800;
	(pc) =	sbr.rel @p1 .LBB2_18-.Ltmp11, $4  }
0x1dd: {  	[spmem:s2] =	stream.indirect.scatter.add.f32 [tilespmem:s8], [sflag:$0x5], $0x80, s20, s4, $0xb8;
	[tilespmem:$0x1D000] =	vst v63  }
0x1de: {  	_ =	swait.ge [sflag:s31], $0x2800  }
0x1df: {  	[sflag:s31] =	ssyncset.done $0x0  }
0x1e0: {  	s19 =	sadd.s32 $0x10F0, s19;
	[sflag:s31] =	ssyncadd.s32 $0xFFFFD800  }
0x1e1: {  	[tilespmem:s8], [sflag:$0x2] =	stream.indirect.gather [hbm4b:s5+s4], $0x80, s19, s4, $0xb8;
	[tilespmem:$0x1D000] =	vst v63  }
0x1e2: {  	_ =	swait.ge [sflag:s9], $0x2800  }
0x1e3: {  	[sflag:s9] =	ssyncset.done $0x0  }
0x1e4: {  	[sflag:s9] =	ssyncadd.s32 $0xFFFFD800  }
0x1e5: {  	[spmem:s2] =	stream.indirect.scatter.add.f32 [tilespmem:s30], [sflag:$0x5], $0x80, s16, s4, $0xb8;
	[tilespmem:$0x1D000] =	vst v63  }
0x1e6: {  	_ =	swait.ge [sflag:s31], $0x2800  }
0x1e7: {  	[sflag:s31] =	ssyncset.done $0x0  }
0x1e8: {  	[sflag:s31] =	ssyncadd.s32 $0xFFFFD800  }
0x1e9: {  	_ =	swait.ge [sflag:s11], $0x2800  }
0x1ea: {  	[sflag:s11] =	ssyncset.done $0x0  }
0x1eb: {  	[sflag:s11] =	ssyncadd.s32 $0xFFFFD800  }
0x1ec: {  	[spmem:s2] =	stream.indirect.scatter.add.f32 [tilespmem:s8], [sflag:$0x5], $0x80, s17, s4, $0xb8;
	[tilespmem:$0x1D000] =	vst v63  }
0x1ed: {  	_ =	swait.ge [sflag:s31], $0x2800  }
0x1ee: {  	[sflag:s31] =	ssyncset.done $0x0  }
0x1ef: {  	[sflag:s31] =	ssyncadd.s32 $0xFFFFD800  }
0x1f0: {  	_ =	swait.ge [sflag:s0], $0xFA0  }
0x1f1: {  	[sflag:s0] =	ssyncset.done $0x0  }
0x1f2: {  	[sflag:s0] =	ssyncadd.s32 $0xFFFFF060  }
0x1f3: {  	_ =	swait.ge [sflag:s0], $0xFA0  }
0x1f4: {  	[sflag:s0] =	ssyncset.done $0x0  }
0x1f5: {  	s7 =	simm.s32 $0x0;
	s20 =	rddreg [dreg:$0x10];
	[sflag:s0] =	ssyncadd.s32 $0xFFFFF060  }
0x1f6: {  	[tilespmem:s6], [sflag:$0x4] =	stream.linear.gather [hbm4b:s20+s7], $0xFA0, $0x38;
	[tilespmem:$0x1D000] =	vst v63  }
0x1f7: {  	s19 =	rddreg [dreg:$0x11];
	s20 =	simm.s32 $0x3000  }
0x1f8: {  	[tilespmem:s20], [sflag:$0x4] =	stream.linear.gather [hbm4b:s19+s7], $0xFA0, $0x38;
	[tilespmem:$0x1D000] =	vst v63  }
0x1f9: {  	_ = 	snop  }
0x1fa: {  	[tilespmem:s30], [sflag:$0x1] =	stream.indirect.gather [hbm4b:s5+s4], $0x80, s7, s4, $0xb8;
	[tilespmem:$0x1D000] =	vst v63  }
0x1fb: {  	_ = 	snop  }
0x1fc: {  	[tilespmem:s8], [sflag:$0x2] =	stream.indirect.gather [hbm4b:s5+s4], $0x80, s4, s4, $0xb8;
	[tilespmem:$0x1D000] =	vst v63  }
0x1fd: {  	_ =	swait.ge [sflag:s9], $0x2800  }
0x1fe: {  	[sflag:s9] =	ssyncset.done $0x0  }
0x1ff: {  	s20 =	simm.s32 $0x2000;
	[sflag:s9] =	ssyncadd.s32 $0xFFFFD800  }
0x200: {  	[spmem:s2] =	stream.indirect.scatter.add.f32 [tilespmem:s30], [sflag:$0x5], $0x80, s20, s4, $0xb8;
	[tilespmem:$0x1D000] =	vst v63  }
0x201: {  	_ =	swait.ge [sflag:s31], $0x2800  }
0x202: {  	[sflag:s31] =	ssyncset.done $0x0  }
0x203: {  	s19 =	simm.s32 $0xA0;
	[sflag:s31] =	ssyncadd.s32 $0xFFFFD800  }
0x204: {  	[tilespmem:s30], [sflag:$0x1] =	stream.indirect.gather [hbm4b:s5+s4], $0x80, s19, s4, $0xb8;
	[tilespmem:$0x1D000] =	vst v63  }
0x205: {  	_ =	swait.ge [sflag:s11], $0x2800  }
0x206: {  	[sflag:s11] =	ssyncset.done $0x0  }
0x207: {  	s20 =	simm.s32 $0x2050;
	[sflag:s11] =	ssyncadd.s32 $0xFFFFD800  }
0x208: {  	[spmem:s2] =	stream.indirect.scatter.add.f32 [tilespmem:s8], [sflag:$0x5], $0x80, s20, s4, $0xb8;
	[tilespmem:$0x1D000] =	vst v63  }
0x209: {  	_ =	swait.ge [sflag:s31], $0x2800  }
0x20a: {  	[sflag:s31] =	ssyncset.done $0x0  }
0x20b: {  	s7 =	simm.s32 $0x280;
	s19 =	simm.s32 $0xF0;
	[sflag:s31] =	ssyncadd.s32 $0xFFFFD800  }
.LBB2_20:
0x20c: {  	[tilespmem:s8], [sflag:$0x2] =	stream.indirect.gather [hbm4b:s5+s4], $0x80, s19, s4, $0xb8;
	[tilespmem:$0x1D000] =	vst v63  }
0x20d: {  	s19 =	smov.u32 s7  }
0x20e: {  	p1 =	sne.s32 s7, $0x3980;
	s7 =	sadd.s32 $0x280, s7;
	_ =	swait.ge [sflag:s9], $0x2800  }
0x20f: {  	s19 =	sshra.s32 s19, $0x2;
	[sflag:s9] =	ssyncset.done $0x0  }
0x210: {  	s20 =	sadd.s32 $0x2000, s19;
	[sflag:s9] =	ssyncadd.s32 $0xFFFFD800  }
0x211: {  	[spmem:s2] =	stream.indirect.scatter.add.f32 [tilespmem:s30], [sflag:$0x5], $0x80, s20, s4, $0xb8;
	[tilespmem:$0x1D000] =	vst v63  }
0x212: {  	_ =	swait.ge [sflag:s31], $0x2800  }
0x213: {  	[sflag:s31] =	ssyncset.done $0x0  }
0x214: {  	s20 =	sadd.s32 $0xA0, s19;
	[sflag:s31] =	ssyncadd.s32 $0xFFFFD800  }
0x215: {  	[tilespmem:s30], [sflag:$0x1] =	stream.indirect.gather [hbm4b:s5+s4], $0x80, s20, s4, $0xb8;
	[tilespmem:$0x1D000] =	vst v63  }
0x216: {  	_ =	swait.ge [sflag:s11], $0x2800  }
0x217: {  	[sflag:s11] =	ssyncset.done $0x0  }
.Ltmp12:
0x218: {  	s20 =	sadd.s32 $0x2050, s19;
	[sflag:s11] =	ssyncadd.s32 $0xFFFFD800;
	(pc) =	sbr.rel @p1 .LBB2_20-.Ltmp12, $4  }
0x219: {  	[spmem:s2] =	stream.indirect.scatter.add.f32 [tilespmem:s8], [sflag:$0x5], $0x80, s20, s4, $0xb8;
	[tilespmem:$0x1D000] =	vst v63  }
0x21a: {  	_ =	swait.ge [sflag:s31], $0x2800  }
0x21b: {  	[sflag:s31] =	ssyncset.done $0x0  }
0x21c: {  	s19 =	sadd.s32 $0xF0, s19;
	[sflag:s31] =	ssyncadd.s32 $0xFFFFD800  }
0x21d: {  	[tilespmem:s8], [sflag:$0x2] =	stream.indirect.gather [hbm4b:s5+s4], $0x80, s19, s4, $0xb8;
	[tilespmem:$0x1D000] =	vst v63  }
0x21e: {  	_ =	swait.ge [sflag:s9], $0x2800  }
0x21f: {  	[sflag:s9] =	ssyncset.done $0x0  }
0x220: {  	[sflag:s9] =	ssyncadd.s32 $0xFFFFD800  }
0x221: {  	[spmem:s2] =	stream.indirect.scatter.add.f32 [tilespmem:s30], [sflag:$0x5], $0x80, s12, s4, $0xb8;
	[tilespmem:$0x1D000] =	vst v63  }
0x222: {  	_ =	swait.ge [sflag:s31], $0x2800  }
0x223: {  	[sflag:s31] =	ssyncset.done $0x0  }
0x224: {  	[sflag:s31] =	ssyncadd.s32 $0xFFFFD800  }
0x225: {  	_ =	swait.ge [sflag:s11], $0x2800  }
0x226: {  	[sflag:s11] =	ssyncset.done $0x0  }
0x227: {  	[sflag:s11] =	ssyncadd.s32 $0xFFFFD800  }
0x228: {  	[spmem:s2] =	stream.indirect.scatter.add.f32 [tilespmem:s8], [sflag:$0x5], $0x80, s13, s4, $0xb8;
	[tilespmem:$0x1D000] =	vst v63  }
0x229: {  	_ =	swait.ge [sflag:s31], $0x2800  }
0x22a: {  	[sflag:s31] =	ssyncset.done $0x0  }
0x22b: {  	[sflag:s31] =	ssyncadd.s32 $0xFFFFD800  }
0x22c: {  	_ =	swait.ge [sflag:s14], $0xFA0  }
0x22d: {  	[sflag:s14] =	ssyncset.done $0x0  }
0x22e: {  	[sflag:s14] =	ssyncadd.s32 $0xFFFFF060  }
0x22f: {  	_ =	swait.ge [sflag:s14], $0xFA0  }
0x230: {  	[sflag:s14] =	ssyncset.done $0x0  }
0x231: {  	s7 =	simm.s32 $0x0;
	[sflag:s14] =	ssyncadd.s32 $0xFFFFF060  }
0x232: {  	[tilespmem:s7], [sflag:$0x3] =	stream.linear.gather [hbm4b:s21+s7], $0xFA0, $0x38;
	[tilespmem:$0x1D000] =	vst v63  }
0x233: {  	_ = 	snop  }
0x234: {  	[tilespmem:s29], [sflag:$0x3] =	stream.linear.gather [hbm4b:s22+s7], $0xFA0, $0x38;
	[tilespmem:$0x1D000] =	vst v63  }
0x235: {  	_ = 	snop  }
0x236: {  	[tilespmem:s30], [sflag:$0x1] =	stream.indirect.gather [hbm4b:s5+s4], $0x80, s6, s4, $0xb8;
	[tilespmem:$0x1D000] =	vst v63  }
0x237: {  	_ = 	snop  }
0x238: {  	[tilespmem:s8], [sflag:$0x2] =	stream.indirect.gather [hbm4b:s5+s4], $0x80, s15, s4, $0xb8;
	[tilespmem:$0x1D000] =	vst v63  }
0x239: {  	_ =	swait.ge [sflag:s9], $0x2800  }
0x23a: {  	[sflag:s9] =	ssyncset.done $0x0  }
0x23b: {  	s20 =	simm.s32 $0x3000;
	[sflag:s9] =	ssyncadd.s32 $0xFFFFD800  }
0x23c: {  	[spmem:s2] =	stream.indirect.scatter.add.f32 [tilespmem:s30], [sflag:$0x5], $0x80, s20, s4, $0xb8;
	[tilespmem:$0x1D000] =	vst v63  }
0x23d: {  	_ =	swait.ge [sflag:s31], $0x2800  }
0x23e: {  	[sflag:s31] =	ssyncset.done $0x0  }
0x23f: {  	s19 =	simm.s32 $0x10A0;
	[sflag:s31] =	ssyncadd.s32 $0xFFFFD800  }
0x240: {  	[tilespmem:s30], [sflag:$0x1] =	stream.indirect.gather [hbm4b:s5+s4], $0x80, s19, s4, $0xb8;
	[tilespmem:$0x1D000] =	vst v63  }
0x241: {  	_ =	swait.ge [sflag:s11], $0x2800  }
0x242: {  	[sflag:s11] =	ssyncset.done $0x0  }
0x243: {  	s20 =	simm.s32 $0x3050;
	[sflag:s11] =	ssyncadd.s32 $0xFFFFD800  }
0x244: {  	[spmem:s2] =	stream.indirect.scatter.add.f32 [tilespmem:s8], [sflag:$0x5], $0x80, s20, s4, $0xb8;
	[tilespmem:$0x1D000] =	vst v63  }
0x245: {  	_ =	swait.ge [sflag:s31], $0x2800  }
0x246: {  	[sflag:s31] =	ssyncset.done $0x0  }
0x247: {  	s7 =	simm.s32 $0x280;
	s19 =	simm.s32 $0x10F0;
	[sflag:s31] =	ssyncadd.s32 $0xFFFFD800  }
.LBB2_22:
0x248: {  	[tilespmem:s8], [sflag:$0x2] =	stream.indirect.gather [hbm4b:s5+s4], $0x80, s19, s4, $0xb8;
	[tilespmem:$0x1D000] =	vst v63  }
0x249: {  	s19 =	smov.u32 s7  }
0x24a: {  	p1 =	sne.s32 s7, $0x3980;
	s7 =	sadd.s32 $0x280, s7;
	_ =	swait.ge [sflag:s9], $0x2800  }
0x24b: {  	s19 =	sshra.s32 s19, $0x2;
	[sflag:s9] =	ssyncset.done $0x0  }
0x24c: {  	s20 =	sadd.s32 $0x3000, s19;
	[sflag:s9] =	ssyncadd.s32 $0xFFFFD800  }
0x24d: {  	[spmem:s2] =	stream.indirect.scatter.add.f32 [tilespmem:s30], [sflag:$0x5], $0x80, s20, s4, $0xb8;
	[tilespmem:$0x1D000] =	vst v63  }
0x24e: {  	_ =	swait.ge [sflag:s31], $0x2800  }
0x24f: {  	[sflag:s31] =	ssyncset.done $0x0  }
0x250: {  	s20 =	sadd.s32 $0x10A0, s19;
	[sflag:s31] =	ssyncadd.s32 $0xFFFFD800  }
0x251: {  	[tilespmem:s30], [sflag:$0x1] =	stream.indirect.gather [hbm4b:s5+s4], $0x80, s20, s4, $0xb8;
	[tilespmem:$0x1D000] =	vst v63  }
0x252: {  	_ =	swait.ge [sflag:s11], $0x2800  }
0x253: {  	[sflag:s11] =	ssyncset.done $0x0  }
.Ltmp13:
0x254: {  	s20 =	sadd.s32 $0x3050, s19;
	[sflag:s11] =	ssyncadd.s32 $0xFFFFD800;
	(pc) =	sbr.rel @p1 .LBB2_22-.Ltmp13, $4  }
0x255: {  	[spmem:s2] =	stream.indirect.scatter.add.f32 [tilespmem:s8], [sflag:$0x5], $0x80, s20, s4, $0xb8;
	[tilespmem:$0x1D000] =	vst v63  }
0x256: {  	_ =	swait.ge [sflag:s31], $0x2800  }
0x257: {  	[sflag:s31] =	ssyncset.done $0x0  }
0x258: {  	s19 =	sadd.s32 $0x10F0, s19;
	[sflag:s31] =	ssyncadd.s32 $0xFFFFD800  }
0x259: {  	[tilespmem:s8], [sflag:$0x2] =	stream.indirect.gather [hbm4b:s5+s4], $0x80, s19, s4, $0xb8;
	[tilespmem:$0x1D000] =	vst v63  }
0x25a: {  	_ =	swait.ge [sflag:s9], $0x2800  }
0x25b: {  	[sflag:s9] =	ssyncset.done $0x0  }
0x25c: {  	[sflag:s9] =	ssyncadd.s32 $0xFFFFD800  }
0x25d: {  	[spmem:s2] =	stream.indirect.scatter.add.f32 [tilespmem:s30], [sflag:$0x5], $0x80, s16, s4, $0xb8;
	[tilespmem:$0x1D000] =	vst v63  }
0x25e: {  	_ =	swait.ge [sflag:s31], $0x2800  }
0x25f: {  	[sflag:s31] =	ssyncset.done $0x0  }
0x260: {  	[sflag:s31] =	ssyncadd.s32 $0xFFFFD800  }
0x261: {  	_ =	swait.ge [sflag:s11], $0x2800  }
0x262: {  	[sflag:s11] =	ssyncset.done $0x0  }
0x263: {  	[sflag:s11] =	ssyncadd.s32 $0xFFFFD800  }
0x264: {  	[spmem:s2] =	stream.indirect.scatter.add.f32 [tilespmem:s8], [sflag:$0x5], $0x80, s17, s4, $0xb8;
	[tilespmem:$0x1D000] =	vst v63  }
0x265: {  	_ =	swait.ge [sflag:s31], $0x2800  }
0x266: {  	[sflag:s31] =	ssyncset.done $0x0  }
0x267: {  	[sflag:s31] =	ssyncadd.s32 $0xFFFFD800  }
0x268: {  	_ =	swait.ge [sflag:s0], $0xFA0  }
0x269: {  	[sflag:s0] =	ssyncset.done $0x0  }
0x26a: {  	[sflag:s0] =	ssyncadd.s32 $0xFFFFF060  }
0x26b: {  	_ =	swait.ge [sflag:s0], $0xFA0  }
0x26c: {  	[sflag:s0] =	ssyncset.done $0x0  }
0x26d: {  	s7 =	simm.s32 $0x0;
	[sflag:s0] =	ssyncadd.s32 $0xFFFFF060  }
0x26e: {  	[tilespmem:s30], [sflag:$0x1] =	stream.indirect.gather [hbm4b:s5+s4], $0x80, s7, s4, $0xb8;
	[tilespmem:$0x1D000] =	vst v63  }
0x26f: {  	_ = 	snop  }
0x270: {  	[tilespmem:s8], [sflag:$0x2] =	stream.indirect.gather [hbm4b:s5+s4], $0x80, s4, s4, $0xb8;
	[tilespmem:$0x1D000] =	vst v63  }
0x271: {  	_ =	swait.ge [sflag:s9], $0x2800  }
0x272: {  	[sflag:s9] =	ssyncset.done $0x0  }
0x273: {  	s20 =	simm.s32 $0x2000;
	[sflag:s9] =	ssyncadd.s32 $0xFFFFD800  }
0x274: {  	[spmem:s2] =	stream.indirect.scatter.add.f32 [tilespmem:s30], [sflag:$0x5], $0x80, s20, s4, $0xb8;
	[tilespmem:$0x1D000] =	vst v63  }
0x275: {  	_ =	swait.ge [sflag:s31], $0x2800  }
0x276: {  	[sflag:s31] =	ssyncset.done $0x0  }
0x277: {  	s19 =	simm.s32 $0xA0;
	[sflag:s31] =	ssyncadd.s32 $0xFFFFD800  }
0x278: {  	[tilespmem:s30], [sflag:$0x1] =	stream.indirect.gather [hbm4b:s5+s4], $0x80, s19, s4, $0xb8;
	[tilespmem:$0x1D000] =	vst v63  }
0x279: {  	_ =	swait.ge [sflag:s11], $0x2800  }
0x27a: {  	[sflag:s11] =	ssyncset.done $0x0  }
0x27b: {  	s20 =	simm.s32 $0x2050;
	[sflag:s11] =	ssyncadd.s32 $0xFFFFD800  }
0x27c: {  	[spmem:s2] =	stream.indirect.scatter.add.f32 [tilespmem:s8], [sflag:$0x5], $0x80, s20, s4, $0xb8;
	[tilespmem:$0x1D000] =	vst v63  }
0x27d: {  	_ =	swait.ge [sflag:s31], $0x2800  }
0x27e: {  	[sflag:s31] =	ssyncset.done $0x0  }
0x27f: {  	s7 =	simm.s32 $0x280;
	s19 =	simm.s32 $0xF0;
	[sflag:s31] =	ssyncadd.s32 $0xFFFFD800  }
.LBB2_24:
0x280: {  	[tilespmem:s8], [sflag:$0x2] =	stream.indirect.gather [hbm4b:s5+s4], $0x80, s19, s4, $0xb8;
	[tilespmem:$0x1D000] =	vst v63  }
0x281: {  	s19 =	smov.u32 s7  }
0x282: {  	p1 =	sne.s32 s7, $0x3980;
	s7 =	sadd.s32 $0x280, s7;
	_ =	swait.ge [sflag:s9], $0x2800  }
0x283: {  	s19 =	sshra.s32 s19, $0x2;
	[sflag:s9] =	ssyncset.done $0x0  }
0x284: {  	s20 =	sadd.s32 $0x2000, s19;
	[sflag:s9] =	ssyncadd.s32 $0xFFFFD800  }
0x285: {  	[spmem:s2] =	stream.indirect.scatter.add.f32 [tilespmem:s30], [sflag:$0x5], $0x80, s20, s4, $0xb8;
	[tilespmem:$0x1D000] =	vst v63  }
0x286: {  	_ =	swait.ge [sflag:s31], $0x2800  }
0x287: {  	[sflag:s31] =	ssyncset.done $0x0  }
0x288: {  	s20 =	sadd.s32 $0xA0, s19;
	[sflag:s31] =	ssyncadd.s32 $0xFFFFD800  }
0x289: {  	[tilespmem:s30], [sflag:$0x1] =	stream.indirect.gather [hbm4b:s5+s4], $0x80, s20, s4, $0xb8;
	[tilespmem:$0x1D000] =	vst v63  }
0x28a: {  	_ =	swait.ge [sflag:s11], $0x2800  }
0x28b: {  	[sflag:s11] =	ssyncset.done $0x0  }
.Ltmp14:
0x28c: {  	s20 =	sadd.s32 $0x2050, s19;
	[sflag:s11] =	ssyncadd.s32 $0xFFFFD800;
	(pc) =	sbr.rel @p1 .LBB2_24-.Ltmp14, $4  }
0x28d: {  	[spmem:s2] =	stream.indirect.scatter.add.f32 [tilespmem:s8], [sflag:$0x5], $0x80, s20, s4, $0xb8;
	[tilespmem:$0x1D000] =	vst v63  }
0x28e: {  	_ =	swait.ge [sflag:s31], $0x2800  }
0x28f: {  	[sflag:s31] =	ssyncset.done $0x0  }
0x290: {  	s19 =	sadd.s32 $0xF0, s19;
	[sflag:s31] =	ssyncadd.s32 $0xFFFFD800  }
.Ltmp15:
0x291: {  	_ = 	snop;
	(pc) =	sbr.rel .LBB2_25-.Ltmp15, $1  }
0x292: {  	_ =	sdelay $0x3  }
.LBB2_27:
0x293: {  	_ =	sfence.sel $0x180000  }
0x294: {  	[bflag:$0x0] =	sbarrier.arrive $0xFFFF  }
0x295: {  	_ =	strace $0x90000047  }
0x296: {  	s0 =	stileid.u32;
	[bflag:$0x2] =	sbarrier.arrive $0xFFFF  }
0x297: {  	p0 =	sne.s32 s0, $0x0;
	s0 =	rddreg [dreg:$0x3]  }
0x298: {  	s0 =	sadd.s32 @!p0 $0x100000, s0  }
0x299: {  	[sflag:s0] =	ssyncadd.tile.s32 @!p0 $0x1;
	_ =	shalt  }
.Lfunc_end2:
_tile_overlayer_lowered:
.L_overlay_start_2:
0x29a: {  	(tag) =	ssettag $0x2  }
0x29b: {  	s0 =	rddreg [dreg:$0x0];
	s2 =	stileid.u32  }
0x29c: {  	s1 =	rddreg [dreg:$0x1];
	p0 =	sne.s32 s2, $0x0  }
0x29d: {  	s3 =	rddreg [dreg:$0x2];
	[bflag:$0x3] =	sbarrier.arrive $0xFFFF;
	s2 =	simm.s32 @!p0 $0x1C05  }
0x29e: {  	[timem:s3], [sflag:s2] =	dma.local @!p0 [hbm:s0], s1  }
0x29f: {  	s0 =	simm.s32 @!p0 $0x5  }
0x2a0: {  	_ =	swait.ge @!p0 [sflag:s0], s1  }
0x2a1: {  	s1 =	ssub.s32 @!p0 $0x0, s1;
	[sflag:s0] =	ssyncset.done @!p0 $0x0  }
0x2a2: {  	[sflag:s0] =	ssyncadd.s32 @!p0 s1  }
0x2a3: {  	[bflag:$0x3] =	sbarrier.arrive $0xFFFF  }
0x2a4: {  	_ =	shalt  }

// kernel: sc_segsum_l1.3.cloned.1.call-start
scs
__scs_entry_jumppad:
0x0: {  	(pc) =	sbr.rel $0x88, $3  }
0x1: {  	(tag) =	ssettag $0x0;
	lr =	simm.s32 $0x1  }
0x2: {  	[smem:$0x3F91] =	sst lr;
	_ =	strace $0xD0000000  }
0x3: {  	_ = 	snop  }
0x4: {  	_ = 	snop  }
0x5: {  	_ = 	snop  }
0x6: {  	_ = 	snop  }
0x7: {  	_ = 	snop  }
__scs_overlays_trampoline_lowered:
0x8: {  	[smem:$0x3FA0] =	sst s0  }
0x9: {  	[smem:$0x3FA1] =	sst s1  }
0xa: {  	[smem:$0x3FA2] =	sst s2  }
0xb: {  	[smem:$0x3FA3] =	sst s3  }
0xc: {  	[smem:$0x3FA4] =	sst s4  }
0xd: {  	[smem:$0x3FA5] =	sst s5  }
0xe: {  	[smem:$0x3FA6] =	sst s6  }
0xf: {  	[smem:$0x3FA7] =	sst s7  }
0x10: {  	[smem:$0x3FA8] =	sst s8  }
0x11: {  	[smem:$0x3FA9] =	sst s9;
	s0 =	simm.s32 @!p0 $0x0  }
0x12: {  	s1 =	sld [smem:$0x3F8F];
	s0 =	simm.s32 @p0 $0x1  }
0x13: {  	[smem:$0x3FAA] =	sst s0;
	s0 =	simm.s32 @!p1 $0x0  }
0x14: {  	s2 =	sld [smem:$0x3F8E];
	s0 =	simm.s32 @p1 $0x1  }
0x15: {  	[smem:$0x3FAB] =	sst s0;
	s0 =	simm.s32 @!p2 $0x0  }
0x16: {  	s3 =	sld [smem:$0x3FDB];
	s0 =	simm.s32 @p2 $0x1  }
0x17: {  	s4 =	simm.s32 $0x1BF5;
	[smem:$0x3FAD] =	sst s0  }
0x18: {  	s0 =	sld [smem:$0x3F90];
	_ =	swait.ge [sflag:s4], $0x0  }
0x19: {  	s7 =	sld [smem:$0x3F91]  }
0x1a: {  	s8 =	sadd.s32 $0xFFFFE003, lr  }
0x1b: {  	s9 =	sadd.s32 $0xFFFFFEF7, lr;
	s5 =	simm.s32 $0xFFFFFFFF;
	p2 =	slt.u32 s8, $0xFFFFF086  }
0x1c: {  	p1 =	slt.u32 s9, $0xF7A;
	s5 =	simm.s32 @!p2 $0x0  }
0x1d: {  	s5 =	simm.s32 @p1 $0x1;
	p0 =	seq.s32 s7, s2  }
0x1e: {  	s7 =	smul.u32 @!p0 $0xF7A, s2;
	p2 =	seq.s32 @!p0 s5, $0x0  }
0x1f: {  	s9 =	smul.u32 $0xF7A, s1;
	s8 =	simm.s32 @!p0 $0x1BF5;
	p2 =	por !p2, p0  }
0x20: {  	[sflag:s8] =	ssyncset.s32 @!p0 $0xFFFFF086;
	s6 =	sadd.s32 @!p0 s3, s7;
	s7 =	simm.s32 @!p0 $0x108  }
0x21: {  	s3 =	sadd.s32 s3, s9;
	s6 =	sadd.s32 @!p0 $0x88, s6;
	s7 =	simm.s32 @p2 $0x1082  }
0x22: {  	[simem:s7], [sflag:s8] =	dma.local @!p0 [hbm:s6], $0xF7A  }
0x23: {  	s9 =	sor.u32 $0xD0000000, s2;
	s6 =	simm.s32 $0x108;
	_ =	swait.ge @!p0 [sflag:s8], $0x0  }
0x24: {  	s3 =	sadd.s32 $0x88, s3;
	s6 =	simm.s32 @!p1 $0x1082;
	[sflag:s4] =	ssyncset.s32 $0xFFFFF086  }
0x25: {  	[simem:s6], [sflag:s4] =	dma.local [hbm:s3], $0xF7A  }
0x26: {  	[smem:$0x3F91] =	sst s1;
	(tag) =	ssettag s2;
	_ =	strace s9  }
0x27: {  	s1 =	sld [smem:$0x3FA1]  }
0x28: {  	s2 =	sld [smem:$0x3FA2]  }
0x29: {  	s4 =	sld [smem:$0x3FA4]  }
0x2a: {  	p0 =	seq.s32 s5, $0x0;
	s5 =	sld [smem:$0x3FA5]  }
0x2b: {  	s6 =	sld [smem:$0x3FA6]  }
0x2c: {  	s7 =	sld [smem:$0x3FA7]  }
0x2d: {  	s3 =	simm.s32 $0x108;
	s8 =	sld [smem:$0x3FA8]  }
0x2e: {  	s3 =	simm.s32 @!p0 $0x1082;
	s9 =	sld [smem:$0x3FA9]  }
0x2f: {  	lr =	sadd.s32 s0, s3;
	s0 =	sld [smem:$0x3FA0]  }
0x30: {  	s3 =	sld [smem:$0x3FA3]  }
0x31: {  	[smem:$0x3FAC] =	sst s10  }
0x32: {  	s10 =	sld [smem:$0x3FAA];
	_ =	sdelay $0x3  }
0x33: {  	p0 =	seq.s32 s10, $0x1;
	s10 =	sld [smem:$0x3FAC];
	_ =	sdelay $0x3  }
0x34: {  	[smem:$0x3FAC] =	sst s10  }
0x35: {  	s10 =	sld [smem:$0x3FAB];
	_ =	sdelay $0x3  }
0x36: {  	p1 =	seq.s32 s10, $0x1;
	s10 =	sld [smem:$0x3FAC];
	_ =	sdelay $0x3  }
0x37: {  	[smem:$0x3FAC] =	sst s10  }
0x38: {  	s10 =	sld [smem:$0x3FAD]  }
0x39: {  	_ = 	snop;
	(pc) =	sbr.ind lr, $3  }
0x3a: {  	_ = 	snop  }
0x3b: {  	_ = 	snop  }
0x3c: {  	p2 =	seq.s32 s10, $0x1;
	s10 =	sld [smem:$0x3FAC]  }
0x3d: {  	_ =	shalt  }
0x3e: {  	_ =	shalt  }
0x3f: {  	_ =	shalt  }
0x40: {  	_ =	shalt  }
0x41: {  	_ =	shalt  }
0x42: {  	_ =	shalt  }
0x43: {  	_ =	shalt  }
0x44: {  	_ =	shalt  }
0x45: {  	_ =	shalt  }
0x46: {  	_ =	shalt  }
0x47: {  	_ =	shalt  }
0x48: {  	_ =	shalt  }
0x49: {  	_ =	shalt  }
0x4a: {  	_ =	shalt  }
0x4b: {  	_ =	shalt  }
0x4c: {  	_ =	shalt  }
0x4d: {  	_ =	shalt  }
0x4e: {  	_ =	shalt  }
0x4f: {  	_ =	shalt  }
0x50: {  	_ =	shalt  }
0x51: {  	_ =	shalt  }
0x52: {  	_ =	shalt  }
0x53: {  	_ =	shalt  }
0x54: {  	_ =	shalt  }
0x55: {  	_ =	shalt  }
0x56: {  	_ =	shalt  }
0x57: {  	_ =	shalt  }
0x58: {  	_ =	shalt  }
0x59: {  	_ =	shalt  }
0x5a: {  	_ =	shalt  }
0x5b: {  	_ =	shalt  }
0x5c: {  	_ =	shalt  }
0x5d: {  	_ =	shalt  }
0x5e: {  	_ =	shalt  }
0x5f: {  	_ =	shalt  }
0x60: {  	_ =	shalt  }
0x61: {  	_ =	shalt  }
0x62: {  	_ =	shalt  }
0x63: {  	_ =	shalt  }
0x64: {  	_ =	shalt  }
0x65: {  	_ =	shalt  }
0x66: {  	_ =	shalt  }
0x67: {  	_ =	shalt  }
0x68: {  	_ =	shalt  }
0x69: {  	_ =	shalt  }
0x6a: {  	_ =	shalt  }
0x6b: {  	_ =	shalt  }
0x6c: {  	_ =	shalt  }
0x6d: {  	_ =	shalt  }
0x6e: {  	_ =	shalt  }
0x6f: {  	_ =	shalt  }
0x70: {  	_ =	shalt  }
0x71: {  	_ =	shalt  }
0x72: {  	_ =	shalt  }
0x73: {  	_ =	shalt  }
0x74: {  	_ =	shalt  }
0x75: {  	_ =	shalt  }
0x76: {  	_ =	shalt  }
0x77: {  	_ =	shalt  }
0x78: {  	_ =	shalt  }
0x79: {  	_ =	shalt  }
0x7a: {  	_ =	shalt  }
0x7b: {  	_ =	shalt  }
0x7c: {  	_ =	shalt  }
0x7d: {  	_ =	shalt  }
0x7e: {  	_ =	shalt  }
0x7f: {  	_ =	shalt  }
0x80: {  	_ =	shalt  }
0x81: {  	_ =	shalt  }
0x82: {  	_ =	shalt  }
0x83: {  	_ =	shalt  }
0x84: {  	_ =	shalt  }
0x85: {  	_ =	shalt  }
0x86: {  	_ =	shalt  }
0x87: {  	_ =	shalt  }
.Lfunc_end0:
.L_simem_size_0:
called_computation.1_lowered:
.L_overlay_start_0:
0x88: {  	s2 =	sld [smem:$0x3FD9]  }
0x89: {  	s3 =	sld [smem:$0x3FFE];
	_ =	sdelay $0x1  }
0x8a: {  	s1 =	srdreg.scid  }
0x8b: {  	s0 =	sand.u32 $0x1, s1  }
0x8c: {  	s16 =	sshll.u32 s0, $0xA;
	s2 =	sadd.s32 s3, s2  }
0x8d: {  	s2 =	sadd.s32 s2, s16  }
0x8e: {  	[smem:$0x3FB8] =	sst s2  }
0x8f: {  	_ = 	snop  }
0x90: {  	(tm) =	ssettm $0x1  }
0x91: {  	s17 =	sld [smem:$0x3FFB];
	_ =	sdelay $0x3  }
0x92: {  	_ =	strace s17  }
0x93: {  	s2 =	sld [smem:$0x3FFC];
	_ =	sdelay $0x3  }
0x94: {  	_ =	strace s2  }
0x95: {  	s2 =	sld [smem:$0x3FFD];
	_ =	sdelay $0x3  }
0x96: {  	_ =	strace s2  }
0x97: {  	_ =	strace $0x8FFFFFFF  }
0x98: {  	s18 =	sld [smem:$0x3FDB];
	_ =	sdelay $0x1  }
0x99: {  	s19 =	simm.s32 $_scs_section_size  }
0x9a: {  	s4 =	simm.s32 $_size__tile_overlayer_lowered;
	s5 =	simm.s32 $_tile_overlayer_lowered  }
0x9b: {  	s22 =	simm.s32 $0x1BFF;
	s21 =	sshll.u32 s5, $0x1;
	s2 =	sadd.s32 s19, s18  }
0x9c: {  	s6 =	simm.s32 $0x0;
	s20 =	sshll.u32 s4, $0x1;
	s4 =	sadd.s32 s21, s2  }
0x9d: {  	[timem:s6], [sflag:s22] =	dma.local [hbm:s4], s20  }
0x9e: {  	_ =	swait.ge [sflag:s22], s20  }
0x9f: {  	s3 =	ssub.s32 $0x0, s20;
	[sflag:s22] =	ssyncset.done $0x0  }
0xa0: {  	[sflag:s22] =	ssyncadd.s32 s3;
	_ =	sdelay $0x1  }
0xa1: {  	s23 =	simm.s32 $0x1B8B  }
0xa2: {  	_ =	swait.ge [sflag:s23], $0x1  }
0xa3: {  	[sflag:s23] =	ssyncset.done $0x0  }
0xa4: {  	s25 =	simm.s32 $0x1B8E;
	s24 =	sld [smem:$0x3FFE];
	[sflag:s23] =	ssyncadd.s32 $0xFFFFFFFF  }
0xa5: {  	s26 =	simm.s32 $execute0_lowered;
	[smem:$0x3FD2] =	sst s25  }
0xa6: {  	s4 =	sshll.u32 s26, $0x1;
	_ =	strace $0x80000049;
	[dreg:$0x1] =	wrdreg $0xFFFFFFFF  }
0xa7: {  	s28 =	simm.s32 $_size_execute0_lowered;
	s2 =	sadd.s32 s2, s4;
	[dreg:$0x0] =	wrdreg $0x0  }
0xa8: {  	s4 =	sshll.u32 s28, $0x1;
	[dreg:$0x2] =	wrdreg s2  }
0xa9: {  	[dreg:$0x3] =	wrdreg s4  }
0xaa: {  	[dreg:$0x4] =	wrdreg $0xC0  }
0xab: {  	_ =	task [dreg:s6], $0x5FFFF  }
0xac: {  	[dreg:$0x1] =	wrdreg $0xFFFFFFFF  }
0xad: {  	[dreg:$0x0] =	wrdreg $0x60  }
0xae: {  	[dreg:$0x2] =	wrdreg s24  }
0xaf: {  	[dreg:$0x3] =	wrdreg $0x9F000  }
0xb0: {  	[dreg:$0x4] =	wrdreg $0x9  }
0xb1: {  	_ =	task.clear_ibuf [dreg:s6], $0x5FFFF;
	_ =	strace $0x90000049  }
0xb2: {  	s29 =	simm.s32 $0x9;
	_ =	strace $0x8000004B  }
0xb3: {  	_ =	swait.ge [sflag:s29], $0x1  }
0xb4: {  	[sflag:s29] =	ssyncadd.s32 $0xFFFFFFFF  }
0xb5: {  	_ =	strace $0x9000004B  }
0xb6: {  	_ =	sfence  }
0xb7: {  	s30 =	sld [smem:$0x0];
	_ =	sdelay $0x2  }
0xb8: {  	s31 =	sshll.u32 s1, $0xD;
	s1 =	sshrl.u32 s1, $0x2  }
0xb9: {  	s3 =	sand.u32 $0x4000, s31;
	s1 =	sadd.s32 s1, s30  }
0xba: {  	s0 =	sor.u32 s3, s0;
	s1 =	sshll.u32 s1, $0x11  }
0xbb: {  	s0 =	sor.u32 s1, s0  }
0xbc: {  	s0 =	sadd.s32 $0x8F2B, s0  }
0xbd: {  	[sflag:s0] =	ssyncadd.remote.s32 $0x1  }
0xbe: {  	_ =	sfence.sel $0xFFFF  }
0xbf: {  	[dreg:$0x0] =	wrdreg $0xFFFFFFFF;
	(pc) =	sbr.abs _section_cstart, $3  }
0xc0: {  	[dreg:$0x1] =	wrdreg $0xFFFFFFFF  }
0xc1: {  	_ =	task.clear_ibuf [dreg:s6], $0x2FFFF;
	_ =	strace $0x9FFFFFFF  }
0xc2: {  	(tm) =	ssettm $0x7FFFFFFF  }
0xc3: {  	_ =	shalt  }
tec
execute0_lowered:
.L_overlay_start_1:
0x0: {  	(tag) =	ssettag $0x1  }
0x1: {  	s5 =	rddreg [dreg:$0x0]  }
0x2: {  	s2 =	rddreg [dreg:$0x1]  }
0x3: {  	s3 =	srdreg.scid;
	s1 =	stileid.u32;
	s17 =	simm.s32 $0x3  }
0x4: {  	s18 =	simm.s32 $0x2780;
	s19 =	simm.s32 $0x4F00;
	s20 =	simm.s32 $0x50  }
0x5: {  	s21 =	simm.s32 $0x7700;
	s22 =	simm.s32 $0x1;
	s23 =	simm.s32 $0x2  }
0x6: {  	s24 =	simm.s32 $0x4DA0;
	s25 =	simm.s32 $0x26C0;
	s26 =	simm.s32 $0x4DF0  }
0x7: {  	s28 =	simm.s32 $0x4E40;
	s29 =	simm.s32 $0x0;
	s9 =	smul.u32 $0x14000, s1  }
0x8: {  	s6 =	sand.u32 $0x1, s3;
	s3 =	simm.s32 $0x0;
	s30 =	smul.u32 $0x50000, s1  }
0x9: {  	s4 =	sshll.u32 s1, $0x1;
	s7 =	smul.u32 $0x140000, s6;
	[smem:$0x7FF] =	sst s3  }
0xa: {  	s8 =	sor.u32 s6, s4;
	s4 =	sadd.s32 $0x18200, s5;
	s6 =	ssub.s32 $0x2, s6  }
0xb: {  	_ =	strace $0x8000004A;
	s8 =	smul.u32 $0x4E2, s8;
	s10 =	sshrl.u32 s6, $0x1  }
0xc: {  	s31 =	sshrl.u32 s30, $0x2;
	s7 =	sadd.s32 s9, s7;
	s16 =	ssub.s32 s6, s10  }
0xd: {  	s8 =	sadd.s32 s8, s5;
	s7 =	sshrl.u32 s7, $0x3;
	s16 =	smax.u32 s16, $0x1  }
0xe: {  	s15 =	sadd.s32 s7, s5;
	s5 =	sadd.s32 $0xE400, s8;
	s7 =	sadd.s32 s31, s2  }
0xf: {  	s6 =	sadd.s32 $0x4600, s8;
	s8 =	sadd.s32 $0x2800, s7;
	s9 =	sadd.s32 $0x5000, s7  }
0x10: {  	s10 =	sadd.s32 $0x7800, s7;
	s11 =	sadd.s32 $0xA000, s7;
	s12 =	sadd.s32 $0xC800, s7  }
0x11: {  	v0 =	vimm.f32 $0.0e+00;
	s13 =	sadd.s32 $0xF000, s7;
	s14 =	sadd.s32 $0x11800, s7;
	s15 =	sadd.s32 $0x8F400, s15  }
.LBB2_1:
0x12: {  	[tilespmem:s3], [sflag:$0x3] =	stream.linear.gather [hbm4b:s5+s3], $0x2710, $0x38;
	[tilespmem:$0x1DF00] =	vst v63  }
0x13: {  	_ =	swait.ge [sflag:s17], $0x2710  }
0x14: {  	[sflag:s17] =	ssyncset.done $0x0  }
0x15: {  	[sflag:s17] =	ssyncadd.s32 $0xFFFFD8F0  }
0x16: {  	[tilespmem:s18], [sflag:$0x3] =	stream.linear.gather [hbm4b:s6+s3], $0x2710, $0x38;
	[tilespmem:$0x1DF00] =	vst v63  }
0x17: {  	_ =	swait.ge [sflag:s17], $0x2710  }
0x18: {  	[sflag:s17] =	ssyncset.done $0x0  }
0x19: {  	s30 =	simm.s32 $0x0;
	s31 =	simm.s32 $0x200;
	[sflag:s17] =	ssyncadd.s32 $0xFFFFD8F0  }
.LBB2_2:
0x1a: {  	p0 =	sne.s32 s31, $0x9E00;
	[tilespmem:s30+$0x4F70] =	vst v0  }
0x1b: {  	[tilespmem:s30+$0x4F00] =	vst v0  }
0x1c: {  	[tilespmem:s30+$0x4F10] =	vst v0  }
.Ltmp0:
0x1d: {  	[tilespmem:s30+$0x4F20] =	vst v0;
	(pc) =	sbr.rel @p0 .LBB2_2-.Ltmp0, $4  }
0x1e: {  	[tilespmem:s30+$0x4F30] =	vst v0  }
0x1f: {  	[tilespmem:s30+$0x4F40] =	vst v0  }
0x20: {  	[tilespmem:s30+$0x4F50] =	vst v0  }
0x21: {  	[tilespmem:s30+$0x4F60] =	vst v0;
	s30 =	sshra.s32 s31, $0x2;
	s31 =	sadd.s32 $0x200, s31  }
0x22: {  	[tilespmem:s30+$0x4F70] =	vst v0  }
0x23: {  	[tilespmem:s30+$0x4F00] =	vst v0  }
0x24: {  	[tilespmem:s30+$0x4F10] =	vst v0  }
0x25: {  	[tilespmem:s30+$0x4F20] =	vst v0  }
0x26: {  	[tilespmem:s30+$0x4F30] =	vst v0  }
0x27: {  	[tilespmem:s30+$0x4F40] =	vst v0  }
0x28: {  	[tilespmem:s30+$0x4F50] =	vst v0  }
0x29: {  	[tilespmem:s30+$0x4F60] =	vst v0  }
0x2a: {  	[spmem:s7] =	stream.linear.scatter [tilespmem:s19], [sflag:$0x3], $0x2800, $0x38;
	[tilespmem:$0x1DF00] =	vst v63  }
0x2b: {  	_ =	swait.ge [sflag:s17], $0x2800  }
0x2c: {  	[sflag:s17] =	ssyncset.done $0x0  }
0x2d: {  	[sflag:s17] =	ssyncadd.s32 $0xFFFFD800  }
0x2e: {  	[spmem:s8] =	stream.linear.scatter [tilespmem:s19], [sflag:$0x3], $0x2800, $0x38;
	[tilespmem:$0x1DF00] =	vst v63  }
0x2f: {  	_ =	swait.ge [sflag:s17], $0x2800  }
0x30: {  	[sflag:s17] =	ssyncset.done $0x0  }
0x31: {  	[sflag:s17] =	ssyncadd.s32 $0xFFFFD800  }
0x32: {  	[spmem:s9] =	stream.linear.scatter [tilespmem:s19], [sflag:$0x3], $0x2800, $0x38;
	[tilespmem:$0x1DF00] =	vst v63  }
0x33: {  	_ =	swait.ge [sflag:s17], $0x2800  }
0x34: {  	[sflag:s17] =	ssyncset.done $0x0  }
0x35: {  	[sflag:s17] =	ssyncadd.s32 $0xFFFFD800  }
0x36: {  	[spmem:s10] =	stream.linear.scatter [tilespmem:s19], [sflag:$0x3], $0x2800, $0x38;
	[tilespmem:$0x1DF00] =	vst v63  }
0x37: {  	_ =	swait.ge [sflag:s17], $0x2800  }
0x38: {  	[sflag:s17] =	ssyncset.done $0x0  }
0x39: {  	[sflag:s17] =	ssyncadd.s32 $0xFFFFD800  }
0x3a: {  	[spmem:s11] =	stream.linear.scatter [tilespmem:s19], [sflag:$0x3], $0x2800, $0x38;
	[tilespmem:$0x1DF00] =	vst v63  }
0x3b: {  	_ =	swait.ge [sflag:s17], $0x2800  }
0x3c: {  	[sflag:s17] =	ssyncset.done $0x0  }
0x3d: {  	[sflag:s17] =	ssyncadd.s32 $0xFFFFD800  }
0x3e: {  	[spmem:s12] =	stream.linear.scatter [tilespmem:s19], [sflag:$0x3], $0x2800, $0x38;
	[tilespmem:$0x1DF00] =	vst v63  }
0x3f: {  	_ =	swait.ge [sflag:s17], $0x2800  }
0x40: {  	[sflag:s17] =	ssyncset.done $0x0  }
0x41: {  	[sflag:s17] =	ssyncadd.s32 $0xFFFFD800  }
0x42: {  	[spmem:s13] =	stream.linear.scatter [tilespmem:s19], [sflag:$0x3], $0x2800, $0x38;
	[tilespmem:$0x1DF00] =	vst v63  }
0x43: {  	_ =	swait.ge [sflag:s17], $0x2800  }
0x44: {  	[sflag:s17] =	ssyncset.done $0x0  }
0x45: {  	[sflag:s17] =	ssyncadd.s32 $0xFFFFD800  }
0x46: {  	[spmem:s14] =	stream.linear.scatter [tilespmem:s19], [sflag:$0x3], $0x2800, $0x38;
	[tilespmem:$0x1DF00] =	vst v63  }
0x47: {  	_ =	swait.ge [sflag:s17], $0x2800  }
0x48: {  	[sflag:s17] =	ssyncset.done $0x0  }
0x49: {  	[sflag:s17] =	ssyncadd.s32 $0xFFFFD800  }
0x4a: {  	s30 =	simm.s32 $0x0;
	[bflag:$0x0] =	sbarrier.arrive $0xFFFF  }
0x4b: {  	[tilespmem:s19], [sflag:$0x1] =	stream.indirect.gather [hbm4b:s4+s20], $0x80, s30, s20, $0xb8;
	[tilespmem:$0x1DF00] =	vst v63  }
0x4c: {  	_ = 	snop  }
0x4d: {  	[tilespmem:s21], [sflag:$0x2] =	stream.indirect.gather [hbm4b:s4+s20], $0x80, s20, s20, $0xb8;
	[tilespmem:$0x1DF00] =	vst v63  }
0x4e: {  	_ =	swait.ge [sflag:s22], $0x2800  }
0x4f: {  	[sflag:s22] =	ssyncset.done $0x0  }
0x50: {  	s30 =	simm.s32 $0x2780;
	[sflag:s22] =	ssyncadd.s32 $0xFFFFD800  }
0x51: {  	[spmem:s2] =	stream.indirect.scatter.add.f32 [tilespmem:s19], [sflag:$0x3], $0x80, s30, s20, $0xb8;
	[tilespmem:$0x1DF00] =	vst v63  }
0x52: {  	_ =	swait.ge [sflag:s17], $0x2800  }
0x53: {  	[sflag:s17] =	ssyncset.done $0x0  }
0x54: {  	s30 =	simm.s32 $0xA0;
	[sflag:s17] =	ssyncadd.s32 $0xFFFFD800  }
0x55: {  	[tilespmem:s19], [sflag:$0x1] =	stream.indirect.gather [hbm4b:s4+s20], $0x80, s30, s20, $0xb8;
	[tilespmem:$0x1DF00] =	vst v63  }
0x56: {  	_ =	swait.ge [sflag:s23], $0x2800  }
0x57: {  	[sflag:s23] =	ssyncset.done $0x0  }
0x58: {  	s30 =	simm.s32 $0x27D0;
	[sflag:s23] =	ssyncadd.s32 $0xFFFFD800  }
0x59: {  	[spmem:s2] =	stream.indirect.scatter.add.f32 [tilespmem:s21], [sflag:$0x3], $0x80, s30, s20, $0xb8;
	[tilespmem:$0x1DF00] =	vst v63  }
0x5a: {  	_ =	swait.ge [sflag:s17], $0x2800  }
0x5b: {  	[sflag:s17] =	ssyncset.done $0x0  }
0x5c: {  	s31 =	simm.s32 $0xF0;
	s30 =	simm.s32 $0x280;
	[sflag:s17] =	ssyncadd.s32 $0xFFFFD800  }
.LBB2_4:
0x5d: {  	[tilespmem:s21], [sflag:$0x2] =	stream.indirect.gather [hbm4b:s4+s20], $0x80, s31, s20, $0xb8;
	[tilespmem:$0x1DF00] =	vst v63  }
0x5e: {  	s31 =	smov.u32 s30  }
0x5f: {  	p0 =	sne.s32 s30, $0x9600;
	s30 =	sadd.s32 $0x280, s30;
	_ =	swait.ge [sflag:s22], $0x2800  }
0x60: {  	s31 =	sshra.s32 s31, $0x2;
	[sflag:s22] =	ssyncset.done $0x0  }
0x61: {  	s0 =	sadd.s32 $0x2780, s31;
	[sflag:s22] =	ssyncadd.s32 $0xFFFFD800  }
0x62: {  	[spmem:s2] =	stream.indirect.scatter.add.f32 [tilespmem:s19], [sflag:$0x3], $0x80, s0, s20, $0xb8;
	[tilespmem:$0x1DF00] =	vst v63  }
0x63: {  	_ =	swait.ge [sflag:s17], $0x2800  }
0x64: {  	[sflag:s17] =	ssyncset.done $0x0  }
0x65: {  	s0 =	sadd.s32 $0xA0, s31;
	[sflag:s17] =	ssyncadd.s32 $0xFFFFD800  }
0x66: {  	[tilespmem:s19], [sflag:$0x1] =	stream.indirect.gather [hbm4b:s4+s20], $0x80, s0, s20, $0xb8;
	[tilespmem:$0x1DF00] =	vst v63  }
0x67: {  	_ =	swait.ge [sflag:s23], $0x2800  }
0x68: {  	[sflag:s23] =	ssyncset.done $0x0  }
.Ltmp1:
0x69: {  	s0 =	sadd.s32 $0x27D0, s31;
	[sflag:s23] =	ssyncadd.s32 $0xFFFFD800;
	(pc) =	sbr.rel @p0 .LBB2_4-.Ltmp1, $4  }
0x6a: {  	[spmem:s2] =	stream.indirect.scatter.add.f32 [tilespmem:s21], [sflag:$0x3], $0x80, s0, s20, $0xb8;
	[tilespmem:$0x1DF00] =	vst v63  }
0x6b: {  	_ =	swait.ge [sflag:s17], $0x2800  }
0x6c: {  	[sflag:s17] =	ssyncset.done $0x0  }
0x6d: {  	s31 =	sadd.s32 $0xF0, s31;
	[sflag:s17] =	ssyncadd.s32 $0xFFFFD800  }
0x6e: {  	[tilespmem:s21], [sflag:$0x2] =	stream.indirect.gather [hbm4b:s4+s20], $0x80, s31, s20, $0xb8;
	[tilespmem:$0x1DF00] =	vst v63  }
0x6f: {  	_ =	swait.ge [sflag:s22], $0x2800  }
0x70: {  	[sflag:s22] =	ssyncset.done $0x0  }
0x71: {  	[sflag:s22] =	ssyncadd.s32 $0xFFFFD800  }
0x72: {  	[spmem:s2] =	stream.indirect.scatter.add.f32 [tilespmem:s19], [sflag:$0x3], $0x80, s24, s20, $0xb8;
	[tilespmem:$0x1DF00] =	vst v63  }
0x73: {  	_ =	swait.ge [sflag:s17], $0x2800  }
0x74: {  	[sflag:s17] =	ssyncset.done $0x0  }
0x75: {  	[sflag:s17] =	ssyncadd.s32 $0xFFFFD800  }
0x76: {  	[tilespmem:s19], [sflag:$0x1] =	stream.indirect.gather [hbm4b:s4+s20], $0x80, s25, s20, $0xb8;
	[tilespmem:$0x1DF00] =	vst v63  }
0x77: {  	_ =	swait.ge [sflag:s23], $0x2800  }
0x78: {  	[sflag:s23] =	ssyncset.done $0x0  }
0x79: {  	[sflag:s23] =	ssyncadd.s32 $0xFFFFD800  }
0x7a: {  	[spmem:s2] =	stream.indirect.scatter.add.f32 [tilespmem:s21], [sflag:$0x3], $0x80, s26, s20, $0xb8;
	[tilespmem:$0x1DF00] =	vst v63  }
0x7b: {  	_ =	swait.ge [sflag:s17], $0x2800  }
0x7c: {  	[sflag:s17] =	ssyncset.done $0x0  }
0x7d: {  	[sflag:s17] =	ssyncadd.s32 $0xFFFFD800  }
0x7e: {  	_ =	swait.ge [sflag:s22], $0x2800  }
0x7f: {  	[sflag:s22] =	ssyncset.done $0x0  }
0x80: {  	[sflag:s22] =	ssyncadd.s32 $0xFFFFD800  }
0x81: {  	[spmem:s2] =	stream.indirect.scatter.add.f32 [tilespmem:s19], [sflag:$0x3], $0x80, s28, s20, $0xb8;
	[tilespmem:$0x1DF00] =	vst v63  }
0x82: {  	_ =	swait.ge [sflag:s17], $0x2800  }
0x83: {  	s0 =	sshll.u32 s1, $0x6;
	s29 =	sadd.s32 $0x1, s29;
	[sflag:s17] =	ssyncset.done $0x0  }
0x84: {  	s30 =	sshrl.u32 s7, $0x3;
	p0 =	sne.s32 s29, s16;
	[sflag:s17] =	ssyncadd.s32 $0xFFFFD800  }
.Ltmp2:
0x85: {  	s0 =	sor.u32 $0x1C03, s0;
	[bflag:$0x0] =	sbarrier.arrive $0xFFFF;
	(pc) =	sbr.rel @p0 .LBB2_1-.Ltmp2, $4  }
0x86: {  	[hbm:s15], [sflag:s0] =	dma.local [spmem:s30], $0x2800  }
0x87: {  	_ =	swait.ge [sflag:s17], $0x2800  }
0x88: {  	[sflag:s17] =	ssyncset.done $0x0  }
0x89: {  	[sflag:s17] =	ssyncadd.s32 $0xFFFFD800  }
0x8a: {  	_ =	sfence.sel $0x180000  }
0x8b: {  	[bflag:$0x0] =	sbarrier.arrive $0xFFFF  }
0x8c: {  	_ =	strace $0x9000004A  }
0x8d: {  	[bflag:$0x2] =	sbarrier.arrive $0xFFFF  }
0x8e: {  	p0 =	sne.s32 s1, $0x0;
	s0 =	rddreg [dreg:$0x2]  }
0x8f: {  	s0 =	sadd.s32 @!p0 $0x100000, s0  }
0x90: {  	[sflag:s0] =	ssyncadd.tile.s32 @!p0 $0x1;
	_ =	shalt  }
.Lfunc_end2:
_tile_overlayer_lowered:
.L_overlay_start_2:
0x91: {  	(tag) =	ssettag $0x2  }
0x92: {  	s0 =	rddreg [dreg:$0x0];
	s2 =	stileid.u32  }
0x93: {  	s1 =	rddreg [dreg:$0x1];
	p0 =	sne.s32 s2, $0x0  }
0x94: {  	s3 =	rddreg [dreg:$0x2];
	[bflag:$0x3] =	sbarrier.arrive $0xFFFF;
	s2 =	simm.s32 @!p0 $0x1C03  }
0x95: {  	[timem:s3], [sflag:s2] =	dma.local @!p0 [hbm:s0], s1  }
0x96: {  	s0 =	simm.s32 @!p0 $0x3  }
0x97: {  	_ =	swait.ge @!p0 [sflag:s0], s1  }
0x98: {  	s1 =	ssub.s32 @!p0 $0x0, s1;
	[sflag:s0] =	ssyncset.done @!p0 $0x0  }
0x99: {  	[sflag:s0] =	ssyncadd.s32 @!p0 s1  }
0x9a: {  	[bflag:$0x3] =	sbarrier.arrive $0xFFFF  }
0x9b: {  	_ =	shalt  }

</sc_bundles>
